<compile_context>
chip_gen: v7x
topology: tpu7x:2x2x1
jax: 0.10.2.dev20260603
libtpu: 0.0.44.dev20260713+nightly
codegen_flags: <defaults>
</compile_context>

<pallas_src>
import functools

import jax
import jax.numpy as jnp
from jax import lax
from jax.experimental import pallas as pl
from jax.experimental.pallas import tpu as pltpu
from jax.experimental.pallas import tpu_sc as plsc

N = 10000
E = 160000
DIN = 256
H = 512
OUT = 2

KC = 4
CW = 128
BM = 1000
SUB = 16
EPW = E // SUB
TIL = 128
NT = 79
EPAD = NT * TIL
NTC = NT
EPADC = EPAD
ACC = 10240
DEAD = 10200
ZR = ACC // SUB
WRS = 624
WRN = 640



def _proj_body(x_ref, w_ref, b_ref, o_ref):
    t = jnp.dot(x_ref[...], w_ref[...], preferred_element_type=jnp.float32)
    t = jnp.maximum(t + b_ref[...], 0.0)
    for kc in range(KC):
        o_ref[kc] = t[:, kc * CW:(kc + 1) * CW]


def _proj(x, wt, b):
    return pl.pallas_call(
        _proj_body,
        grid=(N // BM,),
        in_specs=[
            pl.BlockSpec((BM, DIN), lambda m: (m, 0)),
            pl.BlockSpec((DIN, H), lambda m: (0, 0)),
            pl.BlockSpec((1, H), lambda m: (0, 0)),
        ],
        out_specs=pl.BlockSpec((KC, BM, CW), lambda m: (0, m, 0)),
        out_shape=jax.ShapeDtypeStruct((KC, N, CW), jnp.float32),
    )(x, wt, b)


def _make_mix_body(n_rel, do_proj, relu_col):
    def body(*refs):
        i = 0
        s = refs[i:i + n_rel]; i += n_rel
        c = refs[i:i + n_rel]; i += n_rel
        x_ref = refs[i]; i += 1
        w_ref = refs[i]; i += 1
        b_ref = refs[i]; i += 1
        if do_proj:
            wo_ref = refs[i]; i += 1
            bo_ref = refs[i]; i += 1
        o_ref = refs[i]
        parts = []
        for k in range(n_rel):
            r = 1.0 / jnp.maximum(c[k][...], 1.0)
            for kc in range(KC):
                parts.append(s[k][kc] * r)
        for kc in range(KC):
            parts.append(x_ref[kc])
        z = jnp.concatenate(parts, axis=1)
        t = jnp.dot(z, w_ref[...], preferred_element_type=jnp.float32) + b_ref[...]
        if do_proj:
            o = jnp.dot(t, wo_ref[...], preferred_element_type=jnp.float32) + bo_ref[...]
            if relu_col is not None:
                col = lax.broadcasted_iota(jnp.int32, o.shape, 1)
                o = jnp.where(col == relu_col, jnp.maximum(o, 0.0), o)
            o_ref[...] = o
        else:
            for kc in range(KC):
                o_ref[kc] = t[:, kc * CW:(kc + 1) * CW]
    return body


def _mix(n_rel, do_proj, relu_col, ss, cs, x, wcat, bias, wo=None, bo=None):
    kz = (n_rel + 1) * H
    in_specs = []
    args = []
    for s in ss:
        in_specs.append(pl.BlockSpec((KC, BM, CW), lambda m: (0, m, 0)))
        args.append(s)
    for c in cs:
        in_specs.append(pl.BlockSpec((BM, 1), lambda m: (m, 0)))
        args.append(c)
    in_specs.append(pl.BlockSpec((KC, BM, CW), lambda m: (0, m, 0)))
    args.append(x)
    in_specs.append(pl.BlockSpec((kz, H), lambda m: (0, 0)))
    args.append(wcat)
    in_specs.append(pl.BlockSpec((1, H), lambda m: (0, 0)))
    args.append(bias)
    if do_proj:
        in_specs.append(pl.BlockSpec((H, OUT), lambda m: (0, 0)))
        args.append(wo)
        in_specs.append(pl.BlockSpec((1, OUT), lambda m: (0, 0)))
        args.append(bo)
        out_spec = pl.BlockSpec((BM, OUT), lambda m: (m, 0))
        out_shape = jax.ShapeDtypeStruct((N, OUT), jnp.float32)
    else:
        out_spec = pl.BlockSpec((KC, BM, CW), lambda m: (0, m, 0))
        out_shape = jax.ShapeDtypeStruct((KC, N, CW), jnp.float32)
    return pl.pallas_call(
        _make_mix_body(n_rel, do_proj, relu_col),
        grid=(N // BM,),
        in_specs=in_specs,
        out_specs=out_spec,
        out_shape=out_shape,
    )(*args)



def _segsum_body(xc, srcidx, dstidx, zacc, s_out,
                 sidx_v, didx_v, rows_v, acc_sh, sem):
    cid = lax.axis_index("c")
    sid = lax.axis_index("s")
    pltpu.sync_copy(srcidx.at[sid], sidx_v)
    pltpu.sync_copy(dstidx.at[sid], didx_v)
    for ccl in range(2):
        cc = cid * 2 + ccl
        pltpu.sync_copy(zacc, acc_sh.at[pl.ds(sid * ZR, ZR)])
        plsc.subcore_barrier()

        def body(j, carry):
            pltpu.async_copy(xc.at[cc].at[sidx_v.at[j]], rows_v, sem).wait()
            pltpu.sync_copy(rows_v, acc_sh.at[didx_v.at[j]], add=True)
            return carry
        lax.fori_loop(0, NT, body, 0)
        plsc.subcore_barrier()

        pltpu.sync_copy(acc_sh.at[pl.ds(sid * WRS, WRN)],
                        s_out.at[cc, pl.ds(sid * WRS, WRN)])
        plsc.subcore_barrier()


@functools.cache
def _segsum():
    return pl.kernel(
        _segsum_body,
        out_type=jax.ShapeDtypeStruct((KC, N, CW), jnp.float32),
        mesh=plsc.VectorSubcoreMesh(core_axis_name="c", subcore_axis_name="s",
                                    num_cores=2, num_subcores=SUB),
        scratch_types=[
            pltpu.VMEM((NT, TIL), jnp.int32),
            pltpu.VMEM((NT, TIL), jnp.int32),
            pltpu.VMEM((TIL, CW), jnp.float32),
            pltpu.VMEM_SHARED((ACC, CW), jnp.float32),
            pltpu.SemaphoreType.DMA,
        ],
    )


def _count_body(dst_bb, dst_bg, dst_gb, zacc, onec, cbb_out, cbg_out, cgb_out,
                didx_v, ones_v, acc_sh):
    cid = lax.axis_index("c")
    sid = lax.axis_index("s")
    pltpu.sync_copy(onec, ones_v)
    for rnd in range(2):
        if rnd == 0:
            @pl.when(cid == 0)
            def _():
                pltpu.sync_copy(dst_bb.at[sid], didx_v)

            @pl.when(cid == 1)
            def _():
                pltpu.sync_copy(dst_gb.at[sid], didx_v)
        else:
            @pl.when(cid == 0)
            def _():
                pltpu.sync_copy(dst_bg.at[sid], didx_v)

        pltpu.sync_copy(zacc, acc_sh.at[pl.ds(sid * ZR, ZR)])
        plsc.subcore_barrier()

        active = (cid == 0) if rnd == 1 else (cid < 2)

        @pl.when(active)
        def _():
            def body(j, carry):
                pltpu.sync_copy(ones_v, acc_sh.at[didx_v.at[j]], add=True)
                return carry
            lax.fori_loop(0, NTC, body, 0)
        plsc.subcore_barrier()

        if rnd == 0:
            @pl.when(cid == 0)
            def _():
                pltpu.sync_copy(acc_sh.at[pl.ds(sid * WRS, WRN)],
                                cbb_out.at[pl.ds(sid * WRS, WRN)])

            @pl.when(cid == 1)
            def _():
                pltpu.sync_copy(acc_sh.at[pl.ds(sid * WRS, WRN)],
                                cgb_out.at[pl.ds(sid * WRS, WRN)])
        else:
            @pl.when(cid == 0)
            def _():
                pltpu.sync_copy(acc_sh.at[pl.ds(sid * WRS, WRN)],
                                cbg_out.at[pl.ds(sid * WRS, WRN)])
        plsc.subcore_barrier()


@functools.cache
def _count():
    return pl.kernel(
        _count_body,
        out_type=(jax.ShapeDtypeStruct((N, CW), jnp.float32),
                  jax.ShapeDtypeStruct((N, CW), jnp.float32),
                  jax.ShapeDtypeStruct((N, CW), jnp.float32)),
        mesh=plsc.VectorSubcoreMesh(core_axis_name="c", subcore_axis_name="s",
                                    num_cores=2, num_subcores=SUB),
        scratch_types=[
            pltpu.VMEM((NTC, TIL), jnp.int32),
            pltpu.VMEM((TIL, CW), jnp.float32),
            pltpu.VMEM_SHARED((ACC, CW), jnp.float32),
        ],
    )


def _pad_idx(ei):
    src = ei[0].astype(jnp.int32).reshape(SUB, EPW)
    dst = ei[1].astype(jnp.int32).reshape(SUB, EPW)
    pads = ((0, 0), (0, EPAD - EPW))
    src_p = jnp.pad(src, pads, constant_values=0).reshape(SUB, NT, TIL)
    dst_p = jnp.pad(dst, pads, constant_values=DEAD).reshape(SUB, NT, TIL)
    dst_c = jnp.pad(dst, ((0, 0), (0, EPADC - EPW)),
                    constant_values=DEAD).reshape(SUB, NTC, TIL)
    return src_p, dst_p, dst_c



def kernel(x_bus, x_generator, ei_bb, ei_bg, ei_gb,
           lin_bus_W, lin_bus_b, lin_gen_W, lin_gen_b,
           c0_bb_Wl, c0_bb_bl, c0_bb_Wr, c0_bg_Wl, c0_bg_bl, c0_bg_Wr,
           c0_gb_Wl, c0_gb_bl, c0_gb_Wr,
           c1_bb_Wl, c1_bb_bl, c1_bb_Wr, c1_bg_Wl, c1_bg_bl, c1_bg_Wr,
           c1_gb_Wl, c1_gb_bl, c1_gb_Wr,
           out_bus_W, out_bus_b, out_gen_W, out_gen_b):
    f32 = jnp.float32

    src_bb, dst_bb, dstc_bb = _pad_idx(ei_bb)
    src_bg, dst_bg, dstc_bg = _pad_idx(ei_bg)
    src_gb, dst_gb, dstc_gb = _pad_idx(ei_gb)
    zacc = jnp.zeros((ZR, CW), f32)
    onec = jnp.ones((TIL, CW), f32)

    wcat_b0 = jnp.concatenate([c0_bb_Wl.T, c0_gb_Wl.T, (c0_bb_Wr + c0_gb_Wr).T], axis=0)
    bias_b0 = (c0_bb_bl + c0_gb_bl).reshape(1, H)
    wcat_g0 = jnp.concatenate([c0_bg_Wl.T, c0_bg_Wr.T], axis=0)
    bias_g0 = c0_bg_bl.reshape(1, H)
    wcat_b1 = jnp.concatenate([c1_bb_Wl.T, c1_gb_Wl.T, (c1_bb_Wr + c1_gb_Wr).T], axis=0)
    bias_b1 = (c1_bb_bl + c1_gb_bl).reshape(1, H)
    wcat_g1 = jnp.concatenate([c1_bg_Wl.T, c1_bg_Wr.T], axis=0)
    bias_g1 = c1_bg_bl.reshape(1, H)

    xb0 = _proj(x_bus, lin_bus_W.T, lin_bus_b.reshape(1, H))
    xg0 = _proj(x_generator, lin_gen_W.T, lin_gen_b.reshape(1, H))

    cnt_bb, cnt_bg, cnt_gb = _count()(dstc_bb, dstc_bg, dstc_gb, zacc, onec)
    cbb = cnt_bb[:, :1]
    cgb = cnt_gb[:, :1]
    cbg = cnt_bg[:, :1]

    seg = _segsum()
    sbb0 = seg(xb0, src_bb, dst_bb, zacc)
    sgb0 = seg(xg0, src_gb, dst_gb, zacc)
    sbg0 = seg(xb0, src_bg, dst_bg, zacc)

    xb1 = _mix(2, False, None, [sbb0, sgb0], [cbb, cgb], xb0, wcat_b0, bias_b0)
    xg1 = _mix(1, False, None, [sbg0], [cbg], xg0, wcat_g0, bias_g0)

    sbb1 = seg(xb1, src_bb, dst_bb, zacc)
    sgb1 = seg(xg1, src_gb, dst_gb, zacc)
    sbg1 = seg(xb1, src_bg, dst_bg, zacc)

    bus_out = _mix(2, True, 1, [sbb1, sgb1], [cbb, cgb], xb1, wcat_b1, bias_b1,
                   out_bus_W.T, out_bus_b.reshape(1, OUT))
    gen_out = _mix(1, True, None, [sbg1], [cbg], xg1, wcat_g1, bias_g1,
                   out_gen_W.T, out_gen_b.reshape(1, OUT))
    return (bus_out, gen_out)

# --- scband reference (transcript-rebuilt; emitter-appended) ---
"""Pipeline reference for scband-hetero-gnn-68753836474682 (READ-ONLY COPY).

The authoritative reference and input builder live on the scoring server;
editing this copy changes nothing except your own understanding.
"""

import jax, jax.numpy as jnp
import numpy as np

N_BUS = 10000
N_GEN = 10000
E = 160000
DIN = 256
H = 512
OUT = 2


def _sage(x_src, x_dst, ei, Wl, bl, Wr, n_dst):
    # PyG SAGEConv (bipartite, aggr='mean'): lin_l(mean_agg(msgs)) + lin_r(x_dst)
    msg = jnp.take(x_src, ei[0], axis=0)
    s = jax.ops.segment_sum(msg, ei[1], num_segments=n_dst)
    cnt = jax.ops.segment_sum(jnp.ones((ei.shape[1],), jnp.float32), ei[1], num_segments=n_dst)
    mean = s / jnp.clip(cnt, 1.0)[:, None]
    return mean @ Wl.T + bl + x_dst @ Wr.T


def setup_inputs(seed: int = 0):
    key = jax.random.key(seed)
    ks = jax.random.split(key, 64)
    inp = {}
    inp["x_bus"] = jax.random.normal(ks[0], (N_BUS, DIN), dtype=jnp.float32)
    inp["x_generator"] = jax.random.normal(ks[1], (N_GEN, DIN), dtype=jnp.float32)
    inp["ei_bb"] = jax.random.randint(ks[2], (2, E), 0, N_BUS)
    inp["ei_bg"] = jax.random.randint(ks[3], (2, E), 0, N_BUS)  # src<N_BUS, dst<N_GEN (both 10000)
    inp["ei_gb"] = jax.random.randint(ks[4], (2, E), 0, N_GEN)
    def lin(k, o, i):
        return jax.random.normal(k, (o, i), dtype=jnp.float32) * 0.05
    inp["lin_bus_W"] = lin(ks[5], H, DIN); inp["lin_bus_b"] = jnp.zeros((H,), jnp.float32)
    inp["lin_gen_W"] = lin(ks[6], H, DIN); inp["lin_gen_b"] = jnp.zeros((H,), jnp.float32)
    i = 7
    for l in range(2):
        for r in ["bb", "bg", "gb"]:
            inp[f"c{l}_{r}_Wl"] = lin(ks[i], H, H); i += 1
            inp[f"c{l}_{r}_bl"] = jnp.zeros((H,), jnp.float32)
            inp[f"c{l}_{r}_Wr"] = lin(ks[i], H, H); i += 1
    inp["out_bus_W"] = lin(ks[i], OUT, H); inp["out_bus_b"] = jnp.zeros((OUT,), jnp.float32); i += 1
    inp["out_gen_W"] = lin(ks[i], OUT, H); inp["out_gen_b"] = jnp.zeros((OUT,), jnp.float32)
    return inp


def reference(x_bus, x_generator, ei_bb, ei_bg, ei_gb,
              lin_bus_W, lin_bus_b, lin_gen_W, lin_gen_b,
              c0_bb_Wl, c0_bb_bl, c0_bb_Wr, c0_bg_Wl, c0_bg_bl, c0_bg_Wr, c0_gb_Wl, c0_gb_bl, c0_gb_Wr,
              c1_bb_Wl, c1_bb_bl, c1_bb_Wr, c1_bg_Wl, c1_bg_bl, c1_bg_Wr, c1_gb_Wl, c1_gb_bl, c1_gb_Wr,
              out_bus_W, out_bus_b, out_gen_W, out_gen_b):
    # per-node-type input projection + in-place relu
    xb = jax.nn.relu(x_bus @ lin_bus_W.T + lin_bus_b)
    xg = jax.nn.relu(x_generator @ lin_gen_W.T + lin_gen_b)
    # HeteroConv layer 0 (aggr='sum' across relations per dst type)
    nb = _sage(xb, xb, ei_bb, c0_bb_Wl, c0_bb_bl, c0_bb_Wr, N_BUS) + _sage(xg, xb, ei_gb, c0_gb_Wl, c0_gb_bl, c0_gb_Wr, N_BUS)
    ng = _sage(xb, xg, ei_bg, c0_bg_Wl, c0_bg_bl, c0_bg_Wr, N_GEN)
    xb, xg = nb, ng
    # HeteroConv layer 1
    nb = _sage(xb, xb, ei_bb, c1_bb_Wl, c1_bb_bl, c1_bb_Wr, N_BUS) + _sage(xg, xb, ei_gb, c1_gb_Wl, c1_gb_bl, c1_gb_Wr, N_BUS)
    ng = _sage(xb, xg, ei_bg, c1_bg_Wl, c1_bg_bl, c1_bg_Wr, N_GEN)
    xb, xg = nb, ng
    bus_out = xb @ out_bus_W.T + out_bus_b
    gen_out = xg @ out_gen_W.T + out_gen_b
    bus_out = bus_out.at[:, 1].set(jax.nn.relu(bus_out[:, 1]))
    return (bus_out, gen_out)

if __name__ == "__main__":
    import jax
    _d = setup_inputs()
    print(jax.jit(kernel)(*tuple(_d.values())))

</pallas_src>

<mosaic_0001>
#map = affine_map<(d0, d1) -> (0, 0, 0)>
#map1 = affine_map<(d0, d1) -> (0, 0)>
module attributes {stable_mosaic.version = 14 : i64} {
  func.func @_count_body(%arg0: i32, %arg1: i32, %arg2: memref<16x79x128xi32, #tpu.memory_space<hbm>>, %arg3: memref<16x79x128xi32, #tpu.memory_space<hbm>>, %arg4: memref<16x79x128xi32, #tpu.memory_space<hbm>>, %arg5: memref<640x128xf32, #tpu.memory_space<hbm>>, %arg6: memref<128x128xf32, #tpu.memory_space<hbm>>, %arg7: memref<10000x128xf32, #tpu.memory_space<hbm>>, %arg8: memref<10000x128xf32, #tpu.memory_space<hbm>>, %arg9: memref<10000x128xf32, #tpu.memory_space<hbm>>, %arg10: memref<79x128xi32, #tpu.memory_space<vmem>>, %arg11: memref<128x128xf32, #tpu.memory_space<vmem>>, %arg12: memref<10240x128xf32, #tpu.memory_space<vmem_shared>>) attributes {dimension_semantics = [#tpu.dimension_semantics<core_parallel>, #tpu.dimension_semantics<subcore_parallel>], iteration_bounds = array<i64: 2, 16>, scalar_prefetch = 0 : i64, scratch_operands = 3 : i64, tpu.core_type = #tpu.core_type<sc_vector_subcore>, window_params = [{transform_indices = #map}, {transform_indices = #map}, {transform_indices = #map}, {transform_indices = #map1}, {transform_indices = #map1}, {transform_indices = #map1}, {transform_indices = #map1}, {transform_indices = #map1}]} {
    "tpu.region"() ({
      %run_scoped3A = tpu.sem_alloc : memref<!tpu.dma_semaphore, #tpu.memory_space<semaphore_mem>>
      tpu.enqueue_dma source(%arg6 : memref<128x128xf32, #tpu.memory_space<hbm>>) target(%arg11 : memref<128x128xf32, #tpu.memory_space<vmem>>) target_semaphore(%run_scoped3A : memref<!tpu.dma_semaphore, #tpu.memory_space<semaphore_mem>>)
      tpu.wait_dma2 semaphore(%run_scoped3A : memref<!tpu.dma_semaphore, #tpu.memory_space<semaphore_mem>>) src(%arg6 : memref<128x128xf32, #tpu.memory_space<hbm>>) dst(%arg11 : memref<128x128xf32, #tpu.memory_space<vmem>>)
      tpu.yield
    }) : () -> ()
    %eq3A = arith.constant 0 : i32
    %eq3A_0 = arith.cmpi eq, %arg0, %eq3A : i32
    %convert_element_type3A = arith.extui %eq3A_0 : i1 to i32
    %cond3A = arith.constant 0 : i32
    %cond3A_1 = arith.cmpi ne, %convert_element_type3A, %cond3A : i32
    scf.if %cond3A_1 {
      "tpu.region"() ({
        %run_scoped3A = tpu.sem_alloc : memref<!tpu.dma_semaphore, #tpu.memory_space<semaphore_mem>>
        %dma_start3A = arith.constant 0 : i32
        %dma_start3A_44 = arith.constant 0 : i32
        %dma_start3A_45 = tpu.memref_slice %arg2[%arg1, %dma_start3A, %dma_start3A_44] : memref<16x79x128xi32, #tpu.memory_space<hbm>> -> memref<1x79x128xi32, #tpu.memory_space<hbm>>
        %dma_start3A_46 = tpu.memref_squeeze %dma_start3A_45 : memref<1x79x128xi32, #tpu.memory_space<hbm>> -> memref<79x128xi32, #tpu.memory_space<hbm>>
        %dma_start3A_47 = arith.constant 0 : i32
        %dma_start3A_48 = arith.constant 0 : i32
        %dma_start3A_49 = tpu.memref_slice %arg2[%arg1, %dma_start3A_47, %dma_start3A_48] : memref<16x79x128xi32, #tpu.memory_space<hbm>> -> memref<1x79x128xi32, #tpu.memory_space<hbm>>
        %dma_start3A_50 = tpu.memref_squeeze %dma_start3A_49 : memref<1x79x128xi32, #tpu.memory_space<hbm>> -> memref<79x128xi32, #tpu.memory_space<hbm>>
        tpu.enqueue_dma source(%dma_start3A_50 : memref<79x128xi32, #tpu.memory_space<hbm>>) target(%arg10 : memref<79x128xi32, #tpu.memory_space<vmem>>) target_semaphore(%run_scoped3A : memref<!tpu.dma_semaphore, #tpu.memory_space<semaphore_mem>>)
        %dma_wait3A = arith.constant 0 : i32
        %dma_wait3A_51 = arith.constant 0 : i32
        %dma_wait3A_52 = tpu.memref_slice %arg2[%arg1, %dma_wait3A, %dma_wait3A_51] : memref<16x79x128xi32, #tpu.memory_space<hbm>> -> memref<1x79x128xi32, #tpu.memory_space<hbm>>
        %dma_wait3A_53 = tpu.memref_squeeze %dma_wait3A_52 : memref<1x79x128xi32, #tpu.memory_space<hbm>> -> memref<79x128xi32, #tpu.memory_space<hbm>>
        %dma_wait3A_54 = arith.constant 0 : i32
        %dma_wait3A_55 = arith.constant 0 : i32
        %dma_wait3A_56 = tpu.memref_slice %arg2[%arg1, %dma_wait3A_54, %dma_wait3A_55] : memref<16x79x128xi32, #tpu.memory_space<hbm>> -> memref<1x79x128xi32, #tpu.memory_space<hbm>>
        %dma_wait3A_57 = tpu.memref_squeeze %dma_wait3A_56 : memref<1x79x128xi32, #tpu.memory_space<hbm>> -> memref<79x128xi32, #tpu.memory_space<hbm>>
        tpu.wait_dma2 semaphore(%run_scoped3A : memref<!tpu.dma_semaphore, #tpu.memory_space<semaphore_mem>>) src(%dma_wait3A_57 : memref<79x128xi32, #tpu.memory_space<hbm>>) dst(%arg10 : memref<79x128xi32, #tpu.memory_space<vmem>>)
        tpu.yield
      }) : () -> ()
    } else {
    }
    %eq3A_2 = arith.constant 1 : i32
    %eq3A_3 = arith.cmpi eq, %arg0, %eq3A_2 : i32
    %convert_element_type3A_4 = arith.extui %eq3A_3 : i1 to i32
    %cond3A_5 = arith.constant 0 : i32
    %cond3A_6 = arith.cmpi ne, %convert_element_type3A_4, %cond3A_5 : i32
    scf.if %cond3A_6 {
      "tpu.region"() ({
        %run_scoped3A = tpu.sem_alloc : memref<!tpu.dma_semaphore, #tpu.memory_space<semaphore_mem>>
        %dma_start3A = arith.constant 0 : i32
        %dma_start3A_44 = arith.constant 0 : i32
        %dma_start3A_45 = tpu.memref_slice %arg4[%arg1, %dma_start3A, %dma_start3A_44] : memref<16x79x128xi32, #tpu.memory_space<hbm>> -> memref<1x79x128xi32, #tpu.memory_space<hbm>>
        %dma_start3A_46 = tpu.memref_squeeze %dma_start3A_45 : memref<1x79x128xi32, #tpu.memory_space<hbm>> -> memref<79x128xi32, #tpu.memory_space<hbm>>
        %dma_start3A_47 = arith.constant 0 : i32
        %dma_start3A_48 = arith.constant 0 : i32
        %dma_start3A_49 = tpu.memref_slice %arg4[%arg1, %dma_start3A_47, %dma_start3A_48] : memref<16x79x128xi32, #tpu.memory_space<hbm>> -> memref<1x79x128xi32, #tpu.memory_space<hbm>>
        %dma_start3A_50 = tpu.memref_squeeze %dma_start3A_49 : memref<1x79x128xi32, #tpu.memory_space<hbm>> -> memref<79x128xi32, #tpu.memory_space<hbm>>
        tpu.enqueue_dma source(%dma_start3A_50 : memref<79x128xi32, #tpu.memory_space<hbm>>) target(%arg10 : memref<79x128xi32, #tpu.memory_space<vmem>>) target_semaphore(%run_scoped3A : memref<!tpu.dma_semaphore, #tpu.memory_space<semaphore_mem>>)
        %dma_wait3A = arith.constant 0 : i32
        %dma_wait3A_51 = arith.constant 0 : i32
        %dma_wait3A_52 = tpu.memref_slice %arg4[%arg1, %dma_wait3A, %dma_wait3A_51] : memref<16x79x128xi32, #tpu.memory_space<hbm>> -> memref<1x79x128xi32, #tpu.memory_space<hbm>>
        %dma_wait3A_53 = tpu.memref_squeeze %dma_wait3A_52 : memref<1x79x128xi32, #tpu.memory_space<hbm>> -> memref<79x128xi32, #tpu.memory_space<hbm>>
        %dma_wait3A_54 = arith.constant 0 : i32
        %dma_wait3A_55 = arith.constant 0 : i32
        %dma_wait3A_56 = tpu.memref_slice %arg4[%arg1, %dma_wait3A_54, %dma_wait3A_55] : memref<16x79x128xi32, #tpu.memory_space<hbm>> -> memref<1x79x128xi32, #tpu.memory_space<hbm>>
        %dma_wait3A_57 = tpu.memref_squeeze %dma_wait3A_56 : memref<1x79x128xi32, #tpu.memory_space<hbm>> -> memref<79x128xi32, #tpu.memory_space<hbm>>
        tpu.wait_dma2 semaphore(%run_scoped3A : memref<!tpu.dma_semaphore, #tpu.memory_space<semaphore_mem>>) src(%dma_wait3A_57 : memref<79x128xi32, #tpu.memory_space<hbm>>) dst(%arg10 : memref<79x128xi32, #tpu.memory_space<vmem>>)
        tpu.yield
      }) : () -> ()
    } else {
    }
    %mul3A = arith.constant 640 : i32
    %mul3A_7 = arith.muli %arg1, %mul3A : i32
    "tpu.region"() ({
      %run_scoped3A = tpu.sem_alloc : memref<!tpu.dma_semaphore, #tpu.memory_space<semaphore_mem>>
      %dma_start3A = arith.constant 0 : i32
      %dma_start3A_44 = tpu.memref_slice %arg12[%mul3A_7, %dma_start3A] : memref<10240x128xf32, #tpu.memory_space<vmem_shared>> -> memref<640x128xf32, #tpu.memory_space<vmem_shared>>
      tpu.enqueue_dma source(%arg5 : memref<640x128xf32, #tpu.memory_space<hbm>>) target(%dma_start3A_44 : memref<640x128xf32, #tpu.memory_space<vmem_shared>>) target_semaphore(%run_scoped3A : memref<!tpu.dma_semaphore, #tpu.memory_space<semaphore_mem>>)
      %dma_wait3A = arith.constant 0 : i32
      %dma_wait3A_45 = tpu.memref_slice %arg12[%mul3A_7, %dma_wait3A] : memref<10240x128xf32, #tpu.memory_space<vmem_shared>> -> memref<640x128xf32, #tpu.memory_space<vmem_shared>>
      tpu.wait_dma2 semaphore(%run_scoped3A : memref<!tpu.dma_semaphore, #tpu.memory_space<semaphore_mem>>) src(%arg5 : memref<640x128xf32, #tpu.memory_space<hbm>>) dst(%dma_wait3A_45 : memref<640x128xf32, #tpu.memory_space<vmem_shared>>)
      tpu.yield
    }) : () -> ()
    %barrier3A = arith.constant 0 : index
    tpu.barrier barrier_id(%barrier3A)
    %lt3A = arith.constant 2 : i32
    %lt3A_8 = arith.cmpi slt, %arg0, %lt3A : i32
    %convert_element_type3A_9 = arith.extui %lt3A_8 : i1 to i32
    %cond3A_10 = arith.constant 0 : i32
    %cond3A_11 = arith.cmpi ne, %convert_element_type3A_9, %cond3A_10 : i32
    scf.if %cond3A_11 {
      %scan3A = arith.constant 0 : i32
      %scan3A_44 = arith.constant 0 : i32
      %scan3A_45 = arith.constant 79 : i32
      %scan3A_46 = arith.addi %scan3A_44, %scan3A_45 : i32
      %scan3A_47 = arith.constant 1 : i32
      scf.for %scan3A_49 = %scan3A_44 to %scan3A_46 step %scan3A_47  : i32 {
        "tpu.region"() ({
          %run_scoped3A = tpu.sem_alloc : memref<!tpu.dma_semaphore, #tpu.memory_space<semaphore_mem>>
          %dma_start3A = arith.constant 0 : i32
          %dma_start3A_50 = tpu.memref_slice %arg10[%scan3A_49, %dma_start3A] : memref<79x128xi32, #tpu.memory_space<vmem>> -> memref<1x128xi32, #tpu.memory_space<vmem>>
          %dma_start3A_51 = tpu.memref_squeeze %dma_start3A_50 : memref<1x128xi32, #tpu.memory_space<vmem>> -> memref<128xi32, #tpu.memory_space<vmem>>
          %dma_start3A_52 = arith.constant 0 : i32
          %dma_start3A_53 = arith.constant 0 : i32
          %dma_start3A_54 = tpu.memref_slice %arg12[%dma_start3A_52, %dma_start3A_53] : memref<10240x128xf32, #tpu.memory_space<vmem_shared>> -> memref<10240x128xf32, #tpu.memory_space<vmem_shared>>
          tpu.enqueue_indirect_dma source(%arg11 : memref<128x128xf32, #tpu.memory_space<vmem>>) target(%dma_start3A_54 : memref<10240x128xf32, #tpu.memory_space<vmem_shared>>) offsets(%dma_start3A_51 : memref<128xi32, #tpu.memory_space<vmem>>) semaphore(%run_scoped3A : memref<!tpu.dma_semaphore, #tpu.memory_space<semaphore_mem>>) {add = true}
          %dma_wait3A = arith.constant 0 : i32
          %dma_wait3A_55 = tpu.memref_slice %arg10[%scan3A_49, %dma_wait3A] : memref<79x128xi32, #tpu.memory_space<vmem>> -> memref<1x128xi32, #tpu.memory_space<vmem>>
          %dma_wait3A_56 = tpu.memref_squeeze %dma_wait3A_55 : memref<1x128xi32, #tpu.memory_space<vmem>> -> memref<128xi32, #tpu.memory_space<vmem>>
          %dma_wait3A_57 = arith.constant 0 : i32
          %dma_wait3A_58 = arith.constant 0 : i32
          %dma_wait3A_59 = tpu.memref_slice %arg12[%dma_wait3A_57, %dma_wait3A_58] : memref<10240x128xf32, #tpu.memory_space<vmem_shared>> -> memref<10240x128xf32, #tpu.memory_space<vmem_shared>>
          tpu.wait_indirect_dma semaphore(%run_scoped3A : memref<!tpu.dma_semaphore, #tpu.memory_space<semaphore_mem>>) src(%arg11 : memref<128x128xf32, #tpu.memory_space<vmem>>) dst(%dma_wait3A_59 : memref<10240x128xf32, #tpu.memory_space<vmem_shared>>)
          tpu.yield
        }) : () -> ()
      }
      %scan3A_48 = arith.constant 79 : i32
    } else {
    }
    %barrier3A_12 = arith.constant 0 : index
    tpu.barrier barrier_id(%barrier3A_12)
    %eq3A_13 = arith.constant 0 : i32
    %eq3A_14 = arith.cmpi eq, %arg0, %eq3A_13 : i32
    %convert_element_type3A_15 = arith.extui %eq3A_14 : i1 to i32
    %cond3A_16 = arith.constant 0 : i32
    %cond3A_17 = arith.cmpi ne, %convert_element_type3A_15, %cond3A_16 : i32
    scf.if %cond3A_17 {
      %mul3A_44 = arith.constant 624 : i32
      %mul3A_45 = arith.muli %arg1, %mul3A_44 : i32
      %mul3A_46 = arith.constant 624 : i32
      %mul3A_47 = arith.muli %arg1, %mul3A_46 : i32
      "tpu.region"() ({
        %run_scoped3A = tpu.sem_alloc : memref<!tpu.dma_semaphore, #tpu.memory_space<semaphore_mem>>
        %dma_start3A = arith.constant 0 : i32
        %dma_start3A_48 = tpu.memref_slice %arg7[%mul3A_47, %dma_start3A] : memref<10000x128xf32, #tpu.memory_space<hbm>> -> memref<640x128xf32, #tpu.memory_space<hbm>>
        %dma_start3A_49 = arith.constant 0 : i32
        %dma_start3A_50 = tpu.memref_slice %arg12[%mul3A_45, %dma_start3A_49] : memref<10240x128xf32, #tpu.memory_space<vmem_shared>> -> memref<640x128xf32, #tpu.memory_space<vmem_shared>>
        tpu.enqueue_dma source(%dma_start3A_50 : memref<640x128xf32, #tpu.memory_space<vmem_shared>>) target(%dma_start3A_48 : memref<640x128xf32, #tpu.memory_space<hbm>>) target_semaphore(%run_scoped3A : memref<!tpu.dma_semaphore, #tpu.memory_space<semaphore_mem>>)
        %dma_wait3A = arith.constant 0 : i32
        %dma_wait3A_51 = tpu.memref_slice %arg7[%mul3A_47, %dma_wait3A] : memref<10000x128xf32, #tpu.memory_space<hbm>> -> memref<640x128xf32, #tpu.memory_space<hbm>>
        %dma_wait3A_52 = arith.constant 0 : i32
        %dma_wait3A_53 = tpu.memref_slice %arg12[%mul3A_45, %dma_wait3A_52] : memref<10240x128xf32, #tpu.memory_space<vmem_shared>> -> memref<640x128xf32, #tpu.memory_space<vmem_shared>>
        tpu.wait_dma2 semaphore(%run_scoped3A : memref<!tpu.dma_semaphore, #tpu.memory_space<semaphore_mem>>) src(%dma_wait3A_53 : memref<640x128xf32, #tpu.memory_space<vmem_shared>>) dst(%dma_wait3A_51 : memref<640x128xf32, #tpu.memory_space<hbm>>)
        tpu.yield
      }) : () -> ()
    } else {
    }
    %eq3A_18 = arith.constant 1 : i32
    %eq3A_19 = arith.cmpi eq, %arg0, %eq3A_18 : i32
    %convert_element_type3A_20 = arith.extui %eq3A_19 : i1 to i32
    %cond3A_21 = arith.constant 0 : i32
    %cond3A_22 = arith.cmpi ne, %convert_element_type3A_20, %cond3A_21 : i32
    scf.if %cond3A_22 {
      %mul3A_44 = arith.constant 624 : i32
      %mul3A_45 = arith.muli %arg1, %mul3A_44 : i32
      %mul3A_46 = arith.constant 624 : i32
      %mul3A_47 = arith.muli %arg1, %mul3A_46 : i32
      "tpu.region"() ({
        %run_scoped3A = tpu.sem_alloc : memref<!tpu.dma_semaphore, #tpu.memory_space<semaphore_mem>>
        %dma_start3A = arith.constant 0 : i32
        %dma_start3A_48 = tpu.memref_slice %arg9[%mul3A_47, %dma_start3A] : memref<10000x128xf32, #tpu.memory_space<hbm>> -> memref<640x128xf32, #tpu.memory_space<hbm>>
        %dma_start3A_49 = arith.constant 0 : i32
        %dma_start3A_50 = tpu.memref_slice %arg12[%mul3A_45, %dma_start3A_49] : memref<10240x128xf32, #tpu.memory_space<vmem_shared>> -> memref<640x128xf32, #tpu.memory_space<vmem_shared>>
        tpu.enqueue_dma source(%dma_start3A_50 : memref<640x128xf32, #tpu.memory_space<vmem_shared>>) target(%dma_start3A_48 : memref<640x128xf32, #tpu.memory_space<hbm>>) target_semaphore(%run_scoped3A : memref<!tpu.dma_semaphore, #tpu.memory_space<semaphore_mem>>)
        %dma_wait3A = arith.constant 0 : i32
        %dma_wait3A_51 = tpu.memref_slice %arg9[%mul3A_47, %dma_wait3A] : memref<10000x128xf32, #tpu.memory_space<hbm>> -> memref<640x128xf32, #tpu.memory_space<hbm>>
        %dma_wait3A_52 = arith.constant 0 : i32
        %dma_wait3A_53 = tpu.memref_slice %arg12[%mul3A_45, %dma_wait3A_52] : memref<10240x128xf32, #tpu.memory_space<vmem_shared>> -> memref<640x128xf32, #tpu.memory_space<vmem_shared>>
        tpu.wait_dma2 semaphore(%run_scoped3A : memref<!tpu.dma_semaphore, #tpu.memory_space<semaphore_mem>>) src(%dma_wait3A_53 : memref<640x128xf32, #tpu.memory_space<vmem_shared>>) dst(%dma_wait3A_51 : memref<640x128xf32, #tpu.memory_space<hbm>>)
        tpu.yield
      }) : () -> ()
    } else {
    }
    %barrier3A_23 = arith.constant 0 : index
    tpu.barrier barrier_id(%barrier3A_23)
    %eq3A_24 = arith.constant 0 : i32
    %eq3A_25 = arith.cmpi eq, %arg0, %eq3A_24 : i32
    %convert_element_type3A_26 = arith.extui %eq3A_25 : i1 to i32
    %cond3A_27 = arith.constant 0 : i32
    %cond3A_28 = arith.cmpi ne, %convert_element_type3A_26, %cond3A_27 : i32
    scf.if %cond3A_28 {
      "tpu.region"() ({
        %run_scoped3A = tpu.sem_alloc : memref<!tpu.dma_semaphore, #tpu.memory_space<semaphore_mem>>
        %dma_start3A = arith.constant 0 : i32
        %dma_start3A_44 = arith.constant 0 : i32
        %dma_start3A_45 = tpu.memref_slice %arg3[%arg1, %dma_start3A, %dma_start3A_44] : memref<16x79x128xi32, #tpu.memory_space<hbm>> -> memref<1x79x128xi32, #tpu.memory_space<hbm>>
        %dma_start3A_46 = tpu.memref_squeeze %dma_start3A_45 : memref<1x79x128xi32, #tpu.memory_space<hbm>> -> memref<79x128xi32, #tpu.memory_space<hbm>>
        %dma_start3A_47 = arith.constant 0 : i32
        %dma_start3A_48 = arith.constant 0 : i32
        %dma_start3A_49 = tpu.memref_slice %arg3[%arg1, %dma_start3A_47, %dma_start3A_48] : memref<16x79x128xi32, #tpu.memory_space<hbm>> -> memref<1x79x128xi32, #tpu.memory_space<hbm>>
        %dma_start3A_50 = tpu.memref_squeeze %dma_start3A_49 : memref<1x79x128xi32, #tpu.memory_space<hbm>> -> memref<79x128xi32, #tpu.memory_space<hbm>>
        tpu.enqueue_dma source(%dma_start3A_50 : memref<79x128xi32, #tpu.memory_space<hbm>>) target(%arg10 : memref<79x128xi32, #tpu.memory_space<vmem>>) target_semaphore(%run_scoped3A : memref<!tpu.dma_semaphore, #tpu.memory_space<semaphore_mem>>)
        %dma_wait3A = arith.constant 0 : i32
        %dma_wait3A_51 = arith.constant 0 : i32
        %dma_wait3A_52 = tpu.memref_slice %arg3[%arg1, %dma_wait3A, %dma_wait3A_51] : memref<16x79x128xi32, #tpu.memory_space<hbm>> -> memref<1x79x128xi32, #tpu.memory_space<hbm>>
        %dma_wait3A_53 = tpu.memref_squeeze %dma_wait3A_52 : memref<1x79x128xi32, #tpu.memory_space<hbm>> -> memref<79x128xi32, #tpu.memory_space<hbm>>
        %dma_wait3A_54 = arith.constant 0 : i32
        %dma_wait3A_55 = arith.constant 0 : i32
        %dma_wait3A_56 = tpu.memref_slice %arg3[%arg1, %dma_wait3A_54, %dma_wait3A_55] : memref<16x79x128xi32, #tpu.memory_space<hbm>> -> memref<1x79x128xi32, #tpu.memory_space<hbm>>
        %dma_wait3A_57 = tpu.memref_squeeze %dma_wait3A_56 : memref<1x79x128xi32, #tpu.memory_space<hbm>> -> memref<79x128xi32, #tpu.memory_space<hbm>>
        tpu.wait_dma2 semaphore(%run_scoped3A : memref<!tpu.dma_semaphore, #tpu.memory_space<semaphore_mem>>) src(%dma_wait3A_57 : memref<79x128xi32, #tpu.memory_space<hbm>>) dst(%arg10 : memref<79x128xi32, #tpu.memory_space<vmem>>)
        tpu.yield
      }) : () -> ()
    } else {
    }
    %mul3A_29 = arith.constant 640 : i32
    %mul3A_30 = arith.muli %arg1, %mul3A_29 : i32
    "tpu.region"() ({
      %run_scoped3A = tpu.sem_alloc : memref<!tpu.dma_semaphore, #tpu.memory_space<semaphore_mem>>
      %dma_start3A = arith.constant 0 : i32
      %dma_start3A_44 = tpu.memref_slice %arg12[%mul3A_30, %dma_start3A] : memref<10240x128xf32, #tpu.memory_space<vmem_shared>> -> memref<640x128xf32, #tpu.memory_space<vmem_shared>>
      tpu.enqueue_dma source(%arg5 : memref<640x128xf32, #tpu.memory_space<hbm>>) target(%dma_start3A_44 : memref<640x128xf32, #tpu.memory_space<vmem_shared>>) target_semaphore(%run_scoped3A : memref<!tpu.dma_semaphore, #tpu.memory_space<semaphore_mem>>)
      %dma_wait3A = arith.constant 0 : i32
      %dma_wait3A_45 = tpu.memref_slice %arg12[%mul3A_30, %dma_wait3A] : memref<10240x128xf32, #tpu.memory_space<vmem_shared>> -> memref<640x128xf32, #tpu.memory_space<vmem_shared>>
      tpu.wait_dma2 semaphore(%run_scoped3A : memref<!tpu.dma_semaphore, #tpu.memory_space<semaphore_mem>>) src(%arg5 : memref<640x128xf32, #tpu.memory_space<hbm>>) dst(%dma_wait3A_45 : memref<640x128xf32, #tpu.memory_space<vmem_shared>>)
      tpu.yield
    }) : () -> ()
    %barrier3A_31 = arith.constant 0 : index
    tpu.barrier barrier_id(%barrier3A_31)
    %eq3A_32 = arith.constant 0 : i32
    %eq3A_33 = arith.cmpi eq, %arg0, %eq3A_32 : i32
    %convert_element_type3A_34 = arith.extui %eq3A_33 : i1 to i32
    %cond3A_35 = arith.constant 0 : i32
    %cond3A_36 = arith.cmpi ne, %convert_element_type3A_34, %cond3A_35 : i32
    scf.if %cond3A_36 {
      %scan3A = arith.constant 0 : i32
      %scan3A_44 = arith.constant 0 : i32
      %scan3A_45 = arith.constant 79 : i32
      %scan3A_46 = arith.addi %scan3A_44, %scan3A_45 : i32
      %scan3A_47 = arith.constant 1 : i32
      scf.for %scan3A_49 = %scan3A_44 to %scan3A_46 step %scan3A_47  : i32 {
        "tpu.region"() ({
          %run_scoped3A = tpu.sem_alloc : memref<!tpu.dma_semaphore, #tpu.memory_space<semaphore_mem>>
          %dma_start3A = arith.constant 0 : i32
          %dma_start3A_50 = tpu.memref_slice %arg10[%scan3A_49, %dma_start3A] : memref<79x128xi32, #tpu.memory_space<vmem>> -> memref<1x128xi32, #tpu.memory_space<vmem>>
          %dma_start3A_51 = tpu.memref_squeeze %dma_start3A_50 : memref<1x128xi32, #tpu.memory_space<vmem>> -> memref<128xi32, #tpu.memory_space<vmem>>
          %dma_start3A_52 = arith.constant 0 : i32
          %dma_start3A_53 = arith.constant 0 : i32
          %dma_start3A_54 = tpu.memref_slice %arg12[%dma_start3A_52, %dma_start3A_53] : memref<10240x128xf32, #tpu.memory_space<vmem_shared>> -> memref<10240x128xf32, #tpu.memory_space<vmem_shared>>
          tpu.enqueue_indirect_dma source(%arg11 : memref<128x128xf32, #tpu.memory_space<vmem>>) target(%dma_start3A_54 : memref<10240x128xf32, #tpu.memory_space<vmem_shared>>) offsets(%dma_start3A_51 : memref<128xi32, #tpu.memory_space<vmem>>) semaphore(%run_scoped3A : memref<!tpu.dma_semaphore, #tpu.memory_space<semaphore_mem>>) {add = true}
          %dma_wait3A = arith.constant 0 : i32
          %dma_wait3A_55 = tpu.memref_slice %arg10[%scan3A_49, %dma_wait3A] : memref<79x128xi32, #tpu.memory_space<vmem>> -> memref<1x128xi32, #tpu.memory_space<vmem>>
          %dma_wait3A_56 = tpu.memref_squeeze %dma_wait3A_55 : memref<1x128xi32, #tpu.memory_space<vmem>> -> memref<128xi32, #tpu.memory_space<vmem>>
          %dma_wait3A_57 = arith.constant 0 : i32
          %dma_wait3A_58 = arith.constant 0 : i32
          %dma_wait3A_59 = tpu.memref_slice %arg12[%dma_wait3A_57, %dma_wait3A_58] : memref<10240x128xf32, #tpu.memory_space<vmem_shared>> -> memref<10240x128xf32, #tpu.memory_space<vmem_shared>>
          tpu.wait_indirect_dma semaphore(%run_scoped3A : memref<!tpu.dma_semaphore, #tpu.memory_space<semaphore_mem>>) src(%arg11 : memref<128x128xf32, #tpu.memory_space<vmem>>) dst(%dma_wait3A_59 : memref<10240x128xf32, #tpu.memory_space<vmem_shared>>)
          tpu.yield
        }) : () -> ()
      }
      %scan3A_48 = arith.constant 79 : i32
    } else {
    }
    %barrier3A_37 = arith.constant 0 : index
    tpu.barrier barrier_id(%barrier3A_37)
    %eq3A_38 = arith.constant 0 : i32
    %eq3A_39 = arith.cmpi eq, %arg0, %eq3A_38 : i32
    %convert_element_type3A_40 = arith.extui %eq3A_39 : i1 to i32
    %cond3A_41 = arith.constant 0 : i32
    %cond3A_42 = arith.cmpi ne, %convert_element_type3A_40, %cond3A_41 : i32
    scf.if %cond3A_42 {
      %mul3A_44 = arith.constant 624 : i32
      %mul3A_45 = arith.muli %arg1, %mul3A_44 : i32
      %mul3A_46 = arith.constant 624 : i32
      %mul3A_47 = arith.muli %arg1, %mul3A_46 : i32
      "tpu.region"() ({
        %run_scoped3A = tpu.sem_alloc : memref<!tpu.dma_semaphore, #tpu.memory_space<semaphore_mem>>
        %dma_start3A = arith.constant 0 : i32
        %dma_start3A_48 = tpu.memref_slice %arg8[%mul3A_47, %dma_start3A] : memref<10000x128xf32, #tpu.memory_space<hbm>> -> memref<640x128xf32, #tpu.memory_space<hbm>>
        %dma_start3A_49 = arith.constant 0 : i32
        %dma_start3A_50 = tpu.memref_slice %arg12[%mul3A_45, %dma_start3A_49] : memref<10240x128xf32, #tpu.memory_space<vmem_shared>> -> memref<640x128xf32, #tpu.memory_space<vmem_shared>>
        tpu.enqueue_dma source(%dma_start3A_50 : memref<640x128xf32, #tpu.memory_space<vmem_shared>>) target(%dma_start3A_48 : memref<640x128xf32, #tpu.memory_space<hbm>>) target_semaphore(%run_scoped3A : memref<!tpu.dma_semaphore, #tpu.memory_space<semaphore_mem>>)
        %dma_wait3A = arith.constant 0 : i32
        %dma_wait3A_51 = tpu.memref_slice %arg8[%mul3A_47, %dma_wait3A] : memref<10000x128xf32, #tpu.memory_space<hbm>> -> memref<640x128xf32, #tpu.memory_space<hbm>>
        %dma_wait3A_52 = arith.constant 0 : i32
        %dma_wait3A_53 = tpu.memref_slice %arg12[%mul3A_45, %dma_wait3A_52] : memref<10240x128xf32, #tpu.memory_space<vmem_shared>> -> memref<640x128xf32, #tpu.memory_space<vmem_shared>>
        tpu.wait_dma2 semaphore(%run_scoped3A : memref<!tpu.dma_semaphore, #tpu.memory_space<semaphore_mem>>) src(%dma_wait3A_53 : memref<640x128xf32, #tpu.memory_space<vmem_shared>>) dst(%dma_wait3A_51 : memref<640x128xf32, #tpu.memory_space<hbm>>)
        tpu.yield
      }) : () -> ()
    } else {
    }
    %barrier3A_43 = arith.constant 0 : index
    tpu.barrier barrier_id(%barrier3A_43)
    return
  }
}

#map = affine_map<(d0, d1) -> (0, 0, 0)>
#map1 = affine_map<(d0, d1) -> (0, 0)>
module attributes {stable_mosaic.version = 14 : i64} {
  func.func @_segsum_body(%arg0: i32, %arg1: i32, %arg2: memref<4x10000x128xf32, #tpu.memory_space<hbm>>, %arg3: memref<16x79x128xi32, #tpu.memory_space<hbm>>, %arg4: memref<16x79x128xi32, #tpu.memory_space<hbm>>, %arg5: memref<640x128xf32, #tpu.memory_space<hbm>>, %arg6: memref<4x10000x128xf32, #tpu.memory_space<hbm>>, %arg7: memref<79x128xi32, #tpu.memory_space<vmem>>, %arg8: memref<79x128xi32, #tpu.memory_space<vmem>>, %arg9: memref<128x128xf32, #tpu.memory_space<vmem>>, %arg10: memref<10240x128xf32, #tpu.memory_space<vmem_shared>>, %arg11: memref<!tpu.dma_semaphore, #tpu.memory_space<semaphore_mem>>) attributes {dimension_semantics = [#tpu.dimension_semantics<core_parallel>, #tpu.dimension_semantics<subcore_parallel>], iteration_bounds = array<i64: 2, 16>, scalar_prefetch = 0 : i64, scratch_operands = 5 : i64, tpu.core_type = #tpu.core_type<sc_vector_subcore>, window_params = [{transform_indices = #map}, {transform_indices = #map}, {transform_indices = #map}, {transform_indices = #map1}, {transform_indices = #map}]} {
    "tpu.region"() ({
      %run_scoped3A = tpu.sem_alloc : memref<!tpu.dma_semaphore, #tpu.memory_space<semaphore_mem>>
      %dma_start3A = arith.constant 0 : i32
      %dma_start3A_34 = arith.constant 0 : i32
      %dma_start3A_35 = tpu.memref_slice %arg3[%arg1, %dma_start3A, %dma_start3A_34] : memref<16x79x128xi32, #tpu.memory_space<hbm>> -> memref<1x79x128xi32, #tpu.memory_space<hbm>>
      %dma_start3A_36 = tpu.memref_squeeze %dma_start3A_35 : memref<1x79x128xi32, #tpu.memory_space<hbm>> -> memref<79x128xi32, #tpu.memory_space<hbm>>
      %dma_start3A_37 = arith.constant 0 : i32
      %dma_start3A_38 = arith.constant 0 : i32
      %dma_start3A_39 = tpu.memref_slice %arg3[%arg1, %dma_start3A_37, %dma_start3A_38] : memref<16x79x128xi32, #tpu.memory_space<hbm>> -> memref<1x79x128xi32, #tpu.memory_space<hbm>>
      %dma_start3A_40 = tpu.memref_squeeze %dma_start3A_39 : memref<1x79x128xi32, #tpu.memory_space<hbm>> -> memref<79x128xi32, #tpu.memory_space<hbm>>
      tpu.enqueue_dma source(%dma_start3A_40 : memref<79x128xi32, #tpu.memory_space<hbm>>) target(%arg7 : memref<79x128xi32, #tpu.memory_space<vmem>>) target_semaphore(%run_scoped3A : memref<!tpu.dma_semaphore, #tpu.memory_space<semaphore_mem>>)
      %dma_wait3A = arith.constant 0 : i32
      %dma_wait3A_41 = arith.constant 0 : i32
      %dma_wait3A_42 = tpu.memref_slice %arg3[%arg1, %dma_wait3A, %dma_wait3A_41] : memref<16x79x128xi32, #tpu.memory_space<hbm>> -> memref<1x79x128xi32, #tpu.memory_space<hbm>>
      %dma_wait3A_43 = tpu.memref_squeeze %dma_wait3A_42 : memref<1x79x128xi32, #tpu.memory_space<hbm>> -> memref<79x128xi32, #tpu.memory_space<hbm>>
      %dma_wait3A_44 = arith.constant 0 : i32
      %dma_wait3A_45 = arith.constant 0 : i32
      %dma_wait3A_46 = tpu.memref_slice %arg3[%arg1, %dma_wait3A_44, %dma_wait3A_45] : memref<16x79x128xi32, #tpu.memory_space<hbm>> -> memref<1x79x128xi32, #tpu.memory_space<hbm>>
      %dma_wait3A_47 = tpu.memref_squeeze %dma_wait3A_46 : memref<1x79x128xi32, #tpu.memory_space<hbm>> -> memref<79x128xi32, #tpu.memory_space<hbm>>
      tpu.wait_dma2 semaphore(%run_scoped3A : memref<!tpu.dma_semaphore, #tpu.memory_space<semaphore_mem>>) src(%dma_wait3A_47 : memref<79x128xi32, #tpu.memory_space<hbm>>) dst(%arg7 : memref<79x128xi32, #tpu.memory_space<vmem>>)
      tpu.yield
    }) : () -> ()
    "tpu.region"() ({
      %run_scoped3A = tpu.sem_alloc : memref<!tpu.dma_semaphore, #tpu.memory_space<semaphore_mem>>
      %dma_start3A = arith.constant 0 : i32
      %dma_start3A_34 = arith.constant 0 : i32
      %dma_start3A_35 = tpu.memref_slice %arg4[%arg1, %dma_start3A, %dma_start3A_34] : memref<16x79x128xi32, #tpu.memory_space<hbm>> -> memref<1x79x128xi32, #tpu.memory_space<hbm>>
      %dma_start3A_36 = tpu.memref_squeeze %dma_start3A_35 : memref<1x79x128xi32, #tpu.memory_space<hbm>> -> memref<79x128xi32, #tpu.memory_space<hbm>>
      %dma_start3A_37 = arith.constant 0 : i32
      %dma_start3A_38 = arith.constant 0 : i32
      %dma_start3A_39 = tpu.memref_slice %arg4[%arg1, %dma_start3A_37, %dma_start3A_38] : memref<16x79x128xi32, #tpu.memory_space<hbm>> -> memref<1x79x128xi32, #tpu.memory_space<hbm>>
      %dma_start3A_40 = tpu.memref_squeeze %dma_start3A_39 : memref<1x79x128xi32, #tpu.memory_space<hbm>> -> memref<79x128xi32, #tpu.memory_space<hbm>>
      tpu.enqueue_dma source(%dma_start3A_40 : memref<79x128xi32, #tpu.memory_space<hbm>>) target(%arg8 : memref<79x128xi32, #tpu.memory_space<vmem>>) target_semaphore(%run_scoped3A : memref<!tpu.dma_semaphore, #tpu.memory_space<semaphore_mem>>)
      %dma_wait3A = arith.constant 0 : i32
      %dma_wait3A_41 = arith.constant 0 : i32
      %dma_wait3A_42 = tpu.memref_slice %arg4[%arg1, %dma_wait3A, %dma_wait3A_41] : memref<16x79x128xi32, #tpu.memory_space<hbm>> -> memref<1x79x128xi32, #tpu.memory_space<hbm>>
      %dma_wait3A_43 = tpu.memref_squeeze %dma_wait3A_42 : memref<1x79x128xi32, #tpu.memory_space<hbm>> -> memref<79x128xi32, #tpu.memory_space<hbm>>
      %dma_wait3A_44 = arith.constant 0 : i32
      %dma_wait3A_45 = arith.constant 0 : i32
      %dma_wait3A_46 = tpu.memref_slice %arg4[%arg1, %dma_wait3A_44, %dma_wait3A_45] : memref<16x79x128xi32, #tpu.memory_space<hbm>> -> memref<1x79x128xi32, #tpu.memory_space<hbm>>
      %dma_wait3A_47 = tpu.memref_squeeze %dma_wait3A_46 : memref<1x79x128xi32, #tpu.memory_space<hbm>> -> memref<79x128xi32, #tpu.memory_space<hbm>>
      tpu.wait_dma2 semaphore(%run_scoped3A : memref<!tpu.dma_semaphore, #tpu.memory_space<semaphore_mem>>) src(%dma_wait3A_47 : memref<79x128xi32, #tpu.memory_space<hbm>>) dst(%arg8 : memref<79x128xi32, #tpu.memory_space<vmem>>)
      tpu.yield
    }) : () -> ()
    %mul3A = arith.constant 2 : i32
    %mul3A_0 = arith.muli %arg0, %mul3A : i32
    %add3A = arith.constant 0 : i32
    %add3A_1 = arith.addi %mul3A_0, %add3A : i32
    %mul3A_2 = arith.constant 640 : i32
    %mul3A_3 = arith.muli %arg1, %mul3A_2 : i32
    "tpu.region"() ({
      %run_scoped3A = tpu.sem_alloc : memref<!tpu.dma_semaphore, #tpu.memory_space<semaphore_mem>>
      %dma_start3A = arith.constant 0 : i32
      %dma_start3A_34 = tpu.memref_slice %arg10[%mul3A_3, %dma_start3A] : memref<10240x128xf32, #tpu.memory_space<vmem_shared>> -> memref<640x128xf32, #tpu.memory_space<vmem_shared>>
      tpu.enqueue_dma source(%arg5 : memref<640x128xf32, #tpu.memory_space<hbm>>) target(%dma_start3A_34 : memref<640x128xf32, #tpu.memory_space<vmem_shared>>) target_semaphore(%run_scoped3A : memref<!tpu.dma_semaphore, #tpu.memory_space<semaphore_mem>>)
      %dma_wait3A = arith.constant 0 : i32
      %dma_wait3A_35 = tpu.memref_slice %arg10[%mul3A_3, %dma_wait3A] : memref<10240x128xf32, #tpu.memory_space<vmem_shared>> -> memref<640x128xf32, #tpu.memory_space<vmem_shared>>
      tpu.wait_dma2 semaphore(%run_scoped3A : memref<!tpu.dma_semaphore, #tpu.memory_space<semaphore_mem>>) src(%arg5 : memref<640x128xf32, #tpu.memory_space<hbm>>) dst(%dma_wait3A_35 : memref<640x128xf32, #tpu.memory_space<vmem_shared>>)
      tpu.yield
    }) : () -> ()
    %barrier3A = arith.constant 0 : index
    tpu.barrier barrier_id(%barrier3A)
    %scan3A = arith.constant 0 : i32
    %scan3A_4 = arith.constant 0 : i32
    %scan3A_5 = arith.constant 79 : i32
    %scan3A_6 = arith.addi %scan3A_4, %scan3A_5 : i32
    %scan3A_7 = arith.constant 1 : i32
    scf.for %scan3A_34 = %scan3A_4 to %scan3A_6 step %scan3A_7  : i32 {
      %dma_start3A = arith.constant 0 : i32
      %dma_start3A_35 = tpu.memref_slice %arg7[%scan3A_34, %dma_start3A] : memref<79x128xi32, #tpu.memory_space<vmem>> -> memref<1x128xi32, #tpu.memory_space<vmem>>
      %dma_start3A_36 = tpu.memref_squeeze %dma_start3A_35 : memref<1x128xi32, #tpu.memory_space<vmem>> -> memref<128xi32, #tpu.memory_space<vmem>>
      %dma_start3A_37 = arith.constant 0 : i32
      %dma_start3A_38 = arith.constant 0 : i32
      %dma_start3A_39 = tpu.memref_slice %arg2[%add3A_1, %dma_start3A_37, %dma_start3A_38] : memref<4x10000x128xf32, #tpu.memory_space<hbm>> -> memref<1x10000x128xf32, #tpu.memory_space<hbm>>
      %dma_start3A_40 = tpu.memref_squeeze %dma_start3A_39 : memref<1x10000x128xf32, #tpu.memory_space<hbm>> -> memref<10000x128xf32, #tpu.memory_space<hbm>>
      %dma_start3A_41 = arith.constant 0 : i32
      %dma_start3A_42 = arith.constant 0 : i32
      %dma_start3A_43 = tpu.memref_slice %dma_start3A_40[%dma_start3A_41, %dma_start3A_42] : memref<10000x128xf32, #tpu.memory_space<hbm>> -> memref<10000x128xf32, #tpu.memory_space<hbm>>
      tpu.enqueue_indirect_dma source(%dma_start3A_43 : memref<10000x128xf32, #tpu.memory_space<hbm>>) target(%arg9 : memref<128x128xf32, #tpu.memory_space<vmem>>) offsets(%dma_start3A_36 : memref<128xi32, #tpu.memory_space<vmem>>) semaphore(%arg11 : memref<!tpu.dma_semaphore, #tpu.memory_space<semaphore_mem>>)
      %dma_wait3A = arith.constant 0 : i32
      %dma_wait3A_44 = tpu.memref_slice %arg7[%scan3A_34, %dma_wait3A] : memref<79x128xi32, #tpu.memory_space<vmem>> -> memref<1x128xi32, #tpu.memory_space<vmem>>
      %dma_wait3A_45 = tpu.memref_squeeze %dma_wait3A_44 : memref<1x128xi32, #tpu.memory_space<vmem>> -> memref<128xi32, #tpu.memory_space<vmem>>
      %dma_wait3A_46 = arith.constant 0 : i32
      %dma_wait3A_47 = arith.constant 0 : i32
      %dma_wait3A_48 = tpu.memref_slice %arg2[%add3A_1, %dma_wait3A_46, %dma_wait3A_47] : memref<4x10000x128xf32, #tpu.memory_space<hbm>> -> memref<1x10000x128xf32, #tpu.memory_space<hbm>>
      %dma_wait3A_49 = tpu.memref_squeeze %dma_wait3A_48 : memref<1x10000x128xf32, #tpu.memory_space<hbm>> -> memref<10000x128xf32, #tpu.memory_space<hbm>>
      %dma_wait3A_50 = arith.constant 0 : i32
      %dma_wait3A_51 = arith.constant 0 : i32
      %dma_wait3A_52 = tpu.memref_slice %dma_wait3A_49[%dma_wait3A_50, %dma_wait3A_51] : memref<10000x128xf32, #tpu.memory_space<hbm>> -> memref<10000x128xf32, #tpu.memory_space<hbm>>
      tpu.wait_indirect_dma semaphore(%arg11 : memref<!tpu.dma_semaphore, #tpu.memory_space<semaphore_mem>>) src(%dma_wait3A_52 : memref<10000x128xf32, #tpu.memory_space<hbm>>) dst(%arg9 : memref<128x128xf32, #tpu.memory_space<vmem>>)
      "tpu.region"() ({
        %run_scoped3A = tpu.sem_alloc : memref<!tpu.dma_semaphore, #tpu.memory_space<semaphore_mem>>
        %dma_start3A_53 = arith.constant 0 : i32
        %dma_start3A_54 = tpu.memref_slice %arg8[%scan3A_34, %dma_start3A_53] : memref<79x128xi32, #tpu.memory_space<vmem>> -> memref<1x128xi32, #tpu.memory_space<vmem>>
        %dma_start3A_55 = tpu.memref_squeeze %dma_start3A_54 : memref<1x128xi32, #tpu.memory_space<vmem>> -> memref<128xi32, #tpu.memory_space<vmem>>
        %dma_start3A_56 = arith.constant 0 : i32
        %dma_start3A_57 = arith.constant 0 : i32
        %dma_start3A_58 = tpu.memref_slice %arg10[%dma_start3A_56, %dma_start3A_57] : memref<10240x128xf32, #tpu.memory_space<vmem_shared>> -> memref<10240x128xf32, #tpu.memory_space<vmem_shared>>
        tpu.enqueue_indirect_dma source(%arg9 : memref<128x128xf32, #tpu.memory_space<vmem>>) target(%dma_start3A_58 : memref<10240x128xf32, #tpu.memory_space<vmem_shared>>) offsets(%dma_start3A_55 : memref<128xi32, #tpu.memory_space<vmem>>) semaphore(%run_scoped3A : memref<!tpu.dma_semaphore, #tpu.memory_space<semaphore_mem>>) {add = true}
        %dma_wait3A_59 = arith.constant 0 : i32
        %dma_wait3A_60 = tpu.memref_slice %arg8[%scan3A_34, %dma_wait3A_59] : memref<79x128xi32, #tpu.memory_space<vmem>> -> memref<1x128xi32, #tpu.memory_space<vmem>>
        %dma_wait3A_61 = tpu.memref_squeeze %dma_wait3A_60 : memref<1x128xi32, #tpu.memory_space<vmem>> -> memref<128xi32, #tpu.memory_space<vmem>>
        %dma_wait3A_62 = arith.constant 0 : i32
        %dma_wait3A_63 = arith.constant 0 : i32
        %dma_wait3A_64 = tpu.memref_slice %arg10[%dma_wait3A_62, %dma_wait3A_63] : memref<10240x128xf32, #tpu.memory_space<vmem_shared>> -> memref<10240x128xf32, #tpu.memory_space<vmem_shared>>
        tpu.wait_indirect_dma semaphore(%run_scoped3A : memref<!tpu.dma_semaphore, #tpu.memory_space<semaphore_mem>>) src(%arg9 : memref<128x128xf32, #tpu.memory_space<vmem>>) dst(%dma_wait3A_64 : memref<10240x128xf32, #tpu.memory_space<vmem_shared>>)
        tpu.yield
      }) : () -> ()
    }
    %scan3A_8 = arith.constant 79 : i32
    %barrier3A_9 = arith.constant 0 : index
    tpu.barrier barrier_id(%barrier3A_9)
    %mul3A_10 = arith.constant 624 : i32
    %mul3A_11 = arith.muli %arg1, %mul3A_10 : i32
    %mul3A_12 = arith.constant 624 : i32
    %mul3A_13 = arith.muli %arg1, %mul3A_12 : i32
    "tpu.region"() ({
      %run_scoped3A = tpu.sem_alloc : memref<!tpu.dma_semaphore, #tpu.memory_space<semaphore_mem>>
      %dma_start3A = arith.constant 0 : i32
      %dma_start3A_34 = tpu.memref_slice %arg6[%add3A_1, %mul3A_13, %dma_start3A] : memref<4x10000x128xf32, #tpu.memory_space<hbm>> -> memref<1x640x128xf32, #tpu.memory_space<hbm>>
      %dma_start3A_35 = tpu.memref_squeeze %dma_start3A_34 : memref<1x640x128xf32, #tpu.memory_space<hbm>> -> memref<640x128xf32, #tpu.memory_space<hbm>>
      %dma_start3A_36 = arith.constant 0 : i32
      %dma_start3A_37 = tpu.memref_slice %arg10[%mul3A_11, %dma_start3A_36] : memref<10240x128xf32, #tpu.memory_space<vmem_shared>> -> memref<640x128xf32, #tpu.memory_space<vmem_shared>>
      tpu.enqueue_dma source(%dma_start3A_37 : memref<640x128xf32, #tpu.memory_space<vmem_shared>>) target(%dma_start3A_35 : memref<640x128xf32, #tpu.memory_space<hbm>>) target_semaphore(%run_scoped3A : memref<!tpu.dma_semaphore, #tpu.memory_space<semaphore_mem>>)
      %dma_wait3A = arith.constant 0 : i32
      %dma_wait3A_38 = tpu.memref_slice %arg6[%add3A_1, %mul3A_13, %dma_wait3A] : memref<4x10000x128xf32, #tpu.memory_space<hbm>> -> memref<1x640x128xf32, #tpu.memory_space<hbm>>
      %dma_wait3A_39 = tpu.memref_squeeze %dma_wait3A_38 : memref<1x640x128xf32, #tpu.memory_space<hbm>> -> memref<640x128xf32, #tpu.memory_space<hbm>>
      %dma_wait3A_40 = arith.constant 0 : i32
      %dma_wait3A_41 = tpu.memref_slice %arg10[%mul3A_11, %dma_wait3A_40] : memref<10240x128xf32, #tpu.memory_space<vmem_shared>> -> memref<640x128xf32, #tpu.memory_space<vmem_shared>>
      tpu.wait_dma2 semaphore(%run_scoped3A : memref<!tpu.dma_semaphore, #tpu.memory_space<semaphore_mem>>) src(%dma_wait3A_41 : memref<640x128xf32, #tpu.memory_space<vmem_shared>>) dst(%dma_wait3A_39 : memref<640x128xf32, #tpu.memory_space<hbm>>)
      tpu.yield
    }) : () -> ()
    %barrier3A_14 = arith.constant 0 : index
    tpu.barrier barrier_id(%barrier3A_14)
    %mul3A_15 = arith.constant 2 : i32
    %mul3A_16 = arith.muli %arg0, %mul3A_15 : i32
    %add3A_17 = arith.constant 1 : i32
    %add3A_18 = arith.addi %mul3A_16, %add3A_17 : i32
    %mul3A_19 = arith.constant 640 : i32
    %mul3A_20 = arith.muli %arg1, %mul3A_19 : i32
    "tpu.region"() ({
      %run_scoped3A = tpu.sem_alloc : memref<!tpu.dma_semaphore, #tpu.memory_space<semaphore_mem>>
      %dma_start3A = arith.constant 0 : i32
      %dma_start3A_34 = tpu.memref_slice %arg10[%mul3A_20, %dma_start3A] : memref<10240x128xf32, #tpu.memory_space<vmem_shared>> -> memref<640x128xf32, #tpu.memory_space<vmem_shared>>
      tpu.enqueue_dma source(%arg5 : memref<640x128xf32, #tpu.memory_space<hbm>>) target(%dma_start3A_34 : memref<640x128xf32, #tpu.memory_space<vmem_shared>>) target_semaphore(%run_scoped3A : memref<!tpu.dma_semaphore, #tpu.memory_space<semaphore_mem>>)
      %dma_wait3A = arith.constant 0 : i32
      %dma_wait3A_35 = tpu.memref_slice %arg10[%mul3A_20, %dma_wait3A] : memref<10240x128xf32, #tpu.memory_space<vmem_shared>> -> memref<640x128xf32, #tpu.memory_space<vmem_shared>>
      tpu.wait_dma2 semaphore(%run_scoped3A : memref<!tpu.dma_semaphore, #tpu.memory_space<semaphore_mem>>) src(%arg5 : memref<640x128xf32, #tpu.memory_space<hbm>>) dst(%dma_wait3A_35 : memref<640x128xf32, #tpu.memory_space<vmem_shared>>)
      tpu.yield
    }) : () -> ()
    %barrier3A_21 = arith.constant 0 : index
    tpu.barrier barrier_id(%barrier3A_21)
    %scan3A_22 = arith.constant 0 : i32
    %scan3A_23 = arith.constant 0 : i32
    %scan3A_24 = arith.constant 79 : i32
    %scan3A_25 = arith.addi %scan3A_23, %scan3A_24 : i32
    %scan3A_26 = arith.constant 1 : i32
    scf.for %scan3A_34 = %scan3A_23 to %scan3A_25 step %scan3A_26  : i32 {
      %dma_start3A = arith.constant 0 : i32
      %dma_start3A_35 = tpu.memref_slice %arg7[%scan3A_34, %dma_start3A] : memref<79x128xi32, #tpu.memory_space<vmem>> -> memref<1x128xi32, #tpu.memory_space<vmem>>
      %dma_start3A_36 = tpu.memref_squeeze %dma_start3A_35 : memref<1x128xi32, #tpu.memory_space<vmem>> -> memref<128xi32, #tpu.memory_space<vmem>>
      %dma_start3A_37 = arith.constant 0 : i32
      %dma_start3A_38 = arith.constant 0 : i32
      %dma_start3A_39 = tpu.memref_slice %arg2[%add3A_18, %dma_start3A_37, %dma_start3A_38] : memref<4x10000x128xf32, #tpu.memory_space<hbm>> -> memref<1x10000x128xf32, #tpu.memory_space<hbm>>
      %dma_start3A_40 = tpu.memref_squeeze %dma_start3A_39 : memref<1x10000x128xf32, #tpu.memory_space<hbm>> -> memref<10000x128xf32, #tpu.memory_space<hbm>>
      %dma_start3A_41 = arith.constant 0 : i32
      %dma_start3A_42 = arith.constant 0 : i32
      %dma_start3A_43 = tpu.memref_slice %dma_start3A_40[%dma_start3A_41, %dma_start3A_42] : memref<10000x128xf32, #tpu.memory_space<hbm>> -> memref<10000x128xf32, #tpu.memory_space<hbm>>
      tpu.enqueue_indirect_dma source(%dma_start3A_43 : memref<10000x128xf32, #tpu.memory_space<hbm>>) target(%arg9 : memref<128x128xf32, #tpu.memory_space<vmem>>) offsets(%dma_start3A_36 : memref<128xi32, #tpu.memory_space<vmem>>) semaphore(%arg11 : memref<!tpu.dma_semaphore, #tpu.memory_space<semaphore_mem>>)
      %dma_wait3A = arith.constant 0 : i32
      %dma_wait3A_44 = tpu.memref_slice %arg7[%scan3A_34, %dma_wait3A] : memref<79x128xi32, #tpu.memory_space<vmem>> -> memref<1x128xi32, #tpu.memory_space<vmem>>
      %dma_wait3A_45 = tpu.memref_squeeze %dma_wait3A_44 : memref<1x128xi32, #tpu.memory_space<vmem>> -> memref<128xi32, #tpu.memory_space<vmem>>
      %dma_wait3A_46 = arith.constant 0 : i32
      %dma_wait3A_47 = arith.constant 0 : i32
      %dma_wait3A_48 = tpu.memref_slice %arg2[%add3A_18, %dma_wait3A_46, %dma_wait3A_47] : memref<4x10000x128xf32, #tpu.memory_space<hbm>> -> memref<1x10000x128xf32, #tpu.memory_space<hbm>>
      %dma_wait3A_49 = tpu.memref_squeeze %dma_wait3A_48 : memref<1x10000x128xf32, #tpu.memory_space<hbm>> -> memref<10000x128xf32, #tpu.memory_space<hbm>>
      %dma_wait3A_50 = arith.constant 0 : i32
      %dma_wait3A_51 = arith.constant 0 : i32
      %dma_wait3A_52 = tpu.memref_slice %dma_wait3A_49[%dma_wait3A_50, %dma_wait3A_51] : memref<10000x128xf32, #tpu.memory_space<hbm>> -> memref<10000x128xf32, #tpu.memory_space<hbm>>
      tpu.wait_indirect_dma semaphore(%arg11 : memref<!tpu.dma_semaphore, #tpu.memory_space<semaphore_mem>>) src(%dma_wait3A_52 : memref<10000x128xf32, #tpu.memory_space<hbm>>) dst(%arg9 : memref<128x128xf32, #tpu.memory_space<vmem>>)
      "tpu.region"() ({
        %run_scoped3A = tpu.sem_alloc : memref<!tpu.dma_semaphore, #tpu.memory_space<semaphore_mem>>
        %dma_start3A_53 = arith.constant 0 : i32
        %dma_start3A_54 = tpu.memref_slice %arg8[%scan3A_34, %dma_start3A_53] : memref<79x128xi32, #tpu.memory_space<vmem>> -> memref<1x128xi32, #tpu.memory_space<vmem>>
        %dma_start3A_55 = tpu.memref_squeeze %dma_start3A_54 : memref<1x128xi32, #tpu.memory_space<vmem>> -> memref<128xi32, #tpu.memory_space<vmem>>
        %dma_start3A_56 = arith.constant 0 : i32
        %dma_start3A_57 = arith.constant 0 : i32
        %dma_start3A_58 = tpu.memref_slice %arg10[%dma_start3A_56, %dma_start3A_57] : memref<10240x128xf32, #tpu.memory_space<vmem_shared>> -> memref<10240x128xf32, #tpu.memory_space<vmem_shared>>
        tpu.enqueue_indirect_dma source(%arg9 : memref<128x128xf32, #tpu.memory_space<vmem>>) target(%dma_start3A_58 : memref<10240x128xf32, #tpu.memory_space<vmem_shared>>) offsets(%dma_start3A_55 : memref<128xi32, #tpu.memory_space<vmem>>) semaphore(%run_scoped3A : memref<!tpu.dma_semaphore, #tpu.memory_space<semaphore_mem>>) {add = true}
        %dma_wait3A_59 = arith.constant 0 : i32
        %dma_wait3A_60 = tpu.memref_slice %arg8[%scan3A_34, %dma_wait3A_59] : memref<79x128xi32, #tpu.memory_space<vmem>> -> memref<1x128xi32, #tpu.memory_space<vmem>>
        %dma_wait3A_61 = tpu.memref_squeeze %dma_wait3A_60 : memref<1x128xi32, #tpu.memory_space<vmem>> -> memref<128xi32, #tpu.memory_space<vmem>>
        %dma_wait3A_62 = arith.constant 0 : i32
        %dma_wait3A_63 = arith.constant 0 : i32
        %dma_wait3A_64 = tpu.memref_slice %arg10[%dma_wait3A_62, %dma_wait3A_63] : memref<10240x128xf32, #tpu.memory_space<vmem_shared>> -> memref<10240x128xf32, #tpu.memory_space<vmem_shared>>
        tpu.wait_indirect_dma semaphore(%run_scoped3A : memref<!tpu.dma_semaphore, #tpu.memory_space<semaphore_mem>>) src(%arg9 : memref<128x128xf32, #tpu.memory_space<vmem>>) dst(%dma_wait3A_64 : memref<10240x128xf32, #tpu.memory_space<vmem_shared>>)
        tpu.yield
      }) : () -> ()
    }
    %scan3A_27 = arith.constant 79 : i32
    %barrier3A_28 = arith.constant 0 : index
    tpu.barrier barrier_id(%barrier3A_28)
    %mul3A_29 = arith.constant 624 : i32
    %mul3A_30 = arith.muli %arg1, %mul3A_29 : i32
    %mul3A_31 = arith.constant 624 : i32
    %mul3A_32 = arith.muli %arg1, %mul3A_31 : i32
    "tpu.region"() ({
      %run_scoped3A = tpu.sem_alloc : memref<!tpu.dma_semaphore, #tpu.memory_space<semaphore_mem>>
      %dma_start3A = arith.constant 0 : i32
      %dma_start3A_34 = tpu.memref_slice %arg6[%add3A_18, %mul3A_32, %dma_start3A] : memref<4x10000x128xf32, #tpu.memory_space<hbm>> -> memref<1x640x128xf32, #tpu.memory_space<hbm>>
      %dma_start3A_35 = tpu.memref_squeeze %dma_start3A_34 : memref<1x640x128xf32, #tpu.memory_space<hbm>> -> memref<640x128xf32, #tpu.memory_space<hbm>>
      %dma_start3A_36 = arith.constant 0 : i32
      %dma_start3A_37 = tpu.memref_slice %arg10[%mul3A_30, %dma_start3A_36] : memref<10240x128xf32, #tpu.memory_space<vmem_shared>> -> memref<640x128xf32, #tpu.memory_space<vmem_shared>>
      tpu.enqueue_dma source(%dma_start3A_37 : memref<640x128xf32, #tpu.memory_space<vmem_shared>>) target(%dma_start3A_35 : memref<640x128xf32, #tpu.memory_space<hbm>>) target_semaphore(%run_scoped3A : memref<!tpu.dma_semaphore, #tpu.memory_space<semaphore_mem>>)
      %dma_wait3A = arith.constant 0 : i32
      %dma_wait3A_38 = tpu.memref_slice %arg6[%add3A_18, %mul3A_32, %dma_wait3A] : memref<4x10000x128xf32, #tpu.memory_space<hbm>> -> memref<1x640x128xf32, #tpu.memory_space<hbm>>
      %dma_wait3A_39 = tpu.memref_squeeze %dma_wait3A_38 : memref<1x640x128xf32, #tpu.memory_space<hbm>> -> memref<640x128xf32, #tpu.memory_space<hbm>>
      %dma_wait3A_40 = arith.constant 0 : i32
      %dma_wait3A_41 = tpu.memref_slice %arg10[%mul3A_30, %dma_wait3A_40] : memref<10240x128xf32, #tpu.memory_space<vmem_shared>> -> memref<640x128xf32, #tpu.memory_space<vmem_shared>>
      tpu.wait_dma2 semaphore(%run_scoped3A : memref<!tpu.dma_semaphore, #tpu.memory_space<semaphore_mem>>) src(%dma_wait3A_41 : memref<640x128xf32, #tpu.memory_space<vmem_shared>>) dst(%dma_wait3A_39 : memref<640x128xf32, #tpu.memory_space<hbm>>)
      tpu.yield
    }) : () -> ()
    %barrier3A_33 = arith.constant 0 : index
    tpu.barrier barrier_id(%barrier3A_33)
    return
  }
}

#map = affine_map<(d0, d1) -> (0, 0, 0)>
#map1 = affine_map<(d0, d1) -> (0, 0)>
module attributes {stable_mosaic.version = 14 : i64} {
  func.func @_segsum_body(%arg0: i32, %arg1: i32, %arg2: memref<4x10000x128xf32, #tpu.memory_space<hbm>>, %arg3: memref<16x79x128xi32, #tpu.memory_space<hbm>>, %arg4: memref<16x79x128xi32, #tpu.memory_space<hbm>>, %arg5: memref<640x128xf32, #tpu.memory_space<hbm>>, %arg6: memref<4x10000x128xf32, #tpu.memory_space<hbm>>, %arg7: memref<79x128xi32, #tpu.memory_space<vmem>>, %arg8: memref<79x128xi32, #tpu.memory_space<vmem>>, %arg9: memref<128x128xf32, #tpu.memory_space<vmem>>, %arg10: memref<10240x128xf32, #tpu.memory_space<vmem_shared>>, %arg11: memref<!tpu.dma_semaphore, #tpu.memory_space<semaphore_mem>>) attributes {dimension_semantics = [#tpu.dimension_semantics<core_parallel>, #tpu.dimension_semantics<subcore_parallel>], iteration_bounds = array<i64: 2, 16>, scalar_prefetch = 0 : i64, scratch_operands = 5 : i64, tpu.core_type = #tpu.core_type<sc_vector_subcore>, window_params = [{transform_indices = #map}, {transform_indices = #map}, {transform_indices = #map}, {transform_indices = #map1}, {transform_indices = #map}]} {
    "tpu.region"() ({
      %run_scoped3A = tpu.sem_alloc : memref<!tpu.dma_semaphore, #tpu.memory_space<semaphore_mem>>
      %dma_start3A = arith.constant 0 : i32
      %dma_start3A_34 = arith.constant 0 : i32
      %dma_start3A_35 = tpu.memref_slice %arg3[%arg1, %dma_start3A, %dma_start3A_34] : memref<16x79x128xi32, #tpu.memory_space<hbm>> -> memref<1x79x128xi32, #tpu.memory_space<hbm>>
      %dma_start3A_36 = tpu.memref_squeeze %dma_start3A_35 : memref<1x79x128xi32, #tpu.memory_space<hbm>> -> memref<79x128xi32, #tpu.memory_space<hbm>>
      %dma_start3A_37 = arith.constant 0 : i32
      %dma_start3A_38 = arith.constant 0 : i32
      %dma_start3A_39 = tpu.memref_slice %arg3[%arg1, %dma_start3A_37, %dma_start3A_38] : memref<16x79x128xi32, #tpu.memory_space<hbm>> -> memref<1x79x128xi32, #tpu.memory_space<hbm>>
      %dma_start3A_40 = tpu.memref_squeeze %dma_start3A_39 : memref<1x79x128xi32, #tpu.memory_space<hbm>> -> memref<79x128xi32, #tpu.memory_space<hbm>>
      tpu.enqueue_dma source(%dma_start3A_40 : memref<79x128xi32, #tpu.memory_space<hbm>>) target(%arg7 : memref<79x128xi32, #tpu.memory_space<vmem>>) target_semaphore(%run_scoped3A : memref<!tpu.dma_semaphore, #tpu.memory_space<semaphore_mem>>)
      %dma_wait3A = arith.constant 0 : i32
      %dma_wait3A_41 = arith.constant 0 : i32
      %dma_wait3A_42 = tpu.memref_slice %arg3[%arg1, %dma_wait3A, %dma_wait3A_41] : memref<16x79x128xi32, #tpu.memory_space<hbm>> -> memref<1x79x128xi32, #tpu.memory_space<hbm>>
      %dma_wait3A_43 = tpu.memref_squeeze %dma_wait3A_42 : memref<1x79x128xi32, #tpu.memory_space<hbm>> -> memref<79x128xi32, #tpu.memory_space<hbm>>
      %dma_wait3A_44 = arith.constant 0 : i32
      %dma_wait3A_45 = arith.constant 0 : i32
      %dma_wait3A_46 = tpu.memref_slice %arg3[%arg1, %dma_wait3A_44, %dma_wait3A_45] : memref<16x79x128xi32, #tpu.memory_space<hbm>> -> memref<1x79x128xi32, #tpu.memory_space<hbm>>
      %dma_wait3A_47 = tpu.memref_squeeze %dma_wait3A_46 : memref<1x79x128xi32, #tpu.memory_space<hbm>> -> memref<79x128xi32, #tpu.memory_space<hbm>>
      tpu.wait_dma2 semaphore(%run_scoped3A : memref<!tpu.dma_semaphore, #tpu.memory_space<semaphore_mem>>) src(%dma_wait3A_47 : memref<79x128xi32, #tpu.memory_space<hbm>>) dst(%arg7 : memref<79x128xi32, #tpu.memory_space<vmem>>)
      tpu.yield
    }) : () -> ()
    "tpu.region"() ({
      %run_scoped3A = tpu.sem_alloc : memref<!tpu.dma_semaphore, #tpu.memory_space<semaphore_mem>>
      %dma_start3A = arith.constant 0 : i32
      %dma_start3A_34 = arith.constant 0 : i32
      %dma_start3A_35 = tpu.memref_slice %arg4[%arg1, %dma_start3A, %dma_start3A_34] : memref<16x79x128xi32, #tpu.memory_space<hbm>> -> memref<1x79x128xi32, #tpu.memory_space<hbm>>
      %dma_start3A_36 = tpu.memref_squeeze %dma_start3A_35 : memref<1x79x128xi32, #tpu.memory_space<hbm>> -> memref<79x128xi32, #tpu.memory_space<hbm>>
      %dma_start3A_37 = arith.constant 0 : i32
      %dma_start3A_38 = arith.constant 0 : i32
      %dma_start3A_39 = tpu.memref_slice %arg4[%arg1, %dma_start3A_37, %dma_start3A_38] : memref<16x79x128xi32, #tpu.memory_space<hbm>> -> memref<1x79x128xi32, #tpu.memory_space<hbm>>
      %dma_start3A_40 = tpu.memref_squeeze %dma_start3A_39 : memref<1x79x128xi32, #tpu.memory_space<hbm>> -> memref<79x128xi32, #tpu.memory_space<hbm>>
      tpu.enqueue_dma source(%dma_start3A_40 : memref<79x128xi32, #tpu.memory_space<hbm>>) target(%arg8 : memref<79x128xi32, #tpu.memory_space<vmem>>) target_semaphore(%run_scoped3A : memref<!tpu.dma_semaphore, #tpu.memory_space<semaphore_mem>>)
      %dma_wait3A = arith.constant 0 : i32
      %dma_wait3A_41 = arith.constant 0 : i32
      %dma_wait3A_42 = tpu.memref_slice %arg4[%arg1, %dma_wait3A, %dma_wait3A_41] : memref<16x79x128xi32, #tpu.memory_space<hbm>> -> memref<1x79x128xi32, #tpu.memory_space<hbm>>
      %dma_wait3A_43 = tpu.memref_squeeze %dma_wait3A_42 : memref<1x79x128xi32, #tpu.memory_space<hbm>> -> memref<79x128xi32, #tpu.memory_space<hbm>>
      %dma_wait3A_44 = arith.constant 0 : i32
      %dma_wait3A_45 = arith.constant 0 : i32
      %dma_wait3A_46 = tpu.memref_slice %arg4[%arg1, %dma_wait3A_44, %dma_wait3A_45] : memref<16x79x128xi32, #tpu.memory_space<hbm>> -> memref<1x79x128xi32, #tpu.memory_space<hbm>>
      %dma_wait3A_47 = tpu.memref_squeeze %dma_wait3A_46 : memref<1x79x128xi32, #tpu.memory_space<hbm>> -> memref<79x128xi32, #tpu.memory_space<hbm>>
      tpu.wait_dma2 semaphore(%run_scoped3A : memref<!tpu.dma_semaphore, #tpu.memory_space<semaphore_mem>>) src(%dma_wait3A_47 : memref<79x128xi32, #tpu.memory_space<hbm>>) dst(%arg8 : memref<79x128xi32, #tpu.memory_space<vmem>>)
      tpu.yield
    }) : () -> ()
    %mul3A = arith.constant 2 : i32
    %mul3A_0 = arith.muli %arg0, %mul3A : i32
    %add3A = arith.constant 0 : i32
    %add3A_1 = arith.addi %mul3A_0, %add3A : i32
    %mul3A_2 = arith.constant 640 : i32
    %mul3A_3 = arith.muli %arg1, %mul3A_2 : i32
    "tpu.region"() ({
      %run_scoped3A = tpu.sem_alloc : memref<!tpu.dma_semaphore, #tpu.memory_space<semaphore_mem>>
      %dma_start3A = arith.constant 0 : i32
      %dma_start3A_34 = tpu.memref_slice %arg10[%mul3A_3, %dma_start3A] : memref<10240x128xf32, #tpu.memory_space<vmem_shared>> -> memref<640x128xf32, #tpu.memory_space<vmem_shared>>
      tpu.enqueue_dma source(%arg5 : memref<640x128xf32, #tpu.memory_space<hbm>>) target(%dma_start3A_34 : memref<640x128xf32, #tpu.memory_space<vmem_shared>>) target_semaphore(%run_scoped3A : memref<!tpu.dma_semaphore, #tpu.memory_space<semaphore_mem>>)
      %dma_wait3A = arith.constant 0 : i32
      %dma_wait3A_35 = tpu.memref_slice %arg10[%mul3A_3, %dma_wait3A] : memref<10240x128xf32, #tpu.memory_space<vmem_shared>> -> memref<640x128xf32, #tpu.memory_space<vmem_shared>>
      tpu.wait_dma2 semaphore(%run_scoped3A : memref<!tpu.dma_semaphore, #tpu.memory_space<semaphore_mem>>) src(%arg5 : memref<640x128xf32, #tpu.memory_space<hbm>>) dst(%dma_wait3A_35 : memref<640x128xf32, #tpu.memory_space<vmem_shared>>)
      tpu.yield
    }) : () -> ()
    %barrier3A = arith.constant 0 : index
    tpu.barrier barrier_id(%barrier3A)
    %scan3A = arith.constant 0 : i32
    %scan3A_4 = arith.constant 0 : i32
    %scan3A_5 = arith.constant 79 : i32
    %scan3A_6 = arith.addi %scan3A_4, %scan3A_5 : i32
    %scan3A_7 = arith.constant 1 : i32
    scf.for %scan3A_34 = %scan3A_4 to %scan3A_6 step %scan3A_7  : i32 {
      %dma_start3A = arith.constant 0 : i32
      %dma_start3A_35 = tpu.memref_slice %arg7[%scan3A_34, %dma_start3A] : memref<79x128xi32, #tpu.memory_space<vmem>> -> memref<1x128xi32, #tpu.memory_space<vmem>>
      %dma_start3A_36 = tpu.memref_squeeze %dma_start3A_35 : memref<1x128xi32, #tpu.memory_space<vmem>> -> memref<128xi32, #tpu.memory_space<vmem>>
      %dma_start3A_37 = arith.constant 0 : i32
      %dma_start3A_38 = arith.constant 0 : i32
      %dma_start3A_39 = tpu.memref_slice %arg2[%add3A_1, %dma_start3A_37, %dma_start3A_38] : memref<4x10000x128xf32, #tpu.memory_space<hbm>> -> memref<1x10000x128xf32, #tpu.memory_space<hbm>>
      %dma_start3A_40 = tpu.memref_squeeze %dma_start3A_39 : memref<1x10000x128xf32, #tpu.memory_space<hbm>> -> memref<10000x128xf32, #tpu.memory_space<hbm>>
      %dma_start3A_41 = arith.constant 0 : i32
      %dma_start3A_42 = arith.constant 0 : i32
      %dma_start3A_43 = tpu.memref_slice %dma_start3A_40[%dma_start3A_41, %dma_start3A_42] : memref<10000x128xf32, #tpu.memory_space<hbm>> -> memref<10000x128xf32, #tpu.memory_space<hbm>>
      tpu.enqueue_indirect_dma source(%dma_start3A_43 : memref<10000x128xf32, #tpu.memory_space<hbm>>) target(%arg9 : memref<128x128xf32, #tpu.memory_space<vmem>>) offsets(%dma_start3A_36 : memref<128xi32, #tpu.memory_space<vmem>>) semaphore(%arg11 : memref<!tpu.dma_semaphore, #tpu.memory_space<semaphore_mem>>)
      %dma_wait3A = arith.constant 0 : i32
      %dma_wait3A_44 = tpu.memref_slice %arg7[%scan3A_34, %dma_wait3A] : memref<79x128xi32, #tpu.memory_space<vmem>> -> memref<1x128xi32, #tpu.memory_space<vmem>>
      %dma_wait3A_45 = tpu.memref_squeeze %dma_wait3A_44 : memref<1x128xi32, #tpu.memory_space<vmem>> -> memref<128xi32, #tpu.memory_space<vmem>>
      %dma_wait3A_46 = arith.constant 0 : i32
      %dma_wait3A_47 = arith.constant 0 : i32
      %dma_wait3A_48 = tpu.memref_slice %arg2[%add3A_1, %dma_wait3A_46, %dma_wait3A_47] : memref<4x10000x128xf32, #tpu.memory_space<hbm>> -> memref<1x10000x128xf32, #tpu.memory_space<hbm>>
      %dma_wait3A_49 = tpu.memref_squeeze %dma_wait3A_48 : memref<1x10000x128xf32, #tpu.memory_space<hbm>> -> memref<10000x128xf32, #tpu.memory_space<hbm>>
      %dma_wait3A_50 = arith.constant 0 : i32
      %dma_wait3A_51 = arith.constant 0 : i32
      %dma_wait3A_52 = tpu.memref_slice %dma_wait3A_49[%dma_wait3A_50, %dma_wait3A_51] : memref<10000x128xf32, #tpu.memory_space<hbm>> -> memref<10000x128xf32, #tpu.memory_space<hbm>>
      tpu.wait_indirect_dma semaphore(%arg11 : memref<!tpu.dma_semaphore, #tpu.memory_space<semaphore_mem>>) src(%dma_wait3A_52 : memref<10000x128xf32, #tpu.memory_space<hbm>>) dst(%arg9 : memref<128x128xf32, #tpu.memory_space<vmem>>)
      "tpu.region"() ({
        %run_scoped3A = tpu.sem_alloc : memref<!tpu.dma_semaphore, #tpu.memory_space<semaphore_mem>>
        %dma_start3A_53 = arith.constant 0 : i32
        %dma_start3A_54 = tpu.memref_slice %arg8[%scan3A_34, %dma_start3A_53] : memref<79x128xi32, #tpu.memory_space<vmem>> -> memref<1x128xi32, #tpu.memory_space<vmem>>
        %dma_start3A_55 = tpu.memref_squeeze %dma_start3A_54 : memref<1x128xi32, #tpu.memory_space<vmem>> -> memref<128xi32, #tpu.memory_space<vmem>>
        %dma_start3A_56 = arith.constant 0 : i32
        %dma_start3A_57 = arith.constant 0 : i32
        %dma_start3A_58 = tpu.memref_slice %arg10[%dma_start3A_56, %dma_start3A_57] : memref<10240x128xf32, #tpu.memory_space<vmem_shared>> -> memref<10240x128xf32, #tpu.memory_space<vmem_shared>>
        tpu.enqueue_indirect_dma source(%arg9 : memref<128x128xf32, #tpu.memory_space<vmem>>) target(%dma_start3A_58 : memref<10240x128xf32, #tpu.memory_space<vmem_shared>>) offsets(%dma_start3A_55 : memref<128xi32, #tpu.memory_space<vmem>>) semaphore(%run_scoped3A : memref<!tpu.dma_semaphore, #tpu.memory_space<semaphore_mem>>) {add = true}
        %dma_wait3A_59 = arith.constant 0 : i32
        %dma_wait3A_60 = tpu.memref_slice %arg8[%scan3A_34, %dma_wait3A_59] : memref<79x128xi32, #tpu.memory_space<vmem>> -> memref<1x128xi32, #tpu.memory_space<vmem>>
        %dma_wait3A_61 = tpu.memref_squeeze %dma_wait3A_60 : memref<1x128xi32, #tpu.memory_space<vmem>> -> memref<128xi32, #tpu.memory_space<vmem>>
        %dma_wait3A_62 = arith.constant 0 : i32
        %dma_wait3A_63 = arith.constant 0 : i32
        %dma_wait3A_64 = tpu.memref_slice %arg10[%dma_wait3A_62, %dma_wait3A_63] : memref<10240x128xf32, #tpu.memory_space<vmem_shared>> -> memref<10240x128xf32, #tpu.memory_space<vmem_shared>>
        tpu.wait_indirect_dma semaphore(%run_scoped3A : memref<!tpu.dma_semaphore, #tpu.memory_space<semaphore_mem>>) src(%arg9 : memref<128x128xf32, #tpu.memory_space<vmem>>) dst(%dma_wait3A_64 : memref<10240x128xf32, #tpu.memory_space<vmem_shared>>)
        tpu.yield
      }) : () -> ()
    }
    %scan3A_8 = arith.constant 79 : i32
    %barrier3A_9 = arith.constant 0 : index
    tpu.barrier barrier_id(%barrier3A_9)
    %mul3A_10 = arith.constant 624 : i32
    %mul3A_11 = arith.muli %arg1, %mul3A_10 : i32
    %mul3A_12 = arith.constant 624 : i32
    %mul3A_13 = arith.muli %arg1, %mul3A_12 : i32
    "tpu.region"() ({
      %run_scoped3A = tpu.sem_alloc : memref<!tpu.dma_semaphore, #tpu.memory_space<semaphore_mem>>
      %dma_start3A = arith.constant 0 : i32
      %dma_start3A_34 = tpu.memref_slice %arg6[%add3A_1, %mul3A_13, %dma_start3A] : memref<4x10000x128xf32, #tpu.memory_space<hbm>> -> memref<1x640x128xf32, #tpu.memory_space<hbm>>
      %dma_start3A_35 = tpu.memref_squeeze %dma_start3A_34 : memref<1x640x128xf32, #tpu.memory_space<hbm>> -> memref<640x128xf32, #tpu.memory_space<hbm>>
      %dma_start3A_36 = arith.constant 0 : i32
      %dma_start3A_37 = tpu.memref_slice %arg10[%mul3A_11, %dma_start3A_36] : memref<10240x128xf32, #tpu.memory_space<vmem_shared>> -> memref<640x128xf32, #tpu.memory_space<vmem_shared>>
      tpu.enqueue_dma source(%dma_start3A_37 : memref<640x128xf32, #tpu.memory_space<vmem_shared>>) target(%dma_start3A_35 : memref<640x128xf32, #tpu.memory_space<hbm>>) target_semaphore(%run_scoped3A : memref<!tpu.dma_semaphore, #tpu.memory_space<semaphore_mem>>)
      %dma_wait3A = arith.constant 0 : i32
      %dma_wait3A_38 = tpu.memref_slice %arg6[%add3A_1, %mul3A_13, %dma_wait3A] : memref<4x10000x128xf32, #tpu.memory_space<hbm>> -> memref<1x640x128xf32, #tpu.memory_space<hbm>>
      %dma_wait3A_39 = tpu.memref_squeeze %dma_wait3A_38 : memref<1x640x128xf32, #tpu.memory_space<hbm>> -> memref<640x128xf32, #tpu.memory_space<hbm>>
      %dma_wait3A_40 = arith.constant 0 : i32
      %dma_wait3A_41 = tpu.memref_slice %arg10[%mul3A_11, %dma_wait3A_40] : memref<10240x128xf32, #tpu.memory_space<vmem_shared>> -> memref<640x128xf32, #tpu.memory_space<vmem_shared>>
      tpu.wait_dma2 semaphore(%run_scoped3A : memref<!tpu.dma_semaphore, #tpu.memory_space<semaphore_mem>>) src(%dma_wait3A_41 : memref<640x128xf32, #tpu.memory_space<vmem_shared>>) dst(%dma_wait3A_39 : memref<640x128xf32, #tpu.memory_space<hbm>>)
      tpu.yield
    }) : () -> ()
    %barrier3A_14 = arith.constant 0 : index
    tpu.barrier barrier_id(%barrier3A_14)
    %mul3A_15 = arith.constant 2 : i32
    %mul3A_16 = arith.muli %arg0, %mul3A_15 : i32
    %add3A_17 = arith.constant 1 : i32
    %add3A_18 = arith.addi %mul3A_16, %add3A_17 : i32
    %mul3A_19 = arith.constant 640 : i32
    %mul3A_20 = arith.muli %arg1, %mul3A_19 : i32
    "tpu.region"() ({
      %run_scoped3A = tpu.sem_alloc : memref<!tpu.dma_semaphore, #tpu.memory_space<semaphore_mem>>
      %dma_start3A = arith.constant 0 : i32
      %dma_start3A_34 = tpu.memref_slice %arg10[%mul3A_20, %dma_start3A] : memref<10240x128xf32, #tpu.memory_space<vmem_shared>> -> memref<640x128xf32, #tpu.memory_space<vmem_shared>>
      tpu.enqueue_dma source(%arg5 : memref<640x128xf32, #tpu.memory_space<hbm>>) target(%dma_start3A_34 : memref<640x128xf32, #tpu.memory_space<vmem_shared>>) target_semaphore(%run_scoped3A : memref<!tpu.dma_semaphore, #tpu.memory_space<semaphore_mem>>)
      %dma_wait3A = arith.constant 0 : i32
      %dma_wait3A_35 = tpu.memref_slice %arg10[%mul3A_20, %dma_wait3A] : memref<10240x128xf32, #tpu.memory_space<vmem_shared>> -> memref<640x128xf32, #tpu.memory_space<vmem_shared>>
      tpu.wait_dma2 semaphore(%run_scoped3A : memref<!tpu.dma_semaphore, #tpu.memory_space<semaphore_mem>>) src(%arg5 : memref<640x128xf32, #tpu.memory_space<hbm>>) dst(%dma_wait3A_35 : memref<640x128xf32, #tpu.memory_space<vmem_shared>>)
      tpu.yield
    }) : () -> ()
    %barrier3A_21 = arith.constant 0 : index
    tpu.barrier barrier_id(%barrier3A_21)
    %scan3A_22 = arith.constant 0 : i32
    %scan3A_23 = arith.constant 0 : i32
    %scan3A_24 = arith.constant 79 : i32
    %scan3A_25 = arith.addi %scan3A_23, %scan3A_24 : i32
    %scan3A_26 = arith.constant 1 : i32
    scf.for %scan3A_34 = %scan3A_23 to %scan3A_25 step %scan3A_26  : i32 {
      %dma_start3A = arith.constant 0 : i32
      %dma_start3A_35 = tpu.memref_slice %arg7[%scan3A_34, %dma_start3A] : memref<79x128xi32, #tpu.memory_space<vmem>> -> memref<1x128xi32, #tpu.memory_space<vmem>>
      %dma_start3A_36 = tpu.memref_squeeze %dma_start3A_35 : memref<1x128xi32, #tpu.memory_space<vmem>> -> memref<128xi32, #tpu.memory_space<vmem>>
      %dma_start3A_37 = arith.constant 0 : i32
      %dma_start3A_38 = arith.constant 0 : i32
      %dma_start3A_39 = tpu.memref_slice %arg2[%add3A_18, %dma_start3A_37, %dma_start3A_38] : memref<4x10000x128xf32, #tpu.memory_space<hbm>> -> memref<1x10000x128xf32, #tpu.memory_space<hbm>>
      %dma_start3A_40 = tpu.memref_squeeze %dma_start3A_39 : memref<1x10000x128xf32, #tpu.memory_space<hbm>> -> memref<10000x128xf32, #tpu.memory_space<hbm>>
      %dma_start3A_41 = arith.constant 0 : i32
      %dma_start3A_42 = arith.constant 0 : i32
      %dma_start3A_43 = tpu.memref_slice %dma_start3A_40[%dma_start3A_41, %dma_start3A_42] : memref<10000x128xf32, #tpu.memory_space<hbm>> -> memref<10000x128xf32, #tpu.memory_space<hbm>>
      tpu.enqueue_indirect_dma source(%dma_start3A_43 : memref<10000x128xf32, #tpu.memory_space<hbm>>) target(%arg9 : memref<128x128xf32, #tpu.memory_space<vmem>>) offsets(%dma_start3A_36 : memref<128xi32, #tpu.memory_space<vmem>>) semaphore(%arg11 : memref<!tpu.dma_semaphore, #tpu.memory_space<semaphore_mem>>)
      %dma_wait3A = arith.constant 0 : i32
      %dma_wait3A_44 = tpu.memref_slice %arg7[%scan3A_34, %dma_wait3A] : memref<79x128xi32, #tpu.memory_space<vmem>> -> memref<1x128xi32, #tpu.memory_space<vmem>>
      %dma_wait3A_45 = tpu.memref_squeeze %dma_wait3A_44 : memref<1x128xi32, #tpu.memory_space<vmem>> -> memref<128xi32, #tpu.memory_space<vmem>>
      %dma_wait3A_46 = arith.constant 0 : i32
      %dma_wait3A_47 = arith.constant 0 : i32
      %dma_wait3A_48 = tpu.memref_slice %arg2[%add3A_18, %dma_wait3A_46, %dma_wait3A_47] : memref<4x10000x128xf32, #tpu.memory_space<hbm>> -> memref<1x10000x128xf32, #tpu.memory_space<hbm>>
      %dma_wait3A_49 = tpu.memref_squeeze %dma_wait3A_48 : memref<1x10000x128xf32, #tpu.memory_space<hbm>> -> memref<10000x128xf32, #tpu.memory_space<hbm>>
      %dma_wait3A_50 = arith.constant 0 : i32
      %dma_wait3A_51 = arith.constant 0 : i32
      %dma_wait3A_52 = tpu.memref_slice %dma_wait3A_49[%dma_wait3A_50, %dma_wait3A_51] : memref<10000x128xf32, #tpu.memory_space<hbm>> -> memref<10000x128xf32, #tpu.memory_space<hbm>>
      tpu.wait_indirect_dma semaphore(%arg11 : memref<!tpu.dma_semaphore, #tpu.memory_space<semaphore_mem>>) src(%dma_wait3A_52 : memref<10000x128xf32, #tpu.memory_space<hbm>>) dst(%arg9 : memref<128x128xf32, #tpu.memory_space<vmem>>)
      "tpu.region"() ({
        %run_scoped3A = tpu.sem_alloc : memref<!tpu.dma_semaphore, #tpu.memory_space<semaphore_mem>>
        %dma_start3A_53 = arith.constant 0 : i32
        %dma_start3A_54 = tpu.memref_slice %arg8[%scan3A_34, %dma_start3A_53] : memref<79x128xi32, #tpu.memory_space<vmem>> -> memref<1x128xi32, #tpu.memory_space<vmem>>
        %dma_start3A_55 = tpu.memref_squeeze %dma_start3A_54 : memref<1x128xi32, #tpu.memory_space<vmem>> -> memref<128xi32, #tpu.memory_space<vmem>>
        %dma_start3A_56 = arith.constant 0 : i32
        %dma_start3A_57 = arith.constant 0 : i32
        %dma_start3A_58 = tpu.memref_slice %arg10[%dma_start3A_56, %dma_start3A_57] : memref<10240x128xf32, #tpu.memory_space<vmem_shared>> -> memref<10240x128xf32, #tpu.memory_space<vmem_shared>>
        tpu.enqueue_indirect_dma source(%arg9 : memref<128x128xf32, #tpu.memory_space<vmem>>) target(%dma_start3A_58 : memref<10240x128xf32, #tpu.memory_space<vmem_shared>>) offsets(%dma_start3A_55 : memref<128xi32, #tpu.memory_space<vmem>>) semaphore(%run_scoped3A : memref<!tpu.dma_semaphore, #tpu.memory_space<semaphore_mem>>) {add = true}
        %dma_wait3A_59 = arith.constant 0 : i32
        %dma_wait3A_60 = tpu.memref_slice %arg8[%scan3A_34, %dma_wait3A_59] : memref<79x128xi32, #tpu.memory_space<vmem>> -> memref<1x128xi32, #tpu.memory_space<vmem>>
        %dma_wait3A_61 = tpu.memref_squeeze %dma_wait3A_60 : memref<1x128xi32, #tpu.memory_space<vmem>> -> memref<128xi32, #tpu.memory_space<vmem>>
        %dma_wait3A_62 = arith.constant 0 : i32
        %dma_wait3A_63 = arith.constant 0 : i32
        %dma_wait3A_64 = tpu.memref_slice %arg10[%dma_wait3A_62, %dma_wait3A_63] : memref<10240x128xf32, #tpu.memory_space<vmem_shared>> -> memref<10240x128xf32, #tpu.memory_space<vmem_shared>>
        tpu.wait_indirect_dma semaphore(%run_scoped3A : memref<!tpu.dma_semaphore, #tpu.memory_space<semaphore_mem>>) src(%arg9 : memref<128x128xf32, #tpu.memory_space<vmem>>) dst(%dma_wait3A_64 : memref<10240x128xf32, #tpu.memory_space<vmem_shared>>)
        tpu.yield
      }) : () -> ()
    }
    %scan3A_27 = arith.constant 79 : i32
    %barrier3A_28 = arith.constant 0 : index
    tpu.barrier barrier_id(%barrier3A_28)
    %mul3A_29 = arith.constant 624 : i32
    %mul3A_30 = arith.muli %arg1, %mul3A_29 : i32
    %mul3A_31 = arith.constant 624 : i32
    %mul3A_32 = arith.muli %arg1, %mul3A_31 : i32
    "tpu.region"() ({
      %run_scoped3A = tpu.sem_alloc : memref<!tpu.dma_semaphore, #tpu.memory_space<semaphore_mem>>
      %dma_start3A = arith.constant 0 : i32
      %dma_start3A_34 = tpu.memref_slice %arg6[%add3A_18, %mul3A_32, %dma_start3A] : memref<4x10000x128xf32, #tpu.memory_space<hbm>> -> memref<1x640x128xf32, #tpu.memory_space<hbm>>
      %dma_start3A_35 = tpu.memref_squeeze %dma_start3A_34 : memref<1x640x128xf32, #tpu.memory_space<hbm>> -> memref<640x128xf32, #tpu.memory_space<hbm>>
      %dma_start3A_36 = arith.constant 0 : i32
      %dma_start3A_37 = tpu.memref_slice %arg10[%mul3A_30, %dma_start3A_36] : memref<10240x128xf32, #tpu.memory_space<vmem_shared>> -> memref<640x128xf32, #tpu.memory_space<vmem_shared>>
      tpu.enqueue_dma source(%dma_start3A_37 : memref<640x128xf32, #tpu.memory_space<vmem_shared>>) target(%dma_start3A_35 : memref<640x128xf32, #tpu.memory_space<hbm>>) target_semaphore(%run_scoped3A : memref<!tpu.dma_semaphore, #tpu.memory_space<semaphore_mem>>)
      %dma_wait3A = arith.constant 0 : i32
      %dma_wait3A_38 = tpu.memref_slice %arg6[%add3A_18, %mul3A_32, %dma_wait3A] : memref<4x10000x128xf32, #tpu.memory_space<hbm>> -> memref<1x640x128xf32, #tpu.memory_space<hbm>>
      %dma_wait3A_39 = tpu.memref_squeeze %dma_wait3A_38 : memref<1x640x128xf32, #tpu.memory_space<hbm>> -> memref<640x128xf32, #tpu.memory_space<hbm>>
      %dma_wait3A_40 = arith.constant 0 : i32
      %dma_wait3A_41 = tpu.memref_slice %arg10[%mul3A_30, %dma_wait3A_40] : memref<10240x128xf32, #tpu.memory_space<vmem_shared>> -> memref<640x128xf32, #tpu.memory_space<vmem_shared>>
      tpu.wait_dma2 semaphore(%run_scoped3A : memref<!tpu.dma_semaphore, #tpu.memory_space<semaphore_mem>>) src(%dma_wait3A_41 : memref<640x128xf32, #tpu.memory_space<vmem_shared>>) dst(%dma_wait3A_39 : memref<640x128xf32, #tpu.memory_space<hbm>>)
      tpu.yield
    }) : () -> ()
    %barrier3A_33 = arith.constant 0 : index
    tpu.barrier barrier_id(%barrier3A_33)
    return
  }
}

#map = affine_map<(d0, d1) -> (0, 0, 0)>
#map1 = affine_map<(d0, d1) -> (0, 0)>
module attributes {stable_mosaic.version = 14 : i64} {
  func.func @_segsum_body(%arg0: i32, %arg1: i32, %arg2: memref<4x10000x128xf32, #tpu.memory_space<hbm>>, %arg3: memref<16x79x128xi32, #tpu.memory_space<hbm>>, %arg4: memref<16x79x128xi32, #tpu.memory_space<hbm>>, %arg5: memref<640x128xf32, #tpu.memory_space<hbm>>, %arg6: memref<4x10000x128xf32, #tpu.memory_space<hbm>>, %arg7: memref<79x128xi32, #tpu.memory_space<vmem>>, %arg8: memref<79x128xi32, #tpu.memory_space<vmem>>, %arg9: memref<128x128xf32, #tpu.memory_space<vmem>>, %arg10: memref<10240x128xf32, #tpu.memory_space<vmem_shared>>, %arg11: memref<!tpu.dma_semaphore, #tpu.memory_space<semaphore_mem>>) attributes {dimension_semantics = [#tpu.dimension_semantics<core_parallel>, #tpu.dimension_semantics<subcore_parallel>], iteration_bounds = array<i64: 2, 16>, scalar_prefetch = 0 : i64, scratch_operands = 5 : i64, tpu.core_type = #tpu.core_type<sc_vector_subcore>, window_params = [{transform_indices = #map}, {transform_indices = #map}, {transform_indices = #map}, {transform_indices = #map1}, {transform_indices = #map}]} {
    "tpu.region"() ({
      %run_scoped3A = tpu.sem_alloc : memref<!tpu.dma_semaphore, #tpu.memory_space<semaphore_mem>>
      %dma_start3A = arith.constant 0 : i32
      %dma_start3A_34 = arith.constant 0 : i32
      %dma_start3A_35 = tpu.memref_slice %arg3[%arg1, %dma_start3A, %dma_start3A_34] : memref<16x79x128xi32, #tpu.memory_space<hbm>> -> memref<1x79x128xi32, #tpu.memory_space<hbm>>
      %dma_start3A_36 = tpu.memref_squeeze %dma_start3A_35 : memref<1x79x128xi32, #tpu.memory_space<hbm>> -> memref<79x128xi32, #tpu.memory_space<hbm>>
      %dma_start3A_37 = arith.constant 0 : i32
      %dma_start3A_38 = arith.constant 0 : i32
      %dma_start3A_39 = tpu.memref_slice %arg3[%arg1, %dma_start3A_37, %dma_start3A_38] : memref<16x79x128xi32, #tpu.memory_space<hbm>> -> memref<1x79x128xi32, #tpu.memory_space<hbm>>
      %dma_start3A_40 = tpu.memref_squeeze %dma_start3A_39 : memref<1x79x128xi32, #tpu.memory_space<hbm>> -> memref<79x128xi32, #tpu.memory_space<hbm>>
      tpu.enqueue_dma source(%dma_start3A_40 : memref<79x128xi32, #tpu.memory_space<hbm>>) target(%arg7 : memref<79x128xi32, #tpu.memory_space<vmem>>) target_semaphore(%run_scoped3A : memref<!tpu.dma_semaphore, #tpu.memory_space<semaphore_mem>>)
      %dma_wait3A = arith.constant 0 : i32
      %dma_wait3A_41 = arith.constant 0 : i32
      %dma_wait3A_42 = tpu.memref_slice %arg3[%arg1, %dma_wait3A, %dma_wait3A_41] : memref<16x79x128xi32, #tpu.memory_space<hbm>> -> memref<1x79x128xi32, #tpu.memory_space<hbm>>
      %dma_wait3A_43 = tpu.memref_squeeze %dma_wait3A_42 : memref<1x79x128xi32, #tpu.memory_space<hbm>> -> memref<79x128xi32, #tpu.memory_space<hbm>>
      %dma_wait3A_44 = arith.constant 0 : i32
      %dma_wait3A_45 = arith.constant 0 : i32
      %dma_wait3A_46 = tpu.memref_slice %arg3[%arg1, %dma_wait3A_44, %dma_wait3A_45] : memref<16x79x128xi32, #tpu.memory_space<hbm>> -> memref<1x79x128xi32, #tpu.memory_space<hbm>>
      %dma_wait3A_47 = tpu.memref_squeeze %dma_wait3A_46 : memref<1x79x128xi32, #tpu.memory_space<hbm>> -> memref<79x128xi32, #tpu.memory_space<hbm>>
      tpu.wait_dma2 semaphore(%run_scoped3A : memref<!tpu.dma_semaphore, #tpu.memory_space<semaphore_mem>>) src(%dma_wait3A_47 : memref<79x128xi32, #tpu.memory_space<hbm>>) dst(%arg7 : memref<79x128xi32, #tpu.memory_space<vmem>>)
      tpu.yield
    }) : () -> ()
    "tpu.region"() ({
      %run_scoped3A = tpu.sem_alloc : memref<!tpu.dma_semaphore, #tpu.memory_space<semaphore_mem>>
      %dma_start3A = arith.constant 0 : i32
      %dma_start3A_34 = arith.constant 0 : i32
      %dma_start3A_35 = tpu.memref_slice %arg4[%arg1, %dma_start3A, %dma_start3A_34] : memref<16x79x128xi32, #tpu.memory_space<hbm>> -> memref<1x79x128xi32, #tpu.memory_space<hbm>>
      %dma_start3A_36 = tpu.memref_squeeze %dma_start3A_35 : memref<1x79x128xi32, #tpu.memory_space<hbm>> -> memref<79x128xi32, #tpu.memory_space<hbm>>
      %dma_start3A_37 = arith.constant 0 : i32
      %dma_start3A_38 = arith.constant 0 : i32
      %dma_start3A_39 = tpu.memref_slice %arg4[%arg1, %dma_start3A_37, %dma_start3A_38] : memref<16x79x128xi32, #tpu.memory_space<hbm>> -> memref<1x79x128xi32, #tpu.memory_space<hbm>>
      %dma_start3A_40 = tpu.memref_squeeze %dma_start3A_39 : memref<1x79x128xi32, #tpu.memory_space<hbm>> -> memref<79x128xi32, #tpu.memory_space<hbm>>
      tpu.enqueue_dma source(%dma_start3A_40 : memref<79x128xi32, #tpu.memory_space<hbm>>) target(%arg8 : memref<79x128xi32, #tpu.memory_space<vmem>>) target_semaphore(%run_scoped3A : memref<!tpu.dma_semaphore, #tpu.memory_space<semaphore_mem>>)
      %dma_wait3A = arith.constant 0 : i32
      %dma_wait3A_41 = arith.constant 0 : i32
      %dma_wait3A_42 = tpu.memref_slice %arg4[%arg1, %dma_wait3A, %dma_wait3A_41] : memref<16x79x128xi32, #tpu.memory_space<hbm>> -> memref<1x79x128xi32, #tpu.memory_space<hbm>>
      %dma_wait3A_43 = tpu.memref_squeeze %dma_wait3A_42 : memref<1x79x128xi32, #tpu.memory_space<hbm>> -> memref<79x128xi32, #tpu.memory_space<hbm>>
      %dma_wait3A_44 = arith.constant 0 : i32
      %dma_wait3A_45 = arith.constant 0 : i32
      %dma_wait3A_46 = tpu.memref_slice %arg4[%arg1, %dma_wait3A_44, %dma_wait3A_45] : memref<16x79x128xi32, #tpu.memory_space<hbm>> -> memref<1x79x128xi32, #tpu.memory_space<hbm>>
      %dma_wait3A_47 = tpu.memref_squeeze %dma_wait3A_46 : memref<1x79x128xi32, #tpu.memory_space<hbm>> -> memref<79x128xi32, #tpu.memory_space<hbm>>
      tpu.wait_dma2 semaphore(%run_scoped3A : memref<!tpu.dma_semaphore, #tpu.memory_space<semaphore_mem>>) src(%dma_wait3A_47 : memref<79x128xi32, #tpu.memory_space<hbm>>) dst(%arg8 : memref<79x128xi32, #tpu.memory_space<vmem>>)
      tpu.yield
    }) : () -> ()
    %mul3A = arith.constant 2 : i32
    %mul3A_0 = arith.muli %arg0, %mul3A : i32
    %add3A = arith.constant 0 : i32
    %add3A_1 = arith.addi %mul3A_0, %add3A : i32
    %mul3A_2 = arith.constant 640 : i32
    %mul3A_3 = arith.muli %arg1, %mul3A_2 : i32
    "tpu.region"() ({
      %run_scoped3A = tpu.sem_alloc : memref<!tpu.dma_semaphore, #tpu.memory_space<semaphore_mem>>
      %dma_start3A = arith.constant 0 : i32
      %dma_start3A_34 = tpu.memref_slice %arg10[%mul3A_3, %dma_start3A] : memref<10240x128xf32, #tpu.memory_space<vmem_shared>> -> memref<640x128xf32, #tpu.memory_space<vmem_shared>>
      tpu.enqueue_dma source(%arg5 : memref<640x128xf32, #tpu.memory_space<hbm>>) target(%dma_start3A_34 : memref<640x128xf32, #tpu.memory_space<vmem_shared>>) target_semaphore(%run_scoped3A : memref<!tpu.dma_semaphore, #tpu.memory_space<semaphore_mem>>)
      %dma_wait3A = arith.constant 0 : i32
      %dma_wait3A_35 = tpu.memref_slice %arg10[%mul3A_3, %dma_wait3A] : memref<10240x128xf32, #tpu.memory_space<vmem_shared>> -> memref<640x128xf32, #tpu.memory_space<vmem_shared>>
      tpu.wait_dma2 semaphore(%run_scoped3A : memref<!tpu.dma_semaphore, #tpu.memory_space<semaphore_mem>>) src(%arg5 : memref<640x128xf32, #tpu.memory_space<hbm>>) dst(%dma_wait3A_35 : memref<640x128xf32, #tpu.memory_space<vmem_shared>>)
      tpu.yield
    }) : () -> ()
    %barrier3A = arith.constant 0 : index
    tpu.barrier barrier_id(%barrier3A)
    %scan3A = arith.constant 0 : i32
    %scan3A_4 = arith.constant 0 : i32
    %scan3A_5 = arith.constant 79 : i32
    %scan3A_6 = arith.addi %scan3A_4, %scan3A_5 : i32
    %scan3A_7 = arith.constant 1 : i32
    scf.for %scan3A_34 = %scan3A_4 to %scan3A_6 step %scan3A_7  : i32 {
      %dma_start3A = arith.constant 0 : i32
      %dma_start3A_35 = tpu.memref_slice %arg7[%scan3A_34, %dma_start3A] : memref<79x128xi32, #tpu.memory_space<vmem>> -> memref<1x128xi32, #tpu.memory_space<vmem>>
      %dma_start3A_36 = tpu.memref_squeeze %dma_start3A_35 : memref<1x128xi32, #tpu.memory_space<vmem>> -> memref<128xi32, #tpu.memory_space<vmem>>
      %dma_start3A_37 = arith.constant 0 : i32
      %dma_start3A_38 = arith.constant 0 : i32
      %dma_start3A_39 = tpu.memref_slice %arg2[%add3A_1, %dma_start3A_37, %dma_start3A_38] : memref<4x10000x128xf32, #tpu.memory_space<hbm>> -> memref<1x10000x128xf32, #tpu.memory_space<hbm>>
      %dma_start3A_40 = tpu.memref_squeeze %dma_start3A_39 : memref<1x10000x128xf32, #tpu.memory_space<hbm>> -> memref<10000x128xf32, #tpu.memory_space<hbm>>
      %dma_start3A_41 = arith.constant 0 : i32
      %dma_start3A_42 = arith.constant 0 : i32
      %dma_start3A_43 = tpu.memref_slice %dma_start3A_40[%dma_start3A_41, %dma_start3A_42] : memref<10000x128xf32, #tpu.memory_space<hbm>> -> memref<10000x128xf32, #tpu.memory_space<hbm>>
      tpu.enqueue_indirect_dma source(%dma_start3A_43 : memref<10000x128xf32, #tpu.memory_space<hbm>>) target(%arg9 : memref<128x128xf32, #tpu.memory_space<vmem>>) offsets(%dma_start3A_36 : memref<128xi32, #tpu.memory_space<vmem>>) semaphore(%arg11 : memref<!tpu.dma_semaphore, #tpu.memory_space<semaphore_mem>>)
      %dma_wait3A = arith.constant 0 : i32
      %dma_wait3A_44 = tpu.memref_slice %arg7[%scan3A_34, %dma_wait3A] : memref<79x128xi32, #tpu.memory_space<vmem>> -> memref<1x128xi32, #tpu.memory_space<vmem>>
      %dma_wait3A_45 = tpu.memref_squeeze %dma_wait3A_44 : memref<1x128xi32, #tpu.memory_space<vmem>> -> memref<128xi32, #tpu.memory_space<vmem>>
      %dma_wait3A_46 = arith.constant 0 : i32
      %dma_wait3A_47 = arith.constant 0 : i32
      %dma_wait3A_48 = tpu.memref_slice %arg2[%add3A_1, %dma_wait3A_46, %dma_wait3A_47] : memref<4x10000x128xf32, #tpu.memory_space<hbm>> -> memref<1x10000x128xf32, #tpu.memory_space<hbm>>
      %dma_wait3A_49 = tpu.memref_squeeze %dma_wait3A_48 : memref<1x10000x128xf32, #tpu.memory_space<hbm>> -> memref<10000x128xf32, #tpu.memory_space<hbm>>
      %dma_wait3A_50 = arith.constant 0 : i32
      %dma_wait3A_51 = arith.constant 0 : i32
      %dma_wait3A_52 = tpu.memref_slice %dma_wait3A_49[%dma_wait3A_50, %dma_wait3A_51] : memref<10000x128xf32, #tpu.memory_space<hbm>> -> memref<10000x128xf32, #tpu.memory_space<hbm>>
      tpu.wait_indirect_dma semaphore(%arg11 : memref<!tpu.dma_semaphore, #tpu.memory_space<semaphore_mem>>) src(%dma_wait3A_52 : memref<10000x128xf32, #tpu.memory_space<hbm>>) dst(%arg9 : memref<128x128xf32, #tpu.memory_space<vmem>>)
      "tpu.region"() ({
        %run_scoped3A = tpu.sem_alloc : memref<!tpu.dma_semaphore, #tpu.memory_space<semaphore_mem>>
        %dma_start3A_53 = arith.constant 0 : i32
        %dma_start3A_54 = tpu.memref_slice %arg8[%scan3A_34, %dma_start3A_53] : memref<79x128xi32, #tpu.memory_space<vmem>> -> memref<1x128xi32, #tpu.memory_space<vmem>>
        %dma_start3A_55 = tpu.memref_squeeze %dma_start3A_54 : memref<1x128xi32, #tpu.memory_space<vmem>> -> memref<128xi32, #tpu.memory_space<vmem>>
        %dma_start3A_56 = arith.constant 0 : i32
        %dma_start3A_57 = arith.constant 0 : i32
        %dma_start3A_58 = tpu.memref_slice %arg10[%dma_start3A_56, %dma_start3A_57] : memref<10240x128xf32, #tpu.memory_space<vmem_shared>> -> memref<10240x128xf32, #tpu.memory_space<vmem_shared>>
        tpu.enqueue_indirect_dma source(%arg9 : memref<128x128xf32, #tpu.memory_space<vmem>>) target(%dma_start3A_58 : memref<10240x128xf32, #tpu.memory_space<vmem_shared>>) offsets(%dma_start3A_55 : memref<128xi32, #tpu.memory_space<vmem>>) semaphore(%run_scoped3A : memref<!tpu.dma_semaphore, #tpu.memory_space<semaphore_mem>>) {add = true}
        %dma_wait3A_59 = arith.constant 0 : i32
        %dma_wait3A_60 = tpu.memref_slice %arg8[%scan3A_34, %dma_wait3A_59] : memref<79x128xi32, #tpu.memory_space<vmem>> -> memref<1x128xi32, #tpu.memory_space<vmem>>
        %dma_wait3A_61 = tpu.memref_squeeze %dma_wait3A_60 : memref<1x128xi32, #tpu.memory_space<vmem>> -> memref<128xi32, #tpu.memory_space<vmem>>
        %dma_wait3A_62 = arith.constant 0 : i32
        %dma_wait3A_63 = arith.constant 0 : i32
        %dma_wait3A_64 = tpu.memref_slice %arg10[%dma_wait3A_62, %dma_wait3A_63] : memref<10240x128xf32, #tpu.memory_space<vmem_shared>> -> memref<10240x128xf32, #tpu.memory_space<vmem_shared>>
        tpu.wait_indirect_dma semaphore(%run_scoped3A : memref<!tpu.dma_semaphore, #tpu.memory_space<semaphore_mem>>) src(%arg9 : memref<128x128xf32, #tpu.memory_space<vmem>>) dst(%dma_wait3A_64 : memref<10240x128xf32, #tpu.memory_space<vmem_shared>>)
        tpu.yield
      }) : () -> ()
    }
    %scan3A_8 = arith.constant 79 : i32
    %barrier3A_9 = arith.constant 0 : index
    tpu.barrier barrier_id(%barrier3A_9)
    %mul3A_10 = arith.constant 624 : i32
    %mul3A_11 = arith.muli %arg1, %mul3A_10 : i32
    %mul3A_12 = arith.constant 624 : i32
    %mul3A_13 = arith.muli %arg1, %mul3A_12 : i32
    "tpu.region"() ({
      %run_scoped3A = tpu.sem_alloc : memref<!tpu.dma_semaphore, #tpu.memory_space<semaphore_mem>>
      %dma_start3A = arith.constant 0 : i32
      %dma_start3A_34 = tpu.memref_slice %arg6[%add3A_1, %mul3A_13, %dma_start3A] : memref<4x10000x128xf32, #tpu.memory_space<hbm>> -> memref<1x640x128xf32, #tpu.memory_space<hbm>>
      %dma_start3A_35 = tpu.memref_squeeze %dma_start3A_34 : memref<1x640x128xf32, #tpu.memory_space<hbm>> -> memref<640x128xf32, #tpu.memory_space<hbm>>
      %dma_start3A_36 = arith.constant 0 : i32
      %dma_start3A_37 = tpu.memref_slice %arg10[%mul3A_11, %dma_start3A_36] : memref<10240x128xf32, #tpu.memory_space<vmem_shared>> -> memref<640x128xf32, #tpu.memory_space<vmem_shared>>
      tpu.enqueue_dma source(%dma_start3A_37 : memref<640x128xf32, #tpu.memory_space<vmem_shared>>) target(%dma_start3A_35 : memref<640x128xf32, #tpu.memory_space<hbm>>) target_semaphore(%run_scoped3A : memref<!tpu.dma_semaphore, #tpu.memory_space<semaphore_mem>>)
      %dma_wait3A = arith.constant 0 : i32
      %dma_wait3A_38 = tpu.memref_slice %arg6[%add3A_1, %mul3A_13, %dma_wait3A] : memref<4x10000x128xf32, #tpu.memory_space<hbm>> -> memref<1x640x128xf32, #tpu.memory_space<hbm>>
      %dma_wait3A_39 = tpu.memref_squeeze %dma_wait3A_38 : memref<1x640x128xf32, #tpu.memory_space<hbm>> -> memref<640x128xf32, #tpu.memory_space<hbm>>
      %dma_wait3A_40 = arith.constant 0 : i32
      %dma_wait3A_41 = tpu.memref_slice %arg10[%mul3A_11, %dma_wait3A_40] : memref<10240x128xf32, #tpu.memory_space<vmem_shared>> -> memref<640x128xf32, #tpu.memory_space<vmem_shared>>
      tpu.wait_dma2 semaphore(%run_scoped3A : memref<!tpu.dma_semaphore, #tpu.memory_space<semaphore_mem>>) src(%dma_wait3A_41 : memref<640x128xf32, #tpu.memory_space<vmem_shared>>) dst(%dma_wait3A_39 : memref<640x128xf32, #tpu.memory_space<hbm>>)
      tpu.yield
    }) : () -> ()
    %barrier3A_14 = arith.constant 0 : index
    tpu.barrier barrier_id(%barrier3A_14)
    %mul3A_15 = arith.constant 2 : i32
    %mul3A_16 = arith.muli %arg0, %mul3A_15 : i32
    %add3A_17 = arith.constant 1 : i32
    %add3A_18 = arith.addi %mul3A_16, %add3A_17 : i32
    %mul3A_19 = arith.constant 640 : i32
    %mul3A_20 = arith.muli %arg1, %mul3A_19 : i32
    "tpu.region"() ({
      %run_scoped3A = tpu.sem_alloc : memref<!tpu.dma_semaphore, #tpu.memory_space<semaphore_mem>>
      %dma_start3A = arith.constant 0 : i32
      %dma_start3A_34 = tpu.memref_slice %arg10[%mul3A_20, %dma_start3A] : memref<10240x128xf32, #tpu.memory_space<vmem_shared>> -> memref<640x128xf32, #tpu.memory_space<vmem_shared>>
      tpu.enqueue_dma source(%arg5 : memref<640x128xf32, #tpu.memory_space<hbm>>) target(%dma_start3A_34 : memref<640x128xf32, #tpu.memory_space<vmem_shared>>) target_semaphore(%run_scoped3A : memref<!tpu.dma_semaphore, #tpu.memory_space<semaphore_mem>>)
      %dma_wait3A = arith.constant 0 : i32
      %dma_wait3A_35 = tpu.memref_slice %arg10[%mul3A_20, %dma_wait3A] : memref<10240x128xf32, #tpu.memory_space<vmem_shared>> -> memref<640x128xf32, #tpu.memory_space<vmem_shared>>
      tpu.wait_dma2 semaphore(%run_scoped3A : memref<!tpu.dma_semaphore, #tpu.memory_space<semaphore_mem>>) src(%arg5 : memref<640x128xf32, #tpu.memory_space<hbm>>) dst(%dma_wait3A_35 : memref<640x128xf32, #tpu.memory_space<vmem_shared>>)
      tpu.yield
    }) : () -> ()
    %barrier3A_21 = arith.constant 0 : index
    tpu.barrier barrier_id(%barrier3A_21)
    %scan3A_22 = arith.constant 0 : i32
    %scan3A_23 = arith.constant 0 : i32
    %scan3A_24 = arith.constant 79 : i32
    %scan3A_25 = arith.addi %scan3A_23, %scan3A_24 : i32
    %scan3A_26 = arith.constant 1 : i32
    scf.for %scan3A_34 = %scan3A_23 to %scan3A_25 step %scan3A_26  : i32 {
      %dma_start3A = arith.constant 0 : i32
      %dma_start3A_35 = tpu.memref_slice %arg7[%scan3A_34, %dma_start3A] : memref<79x128xi32, #tpu.memory_space<vmem>> -> memref<1x128xi32, #tpu.memory_space<vmem>>
      %dma_start3A_36 = tpu.memref_squeeze %dma_start3A_35 : memref<1x128xi32, #tpu.memory_space<vmem>> -> memref<128xi32, #tpu.memory_space<vmem>>
      %dma_start3A_37 = arith.constant 0 : i32
      %dma_start3A_38 = arith.constant 0 : i32
      %dma_start3A_39 = tpu.memref_slice %arg2[%add3A_18, %dma_start3A_37, %dma_start3A_38] : memref<4x10000x128xf32, #tpu.memory_space<hbm>> -> memref<1x10000x128xf32, #tpu.memory_space<hbm>>
      %dma_start3A_40 = tpu.memref_squeeze %dma_start3A_39 : memref<1x10000x128xf32, #tpu.memory_space<hbm>> -> memref<10000x128xf32, #tpu.memory_space<hbm>>
      %dma_start3A_41 = arith.constant 0 : i32
      %dma_start3A_42 = arith.constant 0 : i32
      %dma_start3A_43 = tpu.memref_slice %dma_start3A_40[%dma_start3A_41, %dma_start3A_42] : memref<10000x128xf32, #tpu.memory_space<hbm>> -> memref<10000x128xf32, #tpu.memory_space<hbm>>
      tpu.enqueue_indirect_dma source(%dma_start3A_43 : memref<10000x128xf32, #tpu.memory_space<hbm>>) target(%arg9 : memref<128x128xf32, #tpu.memory_space<vmem>>) offsets(%dma_start3A_36 : memref<128xi32, #tpu.memory_space<vmem>>) semaphore(%arg11 : memref<!tpu.dma_semaphore, #tpu.memory_space<semaphore_mem>>)
      %dma_wait3A = arith.constant 0 : i32
      %dma_wait3A_44 = tpu.memref_slice %arg7[%scan3A_34, %dma_wait3A] : memref<79x128xi32, #tpu.memory_space<vmem>> -> memref<1x128xi32, #tpu.memory_space<vmem>>
      %dma_wait3A_45 = tpu.memref_squeeze %dma_wait3A_44 : memref<1x128xi32, #tpu.memory_space<vmem>> -> memref<128xi32, #tpu.memory_space<vmem>>
      %dma_wait3A_46 = arith.constant 0 : i32
      %dma_wait3A_47 = arith.constant 0 : i32
      %dma_wait3A_48 = tpu.memref_slice %arg2[%add3A_18, %dma_wait3A_46, %dma_wait3A_47] : memref<4x10000x128xf32, #tpu.memory_space<hbm>> -> memref<1x10000x128xf32, #tpu.memory_space<hbm>>
      %dma_wait3A_49 = tpu.memref_squeeze %dma_wait3A_48 : memref<1x10000x128xf32, #tpu.memory_space<hbm>> -> memref<10000x128xf32, #tpu.memory_space<hbm>>
      %dma_wait3A_50 = arith.constant 0 : i32
      %dma_wait3A_51 = arith.constant 0 : i32
      %dma_wait3A_52 = tpu.memref_slice %dma_wait3A_49[%dma_wait3A_50, %dma_wait3A_51] : memref<10000x128xf32, #tpu.memory_space<hbm>> -> memref<10000x128xf32, #tpu.memory_space<hbm>>
      tpu.wait_indirect_dma semaphore(%arg11 : memref<!tpu.dma_semaphore, #tpu.memory_space<semaphore_mem>>) src(%dma_wait3A_52 : memref<10000x128xf32, #tpu.memory_space<hbm>>) dst(%arg9 : memref<128x128xf32, #tpu.memory_space<vmem>>)
      "tpu.region"() ({
        %run_scoped3A = tpu.sem_alloc : memref<!tpu.dma_semaphore, #tpu.memory_space<semaphore_mem>>
        %dma_start3A_53 = arith.constant 0 : i32
        %dma_start3A_54 = tpu.memref_slice %arg8[%scan3A_34, %dma_start3A_53] : memref<79x128xi32, #tpu.memory_space<vmem>> -> memref<1x128xi32, #tpu.memory_space<vmem>>
        %dma_start3A_55 = tpu.memref_squeeze %dma_start3A_54 : memref<1x128xi32, #tpu.memory_space<vmem>> -> memref<128xi32, #tpu.memory_space<vmem>>
        %dma_start3A_56 = arith.constant 0 : i32
        %dma_start3A_57 = arith.constant 0 : i32
        %dma_start3A_58 = tpu.memref_slice %arg10[%dma_start3A_56, %dma_start3A_57] : memref<10240x128xf32, #tpu.memory_space<vmem_shared>> -> memref<10240x128xf32, #tpu.memory_space<vmem_shared>>
        tpu.enqueue_indirect_dma source(%arg9 : memref<128x128xf32, #tpu.memory_space<vmem>>) target(%dma_start3A_58 : memref<10240x128xf32, #tpu.memory_space<vmem_shared>>) offsets(%dma_start3A_55 : memref<128xi32, #tpu.memory_space<vmem>>) semaphore(%run_scoped3A : memref<!tpu.dma_semaphore, #tpu.memory_space<semaphore_mem>>) {add = true}
        %dma_wait3A_59 = arith.constant 0 : i32
        %dma_wait3A_60 = tpu.memref_slice %arg8[%scan3A_34, %dma_wait3A_59] : memref<79x128xi32, #tpu.memory_space<vmem>> -> memref<1x128xi32, #tpu.memory_space<vmem>>
        %dma_wait3A_61 = tpu.memref_squeeze %dma_wait3A_60 : memref<1x128xi32, #tpu.memory_space<vmem>> -> memref<128xi32, #tpu.memory_space<vmem>>
        %dma_wait3A_62 = arith.constant 0 : i32
        %dma_wait3A_63 = arith.constant 0 : i32
        %dma_wait3A_64 = tpu.memref_slice %arg10[%dma_wait3A_62, %dma_wait3A_63] : memref<10240x128xf32, #tpu.memory_space<vmem_shared>> -> memref<10240x128xf32, #tpu.memory_space<vmem_shared>>
        tpu.wait_indirect_dma semaphore(%run_scoped3A : memref<!tpu.dma_semaphore, #tpu.memory_space<semaphore_mem>>) src(%arg9 : memref<128x128xf32, #tpu.memory_space<vmem>>) dst(%dma_wait3A_64 : memref<10240x128xf32, #tpu.memory_space<vmem_shared>>)
        tpu.yield
      }) : () -> ()
    }
    %scan3A_27 = arith.constant 79 : i32
    %barrier3A_28 = arith.constant 0 : index
    tpu.barrier barrier_id(%barrier3A_28)
    %mul3A_29 = arith.constant 624 : i32
    %mul3A_30 = arith.muli %arg1, %mul3A_29 : i32
    %mul3A_31 = arith.constant 624 : i32
    %mul3A_32 = arith.muli %arg1, %mul3A_31 : i32
    "tpu.region"() ({
      %run_scoped3A = tpu.sem_alloc : memref<!tpu.dma_semaphore, #tpu.memory_space<semaphore_mem>>
      %dma_start3A = arith.constant 0 : i32
      %dma_start3A_34 = tpu.memref_slice %arg6[%add3A_18, %mul3A_32, %dma_start3A] : memref<4x10000x128xf32, #tpu.memory_space<hbm>> -> memref<1x640x128xf32, #tpu.memory_space<hbm>>
      %dma_start3A_35 = tpu.memref_squeeze %dma_start3A_34 : memref<1x640x128xf32, #tpu.memory_space<hbm>> -> memref<640x128xf32, #tpu.memory_space<hbm>>
      %dma_start3A_36 = arith.constant 0 : i32
      %dma_start3A_37 = tpu.memref_slice %arg10[%mul3A_30, %dma_start3A_36] : memref<10240x128xf32, #tpu.memory_space<vmem_shared>> -> memref<640x128xf32, #tpu.memory_space<vmem_shared>>
      tpu.enqueue_dma source(%dma_start3A_37 : memref<640x128xf32, #tpu.memory_space<vmem_shared>>) target(%dma_start3A_35 : memref<640x128xf32, #tpu.memory_space<hbm>>) target_semaphore(%run_scoped3A : memref<!tpu.dma_semaphore, #tpu.memory_space<semaphore_mem>>)
      %dma_wait3A = arith.constant 0 : i32
      %dma_wait3A_38 = tpu.memref_slice %arg6[%add3A_18, %mul3A_32, %dma_wait3A] : memref<4x10000x128xf32, #tpu.memory_space<hbm>> -> memref<1x640x128xf32, #tpu.memory_space<hbm>>
      %dma_wait3A_39 = tpu.memref_squeeze %dma_wait3A_38 : memref<1x640x128xf32, #tpu.memory_space<hbm>> -> memref<640x128xf32, #tpu.memory_space<hbm>>
      %dma_wait3A_40 = arith.constant 0 : i32
      %dma_wait3A_41 = tpu.memref_slice %arg10[%mul3A_30, %dma_wait3A_40] : memref<10240x128xf32, #tpu.memory_space<vmem_shared>> -> memref<640x128xf32, #tpu.memory_space<vmem_shared>>
      tpu.wait_dma2 semaphore(%run_scoped3A : memref<!tpu.dma_semaphore, #tpu.memory_space<semaphore_mem>>) src(%dma_wait3A_41 : memref<640x128xf32, #tpu.memory_space<vmem_shared>>) dst(%dma_wait3A_39 : memref<640x128xf32, #tpu.memory_space<hbm>>)
      tpu.yield
    }) : () -> ()
    %barrier3A_33 = arith.constant 0 : index
    tpu.barrier barrier_id(%barrier3A_33)
    return
  }
}

#map = affine_map<(d0, d1) -> (0, 0, 0)>
#map1 = affine_map<(d0, d1) -> (0, 0)>
module attributes {stable_mosaic.version = 14 : i64} {
  func.func @_segsum_body(%arg0: i32, %arg1: i32, %arg2: memref<4x10000x128xf32, #tpu.memory_space<hbm>>, %arg3: memref<16x79x128xi32, #tpu.memory_space<hbm>>, %arg4: memref<16x79x128xi32, #tpu.memory_space<hbm>>, %arg5: memref<640x128xf32, #tpu.memory_space<hbm>>, %arg6: memref<4x10000x128xf32, #tpu.memory_space<hbm>>, %arg7: memref<79x128xi32, #tpu.memory_space<vmem>>, %arg8: memref<79x128xi32, #tpu.memory_space<vmem>>, %arg9: memref<128x128xf32, #tpu.memory_space<vmem>>, %arg10: memref<10240x128xf32, #tpu.memory_space<vmem_shared>>, %arg11: memref<!tpu.dma_semaphore, #tpu.memory_space<semaphore_mem>>) attributes {dimension_semantics = [#tpu.dimension_semantics<core_parallel>, #tpu.dimension_semantics<subcore_parallel>], iteration_bounds = array<i64: 2, 16>, scalar_prefetch = 0 : i64, scratch_operands = 5 : i64, tpu.core_type = #tpu.core_type<sc_vector_subcore>, window_params = [{transform_indices = #map}, {transform_indices = #map}, {transform_indices = #map}, {transform_indices = #map1}, {transform_indices = #map}]} {
    "tpu.region"() ({
      %run_scoped3A = tpu.sem_alloc : memref<!tpu.dma_semaphore, #tpu.memory_space<semaphore_mem>>
      %dma_start3A = arith.constant 0 : i32
      %dma_start3A_34 = arith.constant 0 : i32
      %dma_start3A_35 = tpu.memref_slice %arg3[%arg1, %dma_start3A, %dma_start3A_34] : memref<16x79x128xi32, #tpu.memory_space<hbm>> -> memref<1x79x128xi32, #tpu.memory_space<hbm>>
      %dma_start3A_36 = tpu.memref_squeeze %dma_start3A_35 : memref<1x79x128xi32, #tpu.memory_space<hbm>> -> memref<79x128xi32, #tpu.memory_space<hbm>>
      %dma_start3A_37 = arith.constant 0 : i32
      %dma_start3A_38 = arith.constant 0 : i32
      %dma_start3A_39 = tpu.memref_slice %arg3[%arg1, %dma_start3A_37, %dma_start3A_38] : memref<16x79x128xi32, #tpu.memory_space<hbm>> -> memref<1x79x128xi32, #tpu.memory_space<hbm>>
      %dma_start3A_40 = tpu.memref_squeeze %dma_start3A_39 : memref<1x79x128xi32, #tpu.memory_space<hbm>> -> memref<79x128xi32, #tpu.memory_space<hbm>>
      tpu.enqueue_dma source(%dma_start3A_40 : memref<79x128xi32, #tpu.memory_space<hbm>>) target(%arg7 : memref<79x128xi32, #tpu.memory_space<vmem>>) target_semaphore(%run_scoped3A : memref<!tpu.dma_semaphore, #tpu.memory_space<semaphore_mem>>)
      %dma_wait3A = arith.constant 0 : i32
      %dma_wait3A_41 = arith.constant 0 : i32
      %dma_wait3A_42 = tpu.memref_slice %arg3[%arg1, %dma_wait3A, %dma_wait3A_41] : memref<16x79x128xi32, #tpu.memory_space<hbm>> -> memref<1x79x128xi32, #tpu.memory_space<hbm>>
      %dma_wait3A_43 = tpu.memref_squeeze %dma_wait3A_42 : memref<1x79x128xi32, #tpu.memory_space<hbm>> -> memref<79x128xi32, #tpu.memory_space<hbm>>
      %dma_wait3A_44 = arith.constant 0 : i32
      %dma_wait3A_45 = arith.constant 0 : i32
      %dma_wait3A_46 = tpu.memref_slice %arg3[%arg1, %dma_wait3A_44, %dma_wait3A_45] : memref<16x79x128xi32, #tpu.memory_space<hbm>> -> memref<1x79x128xi32, #tpu.memory_space<hbm>>
      %dma_wait3A_47 = tpu.memref_squeeze %dma_wait3A_46 : memref<1x79x128xi32, #tpu.memory_space<hbm>> -> memref<79x128xi32, #tpu.memory_space<hbm>>
      tpu.wait_dma2 semaphore(%run_scoped3A : memref<!tpu.dma_semaphore, #tpu.memory_space<semaphore_mem>>) src(%dma_wait3A_47 : memref<79x128xi32, #tpu.memory_space<hbm>>) dst(%arg7 : memref<79x128xi32, #tpu.memory_space<vmem>>)
      tpu.yield
    }) : () -> ()
    "tpu.region"() ({
      %run_scoped3A = tpu.sem_alloc : memref<!tpu.dma_semaphore, #tpu.memory_space<semaphore_mem>>
      %dma_start3A = arith.constant 0 : i32
      %dma_start3A_34 = arith.constant 0 : i32
      %dma_start3A_35 = tpu.memref_slice %arg4[%arg1, %dma_start3A, %dma_start3A_34] : memref<16x79x128xi32, #tpu.memory_space<hbm>> -> memref<1x79x128xi32, #tpu.memory_space<hbm>>
      %dma_start3A_36 = tpu.memref_squeeze %dma_start3A_35 : memref<1x79x128xi32, #tpu.memory_space<hbm>> -> memref<79x128xi32, #tpu.memory_space<hbm>>
      %dma_start3A_37 = arith.constant 0 : i32
      %dma_start3A_38 = arith.constant 0 : i32
      %dma_start3A_39 = tpu.memref_slice %arg4[%arg1, %dma_start3A_37, %dma_start3A_38] : memref<16x79x128xi32, #tpu.memory_space<hbm>> -> memref<1x79x128xi32, #tpu.memory_space<hbm>>
      %dma_start3A_40 = tpu.memref_squeeze %dma_start3A_39 : memref<1x79x128xi32, #tpu.memory_space<hbm>> -> memref<79x128xi32, #tpu.memory_space<hbm>>
      tpu.enqueue_dma source(%dma_start3A_40 : memref<79x128xi32, #tpu.memory_space<hbm>>) target(%arg8 : memref<79x128xi32, #tpu.memory_space<vmem>>) target_semaphore(%run_scoped3A : memref<!tpu.dma_semaphore, #tpu.memory_space<semaphore_mem>>)
      %dma_wait3A = arith.constant 0 : i32
      %dma_wait3A_41 = arith.constant 0 : i32
      %dma_wait3A_42 = tpu.memref_slice %arg4[%arg1, %dma_wait3A, %dma_wait3A_41] : memref<16x79x128xi32, #tpu.memory_space<hbm>> -> memref<1x79x128xi32, #tpu.memory_space<hbm>>
      %dma_wait3A_43 = tpu.memref_squeeze %dma_wait3A_42 : memref<1x79x128xi32, #tpu.memory_space<hbm>> -> memref<79x128xi32, #tpu.memory_space<hbm>>
      %dma_wait3A_44 = arith.constant 0 : i32
      %dma_wait3A_45 = arith.constant 0 : i32
      %dma_wait3A_46 = tpu.memref_slice %arg4[%arg1, %dma_wait3A_44, %dma_wait3A_45] : memref<16x79x128xi32, #tpu.memory_space<hbm>> -> memref<1x79x128xi32, #tpu.memory_space<hbm>>
      %dma_wait3A_47 = tpu.memref_squeeze %dma_wait3A_46 : memref<1x79x128xi32, #tpu.memory_space<hbm>> -> memref<79x128xi32, #tpu.memory_space<hbm>>
      tpu.wait_dma2 semaphore(%run_scoped3A : memref<!tpu.dma_semaphore, #tpu.memory_space<semaphore_mem>>) src(%dma_wait3A_47 : memref<79x128xi32, #tpu.memory_space<hbm>>) dst(%arg8 : memref<79x128xi32, #tpu.memory_space<vmem>>)
      tpu.yield
    }) : () -> ()
    %mul3A = arith.constant 2 : i32
    %mul3A_0 = arith.muli %arg0, %mul3A : i32
    %add3A = arith.constant 0 : i32
    %add3A_1 = arith.addi %mul3A_0, %add3A : i32
    %mul3A_2 = arith.constant 640 : i32
    %mul3A_3 = arith.muli %arg1, %mul3A_2 : i32
    "tpu.region"() ({
      %run_scoped3A = tpu.sem_alloc : memref<!tpu.dma_semaphore, #tpu.memory_space<semaphore_mem>>
      %dma_start3A = arith.constant 0 : i32
      %dma_start3A_34 = tpu.memref_slice %arg10[%mul3A_3, %dma_start3A] : memref<10240x128xf32, #tpu.memory_space<vmem_shared>> -> memref<640x128xf32, #tpu.memory_space<vmem_shared>>
      tpu.enqueue_dma source(%arg5 : memref<640x128xf32, #tpu.memory_space<hbm>>) target(%dma_start3A_34 : memref<640x128xf32, #tpu.memory_space<vmem_shared>>) target_semaphore(%run_scoped3A : memref<!tpu.dma_semaphore, #tpu.memory_space<semaphore_mem>>)
      %dma_wait3A = arith.constant 0 : i32
      %dma_wait3A_35 = tpu.memref_slice %arg10[%mul3A_3, %dma_wait3A] : memref<10240x128xf32, #tpu.memory_space<vmem_shared>> -> memref<640x128xf32, #tpu.memory_space<vmem_shared>>
      tpu.wait_dma2 semaphore(%run_scoped3A : memref<!tpu.dma_semaphore, #tpu.memory_space<semaphore_mem>>) src(%arg5 : memref<640x128xf32, #tpu.memory_space<hbm>>) dst(%dma_wait3A_35 : memref<640x128xf32, #tpu.memory_space<vmem_shared>>)
      tpu.yield
    }) : () -> ()
    %barrier3A = arith.constant 0 : index
    tpu.barrier barrier_id(%barrier3A)
    %scan3A = arith.constant 0 : i32
    %scan3A_4 = arith.constant 0 : i32
    %scan3A_5 = arith.constant 79 : i32
    %scan3A_6 = arith.addi %scan3A_4, %scan3A_5 : i32
    %scan3A_7 = arith.constant 1 : i32
    scf.for %scan3A_34 = %scan3A_4 to %scan3A_6 step %scan3A_7  : i32 {
      %dma_start3A = arith.constant 0 : i32
      %dma_start3A_35 = tpu.memref_slice %arg7[%scan3A_34, %dma_start3A] : memref<79x128xi32, #tpu.memory_space<vmem>> -> memref<1x128xi32, #tpu.memory_space<vmem>>
      %dma_start3A_36 = tpu.memref_squeeze %dma_start3A_35 : memref<1x128xi32, #tpu.memory_space<vmem>> -> memref<128xi32, #tpu.memory_space<vmem>>
      %dma_start3A_37 = arith.constant 0 : i32
      %dma_start3A_38 = arith.constant 0 : i32
      %dma_start3A_39 = tpu.memref_slice %arg2[%add3A_1, %dma_start3A_37, %dma_start3A_38] : memref<4x10000x128xf32, #tpu.memory_space<hbm>> -> memref<1x10000x128xf32, #tpu.memory_space<hbm>>
      %dma_start3A_40 = tpu.memref_squeeze %dma_start3A_39 : memref<1x10000x128xf32, #tpu.memory_space<hbm>> -> memref<10000x128xf32, #tpu.memory_space<hbm>>
      %dma_start3A_41 = arith.constant 0 : i32
      %dma_start3A_42 = arith.constant 0 : i32
      %dma_start3A_43 = tpu.memref_slice %dma_start3A_40[%dma_start3A_41, %dma_start3A_42] : memref<10000x128xf32, #tpu.memory_space<hbm>> -> memref<10000x128xf32, #tpu.memory_space<hbm>>
      tpu.enqueue_indirect_dma source(%dma_start3A_43 : memref<10000x128xf32, #tpu.memory_space<hbm>>) target(%arg9 : memref<128x128xf32, #tpu.memory_space<vmem>>) offsets(%dma_start3A_36 : memref<128xi32, #tpu.memory_space<vmem>>) semaphore(%arg11 : memref<!tpu.dma_semaphore, #tpu.memory_space<semaphore_mem>>)
      %dma_wait3A = arith.constant 0 : i32
      %dma_wait3A_44 = tpu.memref_slice %arg7[%scan3A_34, %dma_wait3A] : memref<79x128xi32, #tpu.memory_space<vmem>> -> memref<1x128xi32, #tpu.memory_space<vmem>>
      %dma_wait3A_45 = tpu.memref_squeeze %dma_wait3A_44 : memref<1x128xi32, #tpu.memory_space<vmem>> -> memref<128xi32, #tpu.memory_space<vmem>>
      %dma_wait3A_46 = arith.constant 0 : i32
      %dma_wait3A_47 = arith.constant 0 : i32
      %dma_wait3A_48 = tpu.memref_slice %arg2[%add3A_1, %dma_wait3A_46, %dma_wait3A_47] : memref<4x10000x128xf32, #tpu.memory_space<hbm>> -> memref<1x10000x128xf32, #tpu.memory_space<hbm>>
      %dma_wait3A_49 = tpu.memref_squeeze %dma_wait3A_48 : memref<1x10000x128xf32, #tpu.memory_space<hbm>> -> memref<10000x128xf32, #tpu.memory_space<hbm>>
      %dma_wait3A_50 = arith.constant 0 : i32
      %dma_wait3A_51 = arith.constant 0 : i32
      %dma_wait3A_52 = tpu.memref_slice %dma_wait3A_49[%dma_wait3A_50, %dma_wait3A_51] : memref<10000x128xf32, #tpu.memory_space<hbm>> -> memref<10000x128xf32, #tpu.memory_space<hbm>>
      tpu.wait_indirect_dma semaphore(%arg11 : memref<!tpu.dma_semaphore, #tpu.memory_space<semaphore_mem>>) src(%dma_wait3A_52 : memref<10000x128xf32, #tpu.memory_space<hbm>>) dst(%arg9 : memref<128x128xf32, #tpu.memory_space<vmem>>)
      "tpu.region"() ({
        %run_scoped3A = tpu.sem_alloc : memref<!tpu.dma_semaphore, #tpu.memory_space<semaphore_mem>>
        %dma_start3A_53 = arith.constant 0 : i32
        %dma_start3A_54 = tpu.memref_slice %arg8[%scan3A_34, %dma_start3A_53] : memref<79x128xi32, #tpu.memory_space<vmem>> -> memref<1x128xi32, #tpu.memory_space<vmem>>
        %dma_start3A_55 = tpu.memref_squeeze %dma_start3A_54 : memref<1x128xi32, #tpu.memory_space<vmem>> -> memref<128xi32, #tpu.memory_space<vmem>>
        %dma_start3A_56 = arith.constant 0 : i32
        %dma_start3A_57 = arith.constant 0 : i32
        %dma_start3A_58 = tpu.memref_slice %arg10[%dma_start3A_56, %dma_start3A_57] : memref<10240x128xf32, #tpu.memory_space<vmem_shared>> -> memref<10240x128xf32, #tpu.memory_space<vmem_shared>>
        tpu.enqueue_indirect_dma source(%arg9 : memref<128x128xf32, #tpu.memory_space<vmem>>) target(%dma_start3A_58 : memref<10240x128xf32, #tpu.memory_space<vmem_shared>>) offsets(%dma_start3A_55 : memref<128xi32, #tpu.memory_space<vmem>>) semaphore(%run_scoped3A : memref<!tpu.dma_semaphore, #tpu.memory_space<semaphore_mem>>) {add = true}
        %dma_wait3A_59 = arith.constant 0 : i32
        %dma_wait3A_60 = tpu.memref_slice %arg8[%scan3A_34, %dma_wait3A_59] : memref<79x128xi32, #tpu.memory_space<vmem>> -> memref<1x128xi32, #tpu.memory_space<vmem>>
        %dma_wait3A_61 = tpu.memref_squeeze %dma_wait3A_60 : memref<1x128xi32, #tpu.memory_space<vmem>> -> memref<128xi32, #tpu.memory_space<vmem>>
        %dma_wait3A_62 = arith.constant 0 : i32
        %dma_wait3A_63 = arith.constant 0 : i32
        %dma_wait3A_64 = tpu.memref_slice %arg10[%dma_wait3A_62, %dma_wait3A_63] : memref<10240x128xf32, #tpu.memory_space<vmem_shared>> -> memref<10240x128xf32, #tpu.memory_space<vmem_shared>>
        tpu.wait_indirect_dma semaphore(%run_scoped3A : memref<!tpu.dma_semaphore, #tpu.memory_space<semaphore_mem>>) src(%arg9 : memref<128x128xf32, #tpu.memory_space<vmem>>) dst(%dma_wait3A_64 : memref<10240x128xf32, #tpu.memory_space<vmem_shared>>)
        tpu.yield
      }) : () -> ()
    }
    %scan3A_8 = arith.constant 79 : i32
    %barrier3A_9 = arith.constant 0 : index
    tpu.barrier barrier_id(%barrier3A_9)
    %mul3A_10 = arith.constant 624 : i32
    %mul3A_11 = arith.muli %arg1, %mul3A_10 : i32
    %mul3A_12 = arith.constant 624 : i32
    %mul3A_13 = arith.muli %arg1, %mul3A_12 : i32
    "tpu.region"() ({
      %run_scoped3A = tpu.sem_alloc : memref<!tpu.dma_semaphore, #tpu.memory_space<semaphore_mem>>
      %dma_start3A = arith.constant 0 : i32
      %dma_start3A_34 = tpu.memref_slice %arg6[%add3A_1, %mul3A_13, %dma_start3A] : memref<4x10000x128xf32, #tpu.memory_space<hbm>> -> memref<1x640x128xf32, #tpu.memory_space<hbm>>
      %dma_start3A_35 = tpu.memref_squeeze %dma_start3A_34 : memref<1x640x128xf32, #tpu.memory_space<hbm>> -> memref<640x128xf32, #tpu.memory_space<hbm>>
      %dma_start3A_36 = arith.constant 0 : i32
      %dma_start3A_37 = tpu.memref_slice %arg10[%mul3A_11, %dma_start3A_36] : memref<10240x128xf32, #tpu.memory_space<vmem_shared>> -> memref<640x128xf32, #tpu.memory_space<vmem_shared>>
      tpu.enqueue_dma source(%dma_start3A_37 : memref<640x128xf32, #tpu.memory_space<vmem_shared>>) target(%dma_start3A_35 : memref<640x128xf32, #tpu.memory_space<hbm>>) target_semaphore(%run_scoped3A : memref<!tpu.dma_semaphore, #tpu.memory_space<semaphore_mem>>)
      %dma_wait3A = arith.constant 0 : i32
      %dma_wait3A_38 = tpu.memref_slice %arg6[%add3A_1, %mul3A_13, %dma_wait3A] : memref<4x10000x128xf32, #tpu.memory_space<hbm>> -> memref<1x640x128xf32, #tpu.memory_space<hbm>>
      %dma_wait3A_39 = tpu.memref_squeeze %dma_wait3A_38 : memref<1x640x128xf32, #tpu.memory_space<hbm>> -> memref<640x128xf32, #tpu.memory_space<hbm>>
      %dma_wait3A_40 = arith.constant 0 : i32
      %dma_wait3A_41 = tpu.memref_slice %arg10[%mul3A_11, %dma_wait3A_40] : memref<10240x128xf32, #tpu.memory_space<vmem_shared>> -> memref<640x128xf32, #tpu.memory_space<vmem_shared>>
      tpu.wait_dma2 semaphore(%run_scoped3A : memref<!tpu.dma_semaphore, #tpu.memory_space<semaphore_mem>>) src(%dma_wait3A_41 : memref<640x128xf32, #tpu.memory_space<vmem_shared>>) dst(%dma_wait3A_39 : memref<640x128xf32, #tpu.memory_space<hbm>>)
      tpu.yield
    }) : () -> ()
    %barrier3A_14 = arith.constant 0 : index
    tpu.barrier barrier_id(%barrier3A_14)
    %mul3A_15 = arith.constant 2 : i32
    %mul3A_16 = arith.muli %arg0, %mul3A_15 : i32
    %add3A_17 = arith.constant 1 : i32
    %add3A_18 = arith.addi %mul3A_16, %add3A_17 : i32
    %mul3A_19 = arith.constant 640 : i32
    %mul3A_20 = arith.muli %arg1, %mul3A_19 : i32
    "tpu.region"() ({
      %run_scoped3A = tpu.sem_alloc : memref<!tpu.dma_semaphore, #tpu.memory_space<semaphore_mem>>
      %dma_start3A = arith.constant 0 : i32
      %dma_start3A_34 = tpu.memref_slice %arg10[%mul3A_20, %dma_start3A] : memref<10240x128xf32, #tpu.memory_space<vmem_shared>> -> memref<640x128xf32, #tpu.memory_space<vmem_shared>>
      tpu.enqueue_dma source(%arg5 : memref<640x128xf32, #tpu.memory_space<hbm>>) target(%dma_start3A_34 : memref<640x128xf32, #tpu.memory_space<vmem_shared>>) target_semaphore(%run_scoped3A : memref<!tpu.dma_semaphore, #tpu.memory_space<semaphore_mem>>)
      %dma_wait3A = arith.constant 0 : i32
      %dma_wait3A_35 = tpu.memref_slice %arg10[%mul3A_20, %dma_wait3A] : memref<10240x128xf32, #tpu.memory_space<vmem_shared>> -> memref<640x128xf32, #tpu.memory_space<vmem_shared>>
      tpu.wait_dma2 semaphore(%run_scoped3A : memref<!tpu.dma_semaphore, #tpu.memory_space<semaphore_mem>>) src(%arg5 : memref<640x128xf32, #tpu.memory_space<hbm>>) dst(%dma_wait3A_35 : memref<640x128xf32, #tpu.memory_space<vmem_shared>>)
      tpu.yield
    }) : () -> ()
    %barrier3A_21 = arith.constant 0 : index
    tpu.barrier barrier_id(%barrier3A_21)
    %scan3A_22 = arith.constant 0 : i32
    %scan3A_23 = arith.constant 0 : i32
    %scan3A_24 = arith.constant 79 : i32
    %scan3A_25 = arith.addi %scan3A_23, %scan3A_24 : i32
    %scan3A_26 = arith.constant 1 : i32
    scf.for %scan3A_34 = %scan3A_23 to %scan3A_25 step %scan3A_26  : i32 {
      %dma_start3A = arith.constant 0 : i32
      %dma_start3A_35 = tpu.memref_slice %arg7[%scan3A_34, %dma_start3A] : memref<79x128xi32, #tpu.memory_space<vmem>> -> memref<1x128xi32, #tpu.memory_space<vmem>>
      %dma_start3A_36 = tpu.memref_squeeze %dma_start3A_35 : memref<1x128xi32, #tpu.memory_space<vmem>> -> memref<128xi32, #tpu.memory_space<vmem>>
      %dma_start3A_37 = arith.constant 0 : i32
      %dma_start3A_38 = arith.constant 0 : i32
      %dma_start3A_39 = tpu.memref_slice %arg2[%add3A_18, %dma_start3A_37, %dma_start3A_38] : memref<4x10000x128xf32, #tpu.memory_space<hbm>> -> memref<1x10000x128xf32, #tpu.memory_space<hbm>>
      %dma_start3A_40 = tpu.memref_squeeze %dma_start3A_39 : memref<1x10000x128xf32, #tpu.memory_space<hbm>> -> memref<10000x128xf32, #tpu.memory_space<hbm>>
      %dma_start3A_41 = arith.constant 0 : i32
      %dma_start3A_42 = arith.constant 0 : i32
      %dma_start3A_43 = tpu.memref_slice %dma_start3A_40[%dma_start3A_41, %dma_start3A_42] : memref<10000x128xf32, #tpu.memory_space<hbm>> -> memref<10000x128xf32, #tpu.memory_space<hbm>>
      tpu.enqueue_indirect_dma source(%dma_start3A_43 : memref<10000x128xf32, #tpu.memory_space<hbm>>) target(%arg9 : memref<128x128xf32, #tpu.memory_space<vmem>>) offsets(%dma_start3A_36 : memref<128xi32, #tpu.memory_space<vmem>>) semaphore(%arg11 : memref<!tpu.dma_semaphore, #tpu.memory_space<semaphore_mem>>)
      %dma_wait3A = arith.constant 0 : i32
      %dma_wait3A_44 = tpu.memref_slice %arg7[%scan3A_34, %dma_wait3A] : memref<79x128xi32, #tpu.memory_space<vmem>> -> memref<1x128xi32, #tpu.memory_space<vmem>>
      %dma_wait3A_45 = tpu.memref_squeeze %dma_wait3A_44 : memref<1x128xi32, #tpu.memory_space<vmem>> -> memref<128xi32, #tpu.memory_space<vmem>>
      %dma_wait3A_46 = arith.constant 0 : i32
      %dma_wait3A_47 = arith.constant 0 : i32
      %dma_wait3A_48 = tpu.memref_slice %arg2[%add3A_18, %dma_wait3A_46, %dma_wait3A_47] : memref<4x10000x128xf32, #tpu.memory_space<hbm>> -> memref<1x10000x128xf32, #tpu.memory_space<hbm>>
      %dma_wait3A_49 = tpu.memref_squeeze %dma_wait3A_48 : memref<1x10000x128xf32, #tpu.memory_space<hbm>> -> memref<10000x128xf32, #tpu.memory_space<hbm>>
      %dma_wait3A_50 = arith.constant 0 : i32
      %dma_wait3A_51 = arith.constant 0 : i32
      %dma_wait3A_52 = tpu.memref_slice %dma_wait3A_49[%dma_wait3A_50, %dma_wait3A_51] : memref<10000x128xf32, #tpu.memory_space<hbm>> -> memref<10000x128xf32, #tpu.memory_space<hbm>>
      tpu.wait_indirect_dma semaphore(%arg11 : memref<!tpu.dma_semaphore, #tpu.memory_space<semaphore_mem>>) src(%dma_wait3A_52 : memref<10000x128xf32, #tpu.memory_space<hbm>>) dst(%arg9 : memref<128x128xf32, #tpu.memory_space<vmem>>)
      "tpu.region"() ({
        %run_scoped3A = tpu.sem_alloc : memref<!tpu.dma_semaphore, #tpu.memory_space<semaphore_mem>>
        %dma_start3A_53 = arith.constant 0 : i32
        %dma_start3A_54 = tpu.memref_slice %arg8[%scan3A_34, %dma_start3A_53] : memref<79x128xi32, #tpu.memory_space<vmem>> -> memref<1x128xi32, #tpu.memory_space<vmem>>
        %dma_start3A_55 = tpu.memref_squeeze %dma_start3A_54 : memref<1x128xi32, #tpu.memory_space<vmem>> -> memref<128xi32, #tpu.memory_space<vmem>>
        %dma_start3A_56 = arith.constant 0 : i32
        %dma_start3A_57 = arith.constant 0 : i32
        %dma_start3A_58 = tpu.memref_slice %arg10[%dma_start3A_56, %dma_start3A_57] : memref<10240x128xf32, #tpu.memory_space<vmem_shared>> -> memref<10240x128xf32, #tpu.memory_space<vmem_shared>>
        tpu.enqueue_indirect_dma source(%arg9 : memref<128x128xf32, #tpu.memory_space<vmem>>) target(%dma_start3A_58 : memref<10240x128xf32, #tpu.memory_space<vmem_shared>>) offsets(%dma_start3A_55 : memref<128xi32, #tpu.memory_space<vmem>>) semaphore(%run_scoped3A : memref<!tpu.dma_semaphore, #tpu.memory_space<semaphore_mem>>) {add = true}
        %dma_wait3A_59 = arith.constant 0 : i32
        %dma_wait3A_60 = tpu.memref_slice %arg8[%scan3A_34, %dma_wait3A_59] : memref<79x128xi32, #tpu.memory_space<vmem>> -> memref<1x128xi32, #tpu.memory_space<vmem>>
        %dma_wait3A_61 = tpu.memref_squeeze %dma_wait3A_60 : memref<1x128xi32, #tpu.memory_space<vmem>> -> memref<128xi32, #tpu.memory_space<vmem>>
        %dma_wait3A_62 = arith.constant 0 : i32
        %dma_wait3A_63 = arith.constant 0 : i32
        %dma_wait3A_64 = tpu.memref_slice %arg10[%dma_wait3A_62, %dma_wait3A_63] : memref<10240x128xf32, #tpu.memory_space<vmem_shared>> -> memref<10240x128xf32, #tpu.memory_space<vmem_shared>>
        tpu.wait_indirect_dma semaphore(%run_scoped3A : memref<!tpu.dma_semaphore, #tpu.memory_space<semaphore_mem>>) src(%arg9 : memref<128x128xf32, #tpu.memory_space<vmem>>) dst(%dma_wait3A_64 : memref<10240x128xf32, #tpu.memory_space<vmem_shared>>)
        tpu.yield
      }) : () -> ()
    }
    %scan3A_27 = arith.constant 79 : i32
    %barrier3A_28 = arith.constant 0 : index
    tpu.barrier barrier_id(%barrier3A_28)
    %mul3A_29 = arith.constant 624 : i32
    %mul3A_30 = arith.muli %arg1, %mul3A_29 : i32
    %mul3A_31 = arith.constant 624 : i32
    %mul3A_32 = arith.muli %arg1, %mul3A_31 : i32
    "tpu.region"() ({
      %run_scoped3A = tpu.sem_alloc : memref<!tpu.dma_semaphore, #tpu.memory_space<semaphore_mem>>
      %dma_start3A = arith.constant 0 : i32
      %dma_start3A_34 = tpu.memref_slice %arg6[%add3A_18, %mul3A_32, %dma_start3A] : memref<4x10000x128xf32, #tpu.memory_space<hbm>> -> memref<1x640x128xf32, #tpu.memory_space<hbm>>
      %dma_start3A_35 = tpu.memref_squeeze %dma_start3A_34 : memref<1x640x128xf32, #tpu.memory_space<hbm>> -> memref<640x128xf32, #tpu.memory_space<hbm>>
      %dma_start3A_36 = arith.constant 0 : i32
      %dma_start3A_37 = tpu.memref_slice %arg10[%mul3A_30, %dma_start3A_36] : memref<10240x128xf32, #tpu.memory_space<vmem_shared>> -> memref<640x128xf32, #tpu.memory_space<vmem_shared>>
      tpu.enqueue_dma source(%dma_start3A_37 : memref<640x128xf32, #tpu.memory_space<vmem_shared>>) target(%dma_start3A_35 : memref<640x128xf32, #tpu.memory_space<hbm>>) target_semaphore(%run_scoped3A : memref<!tpu.dma_semaphore, #tpu.memory_space<semaphore_mem>>)
      %dma_wait3A = arith.constant 0 : i32
      %dma_wait3A_38 = tpu.memref_slice %arg6[%add3A_18, %mul3A_32, %dma_wait3A] : memref<4x10000x128xf32, #tpu.memory_space<hbm>> -> memref<1x640x128xf32, #tpu.memory_space<hbm>>
      %dma_wait3A_39 = tpu.memref_squeeze %dma_wait3A_38 : memref<1x640x128xf32, #tpu.memory_space<hbm>> -> memref<640x128xf32, #tpu.memory_space<hbm>>
      %dma_wait3A_40 = arith.constant 0 : i32
      %dma_wait3A_41 = tpu.memref_slice %arg10[%mul3A_30, %dma_wait3A_40] : memref<10240x128xf32, #tpu.memory_space<vmem_shared>> -> memref<640x128xf32, #tpu.memory_space<vmem_shared>>
      tpu.wait_dma2 semaphore(%run_scoped3A : memref<!tpu.dma_semaphore, #tpu.memory_space<semaphore_mem>>) src(%dma_wait3A_41 : memref<640x128xf32, #tpu.memory_space<vmem_shared>>) dst(%dma_wait3A_39 : memref<640x128xf32, #tpu.memory_space<hbm>>)
      tpu.yield
    }) : () -> ()
    %barrier3A_33 = arith.constant 0 : index
    tpu.barrier barrier_id(%barrier3A_33)
    return
  }
}

#map = affine_map<(d0, d1) -> (0, 0, 0)>
#map1 = affine_map<(d0, d1) -> (0, 0)>
module attributes {stable_mosaic.version = 14 : i64} {
  func.func @_segsum_body(%arg0: i32, %arg1: i32, %arg2: memref<4x10000x128xf32, #tpu.memory_space<hbm>>, %arg3: memref<16x79x128xi32, #tpu.memory_space<hbm>>, %arg4: memref<16x79x128xi32, #tpu.memory_space<hbm>>, %arg5: memref<640x128xf32, #tpu.memory_space<hbm>>, %arg6: memref<4x10000x128xf32, #tpu.memory_space<hbm>>, %arg7: memref<79x128xi32, #tpu.memory_space<vmem>>, %arg8: memref<79x128xi32, #tpu.memory_space<vmem>>, %arg9: memref<128x128xf32, #tpu.memory_space<vmem>>, %arg10: memref<10240x128xf32, #tpu.memory_space<vmem_shared>>, %arg11: memref<!tpu.dma_semaphore, #tpu.memory_space<semaphore_mem>>) attributes {dimension_semantics = [#tpu.dimension_semantics<core_parallel>, #tpu.dimension_semantics<subcore_parallel>], iteration_bounds = array<i64: 2, 16>, scalar_prefetch = 0 : i64, scratch_operands = 5 : i64, tpu.core_type = #tpu.core_type<sc_vector_subcore>, window_params = [{transform_indices = #map}, {transform_indices = #map}, {transform_indices = #map}, {transform_indices = #map1}, {transform_indices = #map}]} {
    "tpu.region"() ({
      %run_scoped3A = tpu.sem_alloc : memref<!tpu.dma_semaphore, #tpu.memory_space<semaphore_mem>>
      %dma_start3A = arith.constant 0 : i32
      %dma_start3A_34 = arith.constant 0 : i32
      %dma_start3A_35 = tpu.memref_slice %arg3[%arg1, %dma_start3A, %dma_start3A_34] : memref<16x79x128xi32, #tpu.memory_space<hbm>> -> memref<1x79x128xi32, #tpu.memory_space<hbm>>
      %dma_start3A_36 = tpu.memref_squeeze %dma_start3A_35 : memref<1x79x128xi32, #tpu.memory_space<hbm>> -> memref<79x128xi32, #tpu.memory_space<hbm>>
      %dma_start3A_37 = arith.constant 0 : i32
      %dma_start3A_38 = arith.constant 0 : i32
      %dma_start3A_39 = tpu.memref_slice %arg3[%arg1, %dma_start3A_37, %dma_start3A_38] : memref<16x79x128xi32, #tpu.memory_space<hbm>> -> memref<1x79x128xi32, #tpu.memory_space<hbm>>
      %dma_start3A_40 = tpu.memref_squeeze %dma_start3A_39 : memref<1x79x128xi32, #tpu.memory_space<hbm>> -> memref<79x128xi32, #tpu.memory_space<hbm>>
      tpu.enqueue_dma source(%dma_start3A_40 : memref<79x128xi32, #tpu.memory_space<hbm>>) target(%arg7 : memref<79x128xi32, #tpu.memory_space<vmem>>) target_semaphore(%run_scoped3A : memref<!tpu.dma_semaphore, #tpu.memory_space<semaphore_mem>>)
      %dma_wait3A = arith.constant 0 : i32
      %dma_wait3A_41 = arith.constant 0 : i32
      %dma_wait3A_42 = tpu.memref_slice %arg3[%arg1, %dma_wait3A, %dma_wait3A_41] : memref<16x79x128xi32, #tpu.memory_space<hbm>> -> memref<1x79x128xi32, #tpu.memory_space<hbm>>
      %dma_wait3A_43 = tpu.memref_squeeze %dma_wait3A_42 : memref<1x79x128xi32, #tpu.memory_space<hbm>> -> memref<79x128xi32, #tpu.memory_space<hbm>>
      %dma_wait3A_44 = arith.constant 0 : i32
      %dma_wait3A_45 = arith.constant 0 : i32
      %dma_wait3A_46 = tpu.memref_slice %arg3[%arg1, %dma_wait3A_44, %dma_wait3A_45] : memref<16x79x128xi32, #tpu.memory_space<hbm>> -> memref<1x79x128xi32, #tpu.memory_space<hbm>>
      %dma_wait3A_47 = tpu.memref_squeeze %dma_wait3A_46 : memref<1x79x128xi32, #tpu.memory_space<hbm>> -> memref<79x128xi32, #tpu.memory_space<hbm>>
      tpu.wait_dma2 semaphore(%run_scoped3A : memref<!tpu.dma_semaphore, #tpu.memory_space<semaphore_mem>>) src(%dma_wait3A_47 : memref<79x128xi32, #tpu.memory_space<hbm>>) dst(%arg7 : memref<79x128xi32, #tpu.memory_space<vmem>>)
      tpu.yield
    }) : () -> ()
    "tpu.region"() ({
      %run_scoped3A = tpu.sem_alloc : memref<!tpu.dma_semaphore, #tpu.memory_space<semaphore_mem>>
      %dma_start3A = arith.constant 0 : i32
      %dma_start3A_34 = arith.constant 0 : i32
      %dma_start3A_35 = tpu.memref_slice %arg4[%arg1, %dma_start3A, %dma_start3A_34] : memref<16x79x128xi32, #tpu.memory_space<hbm>> -> memref<1x79x128xi32, #tpu.memory_space<hbm>>
      %dma_start3A_36 = tpu.memref_squeeze %dma_start3A_35 : memref<1x79x128xi32, #tpu.memory_space<hbm>> -> memref<79x128xi32, #tpu.memory_space<hbm>>
      %dma_start3A_37 = arith.constant 0 : i32
      %dma_start3A_38 = arith.constant 0 : i32
      %dma_start3A_39 = tpu.memref_slice %arg4[%arg1, %dma_start3A_37, %dma_start3A_38] : memref<16x79x128xi32, #tpu.memory_space<hbm>> -> memref<1x79x128xi32, #tpu.memory_space<hbm>>
      %dma_start3A_40 = tpu.memref_squeeze %dma_start3A_39 : memref<1x79x128xi32, #tpu.memory_space<hbm>> -> memref<79x128xi32, #tpu.memory_space<hbm>>
      tpu.enqueue_dma source(%dma_start3A_40 : memref<79x128xi32, #tpu.memory_space<hbm>>) target(%arg8 : memref<79x128xi32, #tpu.memory_space<vmem>>) target_semaphore(%run_scoped3A : memref<!tpu.dma_semaphore, #tpu.memory_space<semaphore_mem>>)
      %dma_wait3A = arith.constant 0 : i32
      %dma_wait3A_41 = arith.constant 0 : i32
      %dma_wait3A_42 = tpu.memref_slice %arg4[%arg1, %dma_wait3A, %dma_wait3A_41] : memref<16x79x128xi32, #tpu.memory_space<hbm>> -> memref<1x79x128xi32, #tpu.memory_space<hbm>>
      %dma_wait3A_43 = tpu.memref_squeeze %dma_wait3A_42 : memref<1x79x128xi32, #tpu.memory_space<hbm>> -> memref<79x128xi32, #tpu.memory_space<hbm>>
      %dma_wait3A_44 = arith.constant 0 : i32
      %dma_wait3A_45 = arith.constant 0 : i32
      %dma_wait3A_46 = tpu.memref_slice %arg4[%arg1, %dma_wait3A_44, %dma_wait3A_45] : memref<16x79x128xi32, #tpu.memory_space<hbm>> -> memref<1x79x128xi32, #tpu.memory_space<hbm>>
      %dma_wait3A_47 = tpu.memref_squeeze %dma_wait3A_46 : memref<1x79x128xi32, #tpu.memory_space<hbm>> -> memref<79x128xi32, #tpu.memory_space<hbm>>
      tpu.wait_dma2 semaphore(%run_scoped3A : memref<!tpu.dma_semaphore, #tpu.memory_space<semaphore_mem>>) src(%dma_wait3A_47 : memref<79x128xi32, #tpu.memory_space<hbm>>) dst(%arg8 : memref<79x128xi32, #tpu.memory_space<vmem>>)
      tpu.yield
    }) : () -> ()
    %mul3A = arith.constant 2 : i32
    %mul3A_0 = arith.muli %arg0, %mul3A : i32
    %add3A = arith.constant 0 : i32
    %add3A_1 = arith.addi %mul3A_0, %add3A : i32
    %mul3A_2 = arith.constant 640 : i32
    %mul3A_3 = arith.muli %arg1, %mul3A_2 : i32
    "tpu.region"() ({
      %run_scoped3A = tpu.sem_alloc : memref<!tpu.dma_semaphore, #tpu.memory_space<semaphore_mem>>
      %dma_start3A = arith.constant 0 : i32
      %dma_start3A_34 = tpu.memref_slice %arg10[%mul3A_3, %dma_start3A] : memref<10240x128xf32, #tpu.memory_space<vmem_shared>> -> memref<640x128xf32, #tpu.memory_space<vmem_shared>>
      tpu.enqueue_dma source(%arg5 : memref<640x128xf32, #tpu.memory_space<hbm>>) target(%dma_start3A_34 : memref<640x128xf32, #tpu.memory_space<vmem_shared>>) target_semaphore(%run_scoped3A : memref<!tpu.dma_semaphore, #tpu.memory_space<semaphore_mem>>)
      %dma_wait3A = arith.constant 0 : i32
      %dma_wait3A_35 = tpu.memref_slice %arg10[%mul3A_3, %dma_wait3A] : memref<10240x128xf32, #tpu.memory_space<vmem_shared>> -> memref<640x128xf32, #tpu.memory_space<vmem_shared>>
      tpu.wait_dma2 semaphore(%run_scoped3A : memref<!tpu.dma_semaphore, #tpu.memory_space<semaphore_mem>>) src(%arg5 : memref<640x128xf32, #tpu.memory_space<hbm>>) dst(%dma_wait3A_35 : memref<640x128xf32, #tpu.memory_space<vmem_shared>>)
      tpu.yield
    }) : () -> ()
    %barrier3A = arith.constant 0 : index
    tpu.barrier barrier_id(%barrier3A)
    %scan3A = arith.constant 0 : i32
    %scan3A_4 = arith.constant 0 : i32
    %scan3A_5 = arith.constant 79 : i32
    %scan3A_6 = arith.addi %scan3A_4, %scan3A_5 : i32
    %scan3A_7 = arith.constant 1 : i32
    scf.for %scan3A_34 = %scan3A_4 to %scan3A_6 step %scan3A_7  : i32 {
      %dma_start3A = arith.constant 0 : i32
      %dma_start3A_35 = tpu.memref_slice %arg7[%scan3A_34, %dma_start3A] : memref<79x128xi32, #tpu.memory_space<vmem>> -> memref<1x128xi32, #tpu.memory_space<vmem>>
      %dma_start3A_36 = tpu.memref_squeeze %dma_start3A_35 : memref<1x128xi32, #tpu.memory_space<vmem>> -> memref<128xi32, #tpu.memory_space<vmem>>
      %dma_start3A_37 = arith.constant 0 : i32
      %dma_start3A_38 = arith.constant 0 : i32
      %dma_start3A_39 = tpu.memref_slice %arg2[%add3A_1, %dma_start3A_37, %dma_start3A_38] : memref<4x10000x128xf32, #tpu.memory_space<hbm>> -> memref<1x10000x128xf32, #tpu.memory_space<hbm>>
      %dma_start3A_40 = tpu.memref_squeeze %dma_start3A_39 : memref<1x10000x128xf32, #tpu.memory_space<hbm>> -> memref<10000x128xf32, #tpu.memory_space<hbm>>
      %dma_start3A_41 = arith.constant 0 : i32
      %dma_start3A_42 = arith.constant 0 : i32
      %dma_start3A_43 = tpu.memref_slice %dma_start3A_40[%dma_start3A_41, %dma_start3A_42] : memref<10000x128xf32, #tpu.memory_space<hbm>> -> memref<10000x128xf32, #tpu.memory_space<hbm>>
      tpu.enqueue_indirect_dma source(%dma_start3A_43 : memref<10000x128xf32, #tpu.memory_space<hbm>>) target(%arg9 : memref<128x128xf32, #tpu.memory_space<vmem>>) offsets(%dma_start3A_36 : memref<128xi32, #tpu.memory_space<vmem>>) semaphore(%arg11 : memref<!tpu.dma_semaphore, #tpu.memory_space<semaphore_mem>>)
      %dma_wait3A = arith.constant 0 : i32
      %dma_wait3A_44 = tpu.memref_slice %arg7[%scan3A_34, %dma_wait3A] : memref<79x128xi32, #tpu.memory_space<vmem>> -> memref<1x128xi32, #tpu.memory_space<vmem>>
      %dma_wait3A_45 = tpu.memref_squeeze %dma_wait3A_44 : memref<1x128xi32, #tpu.memory_space<vmem>> -> memref<128xi32, #tpu.memory_space<vmem>>
      %dma_wait3A_46 = arith.constant 0 : i32
      %dma_wait3A_47 = arith.constant 0 : i32
      %dma_wait3A_48 = tpu.memref_slice %arg2[%add3A_1, %dma_wait3A_46, %dma_wait3A_47] : memref<4x10000x128xf32, #tpu.memory_space<hbm>> -> memref<1x10000x128xf32, #tpu.memory_space<hbm>>
      %dma_wait3A_49 = tpu.memref_squeeze %dma_wait3A_48 : memref<1x10000x128xf32, #tpu.memory_space<hbm>> -> memref<10000x128xf32, #tpu.memory_space<hbm>>
      %dma_wait3A_50 = arith.constant 0 : i32
      %dma_wait3A_51 = arith.constant 0 : i32
      %dma_wait3A_52 = tpu.memref_slice %dma_wait3A_49[%dma_wait3A_50, %dma_wait3A_51] : memref<10000x128xf32, #tpu.memory_space<hbm>> -> memref<10000x128xf32, #tpu.memory_space<hbm>>
      tpu.wait_indirect_dma semaphore(%arg11 : memref<!tpu.dma_semaphore, #tpu.memory_space<semaphore_mem>>) src(%dma_wait3A_52 : memref<10000x128xf32, #tpu.memory_space<hbm>>) dst(%arg9 : memref<128x128xf32, #tpu.memory_space<vmem>>)
      "tpu.region"() ({
        %run_scoped3A = tpu.sem_alloc : memref<!tpu.dma_semaphore, #tpu.memory_space<semaphore_mem>>
        %dma_start3A_53 = arith.constant 0 : i32
        %dma_start3A_54 = tpu.memref_slice %arg8[%scan3A_34, %dma_start3A_53] : memref<79x128xi32, #tpu.memory_space<vmem>> -> memref<1x128xi32, #tpu.memory_space<vmem>>
        %dma_start3A_55 = tpu.memref_squeeze %dma_start3A_54 : memref<1x128xi32, #tpu.memory_space<vmem>> -> memref<128xi32, #tpu.memory_space<vmem>>
        %dma_start3A_56 = arith.constant 0 : i32
        %dma_start3A_57 = arith.constant 0 : i32
        %dma_start3A_58 = tpu.memref_slice %arg10[%dma_start3A_56, %dma_start3A_57] : memref<10240x128xf32, #tpu.memory_space<vmem_shared>> -> memref<10240x128xf32, #tpu.memory_space<vmem_shared>>
        tpu.enqueue_indirect_dma source(%arg9 : memref<128x128xf32, #tpu.memory_space<vmem>>) target(%dma_start3A_58 : memref<10240x128xf32, #tpu.memory_space<vmem_shared>>) offsets(%dma_start3A_55 : memref<128xi32, #tpu.memory_space<vmem>>) semaphore(%run_scoped3A : memref<!tpu.dma_semaphore, #tpu.memory_space<semaphore_mem>>) {add = true}
        %dma_wait3A_59 = arith.constant 0 : i32
        %dma_wait3A_60 = tpu.memref_slice %arg8[%scan3A_34, %dma_wait3A_59] : memref<79x128xi32, #tpu.memory_space<vmem>> -> memref<1x128xi32, #tpu.memory_space<vmem>>
        %dma_wait3A_61 = tpu.memref_squeeze %dma_wait3A_60 : memref<1x128xi32, #tpu.memory_space<vmem>> -> memref<128xi32, #tpu.memory_space<vmem>>
        %dma_wait3A_62 = arith.constant 0 : i32
        %dma_wait3A_63 = arith.constant 0 : i32
        %dma_wait3A_64 = tpu.memref_slice %arg10[%dma_wait3A_62, %dma_wait3A_63] : memref<10240x128xf32, #tpu.memory_space<vmem_shared>> -> memref<10240x128xf32, #tpu.memory_space<vmem_shared>>
        tpu.wait_indirect_dma semaphore(%run_scoped3A : memref<!tpu.dma_semaphore, #tpu.memory_space<semaphore_mem>>) src(%arg9 : memref<128x128xf32, #tpu.memory_space<vmem>>) dst(%dma_wait3A_64 : memref<10240x128xf32, #tpu.memory_space<vmem_shared>>)
        tpu.yield
      }) : () -> ()
    }
    %scan3A_8 = arith.constant 79 : i32
    %barrier3A_9 = arith.constant 0 : index
    tpu.barrier barrier_id(%barrier3A_9)
    %mul3A_10 = arith.constant 624 : i32
    %mul3A_11 = arith.muli %arg1, %mul3A_10 : i32
    %mul3A_12 = arith.constant 624 : i32
    %mul3A_13 = arith.muli %arg1, %mul3A_12 : i32
    "tpu.region"() ({
      %run_scoped3A = tpu.sem_alloc : memref<!tpu.dma_semaphore, #tpu.memory_space<semaphore_mem>>
      %dma_start3A = arith.constant 0 : i32
      %dma_start3A_34 = tpu.memref_slice %arg6[%add3A_1, %mul3A_13, %dma_start3A] : memref<4x10000x128xf32, #tpu.memory_space<hbm>> -> memref<1x640x128xf32, #tpu.memory_space<hbm>>
      %dma_start3A_35 = tpu.memref_squeeze %dma_start3A_34 : memref<1x640x128xf32, #tpu.memory_space<hbm>> -> memref<640x128xf32, #tpu.memory_space<hbm>>
      %dma_start3A_36 = arith.constant 0 : i32
      %dma_start3A_37 = tpu.memref_slice %arg10[%mul3A_11, %dma_start3A_36] : memref<10240x128xf32, #tpu.memory_space<vmem_shared>> -> memref<640x128xf32, #tpu.memory_space<vmem_shared>>
      tpu.enqueue_dma source(%dma_start3A_37 : memref<640x128xf32, #tpu.memory_space<vmem_shared>>) target(%dma_start3A_35 : memref<640x128xf32, #tpu.memory_space<hbm>>) target_semaphore(%run_scoped3A : memref<!tpu.dma_semaphore, #tpu.memory_space<semaphore_mem>>)
      %dma_wait3A = arith.constant 0 : i32
      %dma_wait3A_38 = tpu.memref_slice %arg6[%add3A_1, %mul3A_13, %dma_wait3A] : memref<4x10000x128xf32, #tpu.memory_space<hbm>> -> memref<1x640x128xf32, #tpu.memory_space<hbm>>
      %dma_wait3A_39 = tpu.memref_squeeze %dma_wait3A_38 : memref<1x640x128xf32, #tpu.memory_space<hbm>> -> memref<640x128xf32, #tpu.memory_space<hbm>>
      %dma_wait3A_40 = arith.constant 0 : i32
      %dma_wait3A_41 = tpu.memref_slice %arg10[%mul3A_11, %dma_wait3A_40] : memref<10240x128xf32, #tpu.memory_space<vmem_shared>> -> memref<640x128xf32, #tpu.memory_space<vmem_shared>>
      tpu.wait_dma2 semaphore(%run_scoped3A : memref<!tpu.dma_semaphore, #tpu.memory_space<semaphore_mem>>) src(%dma_wait3A_41 : memref<640x128xf32, #tpu.memory_space<vmem_shared>>) dst(%dma_wait3A_39 : memref<640x128xf32, #tpu.memory_space<hbm>>)
      tpu.yield
    }) : () -> ()
    %barrier3A_14 = arith.constant 0 : index
    tpu.barrier barrier_id(%barrier3A_14)
    %mul3A_15 = arith.constant 2 : i32
    %mul3A_16 = arith.muli %arg0, %mul3A_15 : i32
    %add3A_17 = arith.constant 1 : i32
    %add3A_18 = arith.addi %mul3A_16, %add3A_17 : i32
    %mul3A_19 = arith.constant 640 : i32
    %mul3A_20 = arith.muli %arg1, %mul3A_19 : i32
    "tpu.region"() ({
      %run_scoped3A = tpu.sem_alloc : memref<!tpu.dma_semaphore, #tpu.memory_space<semaphore_mem>>
      %dma_start3A = arith.constant 0 : i32
      %dma_start3A_34 = tpu.memref_slice %arg10[%mul3A_20, %dma_start3A] : memref<10240x128xf32, #tpu.memory_space<vmem_shared>> -> memref<640x128xf32, #tpu.memory_space<vmem_shared>>
      tpu.enqueue_dma source(%arg5 : memref<640x128xf32, #tpu.memory_space<hbm>>) target(%dma_start3A_34 : memref<640x128xf32, #tpu.memory_space<vmem_shared>>) target_semaphore(%run_scoped3A : memref<!tpu.dma_semaphore, #tpu.memory_space<semaphore_mem>>)
      %dma_wait3A = arith.constant 0 : i32
      %dma_wait3A_35 = tpu.memref_slice %arg10[%mul3A_20, %dma_wait3A] : memref<10240x128xf32, #tpu.memory_space<vmem_shared>> -> memref<640x128xf32, #tpu.memory_space<vmem_shared>>
      tpu.wait_dma2 semaphore(%run_scoped3A : memref<!tpu.dma_semaphore, #tpu.memory_space<semaphore_mem>>) src(%arg5 : memref<640x128xf32, #tpu.memory_space<hbm>>) dst(%dma_wait3A_35 : memref<640x128xf32, #tpu.memory_space<vmem_shared>>)
      tpu.yield
    }) : () -> ()
    %barrier3A_21 = arith.constant 0 : index
    tpu.barrier barrier_id(%barrier3A_21)
    %scan3A_22 = arith.constant 0 : i32
    %scan3A_23 = arith.constant 0 : i32
    %scan3A_24 = arith.constant 79 : i32
    %scan3A_25 = arith.addi %scan3A_23, %scan3A_24 : i32
    %scan3A_26 = arith.constant 1 : i32
    scf.for %scan3A_34 = %scan3A_23 to %scan3A_25 step %scan3A_26  : i32 {
      %dma_start3A = arith.constant 0 : i32
      %dma_start3A_35 = tpu.memref_slice %arg7[%scan3A_34, %dma_start3A] : memref<79x128xi32, #tpu.memory_space<vmem>> -> memref<1x128xi32, #tpu.memory_space<vmem>>
      %dma_start3A_36 = tpu.memref_squeeze %dma_start3A_35 : memref<1x128xi32, #tpu.memory_space<vmem>> -> memref<128xi32, #tpu.memory_space<vmem>>
      %dma_start3A_37 = arith.constant 0 : i32
      %dma_start3A_38 = arith.constant 0 : i32
      %dma_start3A_39 = tpu.memref_slice %arg2[%add3A_18, %dma_start3A_37, %dma_start3A_38] : memref<4x10000x128xf32, #tpu.memory_space<hbm>> -> memref<1x10000x128xf32, #tpu.memory_space<hbm>>
      %dma_start3A_40 = tpu.memref_squeeze %dma_start3A_39 : memref<1x10000x128xf32, #tpu.memory_space<hbm>> -> memref<10000x128xf32, #tpu.memory_space<hbm>>
      %dma_start3A_41 = arith.constant 0 : i32
      %dma_start3A_42 = arith.constant 0 : i32
      %dma_start3A_43 = tpu.memref_slice %dma_start3A_40[%dma_start3A_41, %dma_start3A_42] : memref<10000x128xf32, #tpu.memory_space<hbm>> -> memref<10000x128xf32, #tpu.memory_space<hbm>>
      tpu.enqueue_indirect_dma source(%dma_start3A_43 : memref<10000x128xf32, #tpu.memory_space<hbm>>) target(%arg9 : memref<128x128xf32, #tpu.memory_space<vmem>>) offsets(%dma_start3A_36 : memref<128xi32, #tpu.memory_space<vmem>>) semaphore(%arg11 : memref<!tpu.dma_semaphore, #tpu.memory_space<semaphore_mem>>)
      %dma_wait3A = arith.constant 0 : i32
      %dma_wait3A_44 = tpu.memref_slice %arg7[%scan3A_34, %dma_wait3A] : memref<79x128xi32, #tpu.memory_space<vmem>> -> memref<1x128xi32, #tpu.memory_space<vmem>>
      %dma_wait3A_45 = tpu.memref_squeeze %dma_wait3A_44 : memref<1x128xi32, #tpu.memory_space<vmem>> -> memref<128xi32, #tpu.memory_space<vmem>>
      %dma_wait3A_46 = arith.constant 0 : i32
      %dma_wait3A_47 = arith.constant 0 : i32
      %dma_wait3A_48 = tpu.memref_slice %arg2[%add3A_18, %dma_wait3A_46, %dma_wait3A_47] : memref<4x10000x128xf32, #tpu.memory_space<hbm>> -> memref<1x10000x128xf32, #tpu.memory_space<hbm>>
      %dma_wait3A_49 = tpu.memref_squeeze %dma_wait3A_48 : memref<1x10000x128xf32, #tpu.memory_space<hbm>> -> memref<10000x128xf32, #tpu.memory_space<hbm>>
      %dma_wait3A_50 = arith.constant 0 : i32
      %dma_wait3A_51 = arith.constant 0 : i32
      %dma_wait3A_52 = tpu.memref_slice %dma_wait3A_49[%dma_wait3A_50, %dma_wait3A_51] : memref<10000x128xf32, #tpu.memory_space<hbm>> -> memref<10000x128xf32, #tpu.memory_space<hbm>>
      tpu.wait_indirect_dma semaphore(%arg11 : memref<!tpu.dma_semaphore, #tpu.memory_space<semaphore_mem>>) src(%dma_wait3A_52 : memref<10000x128xf32, #tpu.memory_space<hbm>>) dst(%arg9 : memref<128x128xf32, #tpu.memory_space<vmem>>)
      "tpu.region"() ({
        %run_scoped3A = tpu.sem_alloc : memref<!tpu.dma_semaphore, #tpu.memory_space<semaphore_mem>>
        %dma_start3A_53 = arith.constant 0 : i32
        %dma_start3A_54 = tpu.memref_slice %arg8[%scan3A_34, %dma_start3A_53] : memref<79x128xi32, #tpu.memory_space<vmem>> -> memref<1x128xi32, #tpu.memory_space<vmem>>
        %dma_start3A_55 = tpu.memref_squeeze %dma_start3A_54 : memref<1x128xi32, #tpu.memory_space<vmem>> -> memref<128xi32, #tpu.memory_space<vmem>>
        %dma_start3A_56 = arith.constant 0 : i32
        %dma_start3A_57 = arith.constant 0 : i32
        %dma_start3A_58 = tpu.memref_slice %arg10[%dma_start3A_56, %dma_start3A_57] : memref<10240x128xf32, #tpu.memory_space<vmem_shared>> -> memref<10240x128xf32, #tpu.memory_space<vmem_shared>>
        tpu.enqueue_indirect_dma source(%arg9 : memref<128x128xf32, #tpu.memory_space<vmem>>) target(%dma_start3A_58 : memref<10240x128xf32, #tpu.memory_space<vmem_shared>>) offsets(%dma_start3A_55 : memref<128xi32, #tpu.memory_space<vmem>>) semaphore(%run_scoped3A : memref<!tpu.dma_semaphore, #tpu.memory_space<semaphore_mem>>) {add = true}
        %dma_wait3A_59 = arith.constant 0 : i32
        %dma_wait3A_60 = tpu.memref_slice %arg8[%scan3A_34, %dma_wait3A_59] : memref<79x128xi32, #tpu.memory_space<vmem>> -> memref<1x128xi32, #tpu.memory_space<vmem>>
        %dma_wait3A_61 = tpu.memref_squeeze %dma_wait3A_60 : memref<1x128xi32, #tpu.memory_space<vmem>> -> memref<128xi32, #tpu.memory_space<vmem>>
        %dma_wait3A_62 = arith.constant 0 : i32
        %dma_wait3A_63 = arith.constant 0 : i32
        %dma_wait3A_64 = tpu.memref_slice %arg10[%dma_wait3A_62, %dma_wait3A_63] : memref<10240x128xf32, #tpu.memory_space<vmem_shared>> -> memref<10240x128xf32, #tpu.memory_space<vmem_shared>>
        tpu.wait_indirect_dma semaphore(%run_scoped3A : memref<!tpu.dma_semaphore, #tpu.memory_space<semaphore_mem>>) src(%arg9 : memref<128x128xf32, #tpu.memory_space<vmem>>) dst(%dma_wait3A_64 : memref<10240x128xf32, #tpu.memory_space<vmem_shared>>)
        tpu.yield
      }) : () -> ()
    }
    %scan3A_27 = arith.constant 79 : i32
    %barrier3A_28 = arith.constant 0 : index
    tpu.barrier barrier_id(%barrier3A_28)
    %mul3A_29 = arith.constant 624 : i32
    %mul3A_30 = arith.muli %arg1, %mul3A_29 : i32
    %mul3A_31 = arith.constant 624 : i32
    %mul3A_32 = arith.muli %arg1, %mul3A_31 : i32
    "tpu.region"() ({
      %run_scoped3A = tpu.sem_alloc : memref<!tpu.dma_semaphore, #tpu.memory_space<semaphore_mem>>
      %dma_start3A = arith.constant 0 : i32
      %dma_start3A_34 = tpu.memref_slice %arg6[%add3A_18, %mul3A_32, %dma_start3A] : memref<4x10000x128xf32, #tpu.memory_space<hbm>> -> memref<1x640x128xf32, #tpu.memory_space<hbm>>
      %dma_start3A_35 = tpu.memref_squeeze %dma_start3A_34 : memref<1x640x128xf32, #tpu.memory_space<hbm>> -> memref<640x128xf32, #tpu.memory_space<hbm>>
      %dma_start3A_36 = arith.constant 0 : i32
      %dma_start3A_37 = tpu.memref_slice %arg10[%mul3A_30, %dma_start3A_36] : memref<10240x128xf32, #tpu.memory_space<vmem_shared>> -> memref<640x128xf32, #tpu.memory_space<vmem_shared>>
      tpu.enqueue_dma source(%dma_start3A_37 : memref<640x128xf32, #tpu.memory_space<vmem_shared>>) target(%dma_start3A_35 : memref<640x128xf32, #tpu.memory_space<hbm>>) target_semaphore(%run_scoped3A : memref<!tpu.dma_semaphore, #tpu.memory_space<semaphore_mem>>)
      %dma_wait3A = arith.constant 0 : i32
      %dma_wait3A_38 = tpu.memref_slice %arg6[%add3A_18, %mul3A_32, %dma_wait3A] : memref<4x10000x128xf32, #tpu.memory_space<hbm>> -> memref<1x640x128xf32, #tpu.memory_space<hbm>>
      %dma_wait3A_39 = tpu.memref_squeeze %dma_wait3A_38 : memref<1x640x128xf32, #tpu.memory_space<hbm>> -> memref<640x128xf32, #tpu.memory_space<hbm>>
      %dma_wait3A_40 = arith.constant 0 : i32
      %dma_wait3A_41 = tpu.memref_slice %arg10[%mul3A_30, %dma_wait3A_40] : memref<10240x128xf32, #tpu.memory_space<vmem_shared>> -> memref<640x128xf32, #tpu.memory_space<vmem_shared>>
      tpu.wait_dma2 semaphore(%run_scoped3A : memref<!tpu.dma_semaphore, #tpu.memory_space<semaphore_mem>>) src(%dma_wait3A_41 : memref<640x128xf32, #tpu.memory_space<vmem_shared>>) dst(%dma_wait3A_39 : memref<640x128xf32, #tpu.memory_space<hbm>>)
      tpu.yield
    }) : () -> ()
    %barrier3A_33 = arith.constant 0 : index
    tpu.barrier barrier_id(%barrier3A_33)
    return
  }
}

#map = affine_map<(d0, d1) -> (0, 0, 0)>
#map1 = affine_map<(d0, d1) -> (0, 0)>
module attributes {stable_mosaic.version = 14 : i64} {
  func.func @_segsum_body(%arg0: i32, %arg1: i32, %arg2: memref<4x10000x128xf32, #tpu.memory_space<hbm>>, %arg3: memref<16x79x128xi32, #tpu.memory_space<hbm>>, %arg4: memref<16x79x128xi32, #tpu.memory_space<hbm>>, %arg5: memref<640x128xf32, #tpu.memory_space<hbm>>, %arg6: memref<4x10000x128xf32, #tpu.memory_space<hbm>>, %arg7: memref<79x128xi32, #tpu.memory_space<vmem>>, %arg8: memref<79x128xi32, #tpu.memory_space<vmem>>, %arg9: memref<128x128xf32, #tpu.memory_space<vmem>>, %arg10: memref<10240x128xf32, #tpu.memory_space<vmem_shared>>, %arg11: memref<!tpu.dma_semaphore, #tpu.memory_space<semaphore_mem>>) attributes {dimension_semantics = [#tpu.dimension_semantics<core_parallel>, #tpu.dimension_semantics<subcore_parallel>], iteration_bounds = array<i64: 2, 16>, scalar_prefetch = 0 : i64, scratch_operands = 5 : i64, tpu.core_type = #tpu.core_type<sc_vector_subcore>, window_params = [{transform_indices = #map}, {transform_indices = #map}, {transform_indices = #map}, {transform_indices = #map1}, {transform_indices = #map}]} {
    "tpu.region"() ({
      %run_scoped3A = tpu.sem_alloc : memref<!tpu.dma_semaphore, #tpu.memory_space<semaphore_mem>>
      %dma_start3A = arith.constant 0 : i32
      %dma_start3A_34 = arith.constant 0 : i32
      %dma_start3A_35 = tpu.memref_slice %arg3[%arg1, %dma_start3A, %dma_start3A_34] : memref<16x79x128xi32, #tpu.memory_space<hbm>> -> memref<1x79x128xi32, #tpu.memory_space<hbm>>
      %dma_start3A_36 = tpu.memref_squeeze %dma_start3A_35 : memref<1x79x128xi32, #tpu.memory_space<hbm>> -> memref<79x128xi32, #tpu.memory_space<hbm>>
      %dma_start3A_37 = arith.constant 0 : i32
      %dma_start3A_38 = arith.constant 0 : i32
      %dma_start3A_39 = tpu.memref_slice %arg3[%arg1, %dma_start3A_37, %dma_start3A_38] : memref<16x79x128xi32, #tpu.memory_space<hbm>> -> memref<1x79x128xi32, #tpu.memory_space<hbm>>
      %dma_start3A_40 = tpu.memref_squeeze %dma_start3A_39 : memref<1x79x128xi32, #tpu.memory_space<hbm>> -> memref<79x128xi32, #tpu.memory_space<hbm>>
      tpu.enqueue_dma source(%dma_start3A_40 : memref<79x128xi32, #tpu.memory_space<hbm>>) target(%arg7 : memref<79x128xi32, #tpu.memory_space<vmem>>) target_semaphore(%run_scoped3A : memref<!tpu.dma_semaphore, #tpu.memory_space<semaphore_mem>>)
      %dma_wait3A = arith.constant 0 : i32
      %dma_wait3A_41 = arith.constant 0 : i32
      %dma_wait3A_42 = tpu.memref_slice %arg3[%arg1, %dma_wait3A, %dma_wait3A_41] : memref<16x79x128xi32, #tpu.memory_space<hbm>> -> memref<1x79x128xi32, #tpu.memory_space<hbm>>
      %dma_wait3A_43 = tpu.memref_squeeze %dma_wait3A_42 : memref<1x79x128xi32, #tpu.memory_space<hbm>> -> memref<79x128xi32, #tpu.memory_space<hbm>>
      %dma_wait3A_44 = arith.constant 0 : i32
      %dma_wait3A_45 = arith.constant 0 : i32
      %dma_wait3A_46 = tpu.memref_slice %arg3[%arg1, %dma_wait3A_44, %dma_wait3A_45] : memref<16x79x128xi32, #tpu.memory_space<hbm>> -> memref<1x79x128xi32, #tpu.memory_space<hbm>>
      %dma_wait3A_47 = tpu.memref_squeeze %dma_wait3A_46 : memref<1x79x128xi32, #tpu.memory_space<hbm>> -> memref<79x128xi32, #tpu.memory_space<hbm>>
      tpu.wait_dma2 semaphore(%run_scoped3A : memref<!tpu.dma_semaphore, #tpu.memory_space<semaphore_mem>>) src(%dma_wait3A_47 : memref<79x128xi32, #tpu.memory_space<hbm>>) dst(%arg7 : memref<79x128xi32, #tpu.memory_space<vmem>>)
      tpu.yield
    }) : () -> ()
    "tpu.region"() ({
      %run_scoped3A = tpu.sem_alloc : memref<!tpu.dma_semaphore, #tpu.memory_space<semaphore_mem>>
      %dma_start3A = arith.constant 0 : i32
      %dma_start3A_34 = arith.constant 0 : i32
      %dma_start3A_35 = tpu.memref_slice %arg4[%arg1, %dma_start3A, %dma_start3A_34] : memref<16x79x128xi32, #tpu.memory_space<hbm>> -> memref<1x79x128xi32, #tpu.memory_space<hbm>>
      %dma_start3A_36 = tpu.memref_squeeze %dma_start3A_35 : memref<1x79x128xi32, #tpu.memory_space<hbm>> -> memref<79x128xi32, #tpu.memory_space<hbm>>
      %dma_start3A_37 = arith.constant 0 : i32
      %dma_start3A_38 = arith.constant 0 : i32
      %dma_start3A_39 = tpu.memref_slice %arg4[%arg1, %dma_start3A_37, %dma_start3A_38] : memref<16x79x128xi32, #tpu.memory_space<hbm>> -> memref<1x79x128xi32, #tpu.memory_space<hbm>>
      %dma_start3A_40 = tpu.memref_squeeze %dma_start3A_39 : memref<1x79x128xi32, #tpu.memory_space<hbm>> -> memref<79x128xi32, #tpu.memory_space<hbm>>
      tpu.enqueue_dma source(%dma_start3A_40 : memref<79x128xi32, #tpu.memory_space<hbm>>) target(%arg8 : memref<79x128xi32, #tpu.memory_space<vmem>>) target_semaphore(%run_scoped3A : memref<!tpu.dma_semaphore, #tpu.memory_space<semaphore_mem>>)
      %dma_wait3A = arith.constant 0 : i32
      %dma_wait3A_41 = arith.constant 0 : i32
      %dma_wait3A_42 = tpu.memref_slice %arg4[%arg1, %dma_wait3A, %dma_wait3A_41] : memref<16x79x128xi32, #tpu.memory_space<hbm>> -> memref<1x79x128xi32, #tpu.memory_space<hbm>>
      %dma_wait3A_43 = tpu.memref_squeeze %dma_wait3A_42 : memref<1x79x128xi32, #tpu.memory_space<hbm>> -> memref<79x128xi32, #tpu.memory_space<hbm>>
      %dma_wait3A_44 = arith.constant 0 : i32
      %dma_wait3A_45 = arith.constant 0 : i32
      %dma_wait3A_46 = tpu.memref_slice %arg4[%arg1, %dma_wait3A_44, %dma_wait3A_45] : memref<16x79x128xi32, #tpu.memory_space<hbm>> -> memref<1x79x128xi32, #tpu.memory_space<hbm>>
      %dma_wait3A_47 = tpu.memref_squeeze %dma_wait3A_46 : memref<1x79x128xi32, #tpu.memory_space<hbm>> -> memref<79x128xi32, #tpu.memory_space<hbm>>
      tpu.wait_dma2 semaphore(%run_scoped3A : memref<!tpu.dma_semaphore, #tpu.memory_space<semaphore_mem>>) src(%dma_wait3A_47 : memref<79x128xi32, #tpu.memory_space<hbm>>) dst(%arg8 : memref<79x128xi32, #tpu.memory_space<vmem>>)
      tpu.yield
    }) : () -> ()
    %mul3A = arith.constant 2 : i32
    %mul3A_0 = arith.muli %arg0, %mul3A : i32
    %add3A = arith.constant 0 : i32
    %add3A_1 = arith.addi %mul3A_0, %add3A : i32
    %mul3A_2 = arith.constant 640 : i32
    %mul3A_3 = arith.muli %arg1, %mul3A_2 : i32
    "tpu.region"() ({
      %run_scoped3A = tpu.sem_alloc : memref<!tpu.dma_semaphore, #tpu.memory_space<semaphore_mem>>
      %dma_start3A = arith.constant 0 : i32
      %dma_start3A_34 = tpu.memref_slice %arg10[%mul3A_3, %dma_start3A] : memref<10240x128xf32, #tpu.memory_space<vmem_shared>> -> memref<640x128xf32, #tpu.memory_space<vmem_shared>>
      tpu.enqueue_dma source(%arg5 : memref<640x128xf32, #tpu.memory_space<hbm>>) target(%dma_start3A_34 : memref<640x128xf32, #tpu.memory_space<vmem_shared>>) target_semaphore(%run_scoped3A : memref<!tpu.dma_semaphore, #tpu.memory_space<semaphore_mem>>)
      %dma_wait3A = arith.constant 0 : i32
      %dma_wait3A_35 = tpu.memref_slice %arg10[%mul3A_3, %dma_wait3A] : memref<10240x128xf32, #tpu.memory_space<vmem_shared>> -> memref<640x128xf32, #tpu.memory_space<vmem_shared>>
      tpu.wait_dma2 semaphore(%run_scoped3A : memref<!tpu.dma_semaphore, #tpu.memory_space<semaphore_mem>>) src(%arg5 : memref<640x128xf32, #tpu.memory_space<hbm>>) dst(%dma_wait3A_35 : memref<640x128xf32, #tpu.memory_space<vmem_shared>>)
      tpu.yield
    }) : () -> ()
    %barrier3A = arith.constant 0 : index
    tpu.barrier barrier_id(%barrier3A)
    %scan3A = arith.constant 0 : i32
    %scan3A_4 = arith.constant 0 : i32
    %scan3A_5 = arith.constant 79 : i32
    %scan3A_6 = arith.addi %scan3A_4, %scan3A_5 : i32
    %scan3A_7 = arith.constant 1 : i32
    scf.for %scan3A_34 = %scan3A_4 to %scan3A_6 step %scan3A_7  : i32 {
      %dma_start3A = arith.constant 0 : i32
      %dma_start3A_35 = tpu.memref_slice %arg7[%scan3A_34, %dma_start3A] : memref<79x128xi32, #tpu.memory_space<vmem>> -> memref<1x128xi32, #tpu.memory_space<vmem>>
      %dma_start3A_36 = tpu.memref_squeeze %dma_start3A_35 : memref<1x128xi32, #tpu.memory_space<vmem>> -> memref<128xi32, #tpu.memory_space<vmem>>
      %dma_start3A_37 = arith.constant 0 : i32
      %dma_start3A_38 = arith.constant 0 : i32
      %dma_start3A_39 = tpu.memref_slice %arg2[%add3A_1, %dma_start3A_37, %dma_start3A_38] : memref<4x10000x128xf32, #tpu.memory_space<hbm>> -> memref<1x10000x128xf32, #tpu.memory_space<hbm>>
      %dma_start3A_40 = tpu.memref_squeeze %dma_start3A_39 : memref<1x10000x128xf32, #tpu.memory_space<hbm>> -> memref<10000x128xf32, #tpu.memory_space<hbm>>
      %dma_start3A_41 = arith.constant 0 : i32
      %dma_start3A_42 = arith.constant 0 : i32
      %dma_start3A_43 = tpu.memref_slice %dma_start3A_40[%dma_start3A_41, %dma_start3A_42] : memref<10000x128xf32, #tpu.memory_space<hbm>> -> memref<10000x128xf32, #tpu.memory_space<hbm>>
      tpu.enqueue_indirect_dma source(%dma_start3A_43 : memref<10000x128xf32, #tpu.memory_space<hbm>>) target(%arg9 : memref<128x128xf32, #tpu.memory_space<vmem>>) offsets(%dma_start3A_36 : memref<128xi32, #tpu.memory_space<vmem>>) semaphore(%arg11 : memref<!tpu.dma_semaphore, #tpu.memory_space<semaphore_mem>>)
      %dma_wait3A = arith.constant 0 : i32
      %dma_wait3A_44 = tpu.memref_slice %arg7[%scan3A_34, %dma_wait3A] : memref<79x128xi32, #tpu.memory_space<vmem>> -> memref<1x128xi32, #tpu.memory_space<vmem>>
      %dma_wait3A_45 = tpu.memref_squeeze %dma_wait3A_44 : memref<1x128xi32, #tpu.memory_space<vmem>> -> memref<128xi32, #tpu.memory_space<vmem>>
      %dma_wait3A_46 = arith.constant 0 : i32
      %dma_wait3A_47 = arith.constant 0 : i32
      %dma_wait3A_48 = tpu.memref_slice %arg2[%add3A_1, %dma_wait3A_46, %dma_wait3A_47] : memref<4x10000x128xf32, #tpu.memory_space<hbm>> -> memref<1x10000x128xf32, #tpu.memory_space<hbm>>
      %dma_wait3A_49 = tpu.memref_squeeze %dma_wait3A_48 : memref<1x10000x128xf32, #tpu.memory_space<hbm>> -> memref<10000x128xf32, #tpu.memory_space<hbm>>
      %dma_wait3A_50 = arith.constant 0 : i32
      %dma_wait3A_51 = arith.constant 0 : i32
      %dma_wait3A_52 = tpu.memref_slice %dma_wait3A_49[%dma_wait3A_50, %dma_wait3A_51] : memref<10000x128xf32, #tpu.memory_space<hbm>> -> memref<10000x128xf32, #tpu.memory_space<hbm>>
      tpu.wait_indirect_dma semaphore(%arg11 : memref<!tpu.dma_semaphore, #tpu.memory_space<semaphore_mem>>) src(%dma_wait3A_52 : memref<10000x128xf32, #tpu.memory_space<hbm>>) dst(%arg9 : memref<128x128xf32, #tpu.memory_space<vmem>>)
      "tpu.region"() ({
        %run_scoped3A = tpu.sem_alloc : memref<!tpu.dma_semaphore, #tpu.memory_space<semaphore_mem>>
        %dma_start3A_53 = arith.constant 0 : i32
        %dma_start3A_54 = tpu.memref_slice %arg8[%scan3A_34, %dma_start3A_53] : memref<79x128xi32, #tpu.memory_space<vmem>> -> memref<1x128xi32, #tpu.memory_space<vmem>>
        %dma_start3A_55 = tpu.memref_squeeze %dma_start3A_54 : memref<1x128xi32, #tpu.memory_space<vmem>> -> memref<128xi32, #tpu.memory_space<vmem>>
        %dma_start3A_56 = arith.constant 0 : i32
        %dma_start3A_57 = arith.constant 0 : i32
        %dma_start3A_58 = tpu.memref_slice %arg10[%dma_start3A_56, %dma_start3A_57] : memref<10240x128xf32, #tpu.memory_space<vmem_shared>> -> memref<10240x128xf32, #tpu.memory_space<vmem_shared>>
        tpu.enqueue_indirect_dma source(%arg9 : memref<128x128xf32, #tpu.memory_space<vmem>>) target(%dma_start3A_58 : memref<10240x128xf32, #tpu.memory_space<vmem_shared>>) offsets(%dma_start3A_55 : memref<128xi32, #tpu.memory_space<vmem>>) semaphore(%run_scoped3A : memref<!tpu.dma_semaphore, #tpu.memory_space<semaphore_mem>>) {add = true}
        %dma_wait3A_59 = arith.constant 0 : i32
        %dma_wait3A_60 = tpu.memref_slice %arg8[%scan3A_34, %dma_wait3A_59] : memref<79x128xi32, #tpu.memory_space<vmem>> -> memref<1x128xi32, #tpu.memory_space<vmem>>
        %dma_wait3A_61 = tpu.memref_squeeze %dma_wait3A_60 : memref<1x128xi32, #tpu.memory_space<vmem>> -> memref<128xi32, #tpu.memory_space<vmem>>
        %dma_wait3A_62 = arith.constant 0 : i32
        %dma_wait3A_63 = arith.constant 0 : i32
        %dma_wait3A_64 = tpu.memref_slice %arg10[%dma_wait3A_62, %dma_wait3A_63] : memref<10240x128xf32, #tpu.memory_space<vmem_shared>> -> memref<10240x128xf32, #tpu.memory_space<vmem_shared>>
        tpu.wait_indirect_dma semaphore(%run_scoped3A : memref<!tpu.dma_semaphore, #tpu.memory_space<semaphore_mem>>) src(%arg9 : memref<128x128xf32, #tpu.memory_space<vmem>>) dst(%dma_wait3A_64 : memref<10240x128xf32, #tpu.memory_space<vmem_shared>>)
        tpu.yield
      }) : () -> ()
    }
    %scan3A_8 = arith.constant 79 : i32
    %barrier3A_9 = arith.constant 0 : index
    tpu.barrier barrier_id(%barrier3A_9)
    %mul3A_10 = arith.constant 624 : i32
    %mul3A_11 = arith.muli %arg1, %mul3A_10 : i32
    %mul3A_12 = arith.constant 624 : i32
    %mul3A_13 = arith.muli %arg1, %mul3A_12 : i32
    "tpu.region"() ({
      %run_scoped3A = tpu.sem_alloc : memref<!tpu.dma_semaphore, #tpu.memory_space<semaphore_mem>>
      %dma_start3A = arith.constant 0 : i32
      %dma_start3A_34 = tpu.memref_slice %arg6[%add3A_1, %mul3A_13, %dma_start3A] : memref<4x10000x128xf32, #tpu.memory_space<hbm>> -> memref<1x640x128xf32, #tpu.memory_space<hbm>>
      %dma_start3A_35 = tpu.memref_squeeze %dma_start3A_34 : memref<1x640x128xf32, #tpu.memory_space<hbm>> -> memref<640x128xf32, #tpu.memory_space<hbm>>
      %dma_start3A_36 = arith.constant 0 : i32
      %dma_start3A_37 = tpu.memref_slice %arg10[%mul3A_11, %dma_start3A_36] : memref<10240x128xf32, #tpu.memory_space<vmem_shared>> -> memref<640x128xf32, #tpu.memory_space<vmem_shared>>
      tpu.enqueue_dma source(%dma_start3A_37 : memref<640x128xf32, #tpu.memory_space<vmem_shared>>) target(%dma_start3A_35 : memref<640x128xf32, #tpu.memory_space<hbm>>) target_semaphore(%run_scoped3A : memref<!tpu.dma_semaphore, #tpu.memory_space<semaphore_mem>>)
      %dma_wait3A = arith.constant 0 : i32
      %dma_wait3A_38 = tpu.memref_slice %arg6[%add3A_1, %mul3A_13, %dma_wait3A] : memref<4x10000x128xf32, #tpu.memory_space<hbm>> -> memref<1x640x128xf32, #tpu.memory_space<hbm>>
      %dma_wait3A_39 = tpu.memref_squeeze %dma_wait3A_38 : memref<1x640x128xf32, #tpu.memory_space<hbm>> -> memref<640x128xf32, #tpu.memory_space<hbm>>
      %dma_wait3A_40 = arith.constant 0 : i32
      %dma_wait3A_41 = tpu.memref_slice %arg10[%mul3A_11, %dma_wait3A_40] : memref<10240x128xf32, #tpu.memory_space<vmem_shared>> -> memref<640x128xf32, #tpu.memory_space<vmem_shared>>
      tpu.wait_dma2 semaphore(%run_scoped3A : memref<!tpu.dma_semaphore, #tpu.memory_space<semaphore_mem>>) src(%dma_wait3A_41 : memref<640x128xf32, #tpu.memory_space<vmem_shared>>) dst(%dma_wait3A_39 : memref<640x128xf32, #tpu.memory_space<hbm>>)
      tpu.yield
    }) : () -> ()
    %barrier3A_14 = arith.constant 0 : index
    tpu.barrier barrier_id(%barrier3A_14)
    %mul3A_15 = arith.constant 2 : i32
    %mul3A_16 = arith.muli %arg0, %mul3A_15 : i32
    %add3A_17 = arith.constant 1 : i32
    %add3A_18 = arith.addi %mul3A_16, %add3A_17 : i32
    %mul3A_19 = arith.constant 640 : i32
    %mul3A_20 = arith.muli %arg1, %mul3A_19 : i32
    "tpu.region"() ({
      %run_scoped3A = tpu.sem_alloc : memref<!tpu.dma_semaphore, #tpu.memory_space<semaphore_mem>>
      %dma_start3A = arith.constant 0 : i32
      %dma_start3A_34 = tpu.memref_slice %arg10[%mul3A_20, %dma_start3A] : memref<10240x128xf32, #tpu.memory_space<vmem_shared>> -> memref<640x128xf32, #tpu.memory_space<vmem_shared>>
      tpu.enqueue_dma source(%arg5 : memref<640x128xf32, #tpu.memory_space<hbm>>) target(%dma_start3A_34 : memref<640x128xf32, #tpu.memory_space<vmem_shared>>) target_semaphore(%run_scoped3A : memref<!tpu.dma_semaphore, #tpu.memory_space<semaphore_mem>>)
      %dma_wait3A = arith.constant 0 : i32
      %dma_wait3A_35 = tpu.memref_slice %arg10[%mul3A_20, %dma_wait3A] : memref<10240x128xf32, #tpu.memory_space<vmem_shared>> -> memref<640x128xf32, #tpu.memory_space<vmem_shared>>
      tpu.wait_dma2 semaphore(%run_scoped3A : memref<!tpu.dma_semaphore, #tpu.memory_space<semaphore_mem>>) src(%arg5 : memref<640x128xf32, #tpu.memory_space<hbm>>) dst(%dma_wait3A_35 : memref<640x128xf32, #tpu.memory_space<vmem_shared>>)
      tpu.yield
    }) : () -> ()
    %barrier3A_21 = arith.constant 0 : index
    tpu.barrier barrier_id(%barrier3A_21)
    %scan3A_22 = arith.constant 0 : i32
    %scan3A_23 = arith.constant 0 : i32
    %scan3A_24 = arith.constant 79 : i32
    %scan3A_25 = arith.addi %scan3A_23, %scan3A_24 : i32
    %scan3A_26 = arith.constant 1 : i32
    scf.for %scan3A_34 = %scan3A_23 to %scan3A_25 step %scan3A_26  : i32 {
      %dma_start3A = arith.constant 0 : i32
      %dma_start3A_35 = tpu.memref_slice %arg7[%scan3A_34, %dma_start3A] : memref<79x128xi32, #tpu.memory_space<vmem>> -> memref<1x128xi32, #tpu.memory_space<vmem>>
      %dma_start3A_36 = tpu.memref_squeeze %dma_start3A_35 : memref<1x128xi32, #tpu.memory_space<vmem>> -> memref<128xi32, #tpu.memory_space<vmem>>
      %dma_start3A_37 = arith.constant 0 : i32
      %dma_start3A_38 = arith.constant 0 : i32
      %dma_start3A_39 = tpu.memref_slice %arg2[%add3A_18, %dma_start3A_37, %dma_start3A_38] : memref<4x10000x128xf32, #tpu.memory_space<hbm>> -> memref<1x10000x128xf32, #tpu.memory_space<hbm>>
      %dma_start3A_40 = tpu.memref_squeeze %dma_start3A_39 : memref<1x10000x128xf32, #tpu.memory_space<hbm>> -> memref<10000x128xf32, #tpu.memory_space<hbm>>
      %dma_start3A_41 = arith.constant 0 : i32
      %dma_start3A_42 = arith.constant 0 : i32
      %dma_start3A_43 = tpu.memref_slice %dma_start3A_40[%dma_start3A_41, %dma_start3A_42] : memref<10000x128xf32, #tpu.memory_space<hbm>> -> memref<10000x128xf32, #tpu.memory_space<hbm>>
      tpu.enqueue_indirect_dma source(%dma_start3A_43 : memref<10000x128xf32, #tpu.memory_space<hbm>>) target(%arg9 : memref<128x128xf32, #tpu.memory_space<vmem>>) offsets(%dma_start3A_36 : memref<128xi32, #tpu.memory_space<vmem>>) semaphore(%arg11 : memref<!tpu.dma_semaphore, #tpu.memory_space<semaphore_mem>>)
      %dma_wait3A = arith.constant 0 : i32
      %dma_wait3A_44 = tpu.memref_slice %arg7[%scan3A_34, %dma_wait3A] : memref<79x128xi32, #tpu.memory_space<vmem>> -> memref<1x128xi32, #tpu.memory_space<vmem>>
      %dma_wait3A_45 = tpu.memref_squeeze %dma_wait3A_44 : memref<1x128xi32, #tpu.memory_space<vmem>> -> memref<128xi32, #tpu.memory_space<vmem>>
      %dma_wait3A_46 = arith.constant 0 : i32
      %dma_wait3A_47 = arith.constant 0 : i32
      %dma_wait3A_48 = tpu.memref_slice %arg2[%add3A_18, %dma_wait3A_46, %dma_wait3A_47] : memref<4x10000x128xf32, #tpu.memory_space<hbm>> -> memref<1x10000x128xf32, #tpu.memory_space<hbm>>
      %dma_wait3A_49 = tpu.memref_squeeze %dma_wait3A_48 : memref<1x10000x128xf32, #tpu.memory_space<hbm>> -> memref<10000x128xf32, #tpu.memory_space<hbm>>
      %dma_wait3A_50 = arith.constant 0 : i32
      %dma_wait3A_51 = arith.constant 0 : i32
      %dma_wait3A_52 = tpu.memref_slice %dma_wait3A_49[%dma_wait3A_50, %dma_wait3A_51] : memref<10000x128xf32, #tpu.memory_space<hbm>> -> memref<10000x128xf32, #tpu.memory_space<hbm>>
      tpu.wait_indirect_dma semaphore(%arg11 : memref<!tpu.dma_semaphore, #tpu.memory_space<semaphore_mem>>) src(%dma_wait3A_52 : memref<10000x128xf32, #tpu.memory_space<hbm>>) dst(%arg9 : memref<128x128xf32, #tpu.memory_space<vmem>>)
      "tpu.region"() ({
        %run_scoped3A = tpu.sem_alloc : memref<!tpu.dma_semaphore, #tpu.memory_space<semaphore_mem>>
        %dma_start3A_53 = arith.constant 0 : i32
        %dma_start3A_54 = tpu.memref_slice %arg8[%scan3A_34, %dma_start3A_53] : memref<79x128xi32, #tpu.memory_space<vmem>> -> memref<1x128xi32, #tpu.memory_space<vmem>>
        %dma_start3A_55 = tpu.memref_squeeze %dma_start3A_54 : memref<1x128xi32, #tpu.memory_space<vmem>> -> memref<128xi32, #tpu.memory_space<vmem>>
        %dma_start3A_56 = arith.constant 0 : i32
        %dma_start3A_57 = arith.constant 0 : i32
        %dma_start3A_58 = tpu.memref_slice %arg10[%dma_start3A_56, %dma_start3A_57] : memref<10240x128xf32, #tpu.memory_space<vmem_shared>> -> memref<10240x128xf32, #tpu.memory_space<vmem_shared>>
        tpu.enqueue_indirect_dma source(%arg9 : memref<128x128xf32, #tpu.memory_space<vmem>>) target(%dma_start3A_58 : memref<10240x128xf32, #tpu.memory_space<vmem_shared>>) offsets(%dma_start3A_55 : memref<128xi32, #tpu.memory_space<vmem>>) semaphore(%run_scoped3A : memref<!tpu.dma_semaphore, #tpu.memory_space<semaphore_mem>>) {add = true}
        %dma_wait3A_59 = arith.constant 0 : i32
        %dma_wait3A_60 = tpu.memref_slice %arg8[%scan3A_34, %dma_wait3A_59] : memref<79x128xi32, #tpu.memory_space<vmem>> -> memref<1x128xi32, #tpu.memory_space<vmem>>
        %dma_wait3A_61 = tpu.memref_squeeze %dma_wait3A_60 : memref<1x128xi32, #tpu.memory_space<vmem>> -> memref<128xi32, #tpu.memory_space<vmem>>
        %dma_wait3A_62 = arith.constant 0 : i32
        %dma_wait3A_63 = arith.constant 0 : i32
        %dma_wait3A_64 = tpu.memref_slice %arg10[%dma_wait3A_62, %dma_wait3A_63] : memref<10240x128xf32, #tpu.memory_space<vmem_shared>> -> memref<10240x128xf32, #tpu.memory_space<vmem_shared>>
        tpu.wait_indirect_dma semaphore(%run_scoped3A : memref<!tpu.dma_semaphore, #tpu.memory_space<semaphore_mem>>) src(%arg9 : memref<128x128xf32, #tpu.memory_space<vmem>>) dst(%dma_wait3A_64 : memref<10240x128xf32, #tpu.memory_space<vmem_shared>>)
        tpu.yield
      }) : () -> ()
    }
    %scan3A_27 = arith.constant 79 : i32
    %barrier3A_28 = arith.constant 0 : index
    tpu.barrier barrier_id(%barrier3A_28)
    %mul3A_29 = arith.constant 624 : i32
    %mul3A_30 = arith.muli %arg1, %mul3A_29 : i32
    %mul3A_31 = arith.constant 624 : i32
    %mul3A_32 = arith.muli %arg1, %mul3A_31 : i32
    "tpu.region"() ({
      %run_scoped3A = tpu.sem_alloc : memref<!tpu.dma_semaphore, #tpu.memory_space<semaphore_mem>>
      %dma_start3A = arith.constant 0 : i32
      %dma_start3A_34 = tpu.memref_slice %arg6[%add3A_18, %mul3A_32, %dma_start3A] : memref<4x10000x128xf32, #tpu.memory_space<hbm>> -> memref<1x640x128xf32, #tpu.memory_space<hbm>>
      %dma_start3A_35 = tpu.memref_squeeze %dma_start3A_34 : memref<1x640x128xf32, #tpu.memory_space<hbm>> -> memref<640x128xf32, #tpu.memory_space<hbm>>
      %dma_start3A_36 = arith.constant 0 : i32
      %dma_start3A_37 = tpu.memref_slice %arg10[%mul3A_30, %dma_start3A_36] : memref<10240x128xf32, #tpu.memory_space<vmem_shared>> -> memref<640x128xf32, #tpu.memory_space<vmem_shared>>
      tpu.enqueue_dma source(%dma_start3A_37 : memref<640x128xf32, #tpu.memory_space<vmem_shared>>) target(%dma_start3A_35 : memref<640x128xf32, #tpu.memory_space<hbm>>) target_semaphore(%run_scoped3A : memref<!tpu.dma_semaphore, #tpu.memory_space<semaphore_mem>>)
      %dma_wait3A = arith.constant 0 : i32
      %dma_wait3A_38 = tpu.memref_slice %arg6[%add3A_18, %mul3A_32, %dma_wait3A] : memref<4x10000x128xf32, #tpu.memory_space<hbm>> -> memref<1x640x128xf32, #tpu.memory_space<hbm>>
      %dma_wait3A_39 = tpu.memref_squeeze %dma_wait3A_38 : memref<1x640x128xf32, #tpu.memory_space<hbm>> -> memref<640x128xf32, #tpu.memory_space<hbm>>
      %dma_wait3A_40 = arith.constant 0 : i32
      %dma_wait3A_41 = tpu.memref_slice %arg10[%mul3A_30, %dma_wait3A_40] : memref<10240x128xf32, #tpu.memory_space<vmem_shared>> -> memref<640x128xf32, #tpu.memory_space<vmem_shared>>
      tpu.wait_dma2 semaphore(%run_scoped3A : memref<!tpu.dma_semaphore, #tpu.memory_space<semaphore_mem>>) src(%dma_wait3A_41 : memref<640x128xf32, #tpu.memory_space<vmem_shared>>) dst(%dma_wait3A_39 : memref<640x128xf32, #tpu.memory_space<hbm>>)
      tpu.yield
    }) : () -> ()
    %barrier3A_33 = arith.constant 0 : index
    tpu.barrier barrier_id(%barrier3A_33)
    return
  }
}

module attributes {stable_mosaic.version = 14 : i64} {
  func.func @_proj_body(%arg0: i32, %arg1: memref<1000x256xf32, #tpu.memory_space<vmem>>, %arg2: memref<256x512xf32, #tpu.memory_space<vmem>>, %arg3: memref<1x512xf32, #tpu.memory_space<vmem>>, %arg4: memref<4x1000x128xf32, #tpu.memory_space<vmem>>) attributes {dimension_semantics = [#tpu.dimension_semantics<arbitrary>], iteration_bounds = array<i64: 10>, scalar_prefetch = 0 : i64, scratch_operands = 0 : i64, tpu.core_type = #tpu.core_type<tc>, window_params = [{transform_indices = @transform_0, window_bounds = array<i64: 1000, 256>}, {pipeline_mode = #tpu.pipeline_mode<synchronous>, transform_indices = @transform_1, window_bounds = array<i64: 256, 512>}, {pipeline_mode = #tpu.pipeline_mode<synchronous>, transform_indices = @transform_2, window_bounds = array<i64: 1, 512>}, {transform_indices = @transform_3, window_bounds = array<i64: 4, 1000, 128>}]} {
    %get3A = arith.constant 0 : index
    %get3A_0 = arith.constant 0 : index
    %get3A_1 = vector.load %arg1[%get3A, %get3A_0] : memref<1000x256xf32, #tpu.memory_space<vmem>>, vector<1000x256xf32>
    %get3A_2 = arith.constant 0 : index
    %get3A_3 = arith.constant 0 : index
    %get3A_4 = vector.load %arg2[%get3A_2, %get3A_3] : memref<256x512xf32, #tpu.memory_space<vmem>>, vector<256x512xf32>
    %dot_general3A = arith.constant dense<0.000000e+00> : vector<1000x512xf32>
    %dot_general3A_5 = tpu.matmul %get3A_1, %get3A_4, %dot_general3A {dimension_numbers = #tpu.dot_dimension_numbers<[1], [0], [0], [1], [0, 0, 1, 1], [], []>, transpose_lhs_hint = false} : vector<1000x256xf32>, vector<256x512xf32>, vector<1000x512xf32> -> vector<1000x512xf32>
    %get3A_6 = arith.constant 0 : index
    %get3A_7 = arith.constant 0 : index
    %get3A_8 = vector.load %arg3[%get3A_6, %get3A_7] : memref<1x512xf32, #tpu.memory_space<vmem>>, vector<1x512xf32>
    %add3A = vector.broadcast %get3A_8 : vector<1x512xf32> to vector<1000x512xf32>
    %add3A_9 = arith.addf %dot_general3A_5, %add3A : vector<1000x512xf32>
    %max3A = arith.constant 0.000000e+00 : f32
    %max3A_10 = vector.broadcast %max3A : f32 to vector<1000x512xf32>
    %max3A_11 = arith.maximumf %add3A_9, %max3A_10 : vector<1000x512xf32>
    %slice3A = vector.extract_strided_slice %max3A_11 {offsets = [0, 0], sizes = [1000, 128], strides = [1, 1]} : vector<1000x512xf32> to vector<1000x128xf32>
    %swap3A = arith.constant 0 : index
    %swap3A_12 = arith.constant 0 : index
    %swap3A_13 = arith.constant 0 : index
    %swap3A_14 = vector.load %arg4[%swap3A, %swap3A_12, %swap3A_13] : memref<4x1000x128xf32, #tpu.memory_space<vmem>>, vector<1x1000x128xf32>
    %swap3A_15 = vector.shape_cast %swap3A_14 : vector<1x1000x128xf32> to vector<1000x128xf32>
    %swap3A_16 = vector.shape_cast %slice3A : vector<1000x128xf32> to vector<1x1000x128xf32>
    tpu.vector_store %arg4[%swap3A, %swap3A_12, %swap3A_13], %swap3A_16 {strides = array<i32>} : memref<4x1000x128xf32, #tpu.memory_space<vmem>>, vector<1x1000x128xf32>,
    %slice3A_17 = vector.extract_strided_slice %max3A_11 {offsets = [0, 128], sizes = [1000, 128], strides = [1, 1]} : vector<1000x512xf32> to vector<1000x128xf32>
    %swap3A_18 = arith.constant 1 : index
    %swap3A_19 = arith.constant 0 : index
    %swap3A_20 = arith.constant 0 : index
    %swap3A_21 = vector.load %arg4[%swap3A_18, %swap3A_19, %swap3A_20] : memref<4x1000x128xf32, #tpu.memory_space<vmem>>, vector<1x1000x128xf32>
    %swap3A_22 = vector.shape_cast %swap3A_21 : vector<1x1000x128xf32> to vector<1000x128xf32>
    %swap3A_23 = vector.shape_cast %slice3A_17 : vector<1000x128xf32> to vector<1x1000x128xf32>
    tpu.vector_store %arg4[%swap3A_18, %swap3A_19, %swap3A_20], %swap3A_23 {strides = array<i32>} : memref<4x1000x128xf32, #tpu.memory_space<vmem>>, vector<1x1000x128xf32>,
    %slice3A_24 = vector.extract_strided_slice %max3A_11 {offsets = [0, 256], sizes = [1000, 128], strides = [1, 1]} : vector<1000x512xf32> to vector<1000x128xf32>
    %swap3A_25 = arith.constant 2 : index
    %swap3A_26 = arith.constant 0 : index
    %swap3A_27 = arith.constant 0 : index
    %swap3A_28 = vector.load %arg4[%swap3A_25, %swap3A_26, %swap3A_27] : memref<4x1000x128xf32, #tpu.memory_space<vmem>>, vector<1x1000x128xf32>
    %swap3A_29 = vector.shape_cast %swap3A_28 : vector<1x1000x128xf32> to vector<1000x128xf32>
    %swap3A_30 = vector.shape_cast %slice3A_24 : vector<1000x128xf32> to vector<1x1000x128xf32>
    tpu.vector_store %arg4[%swap3A_25, %swap3A_26, %swap3A_27], %swap3A_30 {strides = array<i32>} : memref<4x1000x128xf32, #tpu.memory_space<vmem>>, vector<1x1000x128xf32>,
    %slice3A_31 = vector.extract_strided_slice %max3A_11 {offsets = [0, 384], sizes = [1000, 128], strides = [1, 1]} : vector<1000x512xf32> to vector<1000x128xf32>
    %swap3A_32 = arith.constant 3 : index
    %swap3A_33 = arith.constant 0 : index
    %swap3A_34 = arith.constant 0 : index
    %swap3A_35 = vector.load %arg4[%swap3A_32, %swap3A_33, %swap3A_34] : memref<4x1000x128xf32, #tpu.memory_space<vmem>>, vector<1x1000x128xf32>
    %swap3A_36 = vector.shape_cast %swap3A_35 : vector<1x1000x128xf32> to vector<1000x128xf32>
    %swap3A_37 = vector.shape_cast %slice3A_31 : vector<1000x128xf32> to vector<1x1000x128xf32>
    tpu.vector_store %arg4[%swap3A_32, %swap3A_33, %swap3A_34], %swap3A_37 {strides = array<i32>} : memref<4x1000x128xf32, #tpu.memory_space<vmem>>, vector<1x1000x128xf32>,
    return
  }
  func.func @transform_0(%arg0: i32) -> (i32, i32) {
    %c0_i32 = arith.constant 0 : i32
    %c0_i32_0 = arith.constant 0 : i32
    return %arg0, %c0_i32 : i32, i32
  }
  func.func @transform_1(%arg0: i32) -> (i32, i32) {
    %c0_i32 = arith.constant 0 : i32
    %c0_i32_0 = arith.constant 0 : i32
    %c0_i32_1 = arith.constant 0 : i32
    return %c0_i32, %c0_i32_0 : i32, i32
  }
  func.func @transform_2(%arg0: i32) -> (i32, i32) {
    %c0_i32 = arith.constant 0 : i32
    %c0_i32_0 = arith.constant 0 : i32
    %c0_i32_1 = arith.constant 0 : i32
    return %c0_i32, %c0_i32_0 : i32, i32
  }
  func.func @transform_3(%arg0: i32) -> (i32, i32, i32) {
    %c0_i32 = arith.constant 0 : i32
    %c0_i32_0 = arith.constant 0 : i32
    %c0_i32_1 = arith.constant 0 : i32
    return %c0_i32, %arg0, %c0_i32_0 : i32, i32, i32
  }
}

module attributes {stable_mosaic.version = 14 : i64} {
  func.func @body(%arg0: i32, %arg1: memref<4x1000x128xf32, #tpu.memory_space<vmem>>, %arg2: memref<4x1000x128xf32, #tpu.memory_space<vmem>>, %arg3: memref<1000x1xf32, #tpu.memory_space<vmem>>, %arg4: memref<1000x1xf32, #tpu.memory_space<vmem>>, %arg5: memref<4x1000x128xf32, #tpu.memory_space<vmem>>, %arg6: memref<1536x512xf32, #tpu.memory_space<vmem>>, %arg7: memref<1x512xf32, #tpu.memory_space<vmem>>, %arg8: memref<4x1000x128xf32, #tpu.memory_space<vmem>>) attributes {dimension_semantics = [#tpu.dimension_semantics<arbitrary>], iteration_bounds = array<i64: 10>, scalar_prefetch = 0 : i64, scratch_operands = 0 : i64, tpu.core_type = #tpu.core_type<tc>, window_params = [{transform_indices = @transform_0, window_bounds = array<i64: 4, 1000, 128>}, {transform_indices = @transform_1, window_bounds = array<i64: 4, 1000, 128>}, {transform_indices = @transform_2, window_bounds = array<i64: 1000, 1>}, {transform_indices = @transform_3, window_bounds = array<i64: 1000, 1>}, {transform_indices = @transform_4, window_bounds = array<i64: 4, 1000, 128>}, {pipeline_mode = #tpu.pipeline_mode<synchronous>, transform_indices = @transform_5, window_bounds = array<i64: 1536, 512>}, {pipeline_mode = #tpu.pipeline_mode<synchronous>, transform_indices = @transform_6, window_bounds = array<i64: 1, 512>}, {transform_indices = @transform_7, window_bounds = array<i64: 4, 1000, 128>}]} {
    %get3A = arith.constant 0 : index
    %get3A_0 = arith.constant 0 : index
    %get3A_1 = vector.load %arg3[%get3A, %get3A_0] : memref<1000x1xf32, #tpu.memory_space<vmem>>, vector<1000x1xf32>
    %max3A = arith.constant 1.000000e+00 : f32
    %max3A_2 = vector.broadcast %max3A : f32 to vector<1000x1xf32>
    %max3A_3 = arith.maximumf %get3A_1, %max3A_2 : vector<1000x1xf32>
    %div3A = arith.constant 1.000000e+00 : f32
    %div3A_4 = vector.broadcast %div3A : f32 to vector<1000x1xf32>
    %div3A_5 = arith.divf %div3A_4, %max3A_3 : vector<1000x1xf32>
    %get3A_6 = arith.constant 0 : index
    %get3A_7 = arith.constant 0 : index
    %get3A_8 = arith.constant 0 : index
    %get3A_9 = vector.load %arg1[%get3A_6, %get3A_7, %get3A_8] : memref<4x1000x128xf32, #tpu.memory_space<vmem>>, vector<1x1000x128xf32>
    %get3A_10 = vector.shape_cast %get3A_9 : vector<1x1000x128xf32> to vector<1000x128xf32>
    %mul3A = vector.broadcast %div3A_5 : vector<1000x1xf32> to vector<1000x128xf32>
    %mul3A_11 = arith.mulf %get3A_10, %mul3A : vector<1000x128xf32>
    %get3A_12 = arith.constant 1 : index
    %get3A_13 = arith.constant 0 : index
    %get3A_14 = arith.constant 0 : index
    %get3A_15 = vector.load %arg1[%get3A_12, %get3A_13, %get3A_14] : memref<4x1000x128xf32, #tpu.memory_space<vmem>>, vector<1x1000x128xf32>
    %get3A_16 = vector.shape_cast %get3A_15 : vector<1x1000x128xf32> to vector<1000x128xf32>
    %mul3A_17 = vector.broadcast %div3A_5 : vector<1000x1xf32> to vector<1000x128xf32>
    %mul3A_18 = arith.mulf %get3A_16, %mul3A_17 : vector<1000x128xf32>
    %get3A_19 = arith.constant 2 : index
    %get3A_20 = arith.constant 0 : index
    %get3A_21 = arith.constant 0 : index
    %get3A_22 = vector.load %arg1[%get3A_19, %get3A_20, %get3A_21] : memref<4x1000x128xf32, #tpu.memory_space<vmem>>, vector<1x1000x128xf32>
    %get3A_23 = vector.shape_cast %get3A_22 : vector<1x1000x128xf32> to vector<1000x128xf32>
    %mul3A_24 = vector.broadcast %div3A_5 : vector<1000x1xf32> to vector<1000x128xf32>
    %mul3A_25 = arith.mulf %get3A_23, %mul3A_24 : vector<1000x128xf32>
    %get3A_26 = arith.constant 3 : index
    %get3A_27 = arith.constant 0 : index
    %get3A_28 = arith.constant 0 : index
    %get3A_29 = vector.load %arg1[%get3A_26, %get3A_27, %get3A_28] : memref<4x1000x128xf32, #tpu.memory_space<vmem>>, vector<1x1000x128xf32>
    %get3A_30 = vector.shape_cast %get3A_29 : vector<1x1000x128xf32> to vector<1000x128xf32>
    %mul3A_31 = vector.broadcast %div3A_5 : vector<1000x1xf32> to vector<1000x128xf32>
    %mul3A_32 = arith.mulf %get3A_30, %mul3A_31 : vector<1000x128xf32>
    %get3A_33 = arith.constant 0 : index
    %get3A_34 = arith.constant 0 : index
    %get3A_35 = vector.load %arg4[%get3A_33, %get3A_34] : memref<1000x1xf32, #tpu.memory_space<vmem>>, vector<1000x1xf32>
    %max3A_36 = arith.constant 1.000000e+00 : f32
    %max3A_37 = vector.broadcast %max3A_36 : f32 to vector<1000x1xf32>
    %max3A_38 = arith.maximumf %get3A_35, %max3A_37 : vector<1000x1xf32>
    %div3A_39 = arith.constant 1.000000e+00 : f32
    %div3A_40 = vector.broadcast %div3A_39 : f32 to vector<1000x1xf32>
    %div3A_41 = arith.divf %div3A_40, %max3A_38 : vector<1000x1xf32>
    %get3A_42 = arith.constant 0 : index
    %get3A_43 = arith.constant 0 : index
    %get3A_44 = arith.constant 0 : index
    %get3A_45 = vector.load %arg2[%get3A_42, %get3A_43, %get3A_44] : memref<4x1000x128xf32, #tpu.memory_space<vmem>>, vector<1x1000x128xf32>
    %get3A_46 = vector.shape_cast %get3A_45 : vector<1x1000x128xf32> to vector<1000x128xf32>
    %mul3A_47 = vector.broadcast %div3A_41 : vector<1000x1xf32> to vector<1000x128xf32>
    %mul3A_48 = arith.mulf %get3A_46, %mul3A_47 : vector<1000x128xf32>
    %get3A_49 = arith.constant 1 : index
    %get3A_50 = arith.constant 0 : index
    %get3A_51 = arith.constant 0 : index
    %get3A_52 = vector.load %arg2[%get3A_49, %get3A_50, %get3A_51] : memref<4x1000x128xf32, #tpu.memory_space<vmem>>, vector<1x1000x128xf32>
    %get3A_53 = vector.shape_cast %get3A_52 : vector<1x1000x128xf32> to vector<1000x128xf32>
    %mul3A_54 = vector.broadcast %div3A_41 : vector<1000x1xf32> to vector<1000x128xf32>
    %mul3A_55 = arith.mulf %get3A_53, %mul3A_54 : vector<1000x128xf32>
    %get3A_56 = arith.constant 2 : index
    %get3A_57 = arith.constant 0 : index
    %get3A_58 = arith.constant 0 : index
    %get3A_59 = vector.load %arg2[%get3A_56, %get3A_57, %get3A_58] : memref<4x1000x128xf32, #tpu.memory_space<vmem>>, vector<1x1000x128xf32>
    %get3A_60 = vector.shape_cast %get3A_59 : vector<1x1000x128xf32> to vector<1000x128xf32>
    %mul3A_61 = vector.broadcast %div3A_41 : vector<1000x1xf32> to vector<1000x128xf32>
    %mul3A_62 = arith.mulf %get3A_60, %mul3A_61 : vector<1000x128xf32>
    %get3A_63 = arith.constant 3 : index
    %get3A_64 = arith.constant 0 : index
    %get3A_65 = arith.constant 0 : index
    %get3A_66 = vector.load %arg2[%get3A_63, %get3A_64, %get3A_65] : memref<4x1000x128xf32, #tpu.memory_space<vmem>>, vector<1x1000x128xf32>
    %get3A_67 = vector.shape_cast %get3A_66 : vector<1x1000x128xf32> to vector<1000x128xf32>
    %mul3A_68 = vector.broadcast %div3A_41 : vector<1000x1xf32> to vector<1000x128xf32>
    %mul3A_69 = arith.mulf %get3A_67, %mul3A_68 : vector<1000x128xf32>
    %get3A_70 = arith.constant 0 : index
    %get3A_71 = arith.constant 0 : index
    %get3A_72 = arith.constant 0 : index
    %get3A_73 = vector.load %arg5[%get3A_70, %get3A_71, %get3A_72] : memref<4x1000x128xf32, #tpu.memory_space<vmem>>, vector<1x1000x128xf32>
    %get3A_74 = vector.shape_cast %get3A_73 : vector<1x1000x128xf32> to vector<1000x128xf32>
    %get3A_75 = arith.constant 1 : index
    %get3A_76 = arith.constant 0 : index
    %get3A_77 = arith.constant 0 : index
    %get3A_78 = vector.load %arg5[%get3A_75, %get3A_76, %get3A_77] : memref<4x1000x128xf32, #tpu.memory_space<vmem>>, vector<1x1000x128xf32>
    %get3A_79 = vector.shape_cast %get3A_78 : vector<1x1000x128xf32> to vector<1000x128xf32>
    %get3A_80 = arith.constant 2 : index
    %get3A_81 = arith.constant 0 : index
    %get3A_82 = arith.constant 0 : index
    %get3A_83 = vector.load %arg5[%get3A_80, %get3A_81, %get3A_82] : memref<4x1000x128xf32, #tpu.memory_space<vmem>>, vector<1x1000x128xf32>
    %get3A_84 = vector.shape_cast %get3A_83 : vector<1x1000x128xf32> to vector<1000x128xf32>
    %get3A_85 = arith.constant 3 : index
    %get3A_86 = arith.constant 0 : index
    %get3A_87 = arith.constant 0 : index
    %get3A_88 = vector.load %arg5[%get3A_85, %get3A_86, %get3A_87] : memref<4x1000x128xf32, #tpu.memory_space<vmem>>, vector<1x1000x128xf32>
    %get3A_89 = vector.shape_cast %get3A_88 : vector<1x1000x128xf32> to vector<1000x128xf32>
    %concatenate3A = tpu.concatenate %mul3A_11, %mul3A_18, %mul3A_25, %mul3A_32, %mul3A_48, %mul3A_55, %mul3A_62, %mul3A_69, %get3A_74, %get3A_79, %get3A_84, %get3A_89 in 1 : vector<1000x128xf32>, vector<1000x128xf32>, vector<1000x128xf32>, vector<1000x128xf32>, vector<1000x128xf32>, vector<1000x128xf32>, vector<1000x128xf32>, vector<1000x128xf32>, vector<1000x128xf32>, vector<1000x128xf32>, vector<1000x128xf32>, vector<1000x128xf32> -> vector<1000x1536xf32>
    %get3A_90 = arith.constant 0 : index
    %get3A_91 = arith.constant 0 : index
    %get3A_92 = vector.load %arg6[%get3A_90, %get3A_91] : memref<1536x512xf32, #tpu.memory_space<vmem>>, vector<1536x512xf32>
    %dot_general3A = arith.constant dense<0.000000e+00> : vector<1000x512xf32>
    %dot_general3A_93 = tpu.matmul %concatenate3A, %get3A_92, %dot_general3A {dimension_numbers = #tpu.dot_dimension_numbers<[1], [0], [0], [1], [0, 0, 1, 1], [], []>, transpose_lhs_hint = false} : vector<1000x1536xf32>, vector<1536x512xf32>, vector<1000x512xf32> -> vector<1000x512xf32>
    %get3A_94 = arith.constant 0 : index
    %get3A_95 = arith.constant 0 : index
    %get3A_96 = vector.load %arg7[%get3A_94, %get3A_95] : memref<1x512xf32, #tpu.memory_space<vmem>>, vector<1x512xf32>
    %add3A = vector.broadcast %get3A_96 : vector<1x512xf32> to vector<1000x512xf32>
    %add3A_97 = arith.addf %dot_general3A_93, %add3A : vector<1000x512xf32>
    %slice3A = vector.extract_strided_slice %add3A_97 {offsets = [0, 0], sizes = [1000, 128], strides = [1, 1]} : vector<1000x512xf32> to vector<1000x128xf32>
    %swap3A = arith.constant 0 : index
    %swap3A_98 = arith.constant 0 : index
    %swap3A_99 = arith.constant 0 : index
    %swap3A_100 = vector.load %arg8[%swap3A, %swap3A_98, %swap3A_99] : memref<4x1000x128xf32, #tpu.memory_space<vmem>>, vector<1x1000x128xf32>
    %swap3A_101 = vector.shape_cast %swap3A_100 : vector<1x1000x128xf32> to vector<1000x128xf32>
    %swap3A_102 = vector.shape_cast %slice3A : vector<1000x128xf32> to vector<1x1000x128xf32>
    tpu.vector_store %arg8[%swap3A, %swap3A_98, %swap3A_99], %swap3A_102 {strides = array<i32>} : memref<4x1000x128xf32, #tpu.memory_space<vmem>>, vector<1x1000x128xf32>,
    %slice3A_103 = vector.extract_strided_slice %add3A_97 {offsets = [0, 128], sizes = [1000, 128], strides = [1, 1]} : vector<1000x512xf32> to vector<1000x128xf32>
    %swap3A_104 = arith.constant 1 : index
    %swap3A_105 = arith.constant 0 : index
    %swap3A_106 = arith.constant 0 : index
    %swap3A_107 = vector.load %arg8[%swap3A_104, %swap3A_105, %swap3A_106] : memref<4x1000x128xf32, #tpu.memory_space<vmem>>, vector<1x1000x128xf32>
    %swap3A_108 = vector.shape_cast %swap3A_107 : vector<1x1000x128xf32> to vector<1000x128xf32>
    %swap3A_109 = vector.shape_cast %slice3A_103 : vector<1000x128xf32> to vector<1x1000x128xf32>
    tpu.vector_store %arg8[%swap3A_104, %swap3A_105, %swap3A_106], %swap3A_109 {strides = array<i32>} : memref<4x1000x128xf32, #tpu.memory_space<vmem>>, vector<1x1000x128xf32>,
    %slice3A_110 = vector.extract_strided_slice %add3A_97 {offsets = [0, 256], sizes = [1000, 128], strides = [1, 1]} : vector<1000x512xf32> to vector<1000x128xf32>
    %swap3A_111 = arith.constant 2 : index
    %swap3A_112 = arith.constant 0 : index
    %swap3A_113 = arith.constant 0 : index
    %swap3A_114 = vector.load %arg8[%swap3A_111, %swap3A_112, %swap3A_113] : memref<4x1000x128xf32, #tpu.memory_space<vmem>>, vector<1x1000x128xf32>
    %swap3A_115 = vector.shape_cast %swap3A_114 : vector<1x1000x128xf32> to vector<1000x128xf32>
    %swap3A_116 = vector.shape_cast %slice3A_110 : vector<1000x128xf32> to vector<1x1000x128xf32>
    tpu.vector_store %arg8[%swap3A_111, %swap3A_112, %swap3A_113], %swap3A_116 {strides = array<i32>} : memref<4x1000x128xf32, #tpu.memory_space<vmem>>, vector<1x1000x128xf32>,
    %slice3A_117 = vector.extract_strided_slice %add3A_97 {offsets = [0, 384], sizes = [1000, 128], strides = [1, 1]} : vector<1000x512xf32> to vector<1000x128xf32>
    %swap3A_118 = arith.constant 3 : index
    %swap3A_119 = arith.constant 0 : index
    %swap3A_120 = arith.constant 0 : index
    %swap3A_121 = vector.load %arg8[%swap3A_118, %swap3A_119, %swap3A_120] : memref<4x1000x128xf32, #tpu.memory_space<vmem>>, vector<1x1000x128xf32>
    %swap3A_122 = vector.shape_cast %swap3A_121 : vector<1x1000x128xf32> to vector<1000x128xf32>
    %swap3A_123 = vector.shape_cast %slice3A_117 : vector<1000x128xf32> to vector<1x1000x128xf32>
    tpu.vector_store %arg8[%swap3A_118, %swap3A_119, %swap3A_120], %swap3A_123 {strides = array<i32>} : memref<4x1000x128xf32, #tpu.memory_space<vmem>>, vector<1x1000x128xf32>,
    return
  }
  func.func @transform_0(%arg0: i32) -> (i32, i32, i32) {
    %c0_i32 = arith.constant 0 : i32
    %c0_i32_0 = arith.constant 0 : i32
    %c0_i32_1 = arith.constant 0 : i32
    return %c0_i32, %arg0, %c0_i32_0 : i32, i32, i32
  }
  func.func @transform_1(%arg0: i32) -> (i32, i32, i32) {
    %c0_i32 = arith.constant 0 : i32
    %c0_i32_0 = arith.constant 0 : i32
    %c0_i32_1 = arith.constant 0 : i32
    return %c0_i32, %arg0, %c0_i32_0 : i32, i32, i32
  }
  func.func @transform_2(%arg0: i32) -> (i32, i32) {
    %c0_i32 = arith.constant 0 : i32
    %c0_i32_0 = arith.constant 0 : i32
    return %arg0, %c0_i32 : i32, i32
  }
  func.func @transform_3(%arg0: i32) -> (i32, i32) {
    %c0_i32 = arith.constant 0 : i32
    %c0_i32_0 = arith.constant 0 : i32
    return %arg0, %c0_i32 : i32, i32
  }
  func.func @transform_4(%arg0: i32) -> (i32, i32, i32) {
    %c0_i32 = arith.constant 0 : i32
    %c0_i32_0 = arith.constant 0 : i32
    %c0_i32_1 = arith.constant 0 : i32
    return %c0_i32, %arg0, %c0_i32_0 : i32, i32, i32
  }
  func.func @transform_5(%arg0: i32) -> (i32, i32) {
    %c0_i32 = arith.constant 0 : i32
    %c0_i32_0 = arith.constant 0 : i32
    %c0_i32_1 = arith.constant 0 : i32
    return %c0_i32, %c0_i32_0 : i32, i32
  }
  func.func @transform_6(%arg0: i32) -> (i32, i32) {
    %c0_i32 = arith.constant 0 : i32
    %c0_i32_0 = arith.constant 0 : i32
    %c0_i32_1 = arith.constant 0 : i32
    return %c0_i32, %c0_i32_0 : i32, i32
  }
  func.func @transform_7(%arg0: i32) -> (i32, i32, i32) {
    %c0_i32 = arith.constant 0 : i32
    %c0_i32_0 = arith.constant 0 : i32
    %c0_i32_1 = arith.constant 0 : i32
    return %c0_i32, %arg0, %c0_i32_0 : i32, i32, i32
  }
}

module attributes {stable_mosaic.version = 14 : i64} {
  func.func @body(%arg0: i32, %arg1: memref<4x1000x128xf32, #tpu.memory_space<vmem>>, %arg2: memref<1000x1xf32, #tpu.memory_space<vmem>>, %arg3: memref<4x1000x128xf32, #tpu.memory_space<vmem>>, %arg4: memref<1024x512xf32, #tpu.memory_space<vmem>>, %arg5: memref<1x512xf32, #tpu.memory_space<vmem>>, %arg6: memref<4x1000x128xf32, #tpu.memory_space<vmem>>) attributes {dimension_semantics = [#tpu.dimension_semantics<arbitrary>], iteration_bounds = array<i64: 10>, scalar_prefetch = 0 : i64, scratch_operands = 0 : i64, tpu.core_type = #tpu.core_type<tc>, window_params = [{transform_indices = @transform_0, window_bounds = array<i64: 4, 1000, 128>}, {transform_indices = @transform_1, window_bounds = array<i64: 1000, 1>}, {transform_indices = @transform_2, window_bounds = array<i64: 4, 1000, 128>}, {pipeline_mode = #tpu.pipeline_mode<synchronous>, transform_indices = @transform_3, window_bounds = array<i64: 1024, 512>}, {pipeline_mode = #tpu.pipeline_mode<synchronous>, transform_indices = @transform_4, window_bounds = array<i64: 1, 512>}, {transform_indices = @transform_5, window_bounds = array<i64: 4, 1000, 128>}]} {
    %get3A = arith.constant 0 : index
    %get3A_0 = arith.constant 0 : index
    %get3A_1 = vector.load %arg2[%get3A, %get3A_0] : memref<1000x1xf32, #tpu.memory_space<vmem>>, vector<1000x1xf32>
    %max3A = arith.constant 1.000000e+00 : f32
    %max3A_2 = vector.broadcast %max3A : f32 to vector<1000x1xf32>
    %max3A_3 = arith.maximumf %get3A_1, %max3A_2 : vector<1000x1xf32>
    %div3A = arith.constant 1.000000e+00 : f32
    %div3A_4 = vector.broadcast %div3A : f32 to vector<1000x1xf32>
    %div3A_5 = arith.divf %div3A_4, %max3A_3 : vector<1000x1xf32>
    %get3A_6 = arith.constant 0 : index
    %get3A_7 = arith.constant 0 : index
    %get3A_8 = arith.constant 0 : index
    %get3A_9 = vector.load %arg1[%get3A_6, %get3A_7, %get3A_8] : memref<4x1000x128xf32, #tpu.memory_space<vmem>>, vector<1x1000x128xf32>
    %get3A_10 = vector.shape_cast %get3A_9 : vector<1x1000x128xf32> to vector<1000x128xf32>
    %mul3A = vector.broadcast %div3A_5 : vector<1000x1xf32> to vector<1000x128xf32>
    %mul3A_11 = arith.mulf %get3A_10, %mul3A : vector<1000x128xf32>
    %get3A_12 = arith.constant 1 : index
    %get3A_13 = arith.constant 0 : index
    %get3A_14 = arith.constant 0 : index
    %get3A_15 = vector.load %arg1[%get3A_12, %get3A_13, %get3A_14] : memref<4x1000x128xf32, #tpu.memory_space<vmem>>, vector<1x1000x128xf32>
    %get3A_16 = vector.shape_cast %get3A_15 : vector<1x1000x128xf32> to vector<1000x128xf32>
    %mul3A_17 = vector.broadcast %div3A_5 : vector<1000x1xf32> to vector<1000x128xf32>
    %mul3A_18 = arith.mulf %get3A_16, %mul3A_17 : vector<1000x128xf32>
    %get3A_19 = arith.constant 2 : index
    %get3A_20 = arith.constant 0 : index
    %get3A_21 = arith.constant 0 : index
    %get3A_22 = vector.load %arg1[%get3A_19, %get3A_20, %get3A_21] : memref<4x1000x128xf32, #tpu.memory_space<vmem>>, vector<1x1000x128xf32>
    %get3A_23 = vector.shape_cast %get3A_22 : vector<1x1000x128xf32> to vector<1000x128xf32>
    %mul3A_24 = vector.broadcast %div3A_5 : vector<1000x1xf32> to vector<1000x128xf32>
    %mul3A_25 = arith.mulf %get3A_23, %mul3A_24 : vector<1000x128xf32>
    %get3A_26 = arith.constant 3 : index
    %get3A_27 = arith.constant 0 : index
    %get3A_28 = arith.constant 0 : index
    %get3A_29 = vector.load %arg1[%get3A_26, %get3A_27, %get3A_28] : memref<4x1000x128xf32, #tpu.memory_space<vmem>>, vector<1x1000x128xf32>
    %get3A_30 = vector.shape_cast %get3A_29 : vector<1x1000x128xf32> to vector<1000x128xf32>
    %mul3A_31 = vector.broadcast %div3A_5 : vector<1000x1xf32> to vector<1000x128xf32>
    %mul3A_32 = arith.mulf %get3A_30, %mul3A_31 : vector<1000x128xf32>
    %get3A_33 = arith.constant 0 : index
    %get3A_34 = arith.constant 0 : index
    %get3A_35 = arith.constant 0 : index
    %get3A_36 = vector.load %arg3[%get3A_33, %get3A_34, %get3A_35] : memref<4x1000x128xf32, #tpu.memory_space<vmem>>, vector<1x1000x128xf32>
    %get3A_37 = vector.shape_cast %get3A_36 : vector<1x1000x128xf32> to vector<1000x128xf32>
    %get3A_38 = arith.constant 1 : index
    %get3A_39 = arith.constant 0 : index
    %get3A_40 = arith.constant 0 : index
    %get3A_41 = vector.load %arg3[%get3A_38, %get3A_39, %get3A_40] : memref<4x1000x128xf32, #tpu.memory_space<vmem>>, vector<1x1000x128xf32>
    %get3A_42 = vector.shape_cast %get3A_41 : vector<1x1000x128xf32> to vector<1000x128xf32>
    %get3A_43 = arith.constant 2 : index
    %get3A_44 = arith.constant 0 : index
    %get3A_45 = arith.constant 0 : index
    %get3A_46 = vector.load %arg3[%get3A_43, %get3A_44, %get3A_45] : memref<4x1000x128xf32, #tpu.memory_space<vmem>>, vector<1x1000x128xf32>
    %get3A_47 = vector.shape_cast %get3A_46 : vector<1x1000x128xf32> to vector<1000x128xf32>
    %get3A_48 = arith.constant 3 : index
    %get3A_49 = arith.constant 0 : index
    %get3A_50 = arith.constant 0 : index
    %get3A_51 = vector.load %arg3[%get3A_48, %get3A_49, %get3A_50] : memref<4x1000x128xf32, #tpu.memory_space<vmem>>, vector<1x1000x128xf32>
    %get3A_52 = vector.shape_cast %get3A_51 : vector<1x1000x128xf32> to vector<1000x128xf32>
    %concatenate3A = tpu.concatenate %mul3A_11, %mul3A_18, %mul3A_25, %mul3A_32, %get3A_37, %get3A_42, %get3A_47, %get3A_52 in 1 : vector<1000x128xf32>, vector<1000x128xf32>, vector<1000x128xf32>, vector<1000x128xf32>, vector<1000x128xf32>, vector<1000x128xf32>, vector<1000x128xf32>, vector<1000x128xf32> -> vector<1000x1024xf32>
    %get3A_53 = arith.constant 0 : index
    %get3A_54 = arith.constant 0 : index
    %get3A_55 = vector.load %arg4[%get3A_53, %get3A_54] : memref<1024x512xf32, #tpu.memory_space<vmem>>, vector<1024x512xf32>
    %dot_general3A = arith.constant dense<0.000000e+00> : vector<1000x512xf32>
    %dot_general3A_56 = tpu.matmul %concatenate3A, %get3A_55, %dot_general3A {dimension_numbers = #tpu.dot_dimension_numbers<[1], [0], [0], [1], [0, 0, 1, 1], [], []>, transpose_lhs_hint = false} : vector<1000x1024xf32>, vector<1024x512xf32>, vector<1000x512xf32> -> vector<1000x512xf32>
    %get3A_57 = arith.constant 0 : index
    %get3A_58 = arith.constant 0 : index
    %get3A_59 = vector.load %arg5[%get3A_57, %get3A_58] : memref<1x512xf32, #tpu.memory_space<vmem>>, vector<1x512xf32>
    %add3A = vector.broadcast %get3A_59 : vector<1x512xf32> to vector<1000x512xf32>
    %add3A_60 = arith.addf %dot_general3A_56, %add3A : vector<1000x512xf32>
    %slice3A = vector.extract_strided_slice %add3A_60 {offsets = [0, 0], sizes = [1000, 128], strides = [1, 1]} : vector<1000x512xf32> to vector<1000x128xf32>
    %swap3A = arith.constant 0 : index
    %swap3A_61 = arith.constant 0 : index
    %swap3A_62 = arith.constant 0 : index
    %swap3A_63 = vector.load %arg6[%swap3A, %swap3A_61, %swap3A_62] : memref<4x1000x128xf32, #tpu.memory_space<vmem>>, vector<1x1000x128xf32>
    %swap3A_64 = vector.shape_cast %swap3A_63 : vector<1x1000x128xf32> to vector<1000x128xf32>
    %swap3A_65 = vector.shape_cast %slice3A : vector<1000x128xf32> to vector<1x1000x128xf32>
    tpu.vector_store %arg6[%swap3A, %swap3A_61, %swap3A_62], %swap3A_65 {strides = array<i32>} : memref<4x1000x128xf32, #tpu.memory_space<vmem>>, vector<1x1000x128xf32>,
    %slice3A_66 = vector.extract_strided_slice %add3A_60 {offsets = [0, 128], sizes = [1000, 128], strides = [1, 1]} : vector<1000x512xf32> to vector<1000x128xf32>
    %swap3A_67 = arith.constant 1 : index
    %swap3A_68 = arith.constant 0 : index
    %swap3A_69 = arith.constant 0 : index
    %swap3A_70 = vector.load %arg6[%swap3A_67, %swap3A_68, %swap3A_69] : memref<4x1000x128xf32, #tpu.memory_space<vmem>>, vector<1x1000x128xf32>
    %swap3A_71 = vector.shape_cast %swap3A_70 : vector<1x1000x128xf32> to vector<1000x128xf32>
    %swap3A_72 = vector.shape_cast %slice3A_66 : vector<1000x128xf32> to vector<1x1000x128xf32>
    tpu.vector_store %arg6[%swap3A_67, %swap3A_68, %swap3A_69], %swap3A_72 {strides = array<i32>} : memref<4x1000x128xf32, #tpu.memory_space<vmem>>, vector<1x1000x128xf32>,
    %slice3A_73 = vector.extract_strided_slice %add3A_60 {offsets = [0, 256], sizes = [1000, 128], strides = [1, 1]} : vector<1000x512xf32> to vector<1000x128xf32>
    %swap3A_74 = arith.constant 2 : index
    %swap3A_75 = arith.constant 0 : index
    %swap3A_76 = arith.constant 0 : index
    %swap3A_77 = vector.load %arg6[%swap3A_74, %swap3A_75, %swap3A_76] : memref<4x1000x128xf32, #tpu.memory_space<vmem>>, vector<1x1000x128xf32>
    %swap3A_78 = vector.shape_cast %swap3A_77 : vector<1x1000x128xf32> to vector<1000x128xf32>
    %swap3A_79 = vector.shape_cast %slice3A_73 : vector<1000x128xf32> to vector<1x1000x128xf32>
    tpu.vector_store %arg6[%swap3A_74, %swap3A_75, %swap3A_76], %swap3A_79 {strides = array<i32>} : memref<4x1000x128xf32, #tpu.memory_space<vmem>>, vector<1x1000x128xf32>,
    %slice3A_80 = vector.extract_strided_slice %add3A_60 {offsets = [0, 384], sizes = [1000, 128], strides = [1, 1]} : vector<1000x512xf32> to vector<1000x128xf32>
    %swap3A_81 = arith.constant 3 : index
    %swap3A_82 = arith.constant 0 : index
    %swap3A_83 = arith.constant 0 : index
    %swap3A_84 = vector.load %arg6[%swap3A_81, %swap3A_82, %swap3A_83] : memref<4x1000x128xf32, #tpu.memory_space<vmem>>, vector<1x1000x128xf32>
    %swap3A_85 = vector.shape_cast %swap3A_84 : vector<1x1000x128xf32> to vector<1000x128xf32>
    %swap3A_86 = vector.shape_cast %slice3A_80 : vector<1000x128xf32> to vector<1x1000x128xf32>
    tpu.vector_store %arg6[%swap3A_81, %swap3A_82, %swap3A_83], %swap3A_86 {strides = array<i32>} : memref<4x1000x128xf32, #tpu.memory_space<vmem>>, vector<1x1000x128xf32>,
    return
  }
  func.func @transform_0(%arg0: i32) -> (i32, i32, i32) {
    %c0_i32 = arith.constant 0 : i32
    %c0_i32_0 = arith.constant 0 : i32
    %c0_i32_1 = arith.constant 0 : i32
    return %c0_i32, %arg0, %c0_i32_0 : i32, i32, i32
  }
  func.func @transform_1(%arg0: i32) -> (i32, i32) {
    %c0_i32 = arith.constant 0 : i32
    %c0_i32_0 = arith.constant 0 : i32
    return %arg0, %c0_i32 : i32, i32
  }
  func.func @transform_2(%arg0: i32) -> (i32, i32, i32) {
    %c0_i32 = arith.constant 0 : i32
    %c0_i32_0 = arith.constant 0 : i32
    %c0_i32_1 = arith.constant 0 : i32
    return %c0_i32, %arg0, %c0_i32_0 : i32, i32, i32
  }
  func.func @transform_3(%arg0: i32) -> (i32, i32) {
    %c0_i32 = arith.constant 0 : i32
    %c0_i32_0 = arith.constant 0 : i32
    %c0_i32_1 = arith.constant 0 : i32
    return %c0_i32, %c0_i32_0 : i32, i32
  }
  func.func @transform_4(%arg0: i32) -> (i32, i32) {
    %c0_i32 = arith.constant 0 : i32
    %c0_i32_0 = arith.constant 0 : i32
    %c0_i32_1 = arith.constant 0 : i32
    return %c0_i32, %c0_i32_0 : i32, i32
  }
  func.func @transform_5(%arg0: i32) -> (i32, i32, i32) {
    %c0_i32 = arith.constant 0 : i32
    %c0_i32_0 = arith.constant 0 : i32
    %c0_i32_1 = arith.constant 0 : i32
    return %c0_i32, %arg0, %c0_i32_0 : i32, i32, i32
  }
}

module attributes {stable_mosaic.version = 14 : i64} {
  func.func @body(%arg0: i32, %arg1: memref<4x1000x128xf32, #tpu.memory_space<vmem>>, %arg2: memref<4x1000x128xf32, #tpu.memory_space<vmem>>, %arg3: memref<1000x1xf32, #tpu.memory_space<vmem>>, %arg4: memref<1000x1xf32, #tpu.memory_space<vmem>>, %arg5: memref<4x1000x128xf32, #tpu.memory_space<vmem>>, %arg6: memref<1536x512xf32, #tpu.memory_space<vmem>>, %arg7: memref<1x512xf32, #tpu.memory_space<vmem>>, %arg8: memref<512x2xf32, #tpu.memory_space<vmem>>, %arg9: memref<1x2xf32, #tpu.memory_space<vmem>>, %arg10: memref<1000x2xf32, #tpu.memory_space<vmem>>) attributes {dimension_semantics = [#tpu.dimension_semantics<arbitrary>], iteration_bounds = array<i64: 10>, scalar_prefetch = 0 : i64, scratch_operands = 0 : i64, tpu.core_type = #tpu.core_type<tc>, window_params = [{transform_indices = @transform_0, window_bounds = array<i64: 4, 1000, 128>}, {transform_indices = @transform_1, window_bounds = array<i64: 4, 1000, 128>}, {transform_indices = @transform_2, window_bounds = array<i64: 1000, 1>}, {transform_indices = @transform_3, window_bounds = array<i64: 1000, 1>}, {transform_indices = @transform_4, window_bounds = array<i64: 4, 1000, 128>}, {pipeline_mode = #tpu.pipeline_mode<synchronous>, transform_indices = @transform_5, window_bounds = array<i64: 1536, 512>}, {pipeline_mode = #tpu.pipeline_mode<synchronous>, transform_indices = @transform_6, window_bounds = array<i64: 1, 512>}, {pipeline_mode = #tpu.pipeline_mode<synchronous>, transform_indices = @transform_7, window_bounds = array<i64: 512, 2>}, {pipeline_mode = #tpu.pipeline_mode<synchronous>, transform_indices = @transform_8, window_bounds = array<i64: 1, 2>}, {transform_indices = @transform_9, window_bounds = array<i64: 1000, 2>}]} {
    %get3A = arith.constant 0 : index
    %get3A_0 = arith.constant 0 : index
    %get3A_1 = vector.load %arg3[%get3A, %get3A_0] : memref<1000x1xf32, #tpu.memory_space<vmem>>, vector<1000x1xf32>
    %max3A = arith.constant 1.000000e+00 : f32
    %max3A_2 = vector.broadcast %max3A : f32 to vector<1000x1xf32>
    %max3A_3 = arith.maximumf %get3A_1, %max3A_2 : vector<1000x1xf32>
    %div3A = arith.constant 1.000000e+00 : f32
    %div3A_4 = vector.broadcast %div3A : f32 to vector<1000x1xf32>
    %div3A_5 = arith.divf %div3A_4, %max3A_3 : vector<1000x1xf32>
    %get3A_6 = arith.constant 0 : index
    %get3A_7 = arith.constant 0 : index
    %get3A_8 = arith.constant 0 : index
    %get3A_9 = vector.load %arg1[%get3A_6, %get3A_7, %get3A_8] : memref<4x1000x128xf32, #tpu.memory_space<vmem>>, vector<1x1000x128xf32>
    %get3A_10 = vector.shape_cast %get3A_9 : vector<1x1000x128xf32> to vector<1000x128xf32>
    %mul3A = vector.broadcast %div3A_5 : vector<1000x1xf32> to vector<1000x128xf32>
    %mul3A_11 = arith.mulf %get3A_10, %mul3A : vector<1000x128xf32>
    %get3A_12 = arith.constant 1 : index
    %get3A_13 = arith.constant 0 : index
    %get3A_14 = arith.constant 0 : index
    %get3A_15 = vector.load %arg1[%get3A_12, %get3A_13, %get3A_14] : memref<4x1000x128xf32, #tpu.memory_space<vmem>>, vector<1x1000x128xf32>
    %get3A_16 = vector.shape_cast %get3A_15 : vector<1x1000x128xf32> to vector<1000x128xf32>
    %mul3A_17 = vector.broadcast %div3A_5 : vector<1000x1xf32> to vector<1000x128xf32>
    %mul3A_18 = arith.mulf %get3A_16, %mul3A_17 : vector<1000x128xf32>
    %get3A_19 = arith.constant 2 : index
    %get3A_20 = arith.constant 0 : index
    %get3A_21 = arith.constant 0 : index
    %get3A_22 = vector.load %arg1[%get3A_19, %get3A_20, %get3A_21] : memref<4x1000x128xf32, #tpu.memory_space<vmem>>, vector<1x1000x128xf32>
    %get3A_23 = vector.shape_cast %get3A_22 : vector<1x1000x128xf32> to vector<1000x128xf32>
    %mul3A_24 = vector.broadcast %div3A_5 : vector<1000x1xf32> to vector<1000x128xf32>
    %mul3A_25 = arith.mulf %get3A_23, %mul3A_24 : vector<1000x128xf32>
    %get3A_26 = arith.constant 3 : index
    %get3A_27 = arith.constant 0 : index
    %get3A_28 = arith.constant 0 : index
    %get3A_29 = vector.load %arg1[%get3A_26, %get3A_27, %get3A_28] : memref<4x1000x128xf32, #tpu.memory_space<vmem>>, vector<1x1000x128xf32>
    %get3A_30 = vector.shape_cast %get3A_29 : vector<1x1000x128xf32> to vector<1000x128xf32>
    %mul3A_31 = vector.broadcast %div3A_5 : vector<1000x1xf32> to vector<1000x128xf32>
    %mul3A_32 = arith.mulf %get3A_30, %mul3A_31 : vector<1000x128xf32>
    %get3A_33 = arith.constant 0 : index
    %get3A_34 = arith.constant 0 : index
    %get3A_35 = vector.load %arg4[%get3A_33, %get3A_34] : memref<1000x1xf32, #tpu.memory_space<vmem>>, vector<1000x1xf32>
    %max3A_36 = arith.constant 1.000000e+00 : f32
    %max3A_37 = vector.broadcast %max3A_36 : f32 to vector<1000x1xf32>
    %max3A_38 = arith.maximumf %get3A_35, %max3A_37 : vector<1000x1xf32>
    %div3A_39 = arith.constant 1.000000e+00 : f32
    %div3A_40 = vector.broadcast %div3A_39 : f32 to vector<1000x1xf32>
    %div3A_41 = arith.divf %div3A_40, %max3A_38 : vector<1000x1xf32>
    %get3A_42 = arith.constant 0 : index
    %get3A_43 = arith.constant 0 : index
    %get3A_44 = arith.constant 0 : index
    %get3A_45 = vector.load %arg2[%get3A_42, %get3A_43, %get3A_44] : memref<4x1000x128xf32, #tpu.memory_space<vmem>>, vector<1x1000x128xf32>
    %get3A_46 = vector.shape_cast %get3A_45 : vector<1x1000x128xf32> to vector<1000x128xf32>
    %mul3A_47 = vector.broadcast %div3A_41 : vector<1000x1xf32> to vector<1000x128xf32>
    %mul3A_48 = arith.mulf %get3A_46, %mul3A_47 : vector<1000x128xf32>
    %get3A_49 = arith.constant 1 : index
    %get3A_50 = arith.constant 0 : index
    %get3A_51 = arith.constant 0 : index
    %get3A_52 = vector.load %arg2[%get3A_49, %get3A_50, %get3A_51] : memref<4x1000x128xf32, #tpu.memory_space<vmem>>, vector<1x1000x128xf32>
    %get3A_53 = vector.shape_cast %get3A_52 : vector<1x1000x128xf32> to vector<1000x128xf32>
    %mul3A_54 = vector.broadcast %div3A_41 : vector<1000x1xf32> to vector<1000x128xf32>
    %mul3A_55 = arith.mulf %get3A_53, %mul3A_54 : vector<1000x128xf32>
    %get3A_56 = arith.constant 2 : index
    %get3A_57 = arith.constant 0 : index
    %get3A_58 = arith.constant 0 : index
    %get3A_59 = vector.load %arg2[%get3A_56, %get3A_57, %get3A_58] : memref<4x1000x128xf32, #tpu.memory_space<vmem>>, vector<1x1000x128xf32>
    %get3A_60 = vector.shape_cast %get3A_59 : vector<1x1000x128xf32> to vector<1000x128xf32>
    %mul3A_61 = vector.broadcast %div3A_41 : vector<1000x1xf32> to vector<1000x128xf32>
    %mul3A_62 = arith.mulf %get3A_60, %mul3A_61 : vector<1000x128xf32>
    %get3A_63 = arith.constant 3 : index
    %get3A_64 = arith.constant 0 : index
    %get3A_65 = arith.constant 0 : index
    %get3A_66 = vector.load %arg2[%get3A_63, %get3A_64, %get3A_65] : memref<4x1000x128xf32, #tpu.memory_space<vmem>>, vector<1x1000x128xf32>
    %get3A_67 = vector.shape_cast %get3A_66 : vector<1x1000x128xf32> to vector<1000x128xf32>
    %mul3A_68 = vector.broadcast %div3A_41 : vector<1000x1xf32> to vector<1000x128xf32>
    %mul3A_69 = arith.mulf %get3A_67, %mul3A_68 : vector<1000x128xf32>
    %get3A_70 = arith.constant 0 : index
    %get3A_71 = arith.constant 0 : index
    %get3A_72 = arith.constant 0 : index
    %get3A_73 = vector.load %arg5[%get3A_70, %get3A_71, %get3A_72] : memref<4x1000x128xf32, #tpu.memory_space<vmem>>, vector<1x1000x128xf32>
    %get3A_74 = vector.shape_cast %get3A_73 : vector<1x1000x128xf32> to vector<1000x128xf32>
    %get3A_75 = arith.constant 1 : index
    %get3A_76 = arith.constant 0 : index
    %get3A_77 = arith.constant 0 : index
    %get3A_78 = vector.load %arg5[%get3A_75, %get3A_76, %get3A_77] : memref<4x1000x128xf32, #tpu.memory_space<vmem>>, vector<1x1000x128xf32>
    %get3A_79 = vector.shape_cast %get3A_78 : vector<1x1000x128xf32> to vector<1000x128xf32>
    %get3A_80 = arith.constant 2 : index
    %get3A_81 = arith.constant 0 : index
    %get3A_82 = arith.constant 0 : index
    %get3A_83 = vector.load %arg5[%get3A_80, %get3A_81, %get3A_82] : memref<4x1000x128xf32, #tpu.memory_space<vmem>>, vector<1x1000x128xf32>
    %get3A_84 = vector.shape_cast %get3A_83 : vector<1x1000x128xf32> to vector<1000x128xf32>
    %get3A_85 = arith.constant 3 : index
    %get3A_86 = arith.constant 0 : index
    %get3A_87 = arith.constant 0 : index
    %get3A_88 = vector.load %arg5[%get3A_85, %get3A_86, %get3A_87] : memref<4x1000x128xf32, #tpu.memory_space<vmem>>, vector<1x1000x128xf32>
    %get3A_89 = vector.shape_cast %get3A_88 : vector<1x1000x128xf32> to vector<1000x128xf32>
    %concatenate3A = tpu.concatenate %mul3A_11, %mul3A_18, %mul3A_25, %mul3A_32, %mul3A_48, %mul3A_55, %mul3A_62, %mul3A_69, %get3A_74, %get3A_79, %get3A_84, %get3A_89 in 1 : vector<1000x128xf32>, vector<1000x128xf32>, vector<1000x128xf32>, vector<1000x128xf32>, vector<1000x128xf32>, vector<1000x128xf32>, vector<1000x128xf32>, vector<1000x128xf32>, vector<1000x128xf32>, vector<1000x128xf32>, vector<1000x128xf32>, vector<1000x128xf32> -> vector<1000x1536xf32>
    %get3A_90 = arith.constant 0 : index
    %get3A_91 = arith.constant 0 : index
    %get3A_92 = vector.load %arg6[%get3A_90, %get3A_91] : memref<1536x512xf32, #tpu.memory_space<vmem>>, vector<1536x512xf32>
    %dot_general3A = arith.constant dense<0.000000e+00> : vector<1000x512xf32>
    %dot_general3A_93 = tpu.matmul %concatenate3A, %get3A_92, %dot_general3A {dimension_numbers = #tpu.dot_dimension_numbers<[1], [0], [0], [1], [0, 0, 1, 1], [], []>, transpose_lhs_hint = false} : vector<1000x1536xf32>, vector<1536x512xf32>, vector<1000x512xf32> -> vector<1000x512xf32>
    %get3A_94 = arith.constant 0 : index
    %get3A_95 = arith.constant 0 : index
    %get3A_96 = vector.load %arg7[%get3A_94, %get3A_95] : memref<1x512xf32, #tpu.memory_space<vmem>>, vector<1x512xf32>
    %add3A = vector.broadcast %get3A_96 : vector<1x512xf32> to vector<1000x512xf32>
    %add3A_97 = arith.addf %dot_general3A_93, %add3A : vector<1000x512xf32>
    %get3A_98 = arith.constant 0 : index
    %get3A_99 = arith.constant 0 : index
    %get3A_100 = vector.load %arg8[%get3A_98, %get3A_99] : memref<512x2xf32, #tpu.memory_space<vmem>>, vector<512x2xf32>
    %dot_general3A_101 = arith.constant dense<0.000000e+00> : vector<1000x2xf32>
    %dot_general3A_102 = tpu.matmul %add3A_97, %get3A_100, %dot_general3A_101 {dimension_numbers = #tpu.dot_dimension_numbers<[1], [0], [0], [1], [0, 0, 1, 1], [], []>, transpose_lhs_hint = false} : vector<1000x512xf32>, vector<512x2xf32>, vector<1000x2xf32> -> vector<1000x2xf32>
    %get3A_103 = arith.constant 0 : index
    %get3A_104 = arith.constant 0 : index
    %get3A_105 = vector.load %arg9[%get3A_103, %get3A_104] : memref<1x2xf32, #tpu.memory_space<vmem>>, vector<1x2xf32>
    %add3A_106 = vector.broadcast %get3A_105 : vector<1x2xf32> to vector<1000x2xf32>
    %add3A_107 = arith.addf %dot_general3A_102, %add3A_106 : vector<1000x2xf32>
    %iota3A = tpu.iota {dimensions = array<i32: 1>} : vector<1000x2xi32>
    %eq3A = arith.constant 1 : i32
    %eq3A_108 = vector.broadcast %eq3A : i32 to vector<1000x2xi32>
    %eq3A_109 = arith.cmpi eq, %iota3A, %eq3A_108 : vector<1000x2xi32>
    %max3A_110 = arith.constant 0.000000e+00 : f32
    %max3A_111 = vector.broadcast %max3A_110 : f32 to vector<1000x2xf32>
    %max3A_112 = arith.maximumf %add3A_107, %max3A_111 : vector<1000x2xf32>
    %select_n3A = arith.select %eq3A_109, %max3A_112, %add3A_107 : vector<1000x2xi1>, vector<1000x2xf32>
    %swap3A = arith.constant 0 : index
    %swap3A_113 = arith.constant 0 : index
    %swap3A_114 = vector.load %arg10[%swap3A, %swap3A_113] : memref<1000x2xf32, #tpu.memory_space<vmem>>, vector<1000x2xf32>
    tpu.vector_store %arg10[%swap3A, %swap3A_113], %select_n3A {strides = array<i32>} : memref<1000x2xf32, #tpu.memory_space<vmem>>, vector<1000x2xf32>,
    return
  }
  func.func @transform_0(%arg0: i32) -> (i32, i32, i32) {
    %c0_i32 = arith.constant 0 : i32
    %c0_i32_0 = arith.constant 0 : i32
    %c0_i32_1 = arith.constant 0 : i32
    return %c0_i32, %arg0, %c0_i32_0 : i32, i32, i32
  }
  func.func @transform_1(%arg0: i32) -> (i32, i32, i32) {
    %c0_i32 = arith.constant 0 : i32
    %c0_i32_0 = arith.constant 0 : i32
    %c0_i32_1 = arith.constant 0 : i32
    return %c0_i32, %arg0, %c0_i32_0 : i32, i32, i32
  }
  func.func @transform_2(%arg0: i32) -> (i32, i32) {
    %c0_i32 = arith.constant 0 : i32
    %c0_i32_0 = arith.constant 0 : i32
    return %arg0, %c0_i32 : i32, i32
  }
  func.func @transform_3(%arg0: i32) -> (i32, i32) {
    %c0_i32 = arith.constant 0 : i32
    %c0_i32_0 = arith.constant 0 : i32
    return %arg0, %c0_i32 : i32, i32
  }
  func.func @transform_4(%arg0: i32) -> (i32, i32, i32) {
    %c0_i32 = arith.constant 0 : i32
    %c0_i32_0 = arith.constant 0 : i32
    %c0_i32_1 = arith.constant 0 : i32
    return %c0_i32, %arg0, %c0_i32_0 : i32, i32, i32
  }
  func.func @transform_5(%arg0: i32) -> (i32, i32) {
    %c0_i32 = arith.constant 0 : i32
    %c0_i32_0 = arith.constant 0 : i32
    %c0_i32_1 = arith.constant 0 : i32
    return %c0_i32, %c0_i32_0 : i32, i32
  }
  func.func @transform_6(%arg0: i32) -> (i32, i32) {
    %c0_i32 = arith.constant 0 : i32
    %c0_i32_0 = arith.constant 0 : i32
    %c0_i32_1 = arith.constant 0 : i32
    return %c0_i32, %c0_i32_0 : i32, i32
  }
  func.func @transform_7(%arg0: i32) -> (i32, i32) {
    %c0_i32 = arith.constant 0 : i32
    %c0_i32_0 = arith.constant 0 : i32
    %c0_i32_1 = arith.constant 0 : i32
    return %c0_i32, %c0_i32_0 : i32, i32
  }
  func.func @transform_8(%arg0: i32) -> (i32, i32) {
    %c0_i32 = arith.constant 0 : i32
    %c0_i32_0 = arith.constant 0 : i32
    %c0_i32_1 = arith.constant 0 : i32
    return %c0_i32, %c0_i32_0 : i32, i32
  }
  func.func @transform_9(%arg0: i32) -> (i32, i32) {
    %c0_i32 = arith.constant 0 : i32
    %c0_i32_0 = arith.constant 0 : i32
    return %arg0, %c0_i32 : i32, i32
  }
}

module attributes {stable_mosaic.version = 14 : i64} {
  func.func @body(%arg0: i32, %arg1: memref<4x1000x128xf32, #tpu.memory_space<vmem>>, %arg2: memref<1000x1xf32, #tpu.memory_space<vmem>>, %arg3: memref<4x1000x128xf32, #tpu.memory_space<vmem>>, %arg4: memref<1024x512xf32, #tpu.memory_space<vmem>>, %arg5: memref<1x512xf32, #tpu.memory_space<vmem>>, %arg6: memref<512x2xf32, #tpu.memory_space<vmem>>, %arg7: memref<1x2xf32, #tpu.memory_space<vmem>>, %arg8: memref<1000x2xf32, #tpu.memory_space<vmem>>) attributes {dimension_semantics = [#tpu.dimension_semantics<arbitrary>], iteration_bounds = array<i64: 10>, scalar_prefetch = 0 : i64, scratch_operands = 0 : i64, tpu.core_type = #tpu.core_type<tc>, window_params = [{transform_indices = @transform_0, window_bounds = array<i64: 4, 1000, 128>}, {transform_indices = @transform_1, window_bounds = array<i64: 1000, 1>}, {transform_indices = @transform_2, window_bounds = array<i64: 4, 1000, 128>}, {pipeline_mode = #tpu.pipeline_mode<synchronous>, transform_indices = @transform_3, window_bounds = array<i64: 1024, 512>}, {pipeline_mode = #tpu.pipeline_mode<synchronous>, transform_indices = @transform_4, window_bounds = array<i64: 1, 512>}, {pipeline_mode = #tpu.pipeline_mode<synchronous>, transform_indices = @transform_5, window_bounds = array<i64: 512, 2>}, {pipeline_mode = #tpu.pipeline_mode<synchronous>, transform_indices = @transform_6, window_bounds = array<i64: 1, 2>}, {transform_indices = @transform_7, window_bounds = array<i64: 1000, 2>}]} {
    %get3A = arith.constant 0 : index
    %get3A_0 = arith.constant 0 : index
    %get3A_1 = vector.load %arg2[%get3A, %get3A_0] : memref<1000x1xf32, #tpu.memory_space<vmem>>, vector<1000x1xf32>
    %max3A = arith.constant 1.000000e+00 : f32
    %max3A_2 = vector.broadcast %max3A : f32 to vector<1000x1xf32>
    %max3A_3 = arith.maximumf %get3A_1, %max3A_2 : vector<1000x1xf32>
    %div3A = arith.constant 1.000000e+00 : f32
    %div3A_4 = vector.broadcast %div3A : f32 to vector<1000x1xf32>
    %div3A_5 = arith.divf %div3A_4, %max3A_3 : vector<1000x1xf32>
    %get3A_6 = arith.constant 0 : index
    %get3A_7 = arith.constant 0 : index
    %get3A_8 = arith.constant 0 : index
    %get3A_9 = vector.load %arg1[%get3A_6, %get3A_7, %get3A_8] : memref<4x1000x128xf32, #tpu.memory_space<vmem>>, vector<1x1000x128xf32>
    %get3A_10 = vector.shape_cast %get3A_9 : vector<1x1000x128xf32> to vector<1000x128xf32>
    %mul3A = vector.broadcast %div3A_5 : vector<1000x1xf32> to vector<1000x128xf32>
    %mul3A_11 = arith.mulf %get3A_10, %mul3A : vector<1000x128xf32>
    %get3A_12 = arith.constant 1 : index
    %get3A_13 = arith.constant 0 : index
    %get3A_14 = arith.constant 0 : index
    %get3A_15 = vector.load %arg1[%get3A_12, %get3A_13, %get3A_14] : memref<4x1000x128xf32, #tpu.memory_space<vmem>>, vector<1x1000x128xf32>
    %get3A_16 = vector.shape_cast %get3A_15 : vector<1x1000x128xf32> to vector<1000x128xf32>
    %mul3A_17 = vector.broadcast %div3A_5 : vector<1000x1xf32> to vector<1000x128xf32>
    %mul3A_18 = arith.mulf %get3A_16, %mul3A_17 : vector<1000x128xf32>
    %get3A_19 = arith.constant 2 : index
    %get3A_20 = arith.constant 0 : index
    %get3A_21 = arith.constant 0 : index
    %get3A_22 = vector.load %arg1[%get3A_19, %get3A_20, %get3A_21] : memref<4x1000x128xf32, #tpu.memory_space<vmem>>, vector<1x1000x128xf32>
    %get3A_23 = vector.shape_cast %get3A_22 : vector<1x1000x128xf32> to vector<1000x128xf32>
    %mul3A_24 = vector.broadcast %div3A_5 : vector<1000x1xf32> to vector<1000x128xf32>
    %mul3A_25 = arith.mulf %get3A_23, %mul3A_24 : vector<1000x128xf32>
    %get3A_26 = arith.constant 3 : index
    %get3A_27 = arith.constant 0 : index
    %get3A_28 = arith.constant 0 : index
    %get3A_29 = vector.load %arg1[%get3A_26, %get3A_27, %get3A_28] : memref<4x1000x128xf32, #tpu.memory_space<vmem>>, vector<1x1000x128xf32>
    %get3A_30 = vector.shape_cast %get3A_29 : vector<1x1000x128xf32> to vector<1000x128xf32>
    %mul3A_31 = vector.broadcast %div3A_5 : vector<1000x1xf32> to vector<1000x128xf32>
    %mul3A_32 = arith.mulf %get3A_30, %mul3A_31 : vector<1000x128xf32>
    %get3A_33 = arith.constant 0 : index
    %get3A_34 = arith.constant 0 : index
    %get3A_35 = arith.constant 0 : index
    %get3A_36 = vector.load %arg3[%get3A_33, %get3A_34, %get3A_35] : memref<4x1000x128xf32, #tpu.memory_space<vmem>>, vector<1x1000x128xf32>
    %get3A_37 = vector.shape_cast %get3A_36 : vector<1x1000x128xf32> to vector<1000x128xf32>
    %get3A_38 = arith.constant 1 : index
    %get3A_39 = arith.constant 0 : index
    %get3A_40 = arith.constant 0 : index
    %get3A_41 = vector.load %arg3[%get3A_38, %get3A_39, %get3A_40] : memref<4x1000x128xf32, #tpu.memory_space<vmem>>, vector<1x1000x128xf32>
    %get3A_42 = vector.shape_cast %get3A_41 : vector<1x1000x128xf32> to vector<1000x128xf32>
    %get3A_43 = arith.constant 2 : index
    %get3A_44 = arith.constant 0 : index
    %get3A_45 = arith.constant 0 : index
    %get3A_46 = vector.load %arg3[%get3A_43, %get3A_44, %get3A_45] : memref<4x1000x128xf32, #tpu.memory_space<vmem>>, vector<1x1000x128xf32>
    %get3A_47 = vector.shape_cast %get3A_46 : vector<1x1000x128xf32> to vector<1000x128xf32>
    %get3A_48 = arith.constant 3 : index
    %get3A_49 = arith.constant 0 : index
    %get3A_50 = arith.constant 0 : index
    %get3A_51 = vector.load %arg3[%get3A_48, %get3A_49, %get3A_50] : memref<4x1000x128xf32, #tpu.memory_space<vmem>>, vector<1x1000x128xf32>
    %get3A_52 = vector.shape_cast %get3A_51 : vector<1x1000x128xf32> to vector<1000x128xf32>
    %concatenate3A = tpu.concatenate %mul3A_11, %mul3A_18, %mul3A_25, %mul3A_32, %get3A_37, %get3A_42, %get3A_47, %get3A_52 in 1 : vector<1000x128xf32>, vector<1000x128xf32>, vector<1000x128xf32>, vector<1000x128xf32>, vector<1000x128xf32>, vector<1000x128xf32>, vector<1000x128xf32>, vector<1000x128xf32> -> vector<1000x1024xf32>
    %get3A_53 = arith.constant 0 : index
    %get3A_54 = arith.constant 0 : index
    %get3A_55 = vector.load %arg4[%get3A_53, %get3A_54] : memref<1024x512xf32, #tpu.memory_space<vmem>>, vector<1024x512xf32>
    %dot_general3A = arith.constant dense<0.000000e+00> : vector<1000x512xf32>
    %dot_general3A_56 = tpu.matmul %concatenate3A, %get3A_55, %dot_general3A {dimension_numbers = #tpu.dot_dimension_numbers<[1], [0], [0], [1], [0, 0, 1, 1], [], []>, transpose_lhs_hint = false} : vector<1000x1024xf32>, vector<1024x512xf32>, vector<1000x512xf32> -> vector<1000x512xf32>
    %get3A_57 = arith.constant 0 : index
    %get3A_58 = arith.constant 0 : index
    %get3A_59 = vector.load %arg5[%get3A_57, %get3A_58] : memref<1x512xf32, #tpu.memory_space<vmem>>, vector<1x512xf32>
    %add3A = vector.broadcast %get3A_59 : vector<1x512xf32> to vector<1000x512xf32>
    %add3A_60 = arith.addf %dot_general3A_56, %add3A : vector<1000x512xf32>
    %get3A_61 = arith.constant 0 : index
    %get3A_62 = arith.constant 0 : index
    %get3A_63 = vector.load %arg6[%get3A_61, %get3A_62] : memref<512x2xf32, #tpu.memory_space<vmem>>, vector<512x2xf32>
    %dot_general3A_64 = arith.constant dense<0.000000e+00> : vector<1000x2xf32>
    %dot_general3A_65 = tpu.matmul %add3A_60, %get3A_63, %dot_general3A_64 {dimension_numbers = #tpu.dot_dimension_numbers<[1], [0], [0], [1], [0, 0, 1, 1], [], []>, transpose_lhs_hint = false} : vector<1000x512xf32>, vector<512x2xf32>, vector<1000x2xf32> -> vector<1000x2xf32>
    %get3A_66 = arith.constant 0 : index
    %get3A_67 = arith.constant 0 : index
    %get3A_68 = vector.load %arg7[%get3A_66, %get3A_67] : memref<1x2xf32, #tpu.memory_space<vmem>>, vector<1x2xf32>
    %add3A_69 = vector.broadcast %get3A_68 : vector<1x2xf32> to vector<1000x2xf32>
    %add3A_70 = arith.addf %dot_general3A_65, %add3A_69 : vector<1000x2xf32>
    %swap3A = arith.constant 0 : index
    %swap3A_71 = arith.constant 0 : index
    %swap3A_72 = vector.load %arg8[%swap3A, %swap3A_71] : memref<1000x2xf32, #tpu.memory_space<vmem>>, vector<1000x2xf32>
    tpu.vector_store %arg8[%swap3A, %swap3A_71], %add3A_70 {strides = array<i32>} : memref<1000x2xf32, #tpu.memory_space<vmem>>, vector<1000x2xf32>,
    return
  }
  func.func @transform_0(%arg0: i32) -> (i32, i32, i32) {
    %c0_i32 = arith.constant 0 : i32
    %c0_i32_0 = arith.constant 0 : i32
    %c0_i32_1 = arith.constant 0 : i32
    return %c0_i32, %arg0, %c0_i32_0 : i32, i32, i32
  }
  func.func @transform_1(%arg0: i32) -> (i32, i32) {
    %c0_i32 = arith.constant 0 : i32
    %c0_i32_0 = arith.constant 0 : i32
    return %arg0, %c0_i32 : i32, i32
  }
  func.func @transform_2(%arg0: i32) -> (i32, i32, i32) {
    %c0_i32 = arith.constant 0 : i32
    %c0_i32_0 = arith.constant 0 : i32
    %c0_i32_1 = arith.constant 0 : i32
    return %c0_i32, %arg0, %c0_i32_0 : i32, i32, i32
  }
  func.func @transform_3(%arg0: i32) -> (i32, i32) {
    %c0_i32 = arith.constant 0 : i32
    %c0_i32_0 = arith.constant 0 : i32
    %c0_i32_1 = arith.constant 0 : i32
    return %c0_i32, %c0_i32_0 : i32, i32
  }
  func.func @transform_4(%arg0: i32) -> (i32, i32) {
    %c0_i32 = arith.constant 0 : i32
    %c0_i32_0 = arith.constant 0 : i32
    %c0_i32_1 = arith.constant 0 : i32
    return %c0_i32, %c0_i32_0 : i32, i32
  }
  func.func @transform_5(%arg0: i32) -> (i32, i32) {
    %c0_i32 = arith.constant 0 : i32
    %c0_i32_0 = arith.constant 0 : i32
    %c0_i32_1 = arith.constant 0 : i32
    return %c0_i32, %c0_i32_0 : i32, i32
  }
  func.func @transform_6(%arg0: i32) -> (i32, i32) {
    %c0_i32 = arith.constant 0 : i32
    %c0_i32_0 = arith.constant 0 : i32
    %c0_i32_1 = arith.constant 0 : i32
    return %c0_i32, %c0_i32_0 : i32, i32
  }
  func.func @transform_7(%arg0: i32) -> (i32, i32) {
    %c0_i32 = arith.constant 0 : i32
    %c0_i32_0 = arith.constant 0 : i32
    return %arg0, %c0_i32 : i32, i32
  }
}

</mosaic_0001>

<sc_bundles>
// kernel: kernel.15.cloned.1.call-start
scs
__scs_entry_jumppad:
0x0: {  	(pc) =	sbr.rel $0x88, $3  }
0x1: {  	(tag) =	ssettag $0x0;
	lr =	simm.s32 $0x1  }
0x2: {  	[smem:$0x3F82] =	sst lr;
	_ =	strace $0xD0000000  }
0x3: {  	_ = 	snop  }
0x4: {  	_ = 	snop  }
0x5: {  	_ = 	snop  }
0x6: {  	_ = 	snop  }
0x7: {  	_ = 	snop  }
__scs_overlays_trampoline_lowered:
0x8: {  	[smem:$0x3F91] =	sst s0  }
0x9: {  	[smem:$0x3F92] =	sst s1  }
0xa: {  	[smem:$0x3F93] =	sst s2  }
0xb: {  	[smem:$0x3F94] =	sst s3  }
0xc: {  	[smem:$0x3F95] =	sst s4  }
0xd: {  	[smem:$0x3F96] =	sst s5  }
0xe: {  	[smem:$0x3F97] =	sst s6  }
0xf: {  	[smem:$0x3F98] =	sst s7  }
0x10: {  	[smem:$0x3F99] =	sst s8  }
0x11: {  	[smem:$0x3F9A] =	sst s9;
	s0 =	simm.s32 @!p0 $0x0  }
0x12: {  	s1 =	sld [smem:$0x3F80];
	s0 =	simm.s32 @p0 $0x1  }
0x13: {  	[smem:$0x3F9B] =	sst s0;
	s0 =	simm.s32 @!p1 $0x0  }
0x14: {  	s2 =	sld [smem:$0x3F7F];
	s0 =	simm.s32 @p1 $0x1  }
0x15: {  	[smem:$0x3F9C] =	sst s0;
	s0 =	simm.s32 @!p2 $0x0  }
0x16: {  	s3 =	sld [smem:$0x3FDB];
	s0 =	simm.s32 @p2 $0x1  }
0x17: {  	s4 =	simm.s32 $0x1BF5;
	[smem:$0x3F9E] =	sst s0  }
0x18: {  	s0 =	sld [smem:$0x3F81];
	_ =	swait.ge [sflag:s4], $0x0  }
0x19: {  	s7 =	sld [smem:$0x3F82]  }
0x1a: {  	s8 =	sadd.s32 $0xFFFFE003, lr  }
0x1b: {  	s9 =	sadd.s32 $0xFFFFFEF7, lr;
	s5 =	simm.s32 $0xFFFFFFFF;
	p2 =	slt.u32 s8, $0xFFFFF086  }
0x1c: {  	p1 =	slt.u32 s9, $0xF7A;
	s5 =	simm.s32 @!p2 $0x0  }
0x1d: {  	s5 =	simm.s32 @p1 $0x1;
	p0 =	seq.s32 s7, s2  }
0x1e: {  	s7 =	smul.u32 @!p0 $0xF7A, s2;
	p2 =	seq.s32 @!p0 s5, $0x0  }
0x1f: {  	s9 =	smul.u32 $0xF7A, s1;
	s8 =	simm.s32 @!p0 $0x1BF5;
	p2 =	por !p2, p0  }
0x20: {  	[sflag:s8] =	ssyncset.s32 @!p0 $0xFFFFF086;
	s6 =	sadd.s32 @!p0 s3, s7;
	s7 =	simm.s32 @!p0 $0x108  }
0x21: {  	s3 =	sadd.s32 s3, s9;
	s6 =	sadd.s32 @!p0 $0x88, s6;
	s7 =	simm.s32 @p2 $0x1082  }
0x22: {  	[simem:s7], [sflag:s8] =	dma.local @!p0 [hbm:s6], $0xF7A  }
0x23: {  	s9 =	sor.u32 $0xD0000000, s2;
	s6 =	simm.s32 $0x108;
	_ =	swait.ge @!p0 [sflag:s8], $0x0  }
0x24: {  	s3 =	sadd.s32 $0x88, s3;
	s6 =	simm.s32 @!p1 $0x1082;
	[sflag:s4] =	ssyncset.s32 $0xFFFFF086  }
0x25: {  	[simem:s6], [sflag:s4] =	dma.local [hbm:s3], $0xF7A  }
0x26: {  	[smem:$0x3F82] =	sst s1;
	(tag) =	ssettag s2;
	_ =	strace s9  }
0x27: {  	s1 =	sld [smem:$0x3F92]  }
0x28: {  	s2 =	sld [smem:$0x3F93]  }
0x29: {  	s4 =	sld [smem:$0x3F95]  }
0x2a: {  	p0 =	seq.s32 s5, $0x0;
	s5 =	sld [smem:$0x3F96]  }
0x2b: {  	s6 =	sld [smem:$0x3F97]  }
0x2c: {  	s7 =	sld [smem:$0x3F98]  }
0x2d: {  	s3 =	simm.s32 $0x108;
	s8 =	sld [smem:$0x3F99]  }
0x2e: {  	s3 =	simm.s32 @!p0 $0x1082;
	s9 =	sld [smem:$0x3F9A]  }
0x2f: {  	lr =	sadd.s32 s0, s3;
	s0 =	sld [smem:$0x3F91]  }
0x30: {  	s3 =	sld [smem:$0x3F94]  }
0x31: {  	[smem:$0x3F9D] =	sst s10  }
0x32: {  	s10 =	sld [smem:$0x3F9B];
	_ =	sdelay $0x3  }
0x33: {  	p0 =	seq.s32 s10, $0x1;
	s10 =	sld [smem:$0x3F9D];
	_ =	sdelay $0x3  }
0x34: {  	[smem:$0x3F9D] =	sst s10  }
0x35: {  	s10 =	sld [smem:$0x3F9C];
	_ =	sdelay $0x3  }
0x36: {  	p1 =	seq.s32 s10, $0x1;
	s10 =	sld [smem:$0x3F9D];
	_ =	sdelay $0x3  }
0x37: {  	[smem:$0x3F9D] =	sst s10  }
0x38: {  	s10 =	sld [smem:$0x3F9E]  }
0x39: {  	_ = 	snop;
	(pc) =	sbr.ind lr, $3  }
0x3a: {  	_ = 	snop  }
0x3b: {  	_ = 	snop  }
0x3c: {  	p2 =	seq.s32 s10, $0x1;
	s10 =	sld [smem:$0x3F9D]  }
0x3d: {  	_ =	shalt  }
0x3e: {  	_ =	shalt  }
0x3f: {  	_ =	shalt  }
0x40: {  	_ =	shalt  }
0x41: {  	_ =	shalt  }
0x42: {  	_ =	shalt  }
0x43: {  	_ =	shalt  }
0x44: {  	_ =	shalt  }
0x45: {  	_ =	shalt  }
0x46: {  	_ =	shalt  }
0x47: {  	_ =	shalt  }
0x48: {  	_ =	shalt  }
0x49: {  	_ =	shalt  }
0x4a: {  	_ =	shalt  }
0x4b: {  	_ =	shalt  }
0x4c: {  	_ =	shalt  }
0x4d: {  	_ =	shalt  }
0x4e: {  	_ =	shalt  }
0x4f: {  	_ =	shalt  }
0x50: {  	_ =	shalt  }
0x51: {  	_ =	shalt  }
0x52: {  	_ =	shalt  }
0x53: {  	_ =	shalt  }
0x54: {  	_ =	shalt  }
0x55: {  	_ =	shalt  }
0x56: {  	_ =	shalt  }
0x57: {  	_ =	shalt  }
0x58: {  	_ =	shalt  }
0x59: {  	_ =	shalt  }
0x5a: {  	_ =	shalt  }
0x5b: {  	_ =	shalt  }
0x5c: {  	_ =	shalt  }
0x5d: {  	_ =	shalt  }
0x5e: {  	_ =	shalt  }
0x5f: {  	_ =	shalt  }
0x60: {  	_ =	shalt  }
0x61: {  	_ =	shalt  }
0x62: {  	_ =	shalt  }
0x63: {  	_ =	shalt  }
0x64: {  	_ =	shalt  }
0x65: {  	_ =	shalt  }
0x66: {  	_ =	shalt  }
0x67: {  	_ =	shalt  }
0x68: {  	_ =	shalt  }
0x69: {  	_ =	shalt  }
0x6a: {  	_ =	shalt  }
0x6b: {  	_ =	shalt  }
0x6c: {  	_ =	shalt  }
0x6d: {  	_ =	shalt  }
0x6e: {  	_ =	shalt  }
0x6f: {  	_ =	shalt  }
0x70: {  	_ =	shalt  }
0x71: {  	_ =	shalt  }
0x72: {  	_ =	shalt  }
0x73: {  	_ =	shalt  }
0x74: {  	_ =	shalt  }
0x75: {  	_ =	shalt  }
0x76: {  	_ =	shalt  }
0x77: {  	_ =	shalt  }
0x78: {  	_ =	shalt  }
0x79: {  	_ =	shalt  }
0x7a: {  	_ =	shalt  }
0x7b: {  	_ =	shalt  }
0x7c: {  	_ =	shalt  }
0x7d: {  	_ =	shalt  }
0x7e: {  	_ =	shalt  }
0x7f: {  	_ =	shalt  }
0x80: {  	_ =	shalt  }
0x81: {  	_ =	shalt  }
0x82: {  	_ =	shalt  }
0x83: {  	_ =	shalt  }
0x84: {  	_ =	shalt  }
0x85: {  	_ =	shalt  }
0x86: {  	_ =	shalt  }
0x87: {  	_ =	shalt  }
.Lfunc_end0:
.L_simem_size_0:
called_computation_lowered:
.L_overlay_start_0:
0x88: {  	s2 =	sld [smem:$0x3FD9]  }
0x89: {  	s3 =	sld [smem:$0x3FFE];
	_ =	sdelay $0x1  }
0x8a: {  	s1 =	srdreg.scid  }
0x8b: {  	s0 =	sand.u32 $0x1, s1  }
0x8c: {  	s14 =	sshll.u32 s0, $0xA;
	s2 =	sadd.s32 s3, s2  }
0x8d: {  	s2 =	sadd.s32 s2, s14  }
0x8e: {  	[smem:$0x3FA9] =	sst s2  }
0x8f: {  	_ = 	snop  }
0x90: {  	s2 =	sld [smem:$0x3FD0];
	_ =	sdelay $0x2  }
0x91: {  	s15 =	simm.s32 $0xD;
	s4 =	simm.s32 $0x10  }
0x92: {  	[smem:s4], [sflag:s15] =	dma.local [hbm:s2], $0x1  }
0x93: {  	_ =	swait.eq [sflag:s15], $0x1  }
0x94: {  	[sflag:s15] =	ssyncset.done $0x0  }
0x95: {  	[sflag:s15] =	ssyncadd.s32 $0xFFFFFFFF  }
0x96: {  	s16 =	sld [smem:$0x11];
	(tm) =	ssettm $0x1  }
0x97: {  	s17 =	sld [smem:$0x3FFB];
	_ =	sdelay $0x3  }
0x98: {  	_ =	strace s17  }
0x99: {  	s3 =	sld [smem:$0x3FFC];
	_ =	sdelay $0x3  }
0x9a: {  	_ =	strace s3  }
0x9b: {  	s3 =	sld [smem:$0x3FFD];
	_ =	sdelay $0x3  }
0x9c: {  	_ =	strace s3  }
0x9d: {  	_ =	strace $0x8FFFFFFF  }
0x9e: {  	s18 =	sld [smem:$0x3FDB];
	_ =	sdelay $0x1  }
0x9f: {  	s19 =	simm.s32 $_scs_section_size  }
0xa0: {  	s5 =	simm.s32 $_size__tile_overlayer_lowered;
	s6 =	simm.s32 $_tile_overlayer_lowered  }
0xa1: {  	s22 =	simm.s32 $0x1BFF;
	s21 =	sshll.u32 s6, $0x1;
	s3 =	sadd.s32 s19, s18  }
0xa2: {  	s7 =	simm.s32 $0x0;
	s20 =	sshll.u32 s5, $0x1;
	s5 =	sadd.s32 s21, s3  }
0xa3: {  	[timem:s7], [sflag:s22] =	dma.local [hbm:s5], s20  }
0xa4: {  	_ =	swait.ge [sflag:s22], s20  }
0xa5: {  	s4 =	ssub.s32 $0x0, s20;
	[sflag:s22] =	ssyncset.done $0x0  }
0xa6: {  	[sflag:s22] =	ssyncadd.s32 s4;
	_ =	sdelay $0x1  }
0xa7: {  	s23 =	simm.s32 $0x1B8B  }
0xa8: {  	_ =	swait.ge [sflag:s23], $0x1  }
0xa9: {  	[sflag:s23] =	ssyncset.done $0x0  }
0xaa: {  	s25 =	simm.s32 $0x1B8E;
	s24 =	sld [smem:$0x3FFE];
	[sflag:s23] =	ssyncadd.s32 $0xFFFFFFFF  }
0xab: {  	s26 =	simm.s32 $execute0_lowered;
	[smem:$0x3FD2] =	sst s25  }
0xac: {  	s5 =	sshll.u32 s26, $0x1;
	_ =	strace $0x80000046;
	[dreg:$0x1] =	wrdreg $0xFFFFFFFF  }
0xad: {  	s28 =	simm.s32 $_size_execute0_lowered;
	s3 =	sadd.s32 s3, s5;
	[dreg:$0x0] =	wrdreg $0x0  }
0xae: {  	s5 =	sshll.u32 s28, $0x1;
	[dreg:$0x2] =	wrdreg s3  }
0xaf: {  	[dreg:$0x3] =	wrdreg s5  }
0xb0: {  	[dreg:$0x4] =	wrdreg $0xC0  }
0xb1: {  	_ =	task [dreg:s7], $0x5FFFF  }
0xb2: {  	[dreg:$0x1] =	wrdreg $0xFFFFFFFF  }
0xb3: {  	[dreg:$0x0] =	wrdreg $0x60  }
0xb4: {  	[dreg:$0x2] =	wrdreg s24  }
0xb5: {  	[dreg:$0x3] =	wrdreg s16  }
0xb6: {  	[dreg:$0x4] =	wrdreg $0x68000  }
0xb7: {  	[dreg:$0x5] =	wrdreg $0xA  }
0xb8: {  	_ =	task.clear_ibuf [dreg:s7], $0x6FFFF;
	_ =	strace $0x90000046  }
0xb9: {  	s29 =	simm.s32 $0xA;
	_ =	strace $0x80000048  }
0xba: {  	_ =	swait.ge [sflag:s29], $0x1  }
0xbb: {  	[sflag:s29] =	ssyncadd.s32 $0xFFFFFFFF  }
0xbc: {  	_ =	strace $0x90000048  }
0xbd: {  	_ =	sfence  }
0xbe: {  	s30 =	sld [smem:$0x0];
	_ =	sdelay $0x2  }
0xbf: {  	s31 =	sshll.u32 s1, $0xD;
	s1 =	sshrl.u32 s1, $0x2  }
0xc0: {  	s3 =	sand.u32 $0x4000, s31;
	s1 =	sadd.s32 s1, s30  }
0xc1: {  	s0 =	sor.u32 s3, s0;
	s1 =	sshll.u32 s1, $0x11  }
0xc2: {  	s0 =	sor.u32 s1, s0  }
0xc3: {  	s0 =	sadd.s32 $0x8F2B, s0  }
0xc4: {  	[sflag:s0] =	ssyncadd.remote.s32 $0x1  }
0xc5: {  	_ =	sfence.sel $0xFFFF  }
0xc6: {  	[dreg:$0x0] =	wrdreg $0xFFFFFFFF;
	(pc) =	sbr.abs _section_cstart, $3  }
0xc7: {  	[dreg:$0x1] =	wrdreg $0xFFFFFFFF  }
0xc8: {  	_ =	task.clear_ibuf [dreg:s7], $0x2FFFF;
	_ =	strace $0x9FFFFFFF  }
0xc9: {  	(tm) =	ssettm $0x7FFFFFFF  }
tec
execute0_lowered:
.L_overlay_start_1:
0x0: {  	(tag) =	ssettag $0x1  }
0x1: {  	s6 =	rddreg [dreg:$0x0]  }
0x2: {  	s1 =	rddreg [dreg:$0x1]  }
0x3: {  	s3 =	rddreg [dreg:$0x2];
	s2 =	stileid.u32  }
0x4: {  	s0 =	rddreg [dreg:$0x3];
	s4 =	simm.s32 $0x0;
	s5 =	smul.u32 $0x500, s2  }
0x5: {  	s7 =	srdreg.scid;
	s16 =	simm.s32 $0x80;
	s8 =	smul.u32 $0x2700, s2  }
0x6: {  	[smem:$0x7FF] =	sst s4;
	s17 =	sand.u32 $0x1, s7;
	s9 =	smul.u32 $0x50000, s2  }
0x7: {  	s12 =	smul.u32 $0x4E000, s2;
	s14 =	sshll.u32 s2, $0x6;
	_ =	strace $0x80000047  }
0x8: {  	s7 =	ssub.s32 $0x2, s17;
	p0 =	seq.s32 s17, $0x0;
	s14 =	sor.u32 $0x1C01, s14  }
0x9: {  	s11 =	sadd.s32 s5, s6;
	s5 =	sadd.s32 $0x16000, s6;
	s10 =	sshrl.u32 s7, $0x1  }
0xa: {  	s13 =	sadd.s32 s8, s6;
	s30 =	sshrl.u32 s9, $0x2;
	s31 =	sshrl.u32 s12, $0x2  }
0xb: {  	s12 =	simm.s32 $0x7000;
	s10 =	ssub.s32 s7, s10;
	s15 =	sadd.s32 s30, s3  }
.Ltmp0:
0xc: {  	s18 =	sadd.s32 s31, s3;
	s6 =	sadd.s32 $0x66C00, s13;
	(pc) =	sbr.rel .LBB2_1-.Ltmp0, $4  }
0xd: {  	s7 =	sadd.s32 $0x3FA00, s13;
	s8 =	sadd.s32 $0xC000, s11;
	s12 =	simm.s32 @!p0 $0x11000  }
0xe: {  	s9 =	sadd.s32 $0x18800, s13;
	s13 =	simm.s32 $0x1;
	p0 =	sne.s32 s17, $0x0  }
0xf: {  	s10 =	smax.u32 s10, $0x1;
	s11 =	sadd.s32 s12, s11;
	s12 =	simm.s32 $0x2800  }
0x10: {  	s15 =	sshrl.u32 s15, $0x3;
	s17 =	sshrl.u32 s18, $0x3;
	s18 =	simm.s32 $0x0  }
.LBB2_7:
0x11: {  	[hbm:s6], [sflag:s14] =	dma.local [spmem:s17], $0x2800  }
0x12: {  	_ =	swait.ge [sflag:s13], $0x2800  }
0x13: {  	[sflag:s13] =	ssyncset.done $0x0  }
0x14: {  	[sflag:s13] =	ssyncadd.s32 $0xFFFFD800  }
0x15: {  	[bflag:$0x0] =	sbarrier.arrive $0xFFFF  }
0x16: {  	[spmem:s15], [sflag:s14] =	dma.local [hbm:s5], $0x2800  }
0x17: {  	_ =	swait.ge [sflag:s13], $0x2800  }
0x18: {  	[sflag:s13] =	ssyncset.done $0x0  }
0x19: {  	[sflag:s13] =	ssyncadd.s32 $0xFFFFD800  }
0x1a: {  	[bflag:$0x0] =	sbarrier.arrive $0xFFFF  }
0x1b: {  	[bflag:$0x0] =	sbarrier.arrive $0xFFFF  }
.LBB2_8:
0x1c: {  	s18 =	sadd.s32 $0x1, s18  }
0x1d: {  	p1 =	sne.s32 s18, s10  }
.Ltmp1:
0x1e: {  	_ = 	snop;
	(pc) =	sbr.rel @!p1 .LBB2_9-.Ltmp1, $2  }
0x1f: {  	_ =	sdelay $0x1  }
0x20: {  	[bflag:$0x0] =	sbarrier.arrive $0xFFFF;
	_ =	sdelay $0x1  }
.LBB2_1:
0x21: {  	[tilespmem:s12], [sflag:$0x1] =	stream.linear.gather [hbm4b:s1+s4], $0x4000, $0x38;
	[tilespmem:$0x1A800] =	vst v63  }
0x22: {  	_ =	swait.ge [sflag:s13], $0x4000  }
0x23: {  	[sflag:s13] =	ssyncset.done $0x0  }
0x24: {  	[sflag:s13] =	ssyncadd.s32 $0xFFFFC000  }
0x25: {  	[tilespmem:s4], [sflag:$0x1] =	stream.linear.gather [hbm4b:s11+s4], $0x2780, $0x38;
	[tilespmem:$0x1A800] =	vst v63  }
0x26: {  	_ =	swait.ge [sflag:s13], $0x2780  }
0x27: {  	[sflag:s13] =	ssyncset.done $0x0  }
0x28: {  	[sflag:s13] =	ssyncadd.s32 $0xFFFFD880  }
0x29: {  	[spmem:s15], [sflag:s14] =	dma.local [hbm:s5], $0x2800  }
0x2a: {  	_ =	swait.ge [sflag:s13], $0x2800  }
0x2b: {  	[sflag:s13] =	ssyncset.done $0x0  }
0x2c: {  	[sflag:s13] =	ssyncadd.s32 $0xFFFFD800  }
0x2d: {  	s19 =	simm.s32 $0x0;
	[bflag:$0x0] =	sbarrier.arrive $0xFFFF  }
0x2e: {  	[spmem:s3] =	stream.indirect.scatter.add.f32 [tilespmem:s12], [sflag:$0x1], $0x80, s19, s16, $0xb8;
	[tilespmem:$0x1A800] =	vst v63  }
0x2f: {  	_ =	swait.ge [sflag:s13], $0x4000  }
0x30: {  	s19 =	simm.s32 $0x200;
	[sflag:s13] =	ssyncset.done $0x0  }
.LBB2_2:
0x31: {  	s20 =	sshra.s32 s19, $0x2;
	[sflag:s13] =	ssyncadd.s32 $0xFFFFC000;
	p1 =	sne.s32 s19, $0x9C00  }
0x32: {  	[spmem:s3] =	stream.indirect.scatter.add.f32 [tilespmem:s12], [sflag:$0x1], $0x80, s20, s16, $0xb8;
	[tilespmem:$0x1A800] =	vst v63  }
.Ltmp2:
0x33: {  	_ = 	snop;
	(pc) =	sbr.rel @p1 .LBB2_2-.Ltmp2, $4  }
0x34: {  	_ = 	snop  }
0x35: {  	s19 =	sadd.s32 $0x200, s19  }
0x36: {  	_ =	swait.ge [sflag:s13], $0x4000  }
0x37: {  	[sflag:s13] =	ssyncset.done $0x0  }
.Ltmp3:
0x38: {  	(pc) =	sbr.rel @p0 .LBB2_7-.Ltmp3, $3  }
0x39: {  	_ = 	snop  }
0x3a: {  	[sflag:s13] =	ssyncadd.s32 $0xFFFFC000  }
0x3b: {  	[bflag:$0x0] =	sbarrier.arrive $0xFFFF;
	_ =	sdelay $0x1  }
0x3c: {  	[hbm:s7], [sflag:s14] =	dma.local [spmem:s17], $0x2800  }
0x3d: {  	_ =	swait.ge [sflag:s13], $0x2800  }
0x3e: {  	[sflag:s13] =	ssyncset.done $0x0  }
0x3f: {  	[sflag:s13] =	ssyncadd.s32 $0xFFFFD800  }
0x40: {  	s19 =	simm.s32 $0x0;
	[bflag:$0x0] =	sbarrier.arrive $0xFFFF  }
0x41: {  	[tilespmem:s19], [sflag:$0x1] =	stream.linear.gather [hbm4b:s8+s19], $0x2780, $0x38;
	[tilespmem:$0x1A800] =	vst v63  }
0x42: {  	_ =	swait.ge [sflag:s13], $0x2780  }
0x43: {  	[sflag:s13] =	ssyncset.done $0x0  }
0x44: {  	[sflag:s13] =	ssyncadd.s32 $0xFFFFD880  }
0x45: {  	[spmem:s15], [sflag:s14] =	dma.local [hbm:s5], $0x2800  }
0x46: {  	_ =	swait.ge [sflag:s13], $0x2800  }
0x47: {  	[sflag:s13] =	ssyncset.done $0x0  }
0x48: {  	[sflag:s13] =	ssyncadd.s32 $0xFFFFD800  }
0x49: {  	s31 =	simm.s32 $0x0;
	[bflag:$0x0] =	sbarrier.arrive $0xFFFF  }
0x4a: {  	[spmem:s3] =	stream.indirect.scatter.add.f32 [tilespmem:s12], [sflag:$0x1], $0x80, s31, s16, $0xb8;
	[tilespmem:$0x1A800] =	vst v63  }
0x4b: {  	_ =	swait.ge [sflag:s13], $0x4000  }
0x4c: {  	s19 =	simm.s32 $0x200;
	[sflag:s13] =	ssyncset.done $0x0  }
.LBB2_5:
0x4d: {  	s20 =	sshra.s32 s19, $0x2;
	[sflag:s13] =	ssyncadd.s32 $0xFFFFC000;
	p1 =	sne.s32 s19, $0x9C00  }
0x4e: {  	[spmem:s3] =	stream.indirect.scatter.add.f32 [tilespmem:s12], [sflag:$0x1], $0x80, s20, s16, $0xb8;
	[tilespmem:$0x1A800] =	vst v63  }
.Ltmp4:
0x4f: {  	_ = 	snop;
	(pc) =	sbr.rel @p1 .LBB2_5-.Ltmp4, $4  }
0x50: {  	_ = 	snop  }
0x51: {  	s19 =	sadd.s32 $0x200, s19  }
0x52: {  	_ =	swait.ge [sflag:s13], $0x4000  }
0x53: {  	[sflag:s13] =	ssyncset.done $0x0  }
0x54: {  	[sflag:s13] =	ssyncadd.s32 $0xFFFFC000  }
.Ltmp5:
0x55: {  	[bflag:$0x0] =	sbarrier.arrive $0xFFFF;
	(pc) =	sbr.rel .LBB2_8-.Ltmp5, $4  }
0x56: {  	[hbm:s9], [sflag:s14] =	dma.local [spmem:s17], $0x2800  }
0x57: {  	_ =	swait.ge [sflag:s13], $0x2800  }
0x58: {  	[sflag:s13] =	ssyncset.done $0x0  }
0x59: {  	[sflag:s13] =	ssyncadd.s32 $0xFFFFD800  }
.LBB2_9:
0x5a: {  	_ =	sfence.sel $0x180000  }
0x5b: {  	[bflag:$0x0] =	sbarrier.arrive $0xFFFF  }
0x5c: {  	p0 =	sne.s32 s2, $0x0;
	_ =	strace $0x90000047  }
0x5d: {  	s0 =	sadd.s32 @!p0 $0x100000, s0;
	[bflag:$0x2] =	sbarrier.arrive $0xFFFF  }
0x5e: {  	[sflag:s0] =	ssyncadd.tile.s32 @!p0 $0x1;
	_ =	shalt  }
.Lfunc_end2:
_tile_overlayer_lowered:
.L_overlay_start_2:
0x5f: {  	(tag) =	ssettag $0x2  }
0x60: {  	s0 =	rddreg [dreg:$0x0];
	s2 =	stileid.u32  }
0x61: {  	s1 =	rddreg [dreg:$0x1];
	p0 =	sne.s32 s2, $0x0  }
0x62: {  	s3 =	rddreg [dreg:$0x2];
	[bflag:$0x3] =	sbarrier.arrive $0xFFFF;
	s2 =	simm.s32 @!p0 $0x1C01  }
0x63: {  	[timem:s3], [sflag:s2] =	dma.local @!p0 [hbm:s0], s1  }
0x64: {  	s0 =	simm.s32 @!p0 $0x1  }
0x65: {  	_ =	swait.ge @!p0 [sflag:s0], s1  }
0x66: {  	s1 =	ssub.s32 @!p0 $0x0, s1;
	[sflag:s0] =	ssyncset.done @!p0 $0x0  }
0x67: {  	[sflag:s0] =	ssyncadd.s32 @!p0 s1  }
0x68: {  	[bflag:$0x3] =	sbarrier.arrive $0xFFFF  }
0x69: {  	_ =	shalt  }

// kernel: kernel.18.cloned.1.call-start
scs
__scs_entry_jumppad:
0x0: {  	(pc) =	sbr.rel $0x88, $3  }
0x1: {  	(tag) =	ssettag $0x0;
	lr =	simm.s32 $0x1  }
0x2: {  	[smem:$0x3F82] =	sst lr;
	_ =	strace $0xD0000000  }
0x3: {  	_ = 	snop  }
0x4: {  	_ = 	snop  }
0x5: {  	_ = 	snop  }
0x6: {  	_ = 	snop  }
0x7: {  	_ = 	snop  }
__scs_overlays_trampoline_lowered:
0x8: {  	[smem:$0x3F91] =	sst s0  }
0x9: {  	[smem:$0x3F92] =	sst s1  }
0xa: {  	[smem:$0x3F93] =	sst s2  }
0xb: {  	[smem:$0x3F94] =	sst s3  }
0xc: {  	[smem:$0x3F95] =	sst s4  }
0xd: {  	[smem:$0x3F96] =	sst s5  }
0xe: {  	[smem:$0x3F97] =	sst s6  }
0xf: {  	[smem:$0x3F98] =	sst s7  }
0x10: {  	[smem:$0x3F99] =	sst s8  }
0x11: {  	[smem:$0x3F9A] =	sst s9;
	s0 =	simm.s32 @!p0 $0x0  }
0x12: {  	s1 =	sld [smem:$0x3F80];
	s0 =	simm.s32 @p0 $0x1  }
0x13: {  	[smem:$0x3F9B] =	sst s0;
	s0 =	simm.s32 @!p1 $0x0  }
0x14: {  	s2 =	sld [smem:$0x3F7F];
	s0 =	simm.s32 @p1 $0x1  }
0x15: {  	[smem:$0x3F9C] =	sst s0;
	s0 =	simm.s32 @!p2 $0x0  }
0x16: {  	s3 =	sld [smem:$0x3FDB];
	s0 =	simm.s32 @p2 $0x1  }
0x17: {  	s4 =	simm.s32 $0x1BF5;
	[smem:$0x3F9E] =	sst s0  }
0x18: {  	s0 =	sld [smem:$0x3F81];
	_ =	swait.ge [sflag:s4], $0x0  }
0x19: {  	s7 =	sld [smem:$0x3F82]  }
0x1a: {  	s8 =	sadd.s32 $0xFFFFE003, lr  }
0x1b: {  	s9 =	sadd.s32 $0xFFFFFEF7, lr;
	s5 =	simm.s32 $0xFFFFFFFF;
	p2 =	slt.u32 s8, $0xFFFFF086  }
0x1c: {  	p1 =	slt.u32 s9, $0xF7A;
	s5 =	simm.s32 @!p2 $0x0  }
0x1d: {  	s5 =	simm.s32 @p1 $0x1;
	p0 =	seq.s32 s7, s2  }
0x1e: {  	s7 =	smul.u32 @!p0 $0xF7A, s2;
	p2 =	seq.s32 @!p0 s5, $0x0  }
0x1f: {  	s9 =	smul.u32 $0xF7A, s1;
	s8 =	simm.s32 @!p0 $0x1BF5;
	p2 =	por !p2, p0  }
0x20: {  	[sflag:s8] =	ssyncset.s32 @!p0 $0xFFFFF086;
	s6 =	sadd.s32 @!p0 s3, s7;
	s7 =	simm.s32 @!p0 $0x108  }
0x21: {  	s3 =	sadd.s32 s3, s9;
	s6 =	sadd.s32 @!p0 $0x88, s6;
	s7 =	simm.s32 @p2 $0x1082  }
0x22: {  	[simem:s7], [sflag:s8] =	dma.local @!p0 [hbm:s6], $0xF7A  }
0x23: {  	s9 =	sor.u32 $0xD0000000, s2;
	s6 =	simm.s32 $0x108;
	_ =	swait.ge @!p0 [sflag:s8], $0x0  }
0x24: {  	s3 =	sadd.s32 $0x88, s3;
	s6 =	simm.s32 @!p1 $0x1082;
	[sflag:s4] =	ssyncset.s32 $0xFFFFF086  }
0x25: {  	[simem:s6], [sflag:s4] =	dma.local [hbm:s3], $0xF7A  }
0x26: {  	[smem:$0x3F82] =	sst s1;
	(tag) =	ssettag s2;
	_ =	strace s9  }
0x27: {  	s1 =	sld [smem:$0x3F92]  }
0x28: {  	s2 =	sld [smem:$0x3F93]  }
0x29: {  	s4 =	sld [smem:$0x3F95]  }
0x2a: {  	p0 =	seq.s32 s5, $0x0;
	s5 =	sld [smem:$0x3F96]  }
0x2b: {  	s6 =	sld [smem:$0x3F97]  }
0x2c: {  	s7 =	sld [smem:$0x3F98]  }
0x2d: {  	s3 =	simm.s32 $0x108;
	s8 =	sld [smem:$0x3F99]  }
0x2e: {  	s3 =	simm.s32 @!p0 $0x1082;
	s9 =	sld [smem:$0x3F9A]  }
0x2f: {  	lr =	sadd.s32 s0, s3;
	s0 =	sld [smem:$0x3F91]  }
0x30: {  	s3 =	sld [smem:$0x3F94]  }
0x31: {  	[smem:$0x3F9D] =	sst s10  }
0x32: {  	s10 =	sld [smem:$0x3F9B];
	_ =	sdelay $0x3  }
0x33: {  	p0 =	seq.s32 s10, $0x1;
	s10 =	sld [smem:$0x3F9D];
	_ =	sdelay $0x3  }
0x34: {  	[smem:$0x3F9D] =	sst s10  }
0x35: {  	s10 =	sld [smem:$0x3F9C];
	_ =	sdelay $0x3  }
0x36: {  	p1 =	seq.s32 s10, $0x1;
	s10 =	sld [smem:$0x3F9D];
	_ =	sdelay $0x3  }
0x37: {  	[smem:$0x3F9D] =	sst s10  }
0x38: {  	s10 =	sld [smem:$0x3F9E]  }
0x39: {  	_ = 	snop;
	(pc) =	sbr.ind lr, $3  }
0x3a: {  	_ = 	snop  }
0x3b: {  	_ = 	snop  }
0x3c: {  	p2 =	seq.s32 s10, $0x1;
	s10 =	sld [smem:$0x3F9D]  }
0x3d: {  	_ =	shalt  }
0x3e: {  	_ =	shalt  }
0x3f: {  	_ =	shalt  }
0x40: {  	_ =	shalt  }
0x41: {  	_ =	shalt  }
0x42: {  	_ =	shalt  }
0x43: {  	_ =	shalt  }
0x44: {  	_ =	shalt  }
0x45: {  	_ =	shalt  }
0x46: {  	_ =	shalt  }
0x47: {  	_ =	shalt  }
0x48: {  	_ =	shalt  }
0x49: {  	_ =	shalt  }
0x4a: {  	_ =	shalt  }
0x4b: {  	_ =	shalt  }
0x4c: {  	_ =	shalt  }
0x4d: {  	_ =	shalt  }
0x4e: {  	_ =	shalt  }
0x4f: {  	_ =	shalt  }
0x50: {  	_ =	shalt  }
0x51: {  	_ =	shalt  }
0x52: {  	_ =	shalt  }
0x53: {  	_ =	shalt  }
0x54: {  	_ =	shalt  }
0x55: {  	_ =	shalt  }
0x56: {  	_ =	shalt  }
0x57: {  	_ =	shalt  }
0x58: {  	_ =	shalt  }
0x59: {  	_ =	shalt  }
0x5a: {  	_ =	shalt  }
0x5b: {  	_ =	shalt  }
0x5c: {  	_ =	shalt  }
0x5d: {  	_ =	shalt  }
0x5e: {  	_ =	shalt  }
0x5f: {  	_ =	shalt  }
0x60: {  	_ =	shalt  }
0x61: {  	_ =	shalt  }
0x62: {  	_ =	shalt  }
0x63: {  	_ =	shalt  }
0x64: {  	_ =	shalt  }
0x65: {  	_ =	shalt  }
0x66: {  	_ =	shalt  }
0x67: {  	_ =	shalt  }
0x68: {  	_ =	shalt  }
0x69: {  	_ =	shalt  }
0x6a: {  	_ =	shalt  }
0x6b: {  	_ =	shalt  }
0x6c: {  	_ =	shalt  }
0x6d: {  	_ =	shalt  }
0x6e: {  	_ =	shalt  }
0x6f: {  	_ =	shalt  }
0x70: {  	_ =	shalt  }
0x71: {  	_ =	shalt  }
0x72: {  	_ =	shalt  }
0x73: {  	_ =	shalt  }
0x74: {  	_ =	shalt  }
0x75: {  	_ =	shalt  }
0x76: {  	_ =	shalt  }
0x77: {  	_ =	shalt  }
0x78: {  	_ =	shalt  }
0x79: {  	_ =	shalt  }
0x7a: {  	_ =	shalt  }
0x7b: {  	_ =	shalt  }
0x7c: {  	_ =	shalt  }
0x7d: {  	_ =	shalt  }
0x7e: {  	_ =	shalt  }
0x7f: {  	_ =	shalt  }
0x80: {  	_ =	shalt  }
0x81: {  	_ =	shalt  }
0x82: {  	_ =	shalt  }
0x83: {  	_ =	shalt  }
0x84: {  	_ =	shalt  }
0x85: {  	_ =	shalt  }
0x86: {  	_ =	shalt  }
0x87: {  	_ =	shalt  }
.Lfunc_end0:
.L_simem_size_0:
called_computation.1_lowered:
.L_overlay_start_0:
0x88: {  	s2 =	sld [smem:$0x3FD9]  }
0x89: {  	s3 =	sld [smem:$0x3FFE];
	_ =	sdelay $0x1  }
0x8a: {  	s1 =	srdreg.scid  }
0x8b: {  	s0 =	sand.u32 $0x1, s1  }
0x8c: {  	s17 =	sshll.u32 s0, $0xA;
	s2 =	sadd.s32 s3, s2  }
0x8d: {  	s2 =	sadd.s32 s2, s17  }
0x8e: {  	[smem:$0x3FA9] =	sst s2  }
0x8f: {  	_ = 	snop  }
0x90: {  	(tm) =	ssettm $0x1  }
0x91: {  	s18 =	sld [smem:$0x3FFB];
	_ =	sdelay $0x3  }
0x92: {  	_ =	strace s18  }
0x93: {  	s2 =	sld [smem:$0x3FFC];
	_ =	sdelay $0x3  }
0x94: {  	_ =	strace s2  }
0x95: {  	s2 =	sld [smem:$0x3FFD];
	_ =	sdelay $0x3  }
0x96: {  	_ =	strace s2  }
0x97: {  	_ =	strace $0x8FFFFFFF  }
0x98: {  	s19 =	sld [smem:$0x3FDB];
	_ =	sdelay $0x1  }
0x99: {  	s20 =	simm.s32 $_scs_section_size  }
0x9a: {  	s4 =	simm.s32 $_size__tile_overlayer_lowered;
	s5 =	simm.s32 $_tile_overlayer_lowered  }
0x9b: {  	s6 =	simm.s32 $0x1BFF;
	s21 =	sshll.u32 s5, $0x1;
	s3 =	sadd.s32 s20, s19  }
0x9c: {  	s22 =	simm.s32 $0x0;
	s4 =	sshll.u32 s4, $0x1;
	s5 =	sadd.s32 s21, s3  }
0x9d: {  	[timem:s22], [sflag:s6] =	dma.local [hbm:s5], s4  }
0x9e: {  	_ =	swait.ge [sflag:s6], s4  }
0x9f: {  	s4 =	ssub.s32 $0x0, s4;
	[sflag:s6] =	ssyncset.done $0x0  }
0xa0: {  	[sflag:s6] =	ssyncadd.s32 s4;
	_ =	sdelay $0x1  }
0xa1: {  	s23 =	simm.s32 $0x1B8B  }
0xa2: {  	_ =	swait.ge [sflag:s23], $0x1  }
0xa3: {  	[sflag:s23] =	ssyncset.done $0x0  }
0xa4: {  	[sflag:s23] =	ssyncadd.s32 $0xFFFFFFFF  }
0xa5: {  	s4 =	sld [smem:$0x0]  }
0xa6: {  	s5 =	sand.u32 $0xFFFFFFFE, s1  }
0xa7: {  	p0 =	sne.s32 s1, s5  }
0xa8: {  	s5 =	sshll.u32 @p0 s5, $0xE  }
0xa9: {  	s5 =	sadd.s32 @p0 $0x11B8D, s5;
	s6 =	sshll.u32 @p0 s4, $0x11  }
0xaa: {  	s5 =	sor.u32 @p0 s6, s5  }
0xab: {  	[sflag:s5] =	ssyncadd.remote.s32 @p0 $0x1;
	_ =	sdelay $0x1  }
0xac: {  	s5 =	simm.s32 @p0 $0x1B8D  }
0xad: {  	_ =	swait.eq @p0 [sflag:s5], $0x1  }
0xae: {  	[sflag:s5] =	ssyncadd.s32 @p0 $0xFFFFFFFF  }
0xaf: {  	s6 =	sshll.u32 @!p0 s1, $0xE  }
0xb0: {  	s6 =	sor.u32 @!p0 $0x4000, s6;
	s5 =	simm.s32 @!p0 $0x1B8D  }
0xb1: {  	s4 =	sshll.u32 @!p0 s4, $0x11;
	s6 =	sadd.s32 @!p0 $0x11B8D, s6;
	_ =	swait.eq @!p0 [sflag:s5], $0x1  }
0xb2: {  	s4 =	sor.u32 @!p0 s4, s6;
	[sflag:s5] =	ssyncadd.s32 @!p0 $0xFFFFFFFF  }
0xb3: {  	s25 =	simm.s32 $0x1B8E;
	s24 =	sld [smem:$0x3FFE];
	[sflag:s4] =	ssyncadd.remote.s32 @!p0 $0x1  }
0xb4: {  	s26 =	simm.s32 $execute0_lowered;
	[smem:$0x3FD2] =	sst s25  }
0xb5: {  	s5 =	sshll.u32 s26, $0x1;
	_ =	strace $0x80000049;
	[dreg:$0x1] =	wrdreg $0xFFFFFFFF  }
0xb6: {  	s28 =	simm.s32 $_size_execute0_lowered;
	s3 =	sadd.s32 s3, s5;
	[dreg:$0x0] =	wrdreg $0x0  }
0xb7: {  	s5 =	sshll.u32 s28, $0x1;
	[dreg:$0x2] =	wrdreg s3  }
0xb8: {  	[dreg:$0x3] =	wrdreg s5  }
0xb9: {  	[dreg:$0x4] =	wrdreg $0xC0  }
0xba: {  	_ =	task [dreg:s22], $0x5FFFF  }
0xbb: {  	[dreg:$0x1] =	wrdreg $0xFFFFFFFF  }
0xbc: {  	[dreg:$0x0] =	wrdreg $0x60  }
0xbd: {  	[dreg:$0x2] =	wrdreg s24  }
0xbe: {  	[dreg:$0x3] =	wrdreg $0x90000  }
0xbf: {  	[dreg:$0x4] =	wrdreg $0xB  }
0xc0: {  	_ =	task.clear_ibuf [dreg:s22], $0x5FFFF;
	_ =	strace $0x90000049  }
0xc1: {  	s29 =	simm.s32 $0xB;
	_ =	strace $0x8000004B  }
0xc2: {  	_ =	swait.ge [sflag:s29], $0x1  }
0xc3: {  	[sflag:s29] =	ssyncadd.s32 $0xFFFFFFFF  }
0xc4: {  	_ =	strace $0x9000004B  }
0xc5: {  	_ =	sfence  }
0xc6: {  	s30 =	sld [smem:$0x0];
	_ =	sdelay $0x2  }
0xc7: {  	s31 =	sshll.u32 s1, $0xD;
	s1 =	sshrl.u32 s1, $0x2  }
0xc8: {  	s4 =	sand.u32 $0x4000, s31;
	s1 =	sadd.s32 s1, s30  }
0xc9: {  	s0 =	sor.u32 s4, s0;
	s1 =	sshll.u32 s1, $0x11  }
0xca: {  	s0 =	sor.u32 s1, s0  }
0xcb: {  	s0 =	sadd.s32 $0x8F2B, s0  }
0xcc: {  	[sflag:s0] =	ssyncadd.remote.s32 $0x1  }
0xcd: {  	_ =	sfence.sel $0xFFFF  }
0xce: {  	[dreg:$0x0] =	wrdreg $0xFFFFFFFF;
	(pc) =	sbr.abs _section_cstart, $3  }
0xcf: {  	[dreg:$0x1] =	wrdreg $0xFFFFFFFF  }
0xd0: {  	_ =	task.clear_ibuf [dreg:s22], $0x2FFFF;
	_ =	strace $0x9FFFFFFF  }
0xd1: {  	(tm) =	ssettm $0x7FFFFFFF  }
tec
execute0_lowered:
.L_overlay_start_1:
0x0: {  	(tag) =	ssettag $0x1  }
0x1: {  	s5 =	rddreg [dreg:$0x0]  }
0x2: {  	s2 =	rddreg [dreg:$0x1]  }
0x3: {  	s0 =	rddreg [dreg:$0x2];
	s3 =	simm.s32 $0x0;
	s1 =	stileid.u32  }
0x4: {  	s6 =	srdreg.scid;
	s18 =	simm.s32 $0x1;
	s4 =	smul.u32 $0x500, s1  }
0x5: {  	s20 =	simm.s32 $0x0;
	[smem:$0x7FF] =	sst s3;
	s10 =	smul.u32 $0x50000, s1  }
0x6: {  	s9 =	sadd.s32 $0x92E00, s5;
	s7 =	sand.u32 $0x1, s6;
	s14 =	smul.u32 $0x13800, s1  }
0x7: {  	s13 =	sadd.s32 $0x12F200, s5;
	s15 =	smul.u32 $0x4E000, s1;
	s31 =	sshll.u32 s1, $0x6  }
0x8: {  	_ =	strace $0x8000004A;
	s8 =	ssub.s32 $0x2, s7;
	s12 =	smul.u32 $0x4E200, s7  }
0x9: {  	s28 =	smul.u32 $0x271000, s7;
	s16 =	sshllo.u32 s7, $0x1;
	s26 =	sadd.s32 s4, s5  }
0xa: {  	s4 =	sadd.s32 $0x16000, s5;
	s11 =	sshrl.u32 s8, $0x1;
	s29 =	smul.u32 $0x138800, s16  }
0xb: {  	s10 =	sshrl.u32 s10, $0x2;
	s30 =	smul.u32 $0x27100, s16;
	s15 =	sshrl.u32 s15, $0x2  }
0xc: {  	s16 =	simm.s32 $0x80;
	s11 =	ssub.s32 s8, s11;
	s5 =	sadd.s32 $0x8DE00, s26  }
0xd: {  	s6 =	sadd.s32 $0x7000, s26;
	s17 =	sadd.s32 s10, s2;
	s8 =	sadd.s32 s14, s28  }
0xe: {  	s7 =	sadd.s32 s9, s12;
	s19 =	sadd.s32 s15, s2;
	s12 =	simm.s32 $0x2  }
0xf: {  	s8 =	sshrl.u32 s8, $0x3;
	s10 =	sadd.s32 s14, s29;
	s9 =	sadd.s32 s9, s30  }
0x10: {  	s11 =	smax.u32 s11, $0x1;
	s14 =	sor.u32 $0x1C02, s31;
	s15 =	sshrl.u32 s17, $0x3  }
0x11: {  	s17 =	simm.s32 $0x5000;
	s19 =	sshrl.u32 s19, $0x3;
	s10 =	sshrl.u32 s10, $0x3  }
0x12: {  	s8 =	sadd.s32 s13, s8;
	s10 =	sadd.s32 s13, s10;
	s13 =	simm.s32 $0x2800  }
.LBB2_1:
0x13: {  	[tilespmem:s3], [sflag:$0x2] =	stream.linear.gather [hbm4b:s5+s3], $0x2780, $0x38;
	[tilespmem:$0x1D000] =	vst v63  }
0x14: {  	_ =	swait.ge [sflag:s12], $0x2780  }
0x15: {  	[sflag:s12] =	ssyncset.done $0x0  }
0x16: {  	[sflag:s12] =	ssyncadd.s32 $0xFFFFD880  }
0x17: {  	[tilespmem:s13], [sflag:$0x2] =	stream.linear.gather [hbm4b:s6+s3], $0x2780, $0x38;
	[tilespmem:$0x1D000] =	vst v63  }
0x18: {  	_ =	swait.ge [sflag:s12], $0x2780  }
0x19: {  	[sflag:s12] =	ssyncset.done $0x0  }
0x1a: {  	[sflag:s12] =	ssyncadd.s32 $0xFFFFD880  }
0x1b: {  	[spmem:s15], [sflag:s14] =	dma.local [hbm:s4], $0x2800  }
0x1c: {  	_ =	swait.ge [sflag:s12], $0x2800  }
0x1d: {  	[sflag:s12] =	ssyncset.done $0x0  }
0x1e: {  	[sflag:s12] =	ssyncadd.s32 $0xFFFFD800  }
0x1f: {  	s21 =	simm.s32 $0x0;
	[bflag:$0x0] =	sbarrier.arrive $0xFFFF  }
0x20: {  	[tilespmem:s17], [sflag:$0x1] =	stream.indirect.gather [hbm4b:s7+s16], $0x80, s21, s16, $0xb8;
	[tilespmem:$0x1D000] =	vst v63  }
0x21: {  	_ =	swait.ge [sflag:s18], $0x4000  }
0x22: {  	[sflag:s18] =	ssyncset.done $0x0  }
0x23: {  	s31 =	simm.s32 $0x2800;
	[sflag:s18] =	ssyncadd.s32 $0xFFFFC000  }
0x24: {  	[spmem:s2] =	stream.indirect.scatter.add.f32 [tilespmem:s17], [sflag:$0x2], $0x80, s31, s16, $0xb8;
	[tilespmem:$0x1D000] =	vst v63  }
0x25: {  	_ =	swait.ge [sflag:s12], $0x4000  }
0x26: {  	s22 =	simm.s32 $0x400;
	s21 =	simm.s32 $0x200;
	[sflag:s12] =	ssyncset.done $0x0  }
.LBB2_2:
0x27: {  	s23 =	sshra.s32 s21, $0x2  }
0x28: {  	[sflag:s12] =	ssyncadd.s32 $0xFFFFC000;
	s21 =	smov.u32 s22;
	s24 =	sadd.s32 $0x200, s22  }
0x29: {  	[tilespmem:s17], [sflag:$0x1] =	stream.indirect.gather [hbm4b:s7+s16], $0x80, s23, s16, $0xb8;
	[tilespmem:$0x1D000] =	vst v63  }
0x2a: {  	p0 =	sne.s32 s22, $0x9C00;
	_ =	swait.ge [sflag:s18], $0x4000  }
.Ltmp0:
0x2b: {  	[sflag:s18] =	ssyncset.done $0x0;
	(pc) =	sbr.rel @p0 .LBB2_2-.Ltmp0, $4  }
0x2c: {  	s22 =	sadd.s32 $0x2800, s23;
	[sflag:s18] =	ssyncadd.s32 $0xFFFFC000  }
0x2d: {  	[spmem:s2] =	stream.indirect.scatter.add.f32 [tilespmem:s17], [sflag:$0x2], $0x80, s22, s16, $0xb8;
	[tilespmem:$0x1D000] =	vst v63  }
0x2e: {  	_ =	swait.ge [sflag:s12], $0x4000  }
0x2f: {  	s22 =	smov.u32 s24;
	[sflag:s12] =	ssyncset.done $0x0  }
0x30: {  	s21 =	sshra.s32 s21, $0x2;
	[sflag:s12] =	ssyncadd.s32 $0xFFFFC000  }
0x31: {  	[tilespmem:s17], [sflag:$0x1] =	stream.indirect.gather [hbm4b:s7+s16], $0x80, s21, s16, $0xb8;
	[tilespmem:$0x1D000] =	vst v63  }
0x32: {  	_ =	swait.ge [sflag:s18], $0x4000  }
0x33: {  	[sflag:s18] =	ssyncset.done $0x0  }
0x34: {  	s21 =	sadd.s32 $0x2800, s21;
	[sflag:s18] =	ssyncadd.s32 $0xFFFFC000  }
0x35: {  	[spmem:s2] =	stream.indirect.scatter.add.f32 [tilespmem:s17], [sflag:$0x2], $0x80, s21, s16, $0xb8;
	[tilespmem:$0x1D000] =	vst v63  }
0x36: {  	_ =	swait.ge [sflag:s12], $0x4000  }
0x37: {  	[sflag:s12] =	ssyncset.done $0x0  }
0x38: {  	[sflag:s12] =	ssyncadd.s32 $0xFFFFC000  }
0x39: {  	[bflag:$0x0] =	sbarrier.arrive $0xFFFF  }
0x3a: {  	[hbm:s8], [sflag:s14] =	dma.local [spmem:s19], $0x2800  }
0x3b: {  	_ =	swait.ge [sflag:s12], $0x2800  }
0x3c: {  	[sflag:s12] =	ssyncset.done $0x0  }
0x3d: {  	[sflag:s12] =	ssyncadd.s32 $0xFFFFD800  }
0x3e: {  	[bflag:$0x0] =	sbarrier.arrive $0xFFFF  }
0x3f: {  	[spmem:s15], [sflag:s14] =	dma.local [hbm:s4], $0x2800  }
0x40: {  	_ =	swait.ge [sflag:s12], $0x2800  }
0x41: {  	[sflag:s12] =	ssyncset.done $0x0  }
0x42: {  	[sflag:s12] =	ssyncadd.s32 $0xFFFFD800  }
0x43: {  	s30 =	simm.s32 $0x0;
	[bflag:$0x0] =	sbarrier.arrive $0xFFFF  }
0x44: {  	[tilespmem:s17], [sflag:$0x1] =	stream.indirect.gather [hbm4b:s9+s16], $0x80, s30, s16, $0xb8;
	[tilespmem:$0x1D000] =	vst v63  }
0x45: {  	_ =	swait.ge [sflag:s18], $0x4000  }
0x46: {  	[sflag:s18] =	ssyncset.done $0x0  }
0x47: {  	s31 =	simm.s32 $0x2800;
	[sflag:s18] =	ssyncadd.s32 $0xFFFFC000  }
0x48: {  	[spmem:s2] =	stream.indirect.scatter.add.f32 [tilespmem:s17], [sflag:$0x2], $0x80, s31, s16, $0xb8;
	[tilespmem:$0x1D000] =	vst v63  }
0x49: {  	_ =	swait.ge [sflag:s12], $0x4000  }
0x4a: {  	s22 =	simm.s32 $0x400;
	s21 =	simm.s32 $0x200;
	[sflag:s12] =	ssyncset.done $0x0  }
.LBB2_4:
0x4b: {  	s23 =	sshra.s32 s21, $0x2  }
0x4c: {  	[sflag:s12] =	ssyncadd.s32 $0xFFFFC000;
	s21 =	smov.u32 s22;
	s24 =	sadd.s32 $0x200, s22  }
0x4d: {  	[tilespmem:s17], [sflag:$0x1] =	stream.indirect.gather [hbm4b:s9+s16], $0x80, s23, s16, $0xb8;
	[tilespmem:$0x1D000] =	vst v63  }
0x4e: {  	p0 =	sne.s32 s22, $0x9C00;
	_ =	swait.ge [sflag:s18], $0x4000  }
.Ltmp1:
0x4f: {  	[sflag:s18] =	ssyncset.done $0x0;
	(pc) =	sbr.rel @p0 .LBB2_4-.Ltmp1, $4  }
0x50: {  	s22 =	sadd.s32 $0x2800, s23;
	[sflag:s18] =	ssyncadd.s32 $0xFFFFC000  }
0x51: {  	[spmem:s2] =	stream.indirect.scatter.add.f32 [tilespmem:s17], [sflag:$0x2], $0x80, s22, s16, $0xb8;
	[tilespmem:$0x1D000] =	vst v63  }
0x52: {  	_ =	swait.ge [sflag:s12], $0x4000  }
0x53: {  	s22 =	smov.u32 s24;
	[sflag:s12] =	ssyncset.done $0x0  }
0x54: {  	s21 =	sshra.s32 s21, $0x2;
	[sflag:s12] =	ssyncadd.s32 $0xFFFFC000  }
0x55: {  	[tilespmem:s17], [sflag:$0x1] =	stream.indirect.gather [hbm4b:s9+s16], $0x80, s21, s16, $0xb8;
	[tilespmem:$0x1D000] =	vst v63  }
0x56: {  	_ =	swait.ge [sflag:s18], $0x4000  }
0x57: {  	[sflag:s18] =	ssyncset.done $0x0  }
0x58: {  	s21 =	sadd.s32 $0x2800, s21;
	[sflag:s18] =	ssyncadd.s32 $0xFFFFC000  }
0x59: {  	[spmem:s2] =	stream.indirect.scatter.add.f32 [tilespmem:s17], [sflag:$0x2], $0x80, s21, s16, $0xb8;
	[tilespmem:$0x1D000] =	vst v63  }
0x5a: {  	_ =	swait.ge [sflag:s12], $0x4000  }
0x5b: {  	[sflag:s12] =	ssyncset.done $0x0  }
0x5c: {  	s20 =	sadd.s32 $0x1, s20;
	[sflag:s12] =	ssyncadd.s32 $0xFFFFC000  }
0x5d: {  	p0 =	sne.s32 s20, s11;
	[bflag:$0x0] =	sbarrier.arrive $0xFFFF  }
0x5e: {  	[hbm:s10], [sflag:s14] =	dma.local [spmem:s19], $0x2800  }
.Ltmp2:
0x5f: {  	_ =	swait.ge [sflag:s12], $0x2800;
	(pc) =	sbr.rel @p0 .LBB2_1-.Ltmp2, $3  }
0x60: {  	[sflag:s12] =	ssyncset.done $0x0  }
0x61: {  	[sflag:s12] =	ssyncadd.s32 $0xFFFFD800  }
0x62: {  	[bflag:$0x0] =	sbarrier.arrive $0xFFFF;
	_ =	sdelay $0x1  }
0x63: {  	_ =	sfence.sel $0x180000  }
0x64: {  	[bflag:$0x0] =	sbarrier.arrive $0xFFFF  }
0x65: {  	p0 =	sne.s32 s1, $0x0;
	_ =	strace $0x9000004A  }
0x66: {  	s0 =	sadd.s32 @!p0 $0x100000, s0;
	[bflag:$0x2] =	sbarrier.arrive $0xFFFF  }
0x67: {  	[sflag:s0] =	ssyncadd.tile.s32 @!p0 $0x1;
	_ =	shalt  }
.Lfunc_end2:
_tile_overlayer_lowered:
.L_overlay_start_2:
0x68: {  	(tag) =	ssettag $0x2  }
0x69: {  	s0 =	rddreg [dreg:$0x0];
	s2 =	stileid.u32  }
0x6a: {  	s1 =	rddreg [dreg:$0x1];
	p0 =	sne.s32 s2, $0x0  }
0x6b: {  	s3 =	rddreg [dreg:$0x2];
	[bflag:$0x3] =	sbarrier.arrive $0xFFFF;
	s2 =	simm.s32 @!p0 $0x1C02  }
0x6c: {  	[timem:s3], [sflag:s2] =	dma.local @!p0 [hbm:s0], s1  }
0x6d: {  	s0 =	simm.s32 @!p0 $0x2  }
0x6e: {  	_ =	swait.ge @!p0 [sflag:s0], s1  }
0x6f: {  	s1 =	ssub.s32 @!p0 $0x0, s1;
	[sflag:s0] =	ssyncset.done @!p0 $0x0  }
0x70: {  	[sflag:s0] =	ssyncadd.s32 @!p0 s1  }
0x71: {  	[bflag:$0x3] =	sbarrier.arrive $0xFFFF  }
0x72: {  	_ =	shalt  }

// kernel: kernel.21.cloned.1.call-start
scs
__scs_entry_jumppad:
0x0: {  	(pc) =	sbr.rel $0x88, $3  }
0x1: {  	(tag) =	ssettag $0x0;
	lr =	simm.s32 $0x1  }
0x2: {  	[smem:$0x3F82] =	sst lr;
	_ =	strace $0xD0000000  }
0x3: {  	_ = 	snop  }
0x4: {  	_ = 	snop  }
0x5: {  	_ = 	snop  }
0x6: {  	_ = 	snop  }
0x7: {  	_ = 	snop  }
__scs_overlays_trampoline_lowered:
0x8: {  	[smem:$0x3F91] =	sst s0  }
0x9: {  	[smem:$0x3F92] =	sst s1  }
0xa: {  	[smem:$0x3F93] =	sst s2  }
0xb: {  	[smem:$0x3F94] =	sst s3  }
0xc: {  	[smem:$0x3F95] =	sst s4  }
0xd: {  	[smem:$0x3F96] =	sst s5  }
0xe: {  	[smem:$0x3F97] =	sst s6  }
0xf: {  	[smem:$0x3F98] =	sst s7  }
0x10: {  	[smem:$0x3F99] =	sst s8  }
0x11: {  	[smem:$0x3F9A] =	sst s9;
	s0 =	simm.s32 @!p0 $0x0  }
0x12: {  	s1 =	sld [smem:$0x3F80];
	s0 =	simm.s32 @p0 $0x1  }
0x13: {  	[smem:$0x3F9B] =	sst s0;
	s0 =	simm.s32 @!p1 $0x0  }
0x14: {  	s2 =	sld [smem:$0x3F7F];
	s0 =	simm.s32 @p1 $0x1  }
0x15: {  	[smem:$0x3F9C] =	sst s0;
	s0 =	simm.s32 @!p2 $0x0  }
0x16: {  	s3 =	sld [smem:$0x3FDB];
	s0 =	simm.s32 @p2 $0x1  }
0x17: {  	s4 =	simm.s32 $0x1BF5;
	[smem:$0x3F9E] =	sst s0  }
0x18: {  	s0 =	sld [smem:$0x3F81];
	_ =	swait.ge [sflag:s4], $0x0  }
0x19: {  	s7 =	sld [smem:$0x3F82]  }
0x1a: {  	s8 =	sadd.s32 $0xFFFFE003, lr  }
0x1b: {  	s9 =	sadd.s32 $0xFFFFFEF7, lr;
	s5 =	simm.s32 $0xFFFFFFFF;
	p2 =	slt.u32 s8, $0xFFFFF086  }
0x1c: {  	p1 =	slt.u32 s9, $0xF7A;
	s5 =	simm.s32 @!p2 $0x0  }
0x1d: {  	s5 =	simm.s32 @p1 $0x1;
	p0 =	seq.s32 s7, s2  }
0x1e: {  	s7 =	smul.u32 @!p0 $0xF7A, s2;
	p2 =	seq.s32 @!p0 s5, $0x0  }
0x1f: {  	s9 =	smul.u32 $0xF7A, s1;
	s8 =	simm.s32 @!p0 $0x1BF5;
	p2 =	por !p2, p0  }
0x20: {  	[sflag:s8] =	ssyncset.s32 @!p0 $0xFFFFF086;
	s6 =	sadd.s32 @!p0 s3, s7;
	s7 =	simm.s32 @!p0 $0x108  }
0x21: {  	s3 =	sadd.s32 s3, s9;
	s6 =	sadd.s32 @!p0 $0x88, s6;
	s7 =	simm.s32 @p2 $0x1082  }
0x22: {  	[simem:s7], [sflag:s8] =	dma.local @!p0 [hbm:s6], $0xF7A  }
0x23: {  	s9 =	sor.u32 $0xD0000000, s2;
	s6 =	simm.s32 $0x108;
	_ =	swait.ge @!p0 [sflag:s8], $0x0  }
0x24: {  	s3 =	sadd.s32 $0x88, s3;
	s6 =	simm.s32 @!p1 $0x1082;
	[sflag:s4] =	ssyncset.s32 $0xFFFFF086  }
0x25: {  	[simem:s6], [sflag:s4] =	dma.local [hbm:s3], $0xF7A  }
0x26: {  	[smem:$0x3F82] =	sst s1;
	(tag) =	ssettag s2;
	_ =	strace s9  }
0x27: {  	s1 =	sld [smem:$0x3F92]  }
0x28: {  	s2 =	sld [smem:$0x3F93]  }
0x29: {  	s4 =	sld [smem:$0x3F95]  }
0x2a: {  	p0 =	seq.s32 s5, $0x0;
	s5 =	sld [smem:$0x3F96]  }
0x2b: {  	s6 =	sld [smem:$0x3F97]  }
0x2c: {  	s7 =	sld [smem:$0x3F98]  }
0x2d: {  	s3 =	simm.s32 $0x108;
	s8 =	sld [smem:$0x3F99]  }
0x2e: {  	s3 =	simm.s32 @!p0 $0x1082;
	s9 =	sld [smem:$0x3F9A]  }
0x2f: {  	lr =	sadd.s32 s0, s3;
	s0 =	sld [smem:$0x3F91]  }
0x30: {  	s3 =	sld [smem:$0x3F94]  }
0x31: {  	[smem:$0x3F9D] =	sst s10  }
0x32: {  	s10 =	sld [smem:$0x3F9B];
	_ =	sdelay $0x3  }
0x33: {  	p0 =	seq.s32 s10, $0x1;
	s10 =	sld [smem:$0x3F9D];
	_ =	sdelay $0x3  }
0x34: {  	[smem:$0x3F9D] =	sst s10  }
0x35: {  	s10 =	sld [smem:$0x3F9C];
	_ =	sdelay $0x3  }
0x36: {  	p1 =	seq.s32 s10, $0x1;
	s10 =	sld [smem:$0x3F9D];
	_ =	sdelay $0x3  }
0x37: {  	[smem:$0x3F9D] =	sst s10  }
0x38: {  	s10 =	sld [smem:$0x3F9E]  }
0x39: {  	_ = 	snop;
	(pc) =	sbr.ind lr, $3  }
0x3a: {  	_ = 	snop  }
0x3b: {  	_ = 	snop  }
0x3c: {  	p2 =	seq.s32 s10, $0x1;
	s10 =	sld [smem:$0x3F9D]  }
0x3d: {  	_ =	shalt  }
0x3e: {  	_ =	shalt  }
0x3f: {  	_ =	shalt  }
0x40: {  	_ =	shalt  }
0x41: {  	_ =	shalt  }
0x42: {  	_ =	shalt  }
0x43: {  	_ =	shalt  }
0x44: {  	_ =	shalt  }
0x45: {  	_ =	shalt  }
0x46: {  	_ =	shalt  }
0x47: {  	_ =	shalt  }
0x48: {  	_ =	shalt  }
0x49: {  	_ =	shalt  }
0x4a: {  	_ =	shalt  }
0x4b: {  	_ =	shalt  }
0x4c: {  	_ =	shalt  }
0x4d: {  	_ =	shalt  }
0x4e: {  	_ =	shalt  }
0x4f: {  	_ =	shalt  }
0x50: {  	_ =	shalt  }
0x51: {  	_ =	shalt  }
0x52: {  	_ =	shalt  }
0x53: {  	_ =	shalt  }
0x54: {  	_ =	shalt  }
0x55: {  	_ =	shalt  }
0x56: {  	_ =	shalt  }
0x57: {  	_ =	shalt  }
0x58: {  	_ =	shalt  }
0x59: {  	_ =	shalt  }
0x5a: {  	_ =	shalt  }
0x5b: {  	_ =	shalt  }
0x5c: {  	_ =	shalt  }
0x5d: {  	_ =	shalt  }
0x5e: {  	_ =	shalt  }
0x5f: {  	_ =	shalt  }
0x60: {  	_ =	shalt  }
0x61: {  	_ =	shalt  }
0x62: {  	_ =	shalt  }
0x63: {  	_ =	shalt  }
0x64: {  	_ =	shalt  }
0x65: {  	_ =	shalt  }
0x66: {  	_ =	shalt  }
0x67: {  	_ =	shalt  }
0x68: {  	_ =	shalt  }
0x69: {  	_ =	shalt  }
0x6a: {  	_ =	shalt  }
0x6b: {  	_ =	shalt  }
0x6c: {  	_ =	shalt  }
0x6d: {  	_ =	shalt  }
0x6e: {  	_ =	shalt  }
0x6f: {  	_ =	shalt  }
0x70: {  	_ =	shalt  }
0x71: {  	_ =	shalt  }
0x72: {  	_ =	shalt  }
0x73: {  	_ =	shalt  }
0x74: {  	_ =	shalt  }
0x75: {  	_ =	shalt  }
0x76: {  	_ =	shalt  }
0x77: {  	_ =	shalt  }
0x78: {  	_ =	shalt  }
0x79: {  	_ =	shalt  }
0x7a: {  	_ =	shalt  }
0x7b: {  	_ =	shalt  }
0x7c: {  	_ =	shalt  }
0x7d: {  	_ =	shalt  }
0x7e: {  	_ =	shalt  }
0x7f: {  	_ =	shalt  }
0x80: {  	_ =	shalt  }
0x81: {  	_ =	shalt  }
0x82: {  	_ =	shalt  }
0x83: {  	_ =	shalt  }
0x84: {  	_ =	shalt  }
0x85: {  	_ =	shalt  }
0x86: {  	_ =	shalt  }
0x87: {  	_ =	shalt  }
.Lfunc_end0:
.L_simem_size_0:
called_computation.2_lowered:
.L_overlay_start_0:
0x88: {  	s2 =	sld [smem:$0x3FD9]  }
0x89: {  	s3 =	sld [smem:$0x3FFE];
	_ =	sdelay $0x1  }
0x8a: {  	s1 =	srdreg.scid  }
0x8b: {  	s0 =	sand.u32 $0x1, s1  }
0x8c: {  	s17 =	sshll.u32 s0, $0xA;
	s2 =	sadd.s32 s3, s2  }
0x8d: {  	s2 =	sadd.s32 s2, s17  }
0x8e: {  	[smem:$0x3FA9] =	sst s2  }
0x8f: {  	_ = 	snop  }
0x90: {  	(tm) =	ssettm $0x1  }
0x91: {  	s18 =	sld [smem:$0x3FFB];
	_ =	sdelay $0x3  }
0x92: {  	_ =	strace s18  }
0x93: {  	s2 =	sld [smem:$0x3FFC];
	_ =	sdelay $0x3  }
0x94: {  	_ =	strace s2  }
0x95: {  	s2 =	sld [smem:$0x3FFD];
	_ =	sdelay $0x3  }
0x96: {  	_ =	strace s2  }
0x97: {  	_ =	strace $0x8FFFFFFF  }
0x98: {  	s19 =	sld [smem:$0x3FDB];
	_ =	sdelay $0x1  }
0x99: {  	s20 =	simm.s32 $_scs_section_size  }
0x9a: {  	s4 =	simm.s32 $_size__tile_overlayer_lowered;
	s5 =	simm.s32 $_tile_overlayer_lowered  }
0x9b: {  	s6 =	simm.s32 $0x1BFF;
	s21 =	sshll.u32 s5, $0x1;
	s3 =	sadd.s32 s20, s19  }
0x9c: {  	s22 =	simm.s32 $0x0;
	s4 =	sshll.u32 s4, $0x1;
	s5 =	sadd.s32 s21, s3  }
0x9d: {  	[timem:s22], [sflag:s6] =	dma.local [hbm:s5], s4  }
0x9e: {  	_ =	swait.ge [sflag:s6], s4  }
0x9f: {  	s4 =	ssub.s32 $0x0, s4;
	[sflag:s6] =	ssyncset.done $0x0  }
0xa0: {  	[sflag:s6] =	ssyncadd.s32 s4;
	_ =	sdelay $0x1  }
0xa1: {  	s23 =	simm.s32 $0x1B8B  }
0xa2: {  	_ =	swait.ge [sflag:s23], $0x1  }
0xa3: {  	[sflag:s23] =	ssyncset.done $0x0  }
0xa4: {  	[sflag:s23] =	ssyncadd.s32 $0xFFFFFFFF  }
0xa5: {  	s4 =	sld [smem:$0x0]  }
0xa6: {  	s5 =	sand.u32 $0xFFFFFFFE, s1  }
0xa7: {  	p0 =	sne.s32 s1, s5  }
0xa8: {  	s5 =	sshll.u32 @p0 s5, $0xE  }
0xa9: {  	s5 =	sadd.s32 @p0 $0x11B8D, s5;
	s6 =	sshll.u32 @p0 s4, $0x11  }
0xaa: {  	s5 =	sor.u32 @p0 s6, s5  }
0xab: {  	[sflag:s5] =	ssyncadd.remote.s32 @p0 $0x1;
	_ =	sdelay $0x1  }
0xac: {  	s5 =	simm.s32 @p0 $0x1B8D  }
0xad: {  	_ =	swait.eq @p0 [sflag:s5], $0x1  }
0xae: {  	[sflag:s5] =	ssyncadd.s32 @p0 $0xFFFFFFFF  }
0xaf: {  	s6 =	sshll.u32 @!p0 s1, $0xE  }
0xb0: {  	s6 =	sor.u32 @!p0 $0x4000, s6;
	s5 =	simm.s32 @!p0 $0x1B8D  }
0xb1: {  	s4 =	sshll.u32 @!p0 s4, $0x11;
	s6 =	sadd.s32 @!p0 $0x11B8D, s6;
	_ =	swait.eq @!p0 [sflag:s5], $0x1  }
0xb2: {  	s4 =	sor.u32 @!p0 s4, s6;
	[sflag:s5] =	ssyncadd.s32 @!p0 $0xFFFFFFFF  }
0xb3: {  	s25 =	simm.s32 $0x1B8E;
	s24 =	sld [smem:$0x3FFE];
	[sflag:s4] =	ssyncadd.remote.s32 @!p0 $0x1  }
0xb4: {  	s26 =	simm.s32 $execute0_lowered;
	[smem:$0x3FD2] =	sst s25  }
0xb5: {  	s5 =	sshll.u32 s26, $0x1;
	_ =	strace $0x8000004C;
	[dreg:$0x1] =	wrdreg $0xFFFFFFFF  }
0xb6: {  	s28 =	simm.s32 $_size_execute0_lowered;
	s3 =	sadd.s32 s3, s5;
	[dreg:$0x0] =	wrdreg $0x0  }
0xb7: {  	s5 =	sshll.u32 s28, $0x1;
	[dreg:$0x2] =	wrdreg s3  }
0xb8: {  	[dreg:$0x3] =	wrdreg s5  }
0xb9: {  	[dreg:$0x4] =	wrdreg $0xC0  }
0xba: {  	_ =	task [dreg:s22], $0x5FFFF  }
0xbb: {  	[dreg:$0x1] =	wrdreg $0xFFFFFFFF  }
0xbc: {  	[dreg:$0x0] =	wrdreg $0x60  }
0xbd: {  	[dreg:$0x2] =	wrdreg s24  }
0xbe: {  	[dreg:$0x3] =	wrdreg $0x90000  }
0xbf: {  	[dreg:$0x4] =	wrdreg $0xC  }
0xc0: {  	_ =	task.clear_ibuf [dreg:s22], $0x5FFFF;
	_ =	strace $0x9000004C  }
0xc1: {  	s29 =	simm.s32 $0xC;
	_ =	strace $0x8000004E  }
0xc2: {  	_ =	swait.ge [sflag:s29], $0x1  }
0xc3: {  	[sflag:s29] =	ssyncadd.s32 $0xFFFFFFFF  }
0xc4: {  	_ =	strace $0x9000004E  }
0xc5: {  	_ =	sfence  }
0xc6: {  	s30 =	sld [smem:$0x0];
	_ =	sdelay $0x2  }
0xc7: {  	s31 =	sshll.u32 s1, $0xD;
	s1 =	sshrl.u32 s1, $0x2  }
0xc8: {  	s4 =	sand.u32 $0x4000, s31;
	s1 =	sadd.s32 s1, s30  }
0xc9: {  	s0 =	sor.u32 s4, s0;
	s1 =	sshll.u32 s1, $0x11  }
0xca: {  	s0 =	sor.u32 s1, s0  }
0xcb: {  	s0 =	sadd.s32 $0x8F2B, s0  }
0xcc: {  	[sflag:s0] =	ssyncadd.remote.s32 $0x1  }
0xcd: {  	_ =	sfence.sel $0xFFFF  }
0xce: {  	[dreg:$0x0] =	wrdreg $0xFFFFFFFF;
	(pc) =	sbr.abs _section_cstart, $3  }
0xcf: {  	[dreg:$0x1] =	wrdreg $0xFFFFFFFF  }
0xd0: {  	_ =	task.clear_ibuf [dreg:s22], $0x2FFFF;
	_ =	strace $0x9FFFFFFF  }
0xd1: {  	(tm) =	ssettm $0x7FFFFFFF  }
tec
execute0_lowered:
.L_overlay_start_1:
0x0: {  	(tag) =	ssettag $0x1  }
0x1: {  	s5 =	rddreg [dreg:$0x0]  }
0x2: {  	s2 =	rddreg [dreg:$0x1]  }
0x3: {  	s0 =	rddreg [dreg:$0x2];
	s3 =	simm.s32 $0x0;
	s1 =	stileid.u32  }
0x4: {  	s6 =	srdreg.scid;
	s18 =	simm.s32 $0x1;
	s4 =	smul.u32 $0x500, s1  }
0x5: {  	s20 =	simm.s32 $0x0;
	[smem:$0x7FF] =	sst s3;
	s10 =	smul.u32 $0x50000, s1  }
0x6: {  	s9 =	sadd.s32 $0x1D0600, s5;
	s7 =	sand.u32 $0x1, s6;
	s14 =	smul.u32 $0x13800, s1  }
0x7: {  	s13 =	sadd.s32 $0x26CA00, s5;
	s15 =	smul.u32 $0x4E000, s1;
	s31 =	sshll.u32 s1, $0x6  }
0x8: {  	_ =	strace $0x8000004D;
	s8 =	ssub.s32 $0x2, s7;
	s12 =	smul.u32 $0x4E200, s7  }
0x9: {  	s28 =	smul.u32 $0x271000, s7;
	s16 =	sshllo.u32 s7, $0x1;
	s26 =	sadd.s32 s4, s5  }
0xa: {  	s4 =	sadd.s32 $0x16000, s5;
	s11 =	sshrl.u32 s8, $0x1;
	s29 =	smul.u32 $0x138800, s16  }
0xb: {  	s10 =	sshrl.u32 s10, $0x2;
	s30 =	smul.u32 $0x27100, s16;
	s15 =	sshrl.u32 s15, $0x2  }
0xc: {  	s16 =	simm.s32 $0x80;
	s11 =	ssub.s32 s8, s11;
	s5 =	sadd.s32 $0x1CB600, s26  }
0xd: {  	s6 =	sadd.s32 $0x11000, s26;
	s17 =	sadd.s32 s10, s2;
	s8 =	sadd.s32 s14, s28  }
0xe: {  	s7 =	sadd.s32 s9, s12;
	s19 =	sadd.s32 s15, s2;
	s12 =	simm.s32 $0x2  }
0xf: {  	s8 =	sshrl.u32 s8, $0x3;
	s10 =	sadd.s32 s14, s29;
	s9 =	sadd.s32 s9, s30  }
0x10: {  	s11 =	smax.u32 s11, $0x1;
	s14 =	sor.u32 $0x1C02, s31;
	s15 =	sshrl.u32 s17, $0x3  }
0x11: {  	s17 =	simm.s32 $0x5000;
	s19 =	sshrl.u32 s19, $0x3;
	s10 =	sshrl.u32 s10, $0x3  }
0x12: {  	s8 =	sadd.s32 s13, s8;
	s10 =	sadd.s32 s13, s10;
	s13 =	simm.s32 $0x2800  }
.LBB2_1:
0x13: {  	[tilespmem:s3], [sflag:$0x2] =	stream.linear.gather [hbm4b:s5+s3], $0x2780, $0x38;
	[tilespmem:$0x1D000] =	vst v63  }
0x14: {  	_ =	swait.ge [sflag:s12], $0x2780  }
0x15: {  	[sflag:s12] =	ssyncset.done $0x0  }
0x16: {  	[sflag:s12] =	ssyncadd.s32 $0xFFFFD880  }
0x17: {  	[tilespmem:s13], [sflag:$0x2] =	stream.linear.gather [hbm4b:s6+s3], $0x2780, $0x38;
	[tilespmem:$0x1D000] =	vst v63  }
0x18: {  	_ =	swait.ge [sflag:s12], $0x2780  }
0x19: {  	[sflag:s12] =	ssyncset.done $0x0  }
0x1a: {  	[sflag:s12] =	ssyncadd.s32 $0xFFFFD880  }
0x1b: {  	[spmem:s15], [sflag:s14] =	dma.local [hbm:s4], $0x2800  }
0x1c: {  	_ =	swait.ge [sflag:s12], $0x2800  }
0x1d: {  	[sflag:s12] =	ssyncset.done $0x0  }
0x1e: {  	[sflag:s12] =	ssyncadd.s32 $0xFFFFD800  }
0x1f: {  	s21 =	simm.s32 $0x0;
	[bflag:$0x0] =	sbarrier.arrive $0xFFFF  }
0x20: {  	[tilespmem:s17], [sflag:$0x1] =	stream.indirect.gather [hbm4b:s7+s16], $0x80, s21, s16, $0xb8;
	[tilespmem:$0x1D000] =	vst v63  }
0x21: {  	_ =	swait.ge [sflag:s18], $0x4000  }
0x22: {  	[sflag:s18] =	ssyncset.done $0x0  }
0x23: {  	s31 =	simm.s32 $0x2800;
	[sflag:s18] =	ssyncadd.s32 $0xFFFFC000  }
0x24: {  	[spmem:s2] =	stream.indirect.scatter.add.f32 [tilespmem:s17], [sflag:$0x2], $0x80, s31, s16, $0xb8;
	[tilespmem:$0x1D000] =	vst v63  }
0x25: {  	_ =	swait.ge [sflag:s12], $0x4000  }
0x26: {  	s22 =	simm.s32 $0x400;
	s21 =	simm.s32 $0x200;
	[sflag:s12] =	ssyncset.done $0x0  }
.LBB2_2:
0x27: {  	s23 =	sshra.s32 s21, $0x2  }
0x28: {  	[sflag:s12] =	ssyncadd.s32 $0xFFFFC000;
	s21 =	smov.u32 s22;
	s24 =	sadd.s32 $0x200, s22  }
0x29: {  	[tilespmem:s17], [sflag:$0x1] =	stream.indirect.gather [hbm4b:s7+s16], $0x80, s23, s16, $0xb8;
	[tilespmem:$0x1D000] =	vst v63  }
0x2a: {  	p0 =	sne.s32 s22, $0x9C00;
	_ =	swait.ge [sflag:s18], $0x4000  }
.Ltmp0:
0x2b: {  	[sflag:s18] =	ssyncset.done $0x0;
	(pc) =	sbr.rel @p0 .LBB2_2-.Ltmp0, $4  }
0x2c: {  	s22 =	sadd.s32 $0x2800, s23;
	[sflag:s18] =	ssyncadd.s32 $0xFFFFC000  }
0x2d: {  	[spmem:s2] =	stream.indirect.scatter.add.f32 [tilespmem:s17], [sflag:$0x2], $0x80, s22, s16, $0xb8;
	[tilespmem:$0x1D000] =	vst v63  }
0x2e: {  	_ =	swait.ge [sflag:s12], $0x4000  }
0x2f: {  	s22 =	smov.u32 s24;
	[sflag:s12] =	ssyncset.done $0x0  }
0x30: {  	s21 =	sshra.s32 s21, $0x2;
	[sflag:s12] =	ssyncadd.s32 $0xFFFFC000  }
0x31: {  	[tilespmem:s17], [sflag:$0x1] =	stream.indirect.gather [hbm4b:s7+s16], $0x80, s21, s16, $0xb8;
	[tilespmem:$0x1D000] =	vst v63  }
0x32: {  	_ =	swait.ge [sflag:s18], $0x4000  }
0x33: {  	[sflag:s18] =	ssyncset.done $0x0  }
0x34: {  	s21 =	sadd.s32 $0x2800, s21;
	[sflag:s18] =	ssyncadd.s32 $0xFFFFC000  }
0x35: {  	[spmem:s2] =	stream.indirect.scatter.add.f32 [tilespmem:s17], [sflag:$0x2], $0x80, s21, s16, $0xb8;
	[tilespmem:$0x1D000] =	vst v63  }
0x36: {  	_ =	swait.ge [sflag:s12], $0x4000  }
0x37: {  	[sflag:s12] =	ssyncset.done $0x0  }
0x38: {  	[sflag:s12] =	ssyncadd.s32 $0xFFFFC000  }
0x39: {  	[bflag:$0x0] =	sbarrier.arrive $0xFFFF  }
0x3a: {  	[hbm:s8], [sflag:s14] =	dma.local [spmem:s19], $0x2800  }
0x3b: {  	_ =	swait.ge [sflag:s12], $0x2800  }
0x3c: {  	[sflag:s12] =	ssyncset.done $0x0  }
0x3d: {  	[sflag:s12] =	ssyncadd.s32 $0xFFFFD800  }
0x3e: {  	[bflag:$0x0] =	sbarrier.arrive $0xFFFF  }
0x3f: {  	[spmem:s15], [sflag:s14] =	dma.local [hbm:s4], $0x2800  }
0x40: {  	_ =	swait.ge [sflag:s12], $0x2800  }
0x41: {  	[sflag:s12] =	ssyncset.done $0x0  }
0x42: {  	[sflag:s12] =	ssyncadd.s32 $0xFFFFD800  }
0x43: {  	s30 =	simm.s32 $0x0;
	[bflag:$0x0] =	sbarrier.arrive $0xFFFF  }
0x44: {  	[tilespmem:s17], [sflag:$0x1] =	stream.indirect.gather [hbm4b:s9+s16], $0x80, s30, s16, $0xb8;
	[tilespmem:$0x1D000] =	vst v63  }
0x45: {  	_ =	swait.ge [sflag:s18], $0x4000  }
0x46: {  	[sflag:s18] =	ssyncset.done $0x0  }
0x47: {  	s31 =	simm.s32 $0x2800;
	[sflag:s18] =	ssyncadd.s32 $0xFFFFC000  }
0x48: {  	[spmem:s2] =	stream.indirect.scatter.add.f32 [tilespmem:s17], [sflag:$0x2], $0x80, s31, s16, $0xb8;
	[tilespmem:$0x1D000] =	vst v63  }
0x49: {  	_ =	swait.ge [sflag:s12], $0x4000  }
0x4a: {  	s22 =	simm.s32 $0x400;
	s21 =	simm.s32 $0x200;
	[sflag:s12] =	ssyncset.done $0x0  }
.LBB2_4:
0x4b: {  	s23 =	sshra.s32 s21, $0x2  }
0x4c: {  	[sflag:s12] =	ssyncadd.s32 $0xFFFFC000;
	s21 =	smov.u32 s22;
	s24 =	sadd.s32 $0x200, s22  }
0x4d: {  	[tilespmem:s17], [sflag:$0x1] =	stream.indirect.gather [hbm4b:s9+s16], $0x80, s23, s16, $0xb8;
	[tilespmem:$0x1D000] =	vst v63  }
0x4e: {  	p0 =	sne.s32 s22, $0x9C00;
	_ =	swait.ge [sflag:s18], $0x4000  }
.Ltmp1:
0x4f: {  	[sflag:s18] =	ssyncset.done $0x0;
	(pc) =	sbr.rel @p0 .LBB2_4-.Ltmp1, $4  }
0x50: {  	s22 =	sadd.s32 $0x2800, s23;
	[sflag:s18] =	ssyncadd.s32 $0xFFFFC000  }
0x51: {  	[spmem:s2] =	stream.indirect.scatter.add.f32 [tilespmem:s17], [sflag:$0x2], $0x80, s22, s16, $0xb8;
	[tilespmem:$0x1D000] =	vst v63  }
0x52: {  	_ =	swait.ge [sflag:s12], $0x4000  }
0x53: {  	s22 =	smov.u32 s24;
	[sflag:s12] =	ssyncset.done $0x0  }
0x54: {  	s21 =	sshra.s32 s21, $0x2;
	[sflag:s12] =	ssyncadd.s32 $0xFFFFC000  }
0x55: {  	[tilespmem:s17], [sflag:$0x1] =	stream.indirect.gather [hbm4b:s9+s16], $0x80, s21, s16, $0xb8;
	[tilespmem:$0x1D000] =	vst v63  }
0x56: {  	_ =	swait.ge [sflag:s18], $0x4000  }
0x57: {  	[sflag:s18] =	ssyncset.done $0x0  }
0x58: {  	s21 =	sadd.s32 $0x2800, s21;
	[sflag:s18] =	ssyncadd.s32 $0xFFFFC000  }
0x59: {  	[spmem:s2] =	stream.indirect.scatter.add.f32 [tilespmem:s17], [sflag:$0x2], $0x80, s21, s16, $0xb8;
	[tilespmem:$0x1D000] =	vst v63  }
0x5a: {  	_ =	swait.ge [sflag:s12], $0x4000  }
0x5b: {  	[sflag:s12] =	ssyncset.done $0x0  }
0x5c: {  	s20 =	sadd.s32 $0x1, s20;
	[sflag:s12] =	ssyncadd.s32 $0xFFFFC000  }
0x5d: {  	p0 =	sne.s32 s20, s11;
	[bflag:$0x0] =	sbarrier.arrive $0xFFFF  }
0x5e: {  	[hbm:s10], [sflag:s14] =	dma.local [spmem:s19], $0x2800  }
.Ltmp2:
0x5f: {  	_ =	swait.ge [sflag:s12], $0x2800;
	(pc) =	sbr.rel @p0 .LBB2_1-.Ltmp2, $3  }
0x60: {  	[sflag:s12] =	ssyncset.done $0x0  }
0x61: {  	[sflag:s12] =	ssyncadd.s32 $0xFFFFD800  }
0x62: {  	[bflag:$0x0] =	sbarrier.arrive $0xFFFF;
	_ =	sdelay $0x1  }
0x63: {  	_ =	sfence.sel $0x180000  }
0x64: {  	[bflag:$0x0] =	sbarrier.arrive $0xFFFF  }
0x65: {  	p0 =	sne.s32 s1, $0x0;
	_ =	strace $0x9000004D  }
0x66: {  	s0 =	sadd.s32 @!p0 $0x100000, s0;
	[bflag:$0x2] =	sbarrier.arrive $0xFFFF  }
0x67: {  	[sflag:s0] =	ssyncadd.tile.s32 @!p0 $0x1;
	_ =	shalt  }
.Lfunc_end2:
_tile_overlayer_lowered:
.L_overlay_start_2:
0x68: {  	(tag) =	ssettag $0x2  }
0x69: {  	s0 =	rddreg [dreg:$0x0];
	s2 =	stileid.u32  }
0x6a: {  	s1 =	rddreg [dreg:$0x1];
	p0 =	sne.s32 s2, $0x0  }
0x6b: {  	s3 =	rddreg [dreg:$0x2];
	[bflag:$0x3] =	sbarrier.arrive $0xFFFF;
	s2 =	simm.s32 @!p0 $0x1C02  }
0x6c: {  	[timem:s3], [sflag:s2] =	dma.local @!p0 [hbm:s0], s1  }
0x6d: {  	s0 =	simm.s32 @!p0 $0x2  }
0x6e: {  	_ =	swait.ge @!p0 [sflag:s0], s1  }
0x6f: {  	s1 =	ssub.s32 @!p0 $0x0, s1;
	[sflag:s0] =	ssyncset.done @!p0 $0x0  }
0x70: {  	[sflag:s0] =	ssyncadd.s32 @!p0 s1  }
0x71: {  	[bflag:$0x3] =	sbarrier.arrive $0xFFFF  }
0x72: {  	_ =	shalt  }

// kernel: kernel.24.cloned.1.call-start
scs
__scs_entry_jumppad:
0x0: {  	(pc) =	sbr.rel $0x88, $3  }
0x1: {  	(tag) =	ssettag $0x0;
	lr =	simm.s32 $0x1  }
0x2: {  	[smem:$0x3F82] =	sst lr;
	_ =	strace $0xD0000000  }
0x3: {  	_ = 	snop  }
0x4: {  	_ = 	snop  }
0x5: {  	_ = 	snop  }
0x6: {  	_ = 	snop  }
0x7: {  	_ = 	snop  }
__scs_overlays_trampoline_lowered:
0x8: {  	[smem:$0x3F91] =	sst s0  }
0x9: {  	[smem:$0x3F92] =	sst s1  }
0xa: {  	[smem:$0x3F93] =	sst s2  }
0xb: {  	[smem:$0x3F94] =	sst s3  }
0xc: {  	[smem:$0x3F95] =	sst s4  }
0xd: {  	[smem:$0x3F96] =	sst s5  }
0xe: {  	[smem:$0x3F97] =	sst s6  }
0xf: {  	[smem:$0x3F98] =	sst s7  }
0x10: {  	[smem:$0x3F99] =	sst s8  }
0x11: {  	[smem:$0x3F9A] =	sst s9;
	s0 =	simm.s32 @!p0 $0x0  }
0x12: {  	s1 =	sld [smem:$0x3F80];
	s0 =	simm.s32 @p0 $0x1  }
0x13: {  	[smem:$0x3F9B] =	sst s0;
	s0 =	simm.s32 @!p1 $0x0  }
0x14: {  	s2 =	sld [smem:$0x3F7F];
	s0 =	simm.s32 @p1 $0x1  }
0x15: {  	[smem:$0x3F9C] =	sst s0;
	s0 =	simm.s32 @!p2 $0x0  }
0x16: {  	s3 =	sld [smem:$0x3FDB];
	s0 =	simm.s32 @p2 $0x1  }
0x17: {  	s4 =	simm.s32 $0x1BF5;
	[smem:$0x3F9E] =	sst s0  }
0x18: {  	s0 =	sld [smem:$0x3F81];
	_ =	swait.ge [sflag:s4], $0x0  }
0x19: {  	s7 =	sld [smem:$0x3F82]  }
0x1a: {  	s8 =	sadd.s32 $0xFFFFE003, lr  }
0x1b: {  	s9 =	sadd.s32 $0xFFFFFEF7, lr;
	s5 =	simm.s32 $0xFFFFFFFF;
	p2 =	slt.u32 s8, $0xFFFFF086  }
0x1c: {  	p1 =	slt.u32 s9, $0xF7A;
	s5 =	simm.s32 @!p2 $0x0  }
0x1d: {  	s5 =	simm.s32 @p1 $0x1;
	p0 =	seq.s32 s7, s2  }
0x1e: {  	s7 =	smul.u32 @!p0 $0xF7A, s2;
	p2 =	seq.s32 @!p0 s5, $0x0  }
0x1f: {  	s9 =	smul.u32 $0xF7A, s1;
	s8 =	simm.s32 @!p0 $0x1BF5;
	p2 =	por !p2, p0  }
0x20: {  	[sflag:s8] =	ssyncset.s32 @!p0 $0xFFFFF086;
	s6 =	sadd.s32 @!p0 s3, s7;
	s7 =	simm.s32 @!p0 $0x108  }
0x21: {  	s3 =	sadd.s32 s3, s9;
	s6 =	sadd.s32 @!p0 $0x88, s6;
	s7 =	simm.s32 @p2 $0x1082  }
0x22: {  	[simem:s7], [sflag:s8] =	dma.local @!p0 [hbm:s6], $0xF7A  }
0x23: {  	s9 =	sor.u32 $0xD0000000, s2;
	s6 =	simm.s32 $0x108;
	_ =	swait.ge @!p0 [sflag:s8], $0x0  }
0x24: {  	s3 =	sadd.s32 $0x88, s3;
	s6 =	simm.s32 @!p1 $0x1082;
	[sflag:s4] =	ssyncset.s32 $0xFFFFF086  }
0x25: {  	[simem:s6], [sflag:s4] =	dma.local [hbm:s3], $0xF7A  }
0x26: {  	[smem:$0x3F82] =	sst s1;
	(tag) =	ssettag s2;
	_ =	strace s9  }
0x27: {  	s1 =	sld [smem:$0x3F92]  }
0x28: {  	s2 =	sld [smem:$0x3F93]  }
0x29: {  	s4 =	sld [smem:$0x3F95]  }
0x2a: {  	p0 =	seq.s32 s5, $0x0;
	s5 =	sld [smem:$0x3F96]  }
0x2b: {  	s6 =	sld [smem:$0x3F97]  }
0x2c: {  	s7 =	sld [smem:$0x3F98]  }
0x2d: {  	s3 =	simm.s32 $0x108;
	s8 =	sld [smem:$0x3F99]  }
0x2e: {  	s3 =	simm.s32 @!p0 $0x1082;
	s9 =	sld [smem:$0x3F9A]  }
0x2f: {  	lr =	sadd.s32 s0, s3;
	s0 =	sld [smem:$0x3F91]  }
0x30: {  	s3 =	sld [smem:$0x3F94]  }
0x31: {  	[smem:$0x3F9D] =	sst s10  }
0x32: {  	s10 =	sld [smem:$0x3F9B];
	_ =	sdelay $0x3  }
0x33: {  	p0 =	seq.s32 s10, $0x1;
	s10 =	sld [smem:$0x3F9D];
	_ =	sdelay $0x3  }
0x34: {  	[smem:$0x3F9D] =	sst s10  }
0x35: {  	s10 =	sld [smem:$0x3F9C];
	_ =	sdelay $0x3  }
0x36: {  	p1 =	seq.s32 s10, $0x1;
	s10 =	sld [smem:$0x3F9D];
	_ =	sdelay $0x3  }
0x37: {  	[smem:$0x3F9D] =	sst s10  }
0x38: {  	s10 =	sld [smem:$0x3F9E]  }
0x39: {  	_ = 	snop;
	(pc) =	sbr.ind lr, $3  }
0x3a: {  	_ = 	snop  }
0x3b: {  	_ = 	snop  }
0x3c: {  	p2 =	seq.s32 s10, $0x1;
	s10 =	sld [smem:$0x3F9D]  }
0x3d: {  	_ =	shalt  }
0x3e: {  	_ =	shalt  }
0x3f: {  	_ =	shalt  }
0x40: {  	_ =	shalt  }
0x41: {  	_ =	shalt  }
0x42: {  	_ =	shalt  }
0x43: {  	_ =	shalt  }
0x44: {  	_ =	shalt  }
0x45: {  	_ =	shalt  }
0x46: {  	_ =	shalt  }
0x47: {  	_ =	shalt  }
0x48: {  	_ =	shalt  }
0x49: {  	_ =	shalt  }
0x4a: {  	_ =	shalt  }
0x4b: {  	_ =	shalt  }
0x4c: {  	_ =	shalt  }
0x4d: {  	_ =	shalt  }
0x4e: {  	_ =	shalt  }
0x4f: {  	_ =	shalt  }
0x50: {  	_ =	shalt  }
0x51: {  	_ =	shalt  }
0x52: {  	_ =	shalt  }
0x53: {  	_ =	shalt  }
0x54: {  	_ =	shalt  }
0x55: {  	_ =	shalt  }
0x56: {  	_ =	shalt  }
0x57: {  	_ =	shalt  }
0x58: {  	_ =	shalt  }
0x59: {  	_ =	shalt  }
0x5a: {  	_ =	shalt  }
0x5b: {  	_ =	shalt  }
0x5c: {  	_ =	shalt  }
0x5d: {  	_ =	shalt  }
0x5e: {  	_ =	shalt  }
0x5f: {  	_ =	shalt  }
0x60: {  	_ =	shalt  }
0x61: {  	_ =	shalt  }
0x62: {  	_ =	shalt  }
0x63: {  	_ =	shalt  }
0x64: {  	_ =	shalt  }
0x65: {  	_ =	shalt  }
0x66: {  	_ =	shalt  }
0x67: {  	_ =	shalt  }
0x68: {  	_ =	shalt  }
0x69: {  	_ =	shalt  }
0x6a: {  	_ =	shalt  }
0x6b: {  	_ =	shalt  }
0x6c: {  	_ =	shalt  }
0x6d: {  	_ =	shalt  }
0x6e: {  	_ =	shalt  }
0x6f: {  	_ =	shalt  }
0x70: {  	_ =	shalt  }
0x71: {  	_ =	shalt  }
0x72: {  	_ =	shalt  }
0x73: {  	_ =	shalt  }
0x74: {  	_ =	shalt  }
0x75: {  	_ =	shalt  }
0x76: {  	_ =	shalt  }
0x77: {  	_ =	shalt  }
0x78: {  	_ =	shalt  }
0x79: {  	_ =	shalt  }
0x7a: {  	_ =	shalt  }
0x7b: {  	_ =	shalt  }
0x7c: {  	_ =	shalt  }
0x7d: {  	_ =	shalt  }
0x7e: {  	_ =	shalt  }
0x7f: {  	_ =	shalt  }
0x80: {  	_ =	shalt  }
0x81: {  	_ =	shalt  }
0x82: {  	_ =	shalt  }
0x83: {  	_ =	shalt  }
0x84: {  	_ =	shalt  }
0x85: {  	_ =	shalt  }
0x86: {  	_ =	shalt  }
0x87: {  	_ =	shalt  }
.Lfunc_end0:
.L_simem_size_0:
called_computation.3_lowered:
.L_overlay_start_0:
0x88: {  	s2 =	sld [smem:$0x3FD9]  }
0x89: {  	s3 =	sld [smem:$0x3FFE];
	_ =	sdelay $0x1  }
0x8a: {  	s1 =	srdreg.scid  }
0x8b: {  	s0 =	sand.u32 $0x1, s1  }
0x8c: {  	s17 =	sshll.u32 s0, $0xA;
	s2 =	sadd.s32 s3, s2  }
0x8d: {  	s2 =	sadd.s32 s2, s17  }
0x8e: {  	[smem:$0x3FA9] =	sst s2  }
0x8f: {  	_ = 	snop  }
0x90: {  	(tm) =	ssettm $0x1  }
0x91: {  	s18 =	sld [smem:$0x3FFB];
	_ =	sdelay $0x3  }
0x92: {  	_ =	strace s18  }
0x93: {  	s2 =	sld [smem:$0x3FFC];
	_ =	sdelay $0x3  }
0x94: {  	_ =	strace s2  }
0x95: {  	s2 =	sld [smem:$0x3FFD];
	_ =	sdelay $0x3  }
0x96: {  	_ =	strace s2  }
0x97: {  	_ =	strace $0x8FFFFFFF  }
0x98: {  	s19 =	sld [smem:$0x3FDB];
	_ =	sdelay $0x1  }
0x99: {  	s20 =	simm.s32 $_scs_section_size  }
0x9a: {  	s4 =	simm.s32 $_size__tile_overlayer_lowered;
	s5 =	simm.s32 $_tile_overlayer_lowered  }
0x9b: {  	s6 =	simm.s32 $0x1BFF;
	s21 =	sshll.u32 s5, $0x1;
	s3 =	sadd.s32 s20, s19  }
0x9c: {  	s22 =	simm.s32 $0x0;
	s4 =	sshll.u32 s4, $0x1;
	s5 =	sadd.s32 s21, s3  }
0x9d: {  	[timem:s22], [sflag:s6] =	dma.local [hbm:s5], s4  }
0x9e: {  	_ =	swait.ge [sflag:s6], s4  }
0x9f: {  	s4 =	ssub.s32 $0x0, s4;
	[sflag:s6] =	ssyncset.done $0x0  }
0xa0: {  	[sflag:s6] =	ssyncadd.s32 s4;
	_ =	sdelay $0x1  }
0xa1: {  	s23 =	simm.s32 $0x1B8B  }
0xa2: {  	_ =	swait.ge [sflag:s23], $0x1  }
0xa3: {  	[sflag:s23] =	ssyncset.done $0x0  }
0xa4: {  	[sflag:s23] =	ssyncadd.s32 $0xFFFFFFFF  }
0xa5: {  	s4 =	sld [smem:$0x0]  }
0xa6: {  	s5 =	sand.u32 $0xFFFFFFFE, s1  }
0xa7: {  	p0 =	sne.s32 s1, s5  }
0xa8: {  	s5 =	sshll.u32 @p0 s5, $0xE  }
0xa9: {  	s5 =	sadd.s32 @p0 $0x11B8D, s5;
	s6 =	sshll.u32 @p0 s4, $0x11  }
0xaa: {  	s5 =	sor.u32 @p0 s6, s5  }
0xab: {  	[sflag:s5] =	ssyncadd.remote.s32 @p0 $0x1;
	_ =	sdelay $0x1  }
0xac: {  	s5 =	simm.s32 @p0 $0x1B8D  }
0xad: {  	_ =	swait.eq @p0 [sflag:s5], $0x1  }
0xae: {  	[sflag:s5] =	ssyncadd.s32 @p0 $0xFFFFFFFF  }
0xaf: {  	s6 =	sshll.u32 @!p0 s1, $0xE  }
0xb0: {  	s6 =	sor.u32 @!p0 $0x4000, s6;
	s5 =	simm.s32 @!p0 $0x1B8D  }
0xb1: {  	s4 =	sshll.u32 @!p0 s4, $0x11;
	s6 =	sadd.s32 @!p0 $0x11B8D, s6;
	_ =	swait.eq @!p0 [sflag:s5], $0x1  }
0xb2: {  	s4 =	sor.u32 @!p0 s4, s6;
	[sflag:s5] =	ssyncadd.s32 @!p0 $0xFFFFFFFF  }
0xb3: {  	s25 =	simm.s32 $0x1B8E;
	s24 =	sld [smem:$0x3FFE];
	[sflag:s4] =	ssyncadd.remote.s32 @!p0 $0x1  }
0xb4: {  	s26 =	simm.s32 $execute0_lowered;
	[smem:$0x3FD2] =	sst s25  }
0xb5: {  	s5 =	sshll.u32 s26, $0x1;
	_ =	strace $0x8000004F;
	[dreg:$0x1] =	wrdreg $0xFFFFFFFF  }
0xb6: {  	s28 =	simm.s32 $_size_execute0_lowered;
	s3 =	sadd.s32 s3, s5;
	[dreg:$0x0] =	wrdreg $0x0  }
0xb7: {  	s5 =	sshll.u32 s28, $0x1;
	[dreg:$0x2] =	wrdreg s3  }
0xb8: {  	[dreg:$0x3] =	wrdreg s5  }
0xb9: {  	[dreg:$0x4] =	wrdreg $0xC0  }
0xba: {  	_ =	task [dreg:s22], $0x5FFFF  }
0xbb: {  	[dreg:$0x1] =	wrdreg $0xFFFFFFFF  }
0xbc: {  	[dreg:$0x0] =	wrdreg $0x60  }
0xbd: {  	[dreg:$0x2] =	wrdreg s24  }
0xbe: {  	[dreg:$0x3] =	wrdreg $0x90000  }
0xbf: {  	[dreg:$0x4] =	wrdreg $0x9  }
0xc0: {  	_ =	task.clear_ibuf [dreg:s22], $0x5FFFF;
	_ =	strace $0x9000004F  }
0xc1: {  	s29 =	simm.s32 $0x9;
	_ =	strace $0x80000051  }
0xc2: {  	_ =	swait.ge [sflag:s29], $0x1  }
0xc3: {  	[sflag:s29] =	ssyncadd.s32 $0xFFFFFFFF  }
0xc4: {  	_ =	strace $0x90000051  }
0xc5: {  	_ =	sfence  }
0xc6: {  	s30 =	sld [smem:$0x0];
	_ =	sdelay $0x2  }
0xc7: {  	s31 =	sshll.u32 s1, $0xD;
	s1 =	sshrl.u32 s1, $0x2  }
0xc8: {  	s4 =	sand.u32 $0x4000, s31;
	s1 =	sadd.s32 s1, s30  }
0xc9: {  	s0 =	sor.u32 s4, s0;
	s1 =	sshll.u32 s1, $0x11  }
0xca: {  	s0 =	sor.u32 s1, s0  }
0xcb: {  	s0 =	sadd.s32 $0x8F2B, s0  }
0xcc: {  	[sflag:s0] =	ssyncadd.remote.s32 $0x1  }
0xcd: {  	_ =	sfence.sel $0xFFFF  }
0xce: {  	[dreg:$0x0] =	wrdreg $0xFFFFFFFF;
	(pc) =	sbr.abs _section_cstart, $3  }
0xcf: {  	[dreg:$0x1] =	wrdreg $0xFFFFFFFF  }
0xd0: {  	_ =	task.clear_ibuf [dreg:s22], $0x2FFFF;
	_ =	strace $0x9FFFFFFF  }
0xd1: {  	(tm) =	ssettm $0x7FFFFFFF  }
tec
execute0_lowered:
.L_overlay_start_1:
0x0: {  	(tag) =	ssettag $0x1  }
0x1: {  	s5 =	rddreg [dreg:$0x0]  }
0x2: {  	s2 =	rddreg [dreg:$0x1]  }
0x3: {  	s0 =	rddreg [dreg:$0x2];
	s3 =	simm.s32 $0x0;
	s1 =	stileid.u32  }
0x4: {  	s6 =	srdreg.scid;
	s18 =	simm.s32 $0x1;
	s4 =	smul.u32 $0x500, s1  }
0x5: {  	s20 =	simm.s32 $0x0;
	[smem:$0x7FF] =	sst s3;
	s10 =	smul.u32 $0x50000, s1  }
0x6: {  	s9 =	sadd.s32 $0x92E00, s5;
	s7 =	sand.u32 $0x1, s6;
	s14 =	smul.u32 $0x13800, s1  }
0x7: {  	s13 =	sadd.s32 $0x30DE00, s5;
	s15 =	smul.u32 $0x4E000, s1;
	s31 =	sshll.u32 s1, $0x6  }
0x8: {  	_ =	strace $0x80000050;
	s8 =	ssub.s32 $0x2, s7;
	s12 =	smul.u32 $0x4E200, s7  }
0x9: {  	s28 =	smul.u32 $0x271000, s7;
	s16 =	sshllo.u32 s7, $0x1;
	s26 =	sadd.s32 s4, s5  }
0xa: {  	s4 =	sadd.s32 $0x16000, s5;
	s11 =	sshrl.u32 s8, $0x1;
	s29 =	smul.u32 $0x138800, s16  }
0xb: {  	s10 =	sshrl.u32 s10, $0x2;
	s30 =	smul.u32 $0x27100, s16;
	s15 =	sshrl.u32 s15, $0x2  }
0xc: {  	s16 =	simm.s32 $0x80;
	s11 =	ssub.s32 s8, s11;
	s5 =	sadd.s32 $0x308E00, s26  }
0xd: {  	s6 =	sadd.s32 $0xC000, s26;
	s17 =	sadd.s32 s10, s2;
	s8 =	sadd.s32 s14, s28  }
0xe: {  	s7 =	sadd.s32 s9, s12;
	s19 =	sadd.s32 s15, s2;
	s12 =	simm.s32 $0x2  }
0xf: {  	s8 =	sshrl.u32 s8, $0x3;
	s10 =	sadd.s32 s14, s29;
	s9 =	sadd.s32 s9, s30  }
0x10: {  	s11 =	smax.u32 s11, $0x1;
	s14 =	sor.u32 $0x1C02, s31;
	s15 =	sshrl.u32 s17, $0x3  }
0x11: {  	s17 =	simm.s32 $0x5000;
	s19 =	sshrl.u32 s19, $0x3;
	s10 =	sshrl.u32 s10, $0x3  }
0x12: {  	s8 =	sadd.s32 s13, s8;
	s10 =	sadd.s32 s13, s10;
	s13 =	simm.s32 $0x2800  }
.LBB2_1:
0x13: {  	[tilespmem:s3], [sflag:$0x2] =	stream.linear.gather [hbm4b:s5+s3], $0x2780, $0x38;
	[tilespmem:$0x1D000] =	vst v63  }
0x14: {  	_ =	swait.ge [sflag:s12], $0x2780  }
0x15: {  	[sflag:s12] =	ssyncset.done $0x0  }
0x16: {  	[sflag:s12] =	ssyncadd.s32 $0xFFFFD880  }
0x17: {  	[tilespmem:s13], [sflag:$0x2] =	stream.linear.gather [hbm4b:s6+s3], $0x2780, $0x38;
	[tilespmem:$0x1D000] =	vst v63  }
0x18: {  	_ =	swait.ge [sflag:s12], $0x2780  }
0x19: {  	[sflag:s12] =	ssyncset.done $0x0  }
0x1a: {  	[sflag:s12] =	ssyncadd.s32 $0xFFFFD880  }
0x1b: {  	[spmem:s15], [sflag:s14] =	dma.local [hbm:s4], $0x2800  }
0x1c: {  	_ =	swait.ge [sflag:s12], $0x2800  }
0x1d: {  	[sflag:s12] =	ssyncset.done $0x0  }
0x1e: {  	[sflag:s12] =	ssyncadd.s32 $0xFFFFD800  }
0x1f: {  	s21 =	simm.s32 $0x0;
	[bflag:$0x0] =	sbarrier.arrive $0xFFFF  }
0x20: {  	[tilespmem:s17], [sflag:$0x1] =	stream.indirect.gather [hbm4b:s7+s16], $0x80, s21, s16, $0xb8;
	[tilespmem:$0x1D000] =	vst v63  }
0x21: {  	_ =	swait.ge [sflag:s18], $0x4000  }
0x22: {  	[sflag:s18] =	ssyncset.done $0x0  }
0x23: {  	s31 =	simm.s32 $0x2800;
	[sflag:s18] =	ssyncadd.s32 $0xFFFFC000  }
0x24: {  	[spmem:s2] =	stream.indirect.scatter.add.f32 [tilespmem:s17], [sflag:$0x2], $0x80, s31, s16, $0xb8;
	[tilespmem:$0x1D000] =	vst v63  }
0x25: {  	_ =	swait.ge [sflag:s12], $0x4000  }
0x26: {  	s22 =	simm.s32 $0x400;
	s21 =	simm.s32 $0x200;
	[sflag:s12] =	ssyncset.done $0x0  }
.LBB2_2:
0x27: {  	s23 =	sshra.s32 s21, $0x2  }
0x28: {  	[sflag:s12] =	ssyncadd.s32 $0xFFFFC000;
	s21 =	smov.u32 s22;
	s24 =	sadd.s32 $0x200, s22  }
0x29: {  	[tilespmem:s17], [sflag:$0x1] =	stream.indirect.gather [hbm4b:s7+s16], $0x80, s23, s16, $0xb8;
	[tilespmem:$0x1D000] =	vst v63  }
0x2a: {  	p0 =	sne.s32 s22, $0x9C00;
	_ =	swait.ge [sflag:s18], $0x4000  }
.Ltmp0:
0x2b: {  	[sflag:s18] =	ssyncset.done $0x0;
	(pc) =	sbr.rel @p0 .LBB2_2-.Ltmp0, $4  }
0x2c: {  	s22 =	sadd.s32 $0x2800, s23;
	[sflag:s18] =	ssyncadd.s32 $0xFFFFC000  }
0x2d: {  	[spmem:s2] =	stream.indirect.scatter.add.f32 [tilespmem:s17], [sflag:$0x2], $0x80, s22, s16, $0xb8;
	[tilespmem:$0x1D000] =	vst v63  }
0x2e: {  	_ =	swait.ge [sflag:s12], $0x4000  }
0x2f: {  	s22 =	smov.u32 s24;
	[sflag:s12] =	ssyncset.done $0x0  }
0x30: {  	s21 =	sshra.s32 s21, $0x2;
	[sflag:s12] =	ssyncadd.s32 $0xFFFFC000  }
0x31: {  	[tilespmem:s17], [sflag:$0x1] =	stream.indirect.gather [hbm4b:s7+s16], $0x80, s21, s16, $0xb8;
	[tilespmem:$0x1D000] =	vst v63  }
0x32: {  	_ =	swait.ge [sflag:s18], $0x4000  }
0x33: {  	[sflag:s18] =	ssyncset.done $0x0  }
0x34: {  	s21 =	sadd.s32 $0x2800, s21;
	[sflag:s18] =	ssyncadd.s32 $0xFFFFC000  }
0x35: {  	[spmem:s2] =	stream.indirect.scatter.add.f32 [tilespmem:s17], [sflag:$0x2], $0x80, s21, s16, $0xb8;
	[tilespmem:$0x1D000] =	vst v63  }
0x36: {  	_ =	swait.ge [sflag:s12], $0x4000  }
0x37: {  	[sflag:s12] =	ssyncset.done $0x0  }
0x38: {  	[sflag:s12] =	ssyncadd.s32 $0xFFFFC000  }
0x39: {  	[bflag:$0x0] =	sbarrier.arrive $0xFFFF  }
0x3a: {  	[hbm:s8], [sflag:s14] =	dma.local [spmem:s19], $0x2800  }
0x3b: {  	_ =	swait.ge [sflag:s12], $0x2800  }
0x3c: {  	[sflag:s12] =	ssyncset.done $0x0  }
0x3d: {  	[sflag:s12] =	ssyncadd.s32 $0xFFFFD800  }
0x3e: {  	[bflag:$0x0] =	sbarrier.arrive $0xFFFF  }
0x3f: {  	[spmem:s15], [sflag:s14] =	dma.local [hbm:s4], $0x2800  }
0x40: {  	_ =	swait.ge [sflag:s12], $0x2800  }
0x41: {  	[sflag:s12] =	ssyncset.done $0x0  }
0x42: {  	[sflag:s12] =	ssyncadd.s32 $0xFFFFD800  }
0x43: {  	s30 =	simm.s32 $0x0;
	[bflag:$0x0] =	sbarrier.arrive $0xFFFF  }
0x44: {  	[tilespmem:s17], [sflag:$0x1] =	stream.indirect.gather [hbm4b:s9+s16], $0x80, s30, s16, $0xb8;
	[tilespmem:$0x1D000] =	vst v63  }
0x45: {  	_ =	swait.ge [sflag:s18], $0x4000  }
0x46: {  	[sflag:s18] =	ssyncset.done $0x0  }
0x47: {  	s31 =	simm.s32 $0x2800;
	[sflag:s18] =	ssyncadd.s32 $0xFFFFC000  }
0x48: {  	[spmem:s2] =	stream.indirect.scatter.add.f32 [tilespmem:s17], [sflag:$0x2], $0x80, s31, s16, $0xb8;
	[tilespmem:$0x1D000] =	vst v63  }
0x49: {  	_ =	swait.ge [sflag:s12], $0x4000  }
0x4a: {  	s22 =	simm.s32 $0x400;
	s21 =	simm.s32 $0x200;
	[sflag:s12] =	ssyncset.done $0x0  }
.LBB2_4:
0x4b: {  	s23 =	sshra.s32 s21, $0x2  }
0x4c: {  	[sflag:s12] =	ssyncadd.s32 $0xFFFFC000;
	s21 =	smov.u32 s22;
	s24 =	sadd.s32 $0x200, s22  }
0x4d: {  	[tilespmem:s17], [sflag:$0x1] =	stream.indirect.gather [hbm4b:s9+s16], $0x80, s23, s16, $0xb8;
	[tilespmem:$0x1D000] =	vst v63  }
0x4e: {  	p0 =	sne.s32 s22, $0x9C00;
	_ =	swait.ge [sflag:s18], $0x4000  }
.Ltmp1:
0x4f: {  	[sflag:s18] =	ssyncset.done $0x0;
	(pc) =	sbr.rel @p0 .LBB2_4-.Ltmp1, $4  }
0x50: {  	s22 =	sadd.s32 $0x2800, s23;
	[sflag:s18] =	ssyncadd.s32 $0xFFFFC000  }
0x51: {  	[spmem:s2] =	stream.indirect.scatter.add.f32 [tilespmem:s17], [sflag:$0x2], $0x80, s22, s16, $0xb8;
	[tilespmem:$0x1D000] =	vst v63  }
0x52: {  	_ =	swait.ge [sflag:s12], $0x4000  }
0x53: {  	s22 =	smov.u32 s24;
	[sflag:s12] =	ssyncset.done $0x0  }
0x54: {  	s21 =	sshra.s32 s21, $0x2;
	[sflag:s12] =	ssyncadd.s32 $0xFFFFC000  }
0x55: {  	[tilespmem:s17], [sflag:$0x1] =	stream.indirect.gather [hbm4b:s9+s16], $0x80, s21, s16, $0xb8;
	[tilespmem:$0x1D000] =	vst v63  }
0x56: {  	_ =	swait.ge [sflag:s18], $0x4000  }
0x57: {  	[sflag:s18] =	ssyncset.done $0x0  }
0x58: {  	s21 =	sadd.s32 $0x2800, s21;
	[sflag:s18] =	ssyncadd.s32 $0xFFFFC000  }
0x59: {  	[spmem:s2] =	stream.indirect.scatter.add.f32 [tilespmem:s17], [sflag:$0x2], $0x80, s21, s16, $0xb8;
	[tilespmem:$0x1D000] =	vst v63  }
0x5a: {  	_ =	swait.ge [sflag:s12], $0x4000  }
0x5b: {  	[sflag:s12] =	ssyncset.done $0x0  }
0x5c: {  	s20 =	sadd.s32 $0x1, s20;
	[sflag:s12] =	ssyncadd.s32 $0xFFFFC000  }
0x5d: {  	p0 =	sne.s32 s20, s11;
	[bflag:$0x0] =	sbarrier.arrive $0xFFFF  }
0x5e: {  	[hbm:s10], [sflag:s14] =	dma.local [spmem:s19], $0x2800  }
.Ltmp2:
0x5f: {  	_ =	swait.ge [sflag:s12], $0x2800;
	(pc) =	sbr.rel @p0 .LBB2_1-.Ltmp2, $3  }
0x60: {  	[sflag:s12] =	ssyncset.done $0x0  }
0x61: {  	[sflag:s12] =	ssyncadd.s32 $0xFFFFD800  }
0x62: {  	[bflag:$0x0] =	sbarrier.arrive $0xFFFF;
	_ =	sdelay $0x1  }
0x63: {  	_ =	sfence.sel $0x180000  }
0x64: {  	[bflag:$0x0] =	sbarrier.arrive $0xFFFF  }
0x65: {  	p0 =	sne.s32 s1, $0x0;
	_ =	strace $0x90000050  }
0x66: {  	s0 =	sadd.s32 @!p0 $0x100000, s0;
	[bflag:$0x2] =	sbarrier.arrive $0xFFFF  }
0x67: {  	[sflag:s0] =	ssyncadd.tile.s32 @!p0 $0x1;
	_ =	shalt  }
.Lfunc_end2:
_tile_overlayer_lowered:
.L_overlay_start_2:
0x68: {  	(tag) =	ssettag $0x2  }
0x69: {  	s0 =	rddreg [dreg:$0x0];
	s2 =	stileid.u32  }
0x6a: {  	s1 =	rddreg [dreg:$0x1];
	p0 =	sne.s32 s2, $0x0  }
0x6b: {  	s3 =	rddreg [dreg:$0x2];
	[bflag:$0x3] =	sbarrier.arrive $0xFFFF;
	s2 =	simm.s32 @!p0 $0x1C02  }
0x6c: {  	[timem:s3], [sflag:s2] =	dma.local @!p0 [hbm:s0], s1  }
0x6d: {  	s0 =	simm.s32 @!p0 $0x2  }
0x6e: {  	_ =	swait.ge @!p0 [sflag:s0], s1  }
0x6f: {  	s1 =	ssub.s32 @!p0 $0x0, s1;
	[sflag:s0] =	ssyncset.done @!p0 $0x0  }
0x70: {  	[sflag:s0] =	ssyncadd.s32 @!p0 s1  }
0x71: {  	[bflag:$0x3] =	sbarrier.arrive $0xFFFF  }
0x72: {  	_ =	shalt  }

// kernel: kernel.27.cloned.1.call-start
scs
__scs_entry_jumppad:
0x0: {  	(pc) =	sbr.rel $0x88, $3  }
0x1: {  	(tag) =	ssettag $0x0;
	lr =	simm.s32 $0x1  }
0x2: {  	[smem:$0x3F82] =	sst lr;
	_ =	strace $0xD0000000  }
0x3: {  	_ = 	snop  }
0x4: {  	_ = 	snop  }
0x5: {  	_ = 	snop  }
0x6: {  	_ = 	snop  }
0x7: {  	_ = 	snop  }
__scs_overlays_trampoline_lowered:
0x8: {  	[smem:$0x3F91] =	sst s0  }
0x9: {  	[smem:$0x3F92] =	sst s1  }
0xa: {  	[smem:$0x3F93] =	sst s2  }
0xb: {  	[smem:$0x3F94] =	sst s3  }
0xc: {  	[smem:$0x3F95] =	sst s4  }
0xd: {  	[smem:$0x3F96] =	sst s5  }
0xe: {  	[smem:$0x3F97] =	sst s6  }
0xf: {  	[smem:$0x3F98] =	sst s7  }
0x10: {  	[smem:$0x3F99] =	sst s8  }
0x11: {  	[smem:$0x3F9A] =	sst s9;
	s0 =	simm.s32 @!p0 $0x0  }
0x12: {  	s1 =	sld [smem:$0x3F80];
	s0 =	simm.s32 @p0 $0x1  }
0x13: {  	[smem:$0x3F9B] =	sst s0;
	s0 =	simm.s32 @!p1 $0x0  }
0x14: {  	s2 =	sld [smem:$0x3F7F];
	s0 =	simm.s32 @p1 $0x1  }
0x15: {  	[smem:$0x3F9C] =	sst s0;
	s0 =	simm.s32 @!p2 $0x0  }
0x16: {  	s3 =	sld [smem:$0x3FDB];
	s0 =	simm.s32 @p2 $0x1  }
0x17: {  	s4 =	simm.s32 $0x1BF5;
	[smem:$0x3F9E] =	sst s0  }
0x18: {  	s0 =	sld [smem:$0x3F81];
	_ =	swait.ge [sflag:s4], $0x0  }
0x19: {  	s7 =	sld [smem:$0x3F82]  }
0x1a: {  	s8 =	sadd.s32 $0xFFFFE003, lr  }
0x1b: {  	s9 =	sadd.s32 $0xFFFFFEF7, lr;
	s5 =	simm.s32 $0xFFFFFFFF;
	p2 =	slt.u32 s8, $0xFFFFF086  }
0x1c: {  	p1 =	slt.u32 s9, $0xF7A;
	s5 =	simm.s32 @!p2 $0x0  }
0x1d: {  	s5 =	simm.s32 @p1 $0x1;
	p0 =	seq.s32 s7, s2  }
0x1e: {  	s7 =	smul.u32 @!p0 $0xF7A, s2;
	p2 =	seq.s32 @!p0 s5, $0x0  }
0x1f: {  	s9 =	smul.u32 $0xF7A, s1;
	s8 =	simm.s32 @!p0 $0x1BF5;
	p2 =	por !p2, p0  }
0x20: {  	[sflag:s8] =	ssyncset.s32 @!p0 $0xFFFFF086;
	s6 =	sadd.s32 @!p0 s3, s7;
	s7 =	simm.s32 @!p0 $0x108  }
0x21: {  	s3 =	sadd.s32 s3, s9;
	s6 =	sadd.s32 @!p0 $0x88, s6;
	s7 =	simm.s32 @p2 $0x1082  }
0x22: {  	[simem:s7], [sflag:s8] =	dma.local @!p0 [hbm:s6], $0xF7A  }
0x23: {  	s9 =	sor.u32 $0xD0000000, s2;
	s6 =	simm.s32 $0x108;
	_ =	swait.ge @!p0 [sflag:s8], $0x0  }
0x24: {  	s3 =	sadd.s32 $0x88, s3;
	s6 =	simm.s32 @!p1 $0x1082;
	[sflag:s4] =	ssyncset.s32 $0xFFFFF086  }
0x25: {  	[simem:s6], [sflag:s4] =	dma.local [hbm:s3], $0xF7A  }
0x26: {  	[smem:$0x3F82] =	sst s1;
	(tag) =	ssettag s2;
	_ =	strace s9  }
0x27: {  	s1 =	sld [smem:$0x3F92]  }
0x28: {  	s2 =	sld [smem:$0x3F93]  }
0x29: {  	s4 =	sld [smem:$0x3F95]  }
0x2a: {  	p0 =	seq.s32 s5, $0x0;
	s5 =	sld [smem:$0x3F96]  }
0x2b: {  	s6 =	sld [smem:$0x3F97]  }
0x2c: {  	s7 =	sld [smem:$0x3F98]  }
0x2d: {  	s3 =	simm.s32 $0x108;
	s8 =	sld [smem:$0x3F99]  }
0x2e: {  	s3 =	simm.s32 @!p0 $0x1082;
	s9 =	sld [smem:$0x3F9A]  }
0x2f: {  	lr =	sadd.s32 s0, s3;
	s0 =	sld [smem:$0x3F91]  }
0x30: {  	s3 =	sld [smem:$0x3F94]  }
0x31: {  	[smem:$0x3F9D] =	sst s10  }
0x32: {  	s10 =	sld [smem:$0x3F9B];
	_ =	sdelay $0x3  }
0x33: {  	p0 =	seq.s32 s10, $0x1;
	s10 =	sld [smem:$0x3F9D];
	_ =	sdelay $0x3  }
0x34: {  	[smem:$0x3F9D] =	sst s10  }
0x35: {  	s10 =	sld [smem:$0x3F9C];
	_ =	sdelay $0x3  }
0x36: {  	p1 =	seq.s32 s10, $0x1;
	s10 =	sld [smem:$0x3F9D];
	_ =	sdelay $0x3  }
0x37: {  	[smem:$0x3F9D] =	sst s10  }
0x38: {  	s10 =	sld [smem:$0x3F9E]  }
0x39: {  	_ = 	snop;
	(pc) =	sbr.ind lr, $3  }
0x3a: {  	_ = 	snop  }
0x3b: {  	_ = 	snop  }
0x3c: {  	p2 =	seq.s32 s10, $0x1;
	s10 =	sld [smem:$0x3F9D]  }
0x3d: {  	_ =	shalt  }
0x3e: {  	_ =	shalt  }
0x3f: {  	_ =	shalt  }
0x40: {  	_ =	shalt  }
0x41: {  	_ =	shalt  }
0x42: {  	_ =	shalt  }
0x43: {  	_ =	shalt  }
0x44: {  	_ =	shalt  }
0x45: {  	_ =	shalt  }
0x46: {  	_ =	shalt  }
0x47: {  	_ =	shalt  }
0x48: {  	_ =	shalt  }
0x49: {  	_ =	shalt  }
0x4a: {  	_ =	shalt  }
0x4b: {  	_ =	shalt  }
0x4c: {  	_ =	shalt  }
0x4d: {  	_ =	shalt  }
0x4e: {  	_ =	shalt  }
0x4f: {  	_ =	shalt  }
0x50: {  	_ =	shalt  }
0x51: {  	_ =	shalt  }
0x52: {  	_ =	shalt  }
0x53: {  	_ =	shalt  }
0x54: {  	_ =	shalt  }
0x55: {  	_ =	shalt  }
0x56: {  	_ =	shalt  }
0x57: {  	_ =	shalt  }
0x58: {  	_ =	shalt  }
0x59: {  	_ =	shalt  }
0x5a: {  	_ =	shalt  }
0x5b: {  	_ =	shalt  }
0x5c: {  	_ =	shalt  }
0x5d: {  	_ =	shalt  }
0x5e: {  	_ =	shalt  }
0x5f: {  	_ =	shalt  }
0x60: {  	_ =	shalt  }
0x61: {  	_ =	shalt  }
0x62: {  	_ =	shalt  }
0x63: {  	_ =	shalt  }
0x64: {  	_ =	shalt  }
0x65: {  	_ =	shalt  }
0x66: {  	_ =	shalt  }
0x67: {  	_ =	shalt  }
0x68: {  	_ =	shalt  }
0x69: {  	_ =	shalt  }
0x6a: {  	_ =	shalt  }
0x6b: {  	_ =	shalt  }
0x6c: {  	_ =	shalt  }
0x6d: {  	_ =	shalt  }
0x6e: {  	_ =	shalt  }
0x6f: {  	_ =	shalt  }
0x70: {  	_ =	shalt  }
0x71: {  	_ =	shalt  }
0x72: {  	_ =	shalt  }
0x73: {  	_ =	shalt  }
0x74: {  	_ =	shalt  }
0x75: {  	_ =	shalt  }
0x76: {  	_ =	shalt  }
0x77: {  	_ =	shalt  }
0x78: {  	_ =	shalt  }
0x79: {  	_ =	shalt  }
0x7a: {  	_ =	shalt  }
0x7b: {  	_ =	shalt  }
0x7c: {  	_ =	shalt  }
0x7d: {  	_ =	shalt  }
0x7e: {  	_ =	shalt  }
0x7f: {  	_ =	shalt  }
0x80: {  	_ =	shalt  }
0x81: {  	_ =	shalt  }
0x82: {  	_ =	shalt  }
0x83: {  	_ =	shalt  }
0x84: {  	_ =	shalt  }
0x85: {  	_ =	shalt  }
0x86: {  	_ =	shalt  }
0x87: {  	_ =	shalt  }
.Lfunc_end0:
.L_simem_size_0:
called_computation.4_lowered:
.L_overlay_start_0:
0x88: {  	s2 =	sld [smem:$0x3FD9]  }
0x89: {  	s3 =	sld [smem:$0x3FFE];
	_ =	sdelay $0x1  }
0x8a: {  	s1 =	srdreg.scid  }
0x8b: {  	s0 =	sand.u32 $0x1, s1  }
0x8c: {  	s17 =	sshll.u32 s0, $0xA;
	s2 =	sadd.s32 s3, s2  }
0x8d: {  	s2 =	sadd.s32 s2, s17  }
0x8e: {  	[smem:$0x3FA9] =	sst s2  }
0x8f: {  	_ = 	snop  }
0x90: {  	(tm) =	ssettm $0x1  }
0x91: {  	s18 =	sld [smem:$0x3FFB];
	_ =	sdelay $0x3  }
0x92: {  	_ =	strace s18  }
0x93: {  	s2 =	sld [smem:$0x3FFC];
	_ =	sdelay $0x3  }
0x94: {  	_ =	strace s2  }
0x95: {  	s2 =	sld [smem:$0x3FFD];
	_ =	sdelay $0x3  }
0x96: {  	_ =	strace s2  }
0x97: {  	_ =	strace $0x8FFFFFFF  }
0x98: {  	s19 =	sld [smem:$0x3FDB];
	_ =	sdelay $0x1  }
0x99: {  	s20 =	simm.s32 $_scs_section_size  }
0x9a: {  	s4 =	simm.s32 $_size__tile_overlayer_lowered;
	s5 =	simm.s32 $_tile_overlayer_lowered  }
0x9b: {  	s6 =	simm.s32 $0x1BFF;
	s21 =	sshll.u32 s5, $0x1;
	s3 =	sadd.s32 s20, s19  }
0x9c: {  	s22 =	simm.s32 $0x0;
	s4 =	sshll.u32 s4, $0x1;
	s5 =	sadd.s32 s21, s3  }
0x9d: {  	[timem:s22], [sflag:s6] =	dma.local [hbm:s5], s4  }
0x9e: {  	_ =	swait.ge [sflag:s6], s4  }
0x9f: {  	s4 =	ssub.s32 $0x0, s4;
	[sflag:s6] =	ssyncset.done $0x0  }
0xa0: {  	[sflag:s6] =	ssyncadd.s32 s4;
	_ =	sdelay $0x1  }
0xa1: {  	s23 =	simm.s32 $0x1B8B  }
0xa2: {  	_ =	swait.ge [sflag:s23], $0x1  }
0xa3: {  	[sflag:s23] =	ssyncset.done $0x0  }
0xa4: {  	[sflag:s23] =	ssyncadd.s32 $0xFFFFFFFF  }
0xa5: {  	s4 =	sld [smem:$0x0]  }
0xa6: {  	s5 =	sand.u32 $0xFFFFFFFE, s1  }
0xa7: {  	p0 =	sne.s32 s1, s5  }
0xa8: {  	s5 =	sshll.u32 @p0 s5, $0xE  }
0xa9: {  	s5 =	sadd.s32 @p0 $0x11B8D, s5;
	s6 =	sshll.u32 @p0 s4, $0x11  }
0xaa: {  	s5 =	sor.u32 @p0 s6, s5  }
0xab: {  	[sflag:s5] =	ssyncadd.remote.s32 @p0 $0x1;
	_ =	sdelay $0x1  }
0xac: {  	s5 =	simm.s32 @p0 $0x1B8D  }
0xad: {  	_ =	swait.eq @p0 [sflag:s5], $0x1  }
0xae: {  	[sflag:s5] =	ssyncadd.s32 @p0 $0xFFFFFFFF  }
0xaf: {  	s6 =	sshll.u32 @!p0 s1, $0xE  }
0xb0: {  	s6 =	sor.u32 @!p0 $0x4000, s6;
	s5 =	simm.s32 @!p0 $0x1B8D  }
0xb1: {  	s4 =	sshll.u32 @!p0 s4, $0x11;
	s6 =	sadd.s32 @!p0 $0x11B8D, s6;
	_ =	swait.eq @!p0 [sflag:s5], $0x1  }
0xb2: {  	s4 =	sor.u32 @!p0 s4, s6;
	[sflag:s5] =	ssyncadd.s32 @!p0 $0xFFFFFFFF  }
0xb3: {  	s25 =	simm.s32 $0x1B8E;
	s24 =	sld [smem:$0x3FFE];
	[sflag:s4] =	ssyncadd.remote.s32 @!p0 $0x1  }
0xb4: {  	s26 =	simm.s32 $execute0_lowered;
	[smem:$0x3FD2] =	sst s25  }
0xb5: {  	s5 =	sshll.u32 s26, $0x1;
	_ =	strace $0x80000052;
	[dreg:$0x1] =	wrdreg $0xFFFFFFFF  }
0xb6: {  	s28 =	simm.s32 $_size_execute0_lowered;
	s3 =	sadd.s32 s3, s5;
	[dreg:$0x0] =	wrdreg $0x0  }
0xb7: {  	s5 =	sshll.u32 s28, $0x1;
	[dreg:$0x2] =	wrdreg s3  }
0xb8: {  	[dreg:$0x3] =	wrdreg s5  }
0xb9: {  	[dreg:$0x4] =	wrdreg $0xC0  }
0xba: {  	_ =	task [dreg:s22], $0x5FFFF  }
0xbb: {  	[dreg:$0x1] =	wrdreg $0xFFFFFFFF  }
0xbc: {  	[dreg:$0x0] =	wrdreg $0x60  }
0xbd: {  	[dreg:$0x2] =	wrdreg s24  }
0xbe: {  	[dreg:$0x3] =	wrdreg $0x90000  }
0xbf: {  	[dreg:$0x4] =	wrdreg $0xA  }
0xc0: {  	_ =	task.clear_ibuf [dreg:s22], $0x5FFFF;
	_ =	strace $0x90000052  }
0xc1: {  	s29 =	simm.s32 $0xA;
	_ =	strace $0x80000054  }
0xc2: {  	_ =	swait.ge [sflag:s29], $0x1  }
0xc3: {  	[sflag:s29] =	ssyncadd.s32 $0xFFFFFFFF  }
0xc4: {  	_ =	strace $0x90000054  }
0xc5: {  	_ =	sfence  }
0xc6: {  	s30 =	sld [smem:$0x0];
	_ =	sdelay $0x2  }
0xc7: {  	s31 =	sshll.u32 s1, $0xD;
	s1 =	sshrl.u32 s1, $0x2  }
0xc8: {  	s4 =	sand.u32 $0x4000, s31;
	s1 =	sadd.s32 s1, s30  }
0xc9: {  	s0 =	sor.u32 s4, s0;
	s1 =	sshll.u32 s1, $0x11  }
0xca: {  	s0 =	sor.u32 s1, s0  }
0xcb: {  	s0 =	sadd.s32 $0x8F2B, s0  }
0xcc: {  	[sflag:s0] =	ssyncadd.remote.s32 $0x1  }
0xcd: {  	_ =	sfence.sel $0xFFFF  }
0xce: {  	[dreg:$0x0] =	wrdreg $0xFFFFFFFF;
	(pc) =	sbr.abs _section_cstart, $3  }
0xcf: {  	[dreg:$0x1] =	wrdreg $0xFFFFFFFF  }
0xd0: {  	_ =	task.clear_ibuf [dreg:s22], $0x2FFFF;
	_ =	strace $0x9FFFFFFF  }
0xd1: {  	(tm) =	ssettm $0x7FFFFFFF  }
tec
execute0_lowered:
.L_overlay_start_1:
0x0: {  	(tag) =	ssettag $0x1  }
0x1: {  	s5 =	rddreg [dreg:$0x0]  }
0x2: {  	s2 =	rddreg [dreg:$0x1]  }
0x3: {  	s0 =	rddreg [dreg:$0x2];
	s3 =	simm.s32 $0x0;
	s1 =	stileid.u32  }
0x4: {  	s6 =	srdreg.scid;
	s18 =	simm.s32 $0x1;
	s4 =	smul.u32 $0x500, s1  }
0x5: {  	s20 =	simm.s32 $0x0;
	[smem:$0x7FF] =	sst s3;
	s10 =	smul.u32 $0x50000, s1  }
0x6: {  	s9 =	sadd.s32 $0x3AA200, s5;
	s7 =	sand.u32 $0x1, s6;
	s14 =	smul.u32 $0x13800, s1  }
0x7: {  	s13 =	sadd.s32 $0x12F200, s5;
	s15 =	smul.u32 $0x4E000, s1;
	s31 =	sshll.u32 s1, $0x6  }
0x8: {  	_ =	strace $0x80000053;
	s8 =	ssub.s32 $0x2, s7;
	s12 =	smul.u32 $0x4E200, s7  }
0x9: {  	s28 =	smul.u32 $0x271000, s7;
	s16 =	sshllo.u32 s7, $0x1;
	s26 =	sadd.s32 s4, s5  }
0xa: {  	s4 =	sadd.s32 $0x16000, s5;
	s11 =	sshrl.u32 s8, $0x1;
	s29 =	smul.u32 $0x138800, s16  }
0xb: {  	s10 =	sshrl.u32 s10, $0x2;
	s30 =	smul.u32 $0x27100, s16;
	s15 =	sshrl.u32 s15, $0x2  }
0xc: {  	s16 =	simm.s32 $0x80;
	s11 =	ssub.s32 s8, s11;
	s5 =	sadd.s32 $0x8DE00, s26  }
0xd: {  	s6 =	sadd.s32 $0x7000, s26;
	s17 =	sadd.s32 s10, s2;
	s8 =	sadd.s32 s14, s28  }
0xe: {  	s7 =	sadd.s32 s9, s12;
	s19 =	sadd.s32 s15, s2;
	s12 =	simm.s32 $0x2  }
0xf: {  	s8 =	sshrl.u32 s8, $0x3;
	s10 =	sadd.s32 s14, s29;
	s9 =	sadd.s32 s9, s30  }
0x10: {  	s11 =	smax.u32 s11, $0x1;
	s14 =	sor.u32 $0x1C02, s31;
	s15 =	sshrl.u32 s17, $0x3  }
0x11: {  	s17 =	simm.s32 $0x5000;
	s19 =	sshrl.u32 s19, $0x3;
	s10 =	sshrl.u32 s10, $0x3  }
0x12: {  	s8 =	sadd.s32 s13, s8;
	s10 =	sadd.s32 s13, s10;
	s13 =	simm.s32 $0x2800  }
.LBB2_1:
0x13: {  	[tilespmem:s3], [sflag:$0x2] =	stream.linear.gather [hbm4b:s5+s3], $0x2780, $0x38;
	[tilespmem:$0x1D000] =	vst v63  }
0x14: {  	_ =	swait.ge [sflag:s12], $0x2780  }
0x15: {  	[sflag:s12] =	ssyncset.done $0x0  }
0x16: {  	[sflag:s12] =	ssyncadd.s32 $0xFFFFD880  }
0x17: {  	[tilespmem:s13], [sflag:$0x2] =	stream.linear.gather [hbm4b:s6+s3], $0x2780, $0x38;
	[tilespmem:$0x1D000] =	vst v63  }
0x18: {  	_ =	swait.ge [sflag:s12], $0x2780  }
0x19: {  	[sflag:s12] =	ssyncset.done $0x0  }
0x1a: {  	[sflag:s12] =	ssyncadd.s32 $0xFFFFD880  }
0x1b: {  	[spmem:s15], [sflag:s14] =	dma.local [hbm:s4], $0x2800  }
0x1c: {  	_ =	swait.ge [sflag:s12], $0x2800  }
0x1d: {  	[sflag:s12] =	ssyncset.done $0x0  }
0x1e: {  	[sflag:s12] =	ssyncadd.s32 $0xFFFFD800  }
0x1f: {  	s21 =	simm.s32 $0x0;
	[bflag:$0x0] =	sbarrier.arrive $0xFFFF  }
0x20: {  	[tilespmem:s17], [sflag:$0x1] =	stream.indirect.gather [hbm4b:s7+s16], $0x80, s21, s16, $0xb8;
	[tilespmem:$0x1D000] =	vst v63  }
0x21: {  	_ =	swait.ge [sflag:s18], $0x4000  }
0x22: {  	[sflag:s18] =	ssyncset.done $0x0  }
0x23: {  	s31 =	simm.s32 $0x2800;
	[sflag:s18] =	ssyncadd.s32 $0xFFFFC000  }
0x24: {  	[spmem:s2] =	stream.indirect.scatter.add.f32 [tilespmem:s17], [sflag:$0x2], $0x80, s31, s16, $0xb8;
	[tilespmem:$0x1D000] =	vst v63  }
0x25: {  	_ =	swait.ge [sflag:s12], $0x4000  }
0x26: {  	s22 =	simm.s32 $0x400;
	s21 =	simm.s32 $0x200;
	[sflag:s12] =	ssyncset.done $0x0  }
.LBB2_2:
0x27: {  	s23 =	sshra.s32 s21, $0x2  }
0x28: {  	[sflag:s12] =	ssyncadd.s32 $0xFFFFC000;
	s21 =	smov.u32 s22;
	s24 =	sadd.s32 $0x200, s22  }
0x29: {  	[tilespmem:s17], [sflag:$0x1] =	stream.indirect.gather [hbm4b:s7+s16], $0x80, s23, s16, $0xb8;
	[tilespmem:$0x1D000] =	vst v63  }
0x2a: {  	p0 =	sne.s32 s22, $0x9C00;
	_ =	swait.ge [sflag:s18], $0x4000  }
.Ltmp0:
0x2b: {  	[sflag:s18] =	ssyncset.done $0x0;
	(pc) =	sbr.rel @p0 .LBB2_2-.Ltmp0, $4  }
0x2c: {  	s22 =	sadd.s32 $0x2800, s23;
	[sflag:s18] =	ssyncadd.s32 $0xFFFFC000  }
0x2d: {  	[spmem:s2] =	stream.indirect.scatter.add.f32 [tilespmem:s17], [sflag:$0x2], $0x80, s22, s16, $0xb8;
	[tilespmem:$0x1D000] =	vst v63  }
0x2e: {  	_ =	swait.ge [sflag:s12], $0x4000  }
0x2f: {  	s22 =	smov.u32 s24;
	[sflag:s12] =	ssyncset.done $0x0  }
0x30: {  	s21 =	sshra.s32 s21, $0x2;
	[sflag:s12] =	ssyncadd.s32 $0xFFFFC000  }
0x31: {  	[tilespmem:s17], [sflag:$0x1] =	stream.indirect.gather [hbm4b:s7+s16], $0x80, s21, s16, $0xb8;
	[tilespmem:$0x1D000] =	vst v63  }
0x32: {  	_ =	swait.ge [sflag:s18], $0x4000  }
0x33: {  	[sflag:s18] =	ssyncset.done $0x0  }
0x34: {  	s21 =	sadd.s32 $0x2800, s21;
	[sflag:s18] =	ssyncadd.s32 $0xFFFFC000  }
0x35: {  	[spmem:s2] =	stream.indirect.scatter.add.f32 [tilespmem:s17], [sflag:$0x2], $0x80, s21, s16, $0xb8;
	[tilespmem:$0x1D000] =	vst v63  }
0x36: {  	_ =	swait.ge [sflag:s12], $0x4000  }
0x37: {  	[sflag:s12] =	ssyncset.done $0x0  }
0x38: {  	[sflag:s12] =	ssyncadd.s32 $0xFFFFC000  }
0x39: {  	[bflag:$0x0] =	sbarrier.arrive $0xFFFF  }
0x3a: {  	[hbm:s8], [sflag:s14] =	dma.local [spmem:s19], $0x2800  }
0x3b: {  	_ =	swait.ge [sflag:s12], $0x2800  }
0x3c: {  	[sflag:s12] =	ssyncset.done $0x0  }
0x3d: {  	[sflag:s12] =	ssyncadd.s32 $0xFFFFD800  }
0x3e: {  	[bflag:$0x0] =	sbarrier.arrive $0xFFFF  }
0x3f: {  	[spmem:s15], [sflag:s14] =	dma.local [hbm:s4], $0x2800  }
0x40: {  	_ =	swait.ge [sflag:s12], $0x2800  }
0x41: {  	[sflag:s12] =	ssyncset.done $0x0  }
0x42: {  	[sflag:s12] =	ssyncadd.s32 $0xFFFFD800  }
0x43: {  	s30 =	simm.s32 $0x0;
	[bflag:$0x0] =	sbarrier.arrive $0xFFFF  }
0x44: {  	[tilespmem:s17], [sflag:$0x1] =	stream.indirect.gather [hbm4b:s9+s16], $0x80, s30, s16, $0xb8;
	[tilespmem:$0x1D000] =	vst v63  }
0x45: {  	_ =	swait.ge [sflag:s18], $0x4000  }
0x46: {  	[sflag:s18] =	ssyncset.done $0x0  }
0x47: {  	s31 =	simm.s32 $0x2800;
	[sflag:s18] =	ssyncadd.s32 $0xFFFFC000  }
0x48: {  	[spmem:s2] =	stream.indirect.scatter.add.f32 [tilespmem:s17], [sflag:$0x2], $0x80, s31, s16, $0xb8;
	[tilespmem:$0x1D000] =	vst v63  }
0x49: {  	_ =	swait.ge [sflag:s12], $0x4000  }
0x4a: {  	s22 =	simm.s32 $0x400;
	s21 =	simm.s32 $0x200;
	[sflag:s12] =	ssyncset.done $0x0  }
.LBB2_4:
0x4b: {  	s23 =	sshra.s32 s21, $0x2  }
0x4c: {  	[sflag:s12] =	ssyncadd.s32 $0xFFFFC000;
	s21 =	smov.u32 s22;
	s24 =	sadd.s32 $0x200, s22  }
0x4d: {  	[tilespmem:s17], [sflag:$0x1] =	stream.indirect.gather [hbm4b:s9+s16], $0x80, s23, s16, $0xb8;
	[tilespmem:$0x1D000] =	vst v63  }
0x4e: {  	p0 =	sne.s32 s22, $0x9C00;
	_ =	swait.ge [sflag:s18], $0x4000  }
.Ltmp1:
0x4f: {  	[sflag:s18] =	ssyncset.done $0x0;
	(pc) =	sbr.rel @p0 .LBB2_4-.Ltmp1, $4  }
0x50: {  	s22 =	sadd.s32 $0x2800, s23;
	[sflag:s18] =	ssyncadd.s32 $0xFFFFC000  }
0x51: {  	[spmem:s2] =	stream.indirect.scatter.add.f32 [tilespmem:s17], [sflag:$0x2], $0x80, s22, s16, $0xb8;
	[tilespmem:$0x1D000] =	vst v63  }
0x52: {  	_ =	swait.ge [sflag:s12], $0x4000  }
0x53: {  	s22 =	smov.u32 s24;
	[sflag:s12] =	ssyncset.done $0x0  }
0x54: {  	s21 =	sshra.s32 s21, $0x2;
	[sflag:s12] =	ssyncadd.s32 $0xFFFFC000  }
0x55: {  	[tilespmem:s17], [sflag:$0x1] =	stream.indirect.gather [hbm4b:s9+s16], $0x80, s21, s16, $0xb8;
	[tilespmem:$0x1D000] =	vst v63  }
0x56: {  	_ =	swait.ge [sflag:s18], $0x4000  }
0x57: {  	[sflag:s18] =	ssyncset.done $0x0  }
0x58: {  	s21 =	sadd.s32 $0x2800, s21;
	[sflag:s18] =	ssyncadd.s32 $0xFFFFC000  }
0x59: {  	[spmem:s2] =	stream.indirect.scatter.add.f32 [tilespmem:s17], [sflag:$0x2], $0x80, s21, s16, $0xb8;
	[tilespmem:$0x1D000] =	vst v63  }
0x5a: {  	_ =	swait.ge [sflag:s12], $0x4000  }
0x5b: {  	[sflag:s12] =	ssyncset.done $0x0  }
0x5c: {  	s20 =	sadd.s32 $0x1, s20;
	[sflag:s12] =	ssyncadd.s32 $0xFFFFC000  }
0x5d: {  	p0 =	sne.s32 s20, s11;
	[bflag:$0x0] =	sbarrier.arrive $0xFFFF  }
0x5e: {  	[hbm:s10], [sflag:s14] =	dma.local [spmem:s19], $0x2800  }
.Ltmp2:
0x5f: {  	_ =	swait.ge [sflag:s12], $0x2800;
	(pc) =	sbr.rel @p0 .LBB2_1-.Ltmp2, $3  }
0x60: {  	[sflag:s12] =	ssyncset.done $0x0  }
0x61: {  	[sflag:s12] =	ssyncadd.s32 $0xFFFFD800  }
0x62: {  	[bflag:$0x0] =	sbarrier.arrive $0xFFFF;
	_ =	sdelay $0x1  }
0x63: {  	_ =	sfence.sel $0x180000  }
0x64: {  	[bflag:$0x0] =	sbarrier.arrive $0xFFFF  }
0x65: {  	p0 =	sne.s32 s1, $0x0;
	_ =	strace $0x90000053  }
0x66: {  	s0 =	sadd.s32 @!p0 $0x100000, s0;
	[bflag:$0x2] =	sbarrier.arrive $0xFFFF  }
0x67: {  	[sflag:s0] =	ssyncadd.tile.s32 @!p0 $0x1;
	_ =	shalt  }
.Lfunc_end2:
_tile_overlayer_lowered:
.L_overlay_start_2:
0x68: {  	(tag) =	ssettag $0x2  }
0x69: {  	s0 =	rddreg [dreg:$0x0];
	s2 =	stileid.u32  }
0x6a: {  	s1 =	rddreg [dreg:$0x1];
	p0 =	sne.s32 s2, $0x0  }
0x6b: {  	s3 =	rddreg [dreg:$0x2];
	[bflag:$0x3] =	sbarrier.arrive $0xFFFF;
	s2 =	simm.s32 @!p0 $0x1C02  }
0x6c: {  	[timem:s3], [sflag:s2] =	dma.local @!p0 [hbm:s0], s1  }
0x6d: {  	s0 =	simm.s32 @!p0 $0x2  }
0x6e: {  	_ =	swait.ge @!p0 [sflag:s0], s1  }
0x6f: {  	s1 =	ssub.s32 @!p0 $0x0, s1;
	[sflag:s0] =	ssyncset.done @!p0 $0x0  }
0x70: {  	[sflag:s0] =	ssyncadd.s32 @!p0 s1  }
0x71: {  	[bflag:$0x3] =	sbarrier.arrive $0xFFFF  }
0x72: {  	_ =	shalt  }

// kernel: kernel.30.cloned.1.call-start
scs
__scs_entry_jumppad:
0x0: {  	(pc) =	sbr.rel $0x88, $3  }
0x1: {  	(tag) =	ssettag $0x0;
	lr =	simm.s32 $0x1  }
0x2: {  	[smem:$0x3F82] =	sst lr;
	_ =	strace $0xD0000000  }
0x3: {  	_ = 	snop  }
0x4: {  	_ = 	snop  }
0x5: {  	_ = 	snop  }
0x6: {  	_ = 	snop  }
0x7: {  	_ = 	snop  }
__scs_overlays_trampoline_lowered:
0x8: {  	[smem:$0x3F91] =	sst s0  }
0x9: {  	[smem:$0x3F92] =	sst s1  }
0xa: {  	[smem:$0x3F93] =	sst s2  }
0xb: {  	[smem:$0x3F94] =	sst s3  }
0xc: {  	[smem:$0x3F95] =	sst s4  }
0xd: {  	[smem:$0x3F96] =	sst s5  }
0xe: {  	[smem:$0x3F97] =	sst s6  }
0xf: {  	[smem:$0x3F98] =	sst s7  }
0x10: {  	[smem:$0x3F99] =	sst s8  }
0x11: {  	[smem:$0x3F9A] =	sst s9;
	s0 =	simm.s32 @!p0 $0x0  }
0x12: {  	s1 =	sld [smem:$0x3F80];
	s0 =	simm.s32 @p0 $0x1  }
0x13: {  	[smem:$0x3F9B] =	sst s0;
	s0 =	simm.s32 @!p1 $0x0  }
0x14: {  	s2 =	sld [smem:$0x3F7F];
	s0 =	simm.s32 @p1 $0x1  }
0x15: {  	[smem:$0x3F9C] =	sst s0;
	s0 =	simm.s32 @!p2 $0x0  }
0x16: {  	s3 =	sld [smem:$0x3FDB];
	s0 =	simm.s32 @p2 $0x1  }
0x17: {  	s4 =	simm.s32 $0x1BF5;
	[smem:$0x3F9E] =	sst s0  }
0x18: {  	s0 =	sld [smem:$0x3F81];
	_ =	swait.ge [sflag:s4], $0x0  }
0x19: {  	s7 =	sld [smem:$0x3F82]  }
0x1a: {  	s8 =	sadd.s32 $0xFFFFE003, lr  }
0x1b: {  	s9 =	sadd.s32 $0xFFFFFEF7, lr;
	s5 =	simm.s32 $0xFFFFFFFF;
	p2 =	slt.u32 s8, $0xFFFFF086  }
0x1c: {  	p1 =	slt.u32 s9, $0xF7A;
	s5 =	simm.s32 @!p2 $0x0  }
0x1d: {  	s5 =	simm.s32 @p1 $0x1;
	p0 =	seq.s32 s7, s2  }
0x1e: {  	s7 =	smul.u32 @!p0 $0xF7A, s2;
	p2 =	seq.s32 @!p0 s5, $0x0  }
0x1f: {  	s9 =	smul.u32 $0xF7A, s1;
	s8 =	simm.s32 @!p0 $0x1BF5;
	p2 =	por !p2, p0  }
0x20: {  	[sflag:s8] =	ssyncset.s32 @!p0 $0xFFFFF086;
	s6 =	sadd.s32 @!p0 s3, s7;
	s7 =	simm.s32 @!p0 $0x108  }
0x21: {  	s3 =	sadd.s32 s3, s9;
	s6 =	sadd.s32 @!p0 $0x88, s6;
	s7 =	simm.s32 @p2 $0x1082  }
0x22: {  	[simem:s7], [sflag:s8] =	dma.local @!p0 [hbm:s6], $0xF7A  }
0x23: {  	s9 =	sor.u32 $0xD0000000, s2;
	s6 =	simm.s32 $0x108;
	_ =	swait.ge @!p0 [sflag:s8], $0x0  }
0x24: {  	s3 =	sadd.s32 $0x88, s3;
	s6 =	simm.s32 @!p1 $0x1082;
	[sflag:s4] =	ssyncset.s32 $0xFFFFF086  }
0x25: {  	[simem:s6], [sflag:s4] =	dma.local [hbm:s3], $0xF7A  }
0x26: {  	[smem:$0x3F82] =	sst s1;
	(tag) =	ssettag s2;
	_ =	strace s9  }
0x27: {  	s1 =	sld [smem:$0x3F92]  }
0x28: {  	s2 =	sld [smem:$0x3F93]  }
0x29: {  	s4 =	sld [smem:$0x3F95]  }
0x2a: {  	p0 =	seq.s32 s5, $0x0;
	s5 =	sld [smem:$0x3F96]  }
0x2b: {  	s6 =	sld [smem:$0x3F97]  }
0x2c: {  	s7 =	sld [smem:$0x3F98]  }
0x2d: {  	s3 =	simm.s32 $0x108;
	s8 =	sld [smem:$0x3F99]  }
0x2e: {  	s3 =	simm.s32 @!p0 $0x1082;
	s9 =	sld [smem:$0x3F9A]  }
0x2f: {  	lr =	sadd.s32 s0, s3;
	s0 =	sld [smem:$0x3F91]  }
0x30: {  	s3 =	sld [smem:$0x3F94]  }
0x31: {  	[smem:$0x3F9D] =	sst s10  }
0x32: {  	s10 =	sld [smem:$0x3F9B];
	_ =	sdelay $0x3  }
0x33: {  	p0 =	seq.s32 s10, $0x1;
	s10 =	sld [smem:$0x3F9D];
	_ =	sdelay $0x3  }
0x34: {  	[smem:$0x3F9D] =	sst s10  }
0x35: {  	s10 =	sld [smem:$0x3F9C];
	_ =	sdelay $0x3  }
0x36: {  	p1 =	seq.s32 s10, $0x1;
	s10 =	sld [smem:$0x3F9D];
	_ =	sdelay $0x3  }
0x37: {  	[smem:$0x3F9D] =	sst s10  }
0x38: {  	s10 =	sld [smem:$0x3F9E]  }
0x39: {  	_ = 	snop;
	(pc) =	sbr.ind lr, $3  }
0x3a: {  	_ = 	snop  }
0x3b: {  	_ = 	snop  }
0x3c: {  	p2 =	seq.s32 s10, $0x1;
	s10 =	sld [smem:$0x3F9D]  }
0x3d: {  	_ =	shalt  }
0x3e: {  	_ =	shalt  }
0x3f: {  	_ =	shalt  }
0x40: {  	_ =	shalt  }
0x41: {  	_ =	shalt  }
0x42: {  	_ =	shalt  }
0x43: {  	_ =	shalt  }
0x44: {  	_ =	shalt  }
0x45: {  	_ =	shalt  }
0x46: {  	_ =	shalt  }
0x47: {  	_ =	shalt  }
0x48: {  	_ =	shalt  }
0x49: {  	_ =	shalt  }
0x4a: {  	_ =	shalt  }
0x4b: {  	_ =	shalt  }
0x4c: {  	_ =	shalt  }
0x4d: {  	_ =	shalt  }
0x4e: {  	_ =	shalt  }
0x4f: {  	_ =	shalt  }
0x50: {  	_ =	shalt  }
0x51: {  	_ =	shalt  }
0x52: {  	_ =	shalt  }
0x53: {  	_ =	shalt  }
0x54: {  	_ =	shalt  }
0x55: {  	_ =	shalt  }
0x56: {  	_ =	shalt  }
0x57: {  	_ =	shalt  }
0x58: {  	_ =	shalt  }
0x59: {  	_ =	shalt  }
0x5a: {  	_ =	shalt  }
0x5b: {  	_ =	shalt  }
0x5c: {  	_ =	shalt  }
0x5d: {  	_ =	shalt  }
0x5e: {  	_ =	shalt  }
0x5f: {  	_ =	shalt  }
0x60: {  	_ =	shalt  }
0x61: {  	_ =	shalt  }
0x62: {  	_ =	shalt  }
0x63: {  	_ =	shalt  }
0x64: {  	_ =	shalt  }
0x65: {  	_ =	shalt  }
0x66: {  	_ =	shalt  }
0x67: {  	_ =	shalt  }
0x68: {  	_ =	shalt  }
0x69: {  	_ =	shalt  }
0x6a: {  	_ =	shalt  }
0x6b: {  	_ =	shalt  }
0x6c: {  	_ =	shalt  }
0x6d: {  	_ =	shalt  }
0x6e: {  	_ =	shalt  }
0x6f: {  	_ =	shalt  }
0x70: {  	_ =	shalt  }
0x71: {  	_ =	shalt  }
0x72: {  	_ =	shalt  }
0x73: {  	_ =	shalt  }
0x74: {  	_ =	shalt  }
0x75: {  	_ =	shalt  }
0x76: {  	_ =	shalt  }
0x77: {  	_ =	shalt  }
0x78: {  	_ =	shalt  }
0x79: {  	_ =	shalt  }
0x7a: {  	_ =	shalt  }
0x7b: {  	_ =	shalt  }
0x7c: {  	_ =	shalt  }
0x7d: {  	_ =	shalt  }
0x7e: {  	_ =	shalt  }
0x7f: {  	_ =	shalt  }
0x80: {  	_ =	shalt  }
0x81: {  	_ =	shalt  }
0x82: {  	_ =	shalt  }
0x83: {  	_ =	shalt  }
0x84: {  	_ =	shalt  }
0x85: {  	_ =	shalt  }
0x86: {  	_ =	shalt  }
0x87: {  	_ =	shalt  }
.Lfunc_end0:
.L_simem_size_0:
called_computation.5_lowered:
.L_overlay_start_0:
0x88: {  	s2 =	sld [smem:$0x3FD9]  }
0x89: {  	s3 =	sld [smem:$0x3FFE];
	_ =	sdelay $0x1  }
0x8a: {  	s1 =	srdreg.scid  }
0x8b: {  	s0 =	sand.u32 $0x1, s1  }
0x8c: {  	s17 =	sshll.u32 s0, $0xA;
	s2 =	sadd.s32 s3, s2  }
0x8d: {  	s2 =	sadd.s32 s2, s17  }
0x8e: {  	[smem:$0x3FA9] =	sst s2  }
0x8f: {  	_ = 	snop  }
0x90: {  	(tm) =	ssettm $0x1  }
0x91: {  	s18 =	sld [smem:$0x3FFB];
	_ =	sdelay $0x3  }
0x92: {  	_ =	strace s18  }
0x93: {  	s2 =	sld [smem:$0x3FFC];
	_ =	sdelay $0x3  }
0x94: {  	_ =	strace s2  }
0x95: {  	s2 =	sld [smem:$0x3FFD];
	_ =	sdelay $0x3  }
0x96: {  	_ =	strace s2  }
0x97: {  	_ =	strace $0x8FFFFFFF  }
0x98: {  	s19 =	sld [smem:$0x3FDB];
	_ =	sdelay $0x1  }
0x99: {  	s20 =	simm.s32 $_scs_section_size  }
0x9a: {  	s4 =	simm.s32 $_size__tile_overlayer_lowered;
	s5 =	simm.s32 $_tile_overlayer_lowered  }
0x9b: {  	s6 =	simm.s32 $0x1BFF;
	s21 =	sshll.u32 s5, $0x1;
	s3 =	sadd.s32 s20, s19  }
0x9c: {  	s22 =	simm.s32 $0x0;
	s4 =	sshll.u32 s4, $0x1;
	s5 =	sadd.s32 s21, s3  }
0x9d: {  	[timem:s22], [sflag:s6] =	dma.local [hbm:s5], s4  }
0x9e: {  	_ =	swait.ge [sflag:s6], s4  }
0x9f: {  	s4 =	ssub.s32 $0x0, s4;
	[sflag:s6] =	ssyncset.done $0x0  }
0xa0: {  	[sflag:s6] =	ssyncadd.s32 s4;
	_ =	sdelay $0x1  }
0xa1: {  	s23 =	simm.s32 $0x1B8B  }
0xa2: {  	_ =	swait.ge [sflag:s23], $0x1  }
0xa3: {  	[sflag:s23] =	ssyncset.done $0x0  }
0xa4: {  	[sflag:s23] =	ssyncadd.s32 $0xFFFFFFFF  }
0xa5: {  	s4 =	sld [smem:$0x0]  }
0xa6: {  	s5 =	sand.u32 $0xFFFFFFFE, s1  }
0xa7: {  	p0 =	sne.s32 s1, s5  }
0xa8: {  	s5 =	sshll.u32 @p0 s5, $0xE  }
0xa9: {  	s5 =	sadd.s32 @p0 $0x11B8D, s5;
	s6 =	sshll.u32 @p0 s4, $0x11  }
0xaa: {  	s5 =	sor.u32 @p0 s6, s5  }
0xab: {  	[sflag:s5] =	ssyncadd.remote.s32 @p0 $0x1;
	_ =	sdelay $0x1  }
0xac: {  	s5 =	simm.s32 @p0 $0x1B8D  }
0xad: {  	_ =	swait.eq @p0 [sflag:s5], $0x1  }
0xae: {  	[sflag:s5] =	ssyncadd.s32 @p0 $0xFFFFFFFF  }
0xaf: {  	s6 =	sshll.u32 @!p0 s1, $0xE  }
0xb0: {  	s6 =	sor.u32 @!p0 $0x4000, s6;
	s5 =	simm.s32 @!p0 $0x1B8D  }
0xb1: {  	s4 =	sshll.u32 @!p0 s4, $0x11;
	s6 =	sadd.s32 @!p0 $0x11B8D, s6;
	_ =	swait.eq @!p0 [sflag:s5], $0x1  }
0xb2: {  	s4 =	sor.u32 @!p0 s4, s6;
	[sflag:s5] =	ssyncadd.s32 @!p0 $0xFFFFFFFF  }
0xb3: {  	s25 =	simm.s32 $0x1B8E;
	s24 =	sld [smem:$0x3FFE];
	[sflag:s4] =	ssyncadd.remote.s32 @!p0 $0x1  }
0xb4: {  	s26 =	simm.s32 $execute0_lowered;
	[smem:$0x3FD2] =	sst s25  }
0xb5: {  	s5 =	sshll.u32 s26, $0x1;
	_ =	strace $0x80000055;
	[dreg:$0x1] =	wrdreg $0xFFFFFFFF  }
0xb6: {  	s28 =	simm.s32 $_size_execute0_lowered;
	s3 =	sadd.s32 s3, s5;
	[dreg:$0x0] =	wrdreg $0x0  }
0xb7: {  	s5 =	sshll.u32 s28, $0x1;
	[dreg:$0x2] =	wrdreg s3  }
0xb8: {  	[dreg:$0x3] =	wrdreg s5  }
0xb9: {  	[dreg:$0x4] =	wrdreg $0xC0  }
0xba: {  	_ =	task [dreg:s22], $0x5FFFF  }
0xbb: {  	[dreg:$0x1] =	wrdreg $0xFFFFFFFF  }
0xbc: {  	[dreg:$0x0] =	wrdreg $0x60  }
0xbd: {  	[dreg:$0x2] =	wrdreg s24  }
0xbe: {  	[dreg:$0x3] =	wrdreg $0x90000  }
0xbf: {  	[dreg:$0x4] =	wrdreg $0x9  }
0xc0: {  	_ =	task.clear_ibuf [dreg:s22], $0x5FFFF;
	_ =	strace $0x90000055  }
0xc1: {  	s29 =	simm.s32 $0x9;
	_ =	strace $0x80000057  }
0xc2: {  	_ =	swait.ge [sflag:s29], $0x1  }
0xc3: {  	[sflag:s29] =	ssyncadd.s32 $0xFFFFFFFF  }
0xc4: {  	_ =	strace $0x90000057  }
0xc5: {  	_ =	sfence  }
0xc6: {  	s30 =	sld [smem:$0x0];
	_ =	sdelay $0x2  }
0xc7: {  	s31 =	sshll.u32 s1, $0xD;
	s1 =	sshrl.u32 s1, $0x2  }
0xc8: {  	s4 =	sand.u32 $0x4000, s31;
	s1 =	sadd.s32 s1, s30  }
0xc9: {  	s0 =	sor.u32 s4, s0;
	s1 =	sshll.u32 s1, $0x11  }
0xca: {  	s0 =	sor.u32 s1, s0  }
0xcb: {  	s0 =	sadd.s32 $0x8F2B, s0  }
0xcc: {  	[sflag:s0] =	ssyncadd.remote.s32 $0x1  }
0xcd: {  	_ =	sfence.sel $0xFFFF  }
0xce: {  	[dreg:$0x0] =	wrdreg $0xFFFFFFFF;
	(pc) =	sbr.abs _section_cstart, $3  }
0xcf: {  	[dreg:$0x1] =	wrdreg $0xFFFFFFFF  }
0xd0: {  	_ =	task.clear_ibuf [dreg:s22], $0x2FFFF;
	_ =	strace $0x9FFFFFFF  }
0xd1: {  	(tm) =	ssettm $0x7FFFFFFF  }
tec
execute0_lowered:
.L_overlay_start_1:
0x0: {  	(tag) =	ssettag $0x1  }
0x1: {  	s5 =	rddreg [dreg:$0x0]  }
0x2: {  	s2 =	rddreg [dreg:$0x1]  }
0x3: {  	s0 =	rddreg [dreg:$0x2];
	s3 =	simm.s32 $0x0;
	s1 =	stileid.u32  }
0x4: {  	s6 =	srdreg.scid;
	s18 =	simm.s32 $0x1;
	s4 =	smul.u32 $0x500, s1  }
0x5: {  	s20 =	simm.s32 $0x0;
	[smem:$0x7FF] =	sst s3;
	s10 =	smul.u32 $0x50000, s1  }
0x6: {  	s9 =	sadd.s32 $0x92E00, s5;
	s7 =	sand.u32 $0x1, s6;
	s14 =	smul.u32 $0x13800, s1  }
0x7: {  	s13 =	sadd.s32 $0x30DE00, s5;
	s15 =	smul.u32 $0x4E000, s1;
	s31 =	sshll.u32 s1, $0x6  }
0x8: {  	_ =	strace $0x80000056;
	s8 =	ssub.s32 $0x2, s7;
	s12 =	smul.u32 $0x4E200, s7  }
0x9: {  	s28 =	smul.u32 $0x271000, s7;
	s16 =	sshllo.u32 s7, $0x1;
	s26 =	sadd.s32 s4, s5  }
0xa: {  	s4 =	sadd.s32 $0x16000, s5;
	s11 =	sshrl.u32 s8, $0x1;
	s29 =	smul.u32 $0x138800, s16  }
0xb: {  	s10 =	sshrl.u32 s10, $0x2;
	s30 =	smul.u32 $0x27100, s16;
	s15 =	sshrl.u32 s15, $0x2  }
0xc: {  	s16 =	simm.s32 $0x80;
	s11 =	ssub.s32 s8, s11;
	s5 =	sadd.s32 $0x1CB600, s26  }
0xd: {  	s6 =	sadd.s32 $0x11000, s26;
	s17 =	sadd.s32 s10, s2;
	s8 =	sadd.s32 s14, s28  }
0xe: {  	s7 =	sadd.s32 s9, s12;
	s19 =	sadd.s32 s15, s2;
	s12 =	simm.s32 $0x2  }
0xf: {  	s8 =	sshrl.u32 s8, $0x3;
	s10 =	sadd.s32 s14, s29;
	s9 =	sadd.s32 s9, s30  }
0x10: {  	s11 =	smax.u32 s11, $0x1;
	s14 =	sor.u32 $0x1C02, s31;
	s15 =	sshrl.u32 s17, $0x3  }
0x11: {  	s17 =	simm.s32 $0x5000;
	s19 =	sshrl.u32 s19, $0x3;
	s10 =	sshrl.u32 s10, $0x3  }
0x12: {  	s8 =	sadd.s32 s13, s8;
	s10 =	sadd.s32 s13, s10;
	s13 =	simm.s32 $0x2800  }
.LBB2_1:
0x13: {  	[tilespmem:s3], [sflag:$0x2] =	stream.linear.gather [hbm4b:s5+s3], $0x2780, $0x38;
	[tilespmem:$0x1D000] =	vst v63  }
0x14: {  	_ =	swait.ge [sflag:s12], $0x2780  }
0x15: {  	[sflag:s12] =	ssyncset.done $0x0  }
0x16: {  	[sflag:s12] =	ssyncadd.s32 $0xFFFFD880  }
0x17: {  	[tilespmem:s13], [sflag:$0x2] =	stream.linear.gather [hbm4b:s6+s3], $0x2780, $0x38;
	[tilespmem:$0x1D000] =	vst v63  }
0x18: {  	_ =	swait.ge [sflag:s12], $0x2780  }
0x19: {  	[sflag:s12] =	ssyncset.done $0x0  }
0x1a: {  	[sflag:s12] =	ssyncadd.s32 $0xFFFFD880  }
0x1b: {  	[spmem:s15], [sflag:s14] =	dma.local [hbm:s4], $0x2800  }
0x1c: {  	_ =	swait.ge [sflag:s12], $0x2800  }
0x1d: {  	[sflag:s12] =	ssyncset.done $0x0  }
0x1e: {  	[sflag:s12] =	ssyncadd.s32 $0xFFFFD800  }
0x1f: {  	s21 =	simm.s32 $0x0;
	[bflag:$0x0] =	sbarrier.arrive $0xFFFF  }
0x20: {  	[tilespmem:s17], [sflag:$0x1] =	stream.indirect.gather [hbm4b:s7+s16], $0x80, s21, s16, $0xb8;
	[tilespmem:$0x1D000] =	vst v63  }
0x21: {  	_ =	swait.ge [sflag:s18], $0x4000  }
0x22: {  	[sflag:s18] =	ssyncset.done $0x0  }
0x23: {  	s31 =	simm.s32 $0x2800;
	[sflag:s18] =	ssyncadd.s32 $0xFFFFC000  }
0x24: {  	[spmem:s2] =	stream.indirect.scatter.add.f32 [tilespmem:s17], [sflag:$0x2], $0x80, s31, s16, $0xb8;
	[tilespmem:$0x1D000] =	vst v63  }
0x25: {  	_ =	swait.ge [sflag:s12], $0x4000  }
0x26: {  	s22 =	simm.s32 $0x400;
	s21 =	simm.s32 $0x200;
	[sflag:s12] =	ssyncset.done $0x0  }
.LBB2_2:
0x27: {  	s23 =	sshra.s32 s21, $0x2  }
0x28: {  	[sflag:s12] =	ssyncadd.s32 $0xFFFFC000;
	s21 =	smov.u32 s22;
	s24 =	sadd.s32 $0x200, s22  }
0x29: {  	[tilespmem:s17], [sflag:$0x1] =	stream.indirect.gather [hbm4b:s7+s16], $0x80, s23, s16, $0xb8;
	[tilespmem:$0x1D000] =	vst v63  }
0x2a: {  	p0 =	sne.s32 s22, $0x9C00;
	_ =	swait.ge [sflag:s18], $0x4000  }
.Ltmp0:
0x2b: {  	[sflag:s18] =	ssyncset.done $0x0;
	(pc) =	sbr.rel @p0 .LBB2_2-.Ltmp0, $4  }
0x2c: {  	s22 =	sadd.s32 $0x2800, s23;
	[sflag:s18] =	ssyncadd.s32 $0xFFFFC000  }
0x2d: {  	[spmem:s2] =	stream.indirect.scatter.add.f32 [tilespmem:s17], [sflag:$0x2], $0x80, s22, s16, $0xb8;
	[tilespmem:$0x1D000] =	vst v63  }
0x2e: {  	_ =	swait.ge [sflag:s12], $0x4000  }
0x2f: {  	s22 =	smov.u32 s24;
	[sflag:s12] =	ssyncset.done $0x0  }
0x30: {  	s21 =	sshra.s32 s21, $0x2;
	[sflag:s12] =	ssyncadd.s32 $0xFFFFC000  }
0x31: {  	[tilespmem:s17], [sflag:$0x1] =	stream.indirect.gather [hbm4b:s7+s16], $0x80, s21, s16, $0xb8;
	[tilespmem:$0x1D000] =	vst v63  }
0x32: {  	_ =	swait.ge [sflag:s18], $0x4000  }
0x33: {  	[sflag:s18] =	ssyncset.done $0x0  }
0x34: {  	s21 =	sadd.s32 $0x2800, s21;
	[sflag:s18] =	ssyncadd.s32 $0xFFFFC000  }
0x35: {  	[spmem:s2] =	stream.indirect.scatter.add.f32 [tilespmem:s17], [sflag:$0x2], $0x80, s21, s16, $0xb8;
	[tilespmem:$0x1D000] =	vst v63  }
0x36: {  	_ =	swait.ge [sflag:s12], $0x4000  }
0x37: {  	[sflag:s12] =	ssyncset.done $0x0  }
0x38: {  	[sflag:s12] =	ssyncadd.s32 $0xFFFFC000  }
0x39: {  	[bflag:$0x0] =	sbarrier.arrive $0xFFFF  }
0x3a: {  	[hbm:s8], [sflag:s14] =	dma.local [spmem:s19], $0x2800  }
0x3b: {  	_ =	swait.ge [sflag:s12], $0x2800  }
0x3c: {  	[sflag:s12] =	ssyncset.done $0x0  }
0x3d: {  	[sflag:s12] =	ssyncadd.s32 $0xFFFFD800  }
0x3e: {  	[bflag:$0x0] =	sbarrier.arrive $0xFFFF  }
0x3f: {  	[spmem:s15], [sflag:s14] =	dma.local [hbm:s4], $0x2800  }
0x40: {  	_ =	swait.ge [sflag:s12], $0x2800  }
0x41: {  	[sflag:s12] =	ssyncset.done $0x0  }
0x42: {  	[sflag:s12] =	ssyncadd.s32 $0xFFFFD800  }
0x43: {  	s30 =	simm.s32 $0x0;
	[bflag:$0x0] =	sbarrier.arrive $0xFFFF  }
0x44: {  	[tilespmem:s17], [sflag:$0x1] =	stream.indirect.gather [hbm4b:s9+s16], $0x80, s30, s16, $0xb8;
	[tilespmem:$0x1D000] =	vst v63  }
0x45: {  	_ =	swait.ge [sflag:s18], $0x4000  }
0x46: {  	[sflag:s18] =	ssyncset.done $0x0  }
0x47: {  	s31 =	simm.s32 $0x2800;
	[sflag:s18] =	ssyncadd.s32 $0xFFFFC000  }
0x48: {  	[spmem:s2] =	stream.indirect.scatter.add.f32 [tilespmem:s17], [sflag:$0x2], $0x80, s31, s16, $0xb8;
	[tilespmem:$0x1D000] =	vst v63  }
0x49: {  	_ =	swait.ge [sflag:s12], $0x4000  }
0x4a: {  	s22 =	simm.s32 $0x400;
	s21 =	simm.s32 $0x200;
	[sflag:s12] =	ssyncset.done $0x0  }
.LBB2_4:
0x4b: {  	s23 =	sshra.s32 s21, $0x2  }
0x4c: {  	[sflag:s12] =	ssyncadd.s32 $0xFFFFC000;
	s21 =	smov.u32 s22;
	s24 =	sadd.s32 $0x200, s22  }
0x4d: {  	[tilespmem:s17], [sflag:$0x1] =	stream.indirect.gather [hbm4b:s9+s16], $0x80, s23, s16, $0xb8;
	[tilespmem:$0x1D000] =	vst v63  }
0x4e: {  	p0 =	sne.s32 s22, $0x9C00;
	_ =	swait.ge [sflag:s18], $0x4000  }
.Ltmp1:
0x4f: {  	[sflag:s18] =	ssyncset.done $0x0;
	(pc) =	sbr.rel @p0 .LBB2_4-.Ltmp1, $4  }
0x50: {  	s22 =	sadd.s32 $0x2800, s23;
	[sflag:s18] =	ssyncadd.s32 $0xFFFFC000  }
0x51: {  	[spmem:s2] =	stream.indirect.scatter.add.f32 [tilespmem:s17], [sflag:$0x2], $0x80, s22, s16, $0xb8;
	[tilespmem:$0x1D000] =	vst v63  }
0x52: {  	_ =	swait.ge [sflag:s12], $0x4000  }
0x53: {  	s22 =	smov.u32 s24;
	[sflag:s12] =	ssyncset.done $0x0  }
0x54: {  	s21 =	sshra.s32 s21, $0x2;
	[sflag:s12] =	ssyncadd.s32 $0xFFFFC000  }
0x55: {  	[tilespmem:s17], [sflag:$0x1] =	stream.indirect.gather [hbm4b:s9+s16], $0x80, s21, s16, $0xb8;
	[tilespmem:$0x1D000] =	vst v63  }
0x56: {  	_ =	swait.ge [sflag:s18], $0x4000  }
0x57: {  	[sflag:s18] =	ssyncset.done $0x0  }
0x58: {  	s21 =	sadd.s32 $0x2800, s21;
	[sflag:s18] =	ssyncadd.s32 $0xFFFFC000  }
0x59: {  	[spmem:s2] =	stream.indirect.scatter.add.f32 [tilespmem:s17], [sflag:$0x2], $0x80, s21, s16, $0xb8;
	[tilespmem:$0x1D000] =	vst v63  }
0x5a: {  	_ =	swait.ge [sflag:s12], $0x4000  }
0x5b: {  	[sflag:s12] =	ssyncset.done $0x0  }
0x5c: {  	s20 =	sadd.s32 $0x1, s20;
	[sflag:s12] =	ssyncadd.s32 $0xFFFFC000  }
0x5d: {  	p0 =	sne.s32 s20, s11;
	[bflag:$0x0] =	sbarrier.arrive $0xFFFF  }
0x5e: {  	[hbm:s10], [sflag:s14] =	dma.local [spmem:s19], $0x2800  }
.Ltmp2:
0x5f: {  	_ =	swait.ge [sflag:s12], $0x2800;
	(pc) =	sbr.rel @p0 .LBB2_1-.Ltmp2, $3  }
0x60: {  	[sflag:s12] =	ssyncset.done $0x0  }
0x61: {  	[sflag:s12] =	ssyncadd.s32 $0xFFFFD800  }
0x62: {  	[bflag:$0x0] =	sbarrier.arrive $0xFFFF;
	_ =	sdelay $0x1  }
0x63: {  	_ =	sfence.sel $0x180000  }
0x64: {  	[bflag:$0x0] =	sbarrier.arrive $0xFFFF  }
0x65: {  	p0 =	sne.s32 s1, $0x0;
	_ =	strace $0x90000056  }
0x66: {  	s0 =	sadd.s32 @!p0 $0x100000, s0;
	[bflag:$0x2] =	sbarrier.arrive $0xFFFF  }
0x67: {  	[sflag:s0] =	ssyncadd.tile.s32 @!p0 $0x1;
	_ =	shalt  }
.Lfunc_end2:
_tile_overlayer_lowered:
.L_overlay_start_2:
0x68: {  	(tag) =	ssettag $0x2  }
0x69: {  	s0 =	rddreg [dreg:$0x0];
	s2 =	stileid.u32  }
0x6a: {  	s1 =	rddreg [dreg:$0x1];
	p0 =	sne.s32 s2, $0x0  }
0x6b: {  	s3 =	rddreg [dreg:$0x2];
	[bflag:$0x3] =	sbarrier.arrive $0xFFFF;
	s2 =	simm.s32 @!p0 $0x1C02  }
0x6c: {  	[timem:s3], [sflag:s2] =	dma.local @!p0 [hbm:s0], s1  }
0x6d: {  	s0 =	simm.s32 @!p0 $0x2  }
0x6e: {  	_ =	swait.ge @!p0 [sflag:s0], s1  }
0x6f: {  	s1 =	ssub.s32 @!p0 $0x0, s1;
	[sflag:s0] =	ssyncset.done @!p0 $0x0  }
0x70: {  	[sflag:s0] =	ssyncadd.s32 @!p0 s1  }
0x71: {  	[bflag:$0x3] =	sbarrier.arrive $0xFFFF  }
0x72: {  	_ =	shalt  }

// kernel: kernel.33.cloned.1.call-start
scs
__scs_entry_jumppad:
0x0: {  	(pc) =	sbr.rel $0x88, $3  }
0x1: {  	(tag) =	ssettag $0x0;
	lr =	simm.s32 $0x1  }
0x2: {  	[smem:$0x3F82] =	sst lr;
	_ =	strace $0xD0000000  }
0x3: {  	_ = 	snop  }
0x4: {  	_ = 	snop  }
0x5: {  	_ = 	snop  }
0x6: {  	_ = 	snop  }
0x7: {  	_ = 	snop  }
__scs_overlays_trampoline_lowered:
0x8: {  	[smem:$0x3F91] =	sst s0  }
0x9: {  	[smem:$0x3F92] =	sst s1  }
0xa: {  	[smem:$0x3F93] =	sst s2  }
0xb: {  	[smem:$0x3F94] =	sst s3  }
0xc: {  	[smem:$0x3F95] =	sst s4  }
0xd: {  	[smem:$0x3F96] =	sst s5  }
0xe: {  	[smem:$0x3F97] =	sst s6  }
0xf: {  	[smem:$0x3F98] =	sst s7  }
0x10: {  	[smem:$0x3F99] =	sst s8  }
0x11: {  	[smem:$0x3F9A] =	sst s9;
	s0 =	simm.s32 @!p0 $0x0  }
0x12: {  	s1 =	sld [smem:$0x3F80];
	s0 =	simm.s32 @p0 $0x1  }
0x13: {  	[smem:$0x3F9B] =	sst s0;
	s0 =	simm.s32 @!p1 $0x0  }
0x14: {  	s2 =	sld [smem:$0x3F7F];
	s0 =	simm.s32 @p1 $0x1  }
0x15: {  	[smem:$0x3F9C] =	sst s0;
	s0 =	simm.s32 @!p2 $0x0  }
0x16: {  	s3 =	sld [smem:$0x3FDB];
	s0 =	simm.s32 @p2 $0x1  }
0x17: {  	s4 =	simm.s32 $0x1BF5;
	[smem:$0x3F9E] =	sst s0  }
0x18: {  	s0 =	sld [smem:$0x3F81];
	_ =	swait.ge [sflag:s4], $0x0  }
0x19: {  	s7 =	sld [smem:$0x3F82]  }
0x1a: {  	s8 =	sadd.s32 $0xFFFFE003, lr  }
0x1b: {  	s9 =	sadd.s32 $0xFFFFFEF7, lr;
	s5 =	simm.s32 $0xFFFFFFFF;
	p2 =	slt.u32 s8, $0xFFFFF086  }
0x1c: {  	p1 =	slt.u32 s9, $0xF7A;
	s5 =	simm.s32 @!p2 $0x0  }
0x1d: {  	s5 =	simm.s32 @p1 $0x1;
	p0 =	seq.s32 s7, s2  }
0x1e: {  	s7 =	smul.u32 @!p0 $0xF7A, s2;
	p2 =	seq.s32 @!p0 s5, $0x0  }
0x1f: {  	s9 =	smul.u32 $0xF7A, s1;
	s8 =	simm.s32 @!p0 $0x1BF5;
	p2 =	por !p2, p0  }
0x20: {  	[sflag:s8] =	ssyncset.s32 @!p0 $0xFFFFF086;
	s6 =	sadd.s32 @!p0 s3, s7;
	s7 =	simm.s32 @!p0 $0x108  }
0x21: {  	s3 =	sadd.s32 s3, s9;
	s6 =	sadd.s32 @!p0 $0x88, s6;
	s7 =	simm.s32 @p2 $0x1082  }
0x22: {  	[simem:s7], [sflag:s8] =	dma.local @!p0 [hbm:s6], $0xF7A  }
0x23: {  	s9 =	sor.u32 $0xD0000000, s2;
	s6 =	simm.s32 $0x108;
	_ =	swait.ge @!p0 [sflag:s8], $0x0  }
0x24: {  	s3 =	sadd.s32 $0x88, s3;
	s6 =	simm.s32 @!p1 $0x1082;
	[sflag:s4] =	ssyncset.s32 $0xFFFFF086  }
0x25: {  	[simem:s6], [sflag:s4] =	dma.local [hbm:s3], $0xF7A  }
0x26: {  	[smem:$0x3F82] =	sst s1;
	(tag) =	ssettag s2;
	_ =	strace s9  }
0x27: {  	s1 =	sld [smem:$0x3F92]  }
0x28: {  	s2 =	sld [smem:$0x3F93]  }
0x29: {  	s4 =	sld [smem:$0x3F95]  }
0x2a: {  	p0 =	seq.s32 s5, $0x0;
	s5 =	sld [smem:$0x3F96]  }
0x2b: {  	s6 =	sld [smem:$0x3F97]  }
0x2c: {  	s7 =	sld [smem:$0x3F98]  }
0x2d: {  	s3 =	simm.s32 $0x108;
	s8 =	sld [smem:$0x3F99]  }
0x2e: {  	s3 =	simm.s32 @!p0 $0x1082;
	s9 =	sld [smem:$0x3F9A]  }
0x2f: {  	lr =	sadd.s32 s0, s3;
	s0 =	sld [smem:$0x3F91]  }
0x30: {  	s3 =	sld [smem:$0x3F94]  }
0x31: {  	[smem:$0x3F9D] =	sst s10  }
0x32: {  	s10 =	sld [smem:$0x3F9B];
	_ =	sdelay $0x3  }
0x33: {  	p0 =	seq.s32 s10, $0x1;
	s10 =	sld [smem:$0x3F9D];
	_ =	sdelay $0x3  }
0x34: {  	[smem:$0x3F9D] =	sst s10  }
0x35: {  	s10 =	sld [smem:$0x3F9C];
	_ =	sdelay $0x3  }
0x36: {  	p1 =	seq.s32 s10, $0x1;
	s10 =	sld [smem:$0x3F9D];
	_ =	sdelay $0x3  }
0x37: {  	[smem:$0x3F9D] =	sst s10  }
0x38: {  	s10 =	sld [smem:$0x3F9E]  }
0x39: {  	_ = 	snop;
	(pc) =	sbr.ind lr, $3  }
0x3a: {  	_ = 	snop  }
0x3b: {  	_ = 	snop  }
0x3c: {  	p2 =	seq.s32 s10, $0x1;
	s10 =	sld [smem:$0x3F9D]  }
0x3d: {  	_ =	shalt  }
0x3e: {  	_ =	shalt  }
0x3f: {  	_ =	shalt  }
0x40: {  	_ =	shalt  }
0x41: {  	_ =	shalt  }
0x42: {  	_ =	shalt  }
0x43: {  	_ =	shalt  }
0x44: {  	_ =	shalt  }
0x45: {  	_ =	shalt  }
0x46: {  	_ =	shalt  }
0x47: {  	_ =	shalt  }
0x48: {  	_ =	shalt  }
0x49: {  	_ =	shalt  }
0x4a: {  	_ =	shalt  }
0x4b: {  	_ =	shalt  }
0x4c: {  	_ =	shalt  }
0x4d: {  	_ =	shalt  }
0x4e: {  	_ =	shalt  }
0x4f: {  	_ =	shalt  }
0x50: {  	_ =	shalt  }
0x51: {  	_ =	shalt  }
0x52: {  	_ =	shalt  }
0x53: {  	_ =	shalt  }
0x54: {  	_ =	shalt  }
0x55: {  	_ =	shalt  }
0x56: {  	_ =	shalt  }
0x57: {  	_ =	shalt  }
0x58: {  	_ =	shalt  }
0x59: {  	_ =	shalt  }
0x5a: {  	_ =	shalt  }
0x5b: {  	_ =	shalt  }
0x5c: {  	_ =	shalt  }
0x5d: {  	_ =	shalt  }
0x5e: {  	_ =	shalt  }
0x5f: {  	_ =	shalt  }
0x60: {  	_ =	shalt  }
0x61: {  	_ =	shalt  }
0x62: {  	_ =	shalt  }
0x63: {  	_ =	shalt  }
0x64: {  	_ =	shalt  }
0x65: {  	_ =	shalt  }
0x66: {  	_ =	shalt  }
0x67: {  	_ =	shalt  }
0x68: {  	_ =	shalt  }
0x69: {  	_ =	shalt  }
0x6a: {  	_ =	shalt  }
0x6b: {  	_ =	shalt  }
0x6c: {  	_ =	shalt  }
0x6d: {  	_ =	shalt  }
0x6e: {  	_ =	shalt  }
0x6f: {  	_ =	shalt  }
0x70: {  	_ =	shalt  }
0x71: {  	_ =	shalt  }
0x72: {  	_ =	shalt  }
0x73: {  	_ =	shalt  }
0x74: {  	_ =	shalt  }
0x75: {  	_ =	shalt  }
0x76: {  	_ =	shalt  }
0x77: {  	_ =	shalt  }
0x78: {  	_ =	shalt  }
0x79: {  	_ =	shalt  }
0x7a: {  	_ =	shalt  }
0x7b: {  	_ =	shalt  }
0x7c: {  	_ =	shalt  }
0x7d: {  	_ =	shalt  }
0x7e: {  	_ =	shalt  }
0x7f: {  	_ =	shalt  }
0x80: {  	_ =	shalt  }
0x81: {  	_ =	shalt  }
0x82: {  	_ =	shalt  }
0x83: {  	_ =	shalt  }
0x84: {  	_ =	shalt  }
0x85: {  	_ =	shalt  }
0x86: {  	_ =	shalt  }
0x87: {  	_ =	shalt  }
.Lfunc_end0:
.L_simem_size_0:
called_computation.6_lowered:
.L_overlay_start_0:
0x88: {  	s2 =	sld [smem:$0x3FD9]  }
0x89: {  	s3 =	sld [smem:$0x3FFE];
	_ =	sdelay $0x1  }
0x8a: {  	s1 =	srdreg.scid  }
0x8b: {  	s0 =	sand.u32 $0x1, s1  }
0x8c: {  	s17 =	sshll.u32 s0, $0xA;
	s2 =	sadd.s32 s3, s2  }
0x8d: {  	s2 =	sadd.s32 s2, s17  }
0x8e: {  	[smem:$0x3FA9] =	sst s2  }
0x8f: {  	_ = 	snop  }
0x90: {  	(tm) =	ssettm $0x1  }
0x91: {  	s18 =	sld [smem:$0x3FFB];
	_ =	sdelay $0x3  }
0x92: {  	_ =	strace s18  }
0x93: {  	s2 =	sld [smem:$0x3FFC];
	_ =	sdelay $0x3  }
0x94: {  	_ =	strace s2  }
0x95: {  	s2 =	sld [smem:$0x3FFD];
	_ =	sdelay $0x3  }
0x96: {  	_ =	strace s2  }
0x97: {  	_ =	strace $0x8FFFFFFF  }
0x98: {  	s19 =	sld [smem:$0x3FDB];
	_ =	sdelay $0x1  }
0x99: {  	s20 =	simm.s32 $_scs_section_size  }
0x9a: {  	s4 =	simm.s32 $_size__tile_overlayer_lowered;
	s5 =	simm.s32 $_tile_overlayer_lowered  }
0x9b: {  	s6 =	simm.s32 $0x1BFF;
	s21 =	sshll.u32 s5, $0x1;
	s3 =	sadd.s32 s20, s19  }
0x9c: {  	s22 =	simm.s32 $0x0;
	s4 =	sshll.u32 s4, $0x1;
	s5 =	sadd.s32 s21, s3  }
0x9d: {  	[timem:s22], [sflag:s6] =	dma.local [hbm:s5], s4  }
0x9e: {  	_ =	swait.ge [sflag:s6], s4  }
0x9f: {  	s4 =	ssub.s32 $0x0, s4;
	[sflag:s6] =	ssyncset.done $0x0  }
0xa0: {  	[sflag:s6] =	ssyncadd.s32 s4;
	_ =	sdelay $0x1  }
0xa1: {  	s23 =	simm.s32 $0x1B8B  }
0xa2: {  	_ =	swait.ge [sflag:s23], $0x1  }
0xa3: {  	[sflag:s23] =	ssyncset.done $0x0  }
0xa4: {  	[sflag:s23] =	ssyncadd.s32 $0xFFFFFFFF  }
0xa5: {  	s4 =	sld [smem:$0x0]  }
0xa6: {  	s5 =	sand.u32 $0xFFFFFFFE, s1  }
0xa7: {  	p0 =	sne.s32 s1, s5  }
0xa8: {  	s5 =	sshll.u32 @p0 s5, $0xE  }
0xa9: {  	s5 =	sadd.s32 @p0 $0x11B8D, s5;
	s6 =	sshll.u32 @p0 s4, $0x11  }
0xaa: {  	s5 =	sor.u32 @p0 s6, s5  }
0xab: {  	[sflag:s5] =	ssyncadd.remote.s32 @p0 $0x1;
	_ =	sdelay $0x1  }
0xac: {  	s5 =	simm.s32 @p0 $0x1B8D  }
0xad: {  	_ =	swait.eq @p0 [sflag:s5], $0x1  }
0xae: {  	[sflag:s5] =	ssyncadd.s32 @p0 $0xFFFFFFFF  }
0xaf: {  	s6 =	sshll.u32 @!p0 s1, $0xE  }
0xb0: {  	s6 =	sor.u32 @!p0 $0x4000, s6;
	s5 =	simm.s32 @!p0 $0x1B8D  }
0xb1: {  	s4 =	sshll.u32 @!p0 s4, $0x11;
	s6 =	sadd.s32 @!p0 $0x11B8D, s6;
	_ =	swait.eq @!p0 [sflag:s5], $0x1  }
0xb2: {  	s4 =	sor.u32 @!p0 s4, s6;
	[sflag:s5] =	ssyncadd.s32 @!p0 $0xFFFFFFFF  }
0xb3: {  	s25 =	simm.s32 $0x1B8E;
	s24 =	sld [smem:$0x3FFE];
	[sflag:s4] =	ssyncadd.remote.s32 @!p0 $0x1  }
0xb4: {  	s26 =	simm.s32 $execute0_lowered;
	[smem:$0x3FD2] =	sst s25  }
0xb5: {  	s5 =	sshll.u32 s26, $0x1;
	_ =	strace $0x80000058;
	[dreg:$0x1] =	wrdreg $0xFFFFFFFF  }
0xb6: {  	s28 =	simm.s32 $_size_execute0_lowered;
	s3 =	sadd.s32 s3, s5;
	[dreg:$0x0] =	wrdreg $0x0  }
0xb7: {  	s5 =	sshll.u32 s28, $0x1;
	[dreg:$0x2] =	wrdreg s3  }
0xb8: {  	[dreg:$0x3] =	wrdreg s5  }
0xb9: {  	[dreg:$0x4] =	wrdreg $0xC0  }
0xba: {  	_ =	task [dreg:s22], $0x5FFFF  }
0xbb: {  	[dreg:$0x1] =	wrdreg $0xFFFFFFFF  }
0xbc: {  	[dreg:$0x0] =	wrdreg $0x60  }
0xbd: {  	[dreg:$0x2] =	wrdreg s24  }
0xbe: {  	[dreg:$0x3] =	wrdreg $0x90000  }
0xbf: {  	[dreg:$0x4] =	wrdreg $0xB  }
0xc0: {  	_ =	task.clear_ibuf [dreg:s22], $0x5FFFF;
	_ =	strace $0x90000058  }
0xc1: {  	s29 =	simm.s32 $0xB;
	_ =	strace $0x8000005A  }
0xc2: {  	_ =	swait.ge [sflag:s29], $0x1  }
0xc3: {  	[sflag:s29] =	ssyncadd.s32 $0xFFFFFFFF  }
0xc4: {  	_ =	strace $0x9000005A  }
0xc5: {  	_ =	sfence  }
0xc6: {  	s30 =	sld [smem:$0x0];
	_ =	sdelay $0x2  }
0xc7: {  	s31 =	sshll.u32 s1, $0xD;
	s1 =	sshrl.u32 s1, $0x2  }
0xc8: {  	s4 =	sand.u32 $0x4000, s31;
	s1 =	sadd.s32 s1, s30  }
0xc9: {  	s0 =	sor.u32 s4, s0;
	s1 =	sshll.u32 s1, $0x11  }
0xca: {  	s0 =	sor.u32 s1, s0  }
0xcb: {  	s0 =	sadd.s32 $0x8F2B, s0  }
0xcc: {  	[sflag:s0] =	ssyncadd.remote.s32 $0x1  }
0xcd: {  	_ =	sfence.sel $0xFFFF  }
0xce: {  	[dreg:$0x0] =	wrdreg $0xFFFFFFFF;
	(pc) =	sbr.abs _section_cstart, $3  }
0xcf: {  	[dreg:$0x1] =	wrdreg $0xFFFFFFFF  }
0xd0: {  	_ =	task.clear_ibuf [dreg:s22], $0x2FFFF;
	_ =	strace $0x9FFFFFFF  }
0xd1: {  	(tm) =	ssettm $0x7FFFFFFF  }
tec
execute0_lowered:
.L_overlay_start_1:
0x0: {  	(tag) =	ssettag $0x1  }
0x1: {  	s5 =	rddreg [dreg:$0x0]  }
0x2: {  	s2 =	rddreg [dreg:$0x1]  }
0x3: {  	s0 =	rddreg [dreg:$0x2];
	s3 =	simm.s32 $0x0;
	s1 =	stileid.u32  }
0x4: {  	s6 =	srdreg.scid;
	s18 =	simm.s32 $0x1;
	s4 =	smul.u32 $0x500, s1  }
0x5: {  	s20 =	simm.s32 $0x0;
	[smem:$0x7FF] =	sst s3;
	s10 =	smul.u32 $0x50000, s1  }
0x6: {  	s9 =	sadd.s32 $0x3AA200, s5;
	s7 =	sand.u32 $0x1, s6;
	s14 =	smul.u32 $0x13800, s1  }
0x7: {  	s13 =	sadd.s32 $0x1D0600, s5;
	s15 =	smul.u32 $0x4E000, s1;
	s31 =	sshll.u32 s1, $0x6  }
0x8: {  	_ =	strace $0x80000059;
	s8 =	ssub.s32 $0x2, s7;
	s12 =	smul.u32 $0x4E200, s7  }
0x9: {  	s28 =	smul.u32 $0x271000, s7;
	s16 =	sshllo.u32 s7, $0x1;
	s26 =	sadd.s32 s4, s5  }
0xa: {  	s4 =	sadd.s32 $0x16000, s5;
	s11 =	sshrl.u32 s8, $0x1;
	s29 =	smul.u32 $0x138800, s16  }
0xb: {  	s10 =	sshrl.u32 s10, $0x2;
	s30 =	smul.u32 $0x27100, s16;
	s15 =	sshrl.u32 s15, $0x2  }
0xc: {  	s16 =	simm.s32 $0x80;
	s11 =	ssub.s32 s8, s11;
	s5 =	sadd.s32 $0x308E00, s26  }
0xd: {  	s6 =	sadd.s32 $0xC000, s26;
	s17 =	sadd.s32 s10, s2;
	s8 =	sadd.s32 s14, s28  }
0xe: {  	s7 =	sadd.s32 s9, s12;
	s19 =	sadd.s32 s15, s2;
	s12 =	simm.s32 $0x2  }
0xf: {  	s8 =	sshrl.u32 s8, $0x3;
	s10 =	sadd.s32 s14, s29;
	s9 =	sadd.s32 s9, s30  }
0x10: {  	s11 =	smax.u32 s11, $0x1;
	s14 =	sor.u32 $0x1C02, s31;
	s15 =	sshrl.u32 s17, $0x3  }
0x11: {  	s17 =	simm.s32 $0x5000;
	s19 =	sshrl.u32 s19, $0x3;
	s10 =	sshrl.u32 s10, $0x3  }
0x12: {  	s8 =	sadd.s32 s13, s8;
	s10 =	sadd.s32 s13, s10;
	s13 =	simm.s32 $0x2800  }
.LBB2_1:
0x13: {  	[tilespmem:s3], [sflag:$0x2] =	stream.linear.gather [hbm4b:s5+s3], $0x2780, $0x38;
	[tilespmem:$0x1D000] =	vst v63  }
0x14: {  	_ =	swait.ge [sflag:s12], $0x2780  }
0x15: {  	[sflag:s12] =	ssyncset.done $0x0  }
0x16: {  	[sflag:s12] =	ssyncadd.s32 $0xFFFFD880  }
0x17: {  	[tilespmem:s13], [sflag:$0x2] =	stream.linear.gather [hbm4b:s6+s3], $0x2780, $0x38;
	[tilespmem:$0x1D000] =	vst v63  }
0x18: {  	_ =	swait.ge [sflag:s12], $0x2780  }
0x19: {  	[sflag:s12] =	ssyncset.done $0x0  }
0x1a: {  	[sflag:s12] =	ssyncadd.s32 $0xFFFFD880  }
0x1b: {  	[spmem:s15], [sflag:s14] =	dma.local [hbm:s4], $0x2800  }
0x1c: {  	_ =	swait.ge [sflag:s12], $0x2800  }
0x1d: {  	[sflag:s12] =	ssyncset.done $0x0  }
0x1e: {  	[sflag:s12] =	ssyncadd.s32 $0xFFFFD800  }
0x1f: {  	s21 =	simm.s32 $0x0;
	[bflag:$0x0] =	sbarrier.arrive $0xFFFF  }
0x20: {  	[tilespmem:s17], [sflag:$0x1] =	stream.indirect.gather [hbm4b:s7+s16], $0x80, s21, s16, $0xb8;
	[tilespmem:$0x1D000] =	vst v63  }
0x21: {  	_ =	swait.ge [sflag:s18], $0x4000  }
0x22: {  	[sflag:s18] =	ssyncset.done $0x0  }
0x23: {  	s31 =	simm.s32 $0x2800;
	[sflag:s18] =	ssyncadd.s32 $0xFFFFC000  }
0x24: {  	[spmem:s2] =	stream.indirect.scatter.add.f32 [tilespmem:s17], [sflag:$0x2], $0x80, s31, s16, $0xb8;
	[tilespmem:$0x1D000] =	vst v63  }
0x25: {  	_ =	swait.ge [sflag:s12], $0x4000  }
0x26: {  	s22 =	simm.s32 $0x400;
	s21 =	simm.s32 $0x200;
	[sflag:s12] =	ssyncset.done $0x0  }
.LBB2_2:
0x27: {  	s23 =	sshra.s32 s21, $0x2  }
0x28: {  	[sflag:s12] =	ssyncadd.s32 $0xFFFFC000;
	s21 =	smov.u32 s22;
	s24 =	sadd.s32 $0x200, s22  }
0x29: {  	[tilespmem:s17], [sflag:$0x1] =	stream.indirect.gather [hbm4b:s7+s16], $0x80, s23, s16, $0xb8;
	[tilespmem:$0x1D000] =	vst v63  }
0x2a: {  	p0 =	sne.s32 s22, $0x9C00;
	_ =	swait.ge [sflag:s18], $0x4000  }
.Ltmp0:
0x2b: {  	[sflag:s18] =	ssyncset.done $0x0;
	(pc) =	sbr.rel @p0 .LBB2_2-.Ltmp0, $4  }
0x2c: {  	s22 =	sadd.s32 $0x2800, s23;
	[sflag:s18] =	ssyncadd.s32 $0xFFFFC000  }
0x2d: {  	[spmem:s2] =	stream.indirect.scatter.add.f32 [tilespmem:s17], [sflag:$0x2], $0x80, s22, s16, $0xb8;
	[tilespmem:$0x1D000] =	vst v63  }
0x2e: {  	_ =	swait.ge [sflag:s12], $0x4000  }
0x2f: {  	s22 =	smov.u32 s24;
	[sflag:s12] =	ssyncset.done $0x0  }
0x30: {  	s21 =	sshra.s32 s21, $0x2;
	[sflag:s12] =	ssyncadd.s32 $0xFFFFC000  }
0x31: {  	[tilespmem:s17], [sflag:$0x1] =	stream.indirect.gather [hbm4b:s7+s16], $0x80, s21, s16, $0xb8;
	[tilespmem:$0x1D000] =	vst v63  }
0x32: {  	_ =	swait.ge [sflag:s18], $0x4000  }
0x33: {  	[sflag:s18] =	ssyncset.done $0x0  }
0x34: {  	s21 =	sadd.s32 $0x2800, s21;
	[sflag:s18] =	ssyncadd.s32 $0xFFFFC000  }
0x35: {  	[spmem:s2] =	stream.indirect.scatter.add.f32 [tilespmem:s17], [sflag:$0x2], $0x80, s21, s16, $0xb8;
	[tilespmem:$0x1D000] =	vst v63  }
0x36: {  	_ =	swait.ge [sflag:s12], $0x4000  }
0x37: {  	[sflag:s12] =	ssyncset.done $0x0  }
0x38: {  	[sflag:s12] =	ssyncadd.s32 $0xFFFFC000  }
0x39: {  	[bflag:$0x0] =	sbarrier.arrive $0xFFFF  }
0x3a: {  	[hbm:s8], [sflag:s14] =	dma.local [spmem:s19], $0x2800  }
0x3b: {  	_ =	swait.ge [sflag:s12], $0x2800  }
0x3c: {  	[sflag:s12] =	ssyncset.done $0x0  }
0x3d: {  	[sflag:s12] =	ssyncadd.s32 $0xFFFFD800  }
0x3e: {  	[bflag:$0x0] =	sbarrier.arrive $0xFFFF  }
0x3f: {  	[spmem:s15], [sflag:s14] =	dma.local [hbm:s4], $0x2800  }
0x40: {  	_ =	swait.ge [sflag:s12], $0x2800  }
0x41: {  	[sflag:s12] =	ssyncset.done $0x0  }
0x42: {  	[sflag:s12] =	ssyncadd.s32 $0xFFFFD800  }
0x43: {  	s30 =	simm.s32 $0x0;
	[bflag:$0x0] =	sbarrier.arrive $0xFFFF  }
0x44: {  	[tilespmem:s17], [sflag:$0x1] =	stream.indirect.gather [hbm4b:s9+s16], $0x80, s30, s16, $0xb8;
	[tilespmem:$0x1D000] =	vst v63  }
0x45: {  	_ =	swait.ge [sflag:s18], $0x4000  }
0x46: {  	[sflag:s18] =	ssyncset.done $0x0  }
0x47: {  	s31 =	simm.s32 $0x2800;
	[sflag:s18] =	ssyncadd.s32 $0xFFFFC000  }
0x48: {  	[spmem:s2] =	stream.indirect.scatter.add.f32 [tilespmem:s17], [sflag:$0x2], $0x80, s31, s16, $0xb8;
	[tilespmem:$0x1D000] =	vst v63  }
0x49: {  	_ =	swait.ge [sflag:s12], $0x4000  }
0x4a: {  	s22 =	simm.s32 $0x400;
	s21 =	simm.s32 $0x200;
	[sflag:s12] =	ssyncset.done $0x0  }
.LBB2_4:
0x4b: {  	s23 =	sshra.s32 s21, $0x2  }
0x4c: {  	[sflag:s12] =	ssyncadd.s32 $0xFFFFC000;
	s21 =	smov.u32 s22;
	s24 =	sadd.s32 $0x200, s22  }
0x4d: {  	[tilespmem:s17], [sflag:$0x1] =	stream.indirect.gather [hbm4b:s9+s16], $0x80, s23, s16, $0xb8;
	[tilespmem:$0x1D000] =	vst v63  }
0x4e: {  	p0 =	sne.s32 s22, $0x9C00;
	_ =	swait.ge [sflag:s18], $0x4000  }
.Ltmp1:
0x4f: {  	[sflag:s18] =	ssyncset.done $0x0;
	(pc) =	sbr.rel @p0 .LBB2_4-.Ltmp1, $4  }
0x50: {  	s22 =	sadd.s32 $0x2800, s23;
	[sflag:s18] =	ssyncadd.s32 $0xFFFFC000  }
0x51: {  	[spmem:s2] =	stream.indirect.scatter.add.f32 [tilespmem:s17], [sflag:$0x2], $0x80, s22, s16, $0xb8;
	[tilespmem:$0x1D000] =	vst v63  }
0x52: {  	_ =	swait.ge [sflag:s12], $0x4000  }
0x53: {  	s22 =	smov.u32 s24;
	[sflag:s12] =	ssyncset.done $0x0  }
0x54: {  	s21 =	sshra.s32 s21, $0x2;
	[sflag:s12] =	ssyncadd.s32 $0xFFFFC000  }
0x55: {  	[tilespmem:s17], [sflag:$0x1] =	stream.indirect.gather [hbm4b:s9+s16], $0x80, s21, s16, $0xb8;
	[tilespmem:$0x1D000] =	vst v63  }
0x56: {  	_ =	swait.ge [sflag:s18], $0x4000  }
0x57: {  	[sflag:s18] =	ssyncset.done $0x0  }
0x58: {  	s21 =	sadd.s32 $0x2800, s21;
	[sflag:s18] =	ssyncadd.s32 $0xFFFFC000  }
0x59: {  	[spmem:s2] =	stream.indirect.scatter.add.f32 [tilespmem:s17], [sflag:$0x2], $0x80, s21, s16, $0xb8;
	[tilespmem:$0x1D000] =	vst v63  }
0x5a: {  	_ =	swait.ge [sflag:s12], $0x4000  }
0x5b: {  	[sflag:s12] =	ssyncset.done $0x0  }
0x5c: {  	s20 =	sadd.s32 $0x1, s20;
	[sflag:s12] =	ssyncadd.s32 $0xFFFFC000  }
0x5d: {  	p0 =	sne.s32 s20, s11;
	[bflag:$0x0] =	sbarrier.arrive $0xFFFF  }
0x5e: {  	[hbm:s10], [sflag:s14] =	dma.local [spmem:s19], $0x2800  }
.Ltmp2:
0x5f: {  	_ =	swait.ge [sflag:s12], $0x2800;
	(pc) =	sbr.rel @p0 .LBB2_1-.Ltmp2, $3  }
0x60: {  	[sflag:s12] =	ssyncset.done $0x0  }
0x61: {  	[sflag:s12] =	ssyncadd.s32 $0xFFFFD800  }
0x62: {  	[bflag:$0x0] =	sbarrier.arrive $0xFFFF;
	_ =	sdelay $0x1  }
0x63: {  	_ =	sfence.sel $0x180000  }
0x64: {  	[bflag:$0x0] =	sbarrier.arrive $0xFFFF  }
0x65: {  	p0 =	sne.s32 s1, $0x0;
	_ =	strace $0x90000059  }
0x66: {  	s0 =	sadd.s32 @!p0 $0x100000, s0;
	[bflag:$0x2] =	sbarrier.arrive $0xFFFF  }
0x67: {  	[sflag:s0] =	ssyncadd.tile.s32 @!p0 $0x1;
	_ =	shalt  }
.Lfunc_end2:
_tile_overlayer_lowered:
.L_overlay_start_2:
0x68: {  	(tag) =	ssettag $0x2  }
0x69: {  	s0 =	rddreg [dreg:$0x0];
	s2 =	stileid.u32  }
0x6a: {  	s1 =	rddreg [dreg:$0x1];
	p0 =	sne.s32 s2, $0x0  }
0x6b: {  	s3 =	rddreg [dreg:$0x2];
	[bflag:$0x3] =	sbarrier.arrive $0xFFFF;
	s2 =	simm.s32 @!p0 $0x1C02  }
0x6c: {  	[timem:s3], [sflag:s2] =	dma.local @!p0 [hbm:s0], s1  }
0x6d: {  	s0 =	simm.s32 @!p0 $0x2  }
0x6e: {  	_ =	swait.ge @!p0 [sflag:s0], s1  }
0x6f: {  	s1 =	ssub.s32 @!p0 $0x0, s1;
	[sflag:s0] =	ssyncset.done @!p0 $0x0  }
0x70: {  	[sflag:s0] =	ssyncadd.s32 @!p0 s1  }
0x71: {  	[bflag:$0x3] =	sbarrier.arrive $0xFFFF  }
0x72: {  	_ =	shalt  }

</sc_bundles>
